<compile_context>
chip_gen: v7x
topology: tpu7x:2x2x1
jax: 0.10.2.dev20260603
libtpu: 0.0.44.dev20260713+nightly
codegen_flags: <defaults>
</compile_context>

<pallas_src>
import functools

import jax
import jax.numpy as jnp
import numpy as np
from jax import lax
from jax.experimental import pallas as pl
from jax.experimental.pallas import tpu as pltpu
from jax.experimental.pallas import tpu_sc as plsc

N_PTS = 8192
N_Q = 2048
KMAX = 64
D_TAB = 128
_R_LIST = (0.2, 0.4, 0.8)
_K_LIST = (16, 32, 64)



def _fps_body(px_ref, py_ref, pz_ref, pb_ref, qx_ref, qy_ref, qz_ref, qb_ref):
    px = px_ref[...]
    py = py_ref[...]
    pz = pz_ref[...]
    pb = pb_ref[...]
    shape = px.shape
    ri = lax.broadcasted_iota(jnp.int32, shape, 0)
    ci = lax.broadcasted_iota(jnp.int32, shape, 1)
    flat = ri * 128 + ci
    flatf = flat.astype(jnp.float32)
    qshape = (16, 128)
    qri = lax.broadcasted_iota(jnp.int32, qshape, 0)
    qci = lax.broadcasted_iota(jnp.int32, qshape, 1)
    qflat = qri * 128 + qci

    def body(i, carry):
        cur, min_d, qx, qy, qz, qb = carry
        onehot = flat == cur
        cx = jnp.sum(jnp.where(onehot, px, 0.0))
        cy = jnp.sum(jnp.where(onehot, py, 0.0))
        cz = jnp.sum(jnp.where(onehot, pz, 0.0))
        cb = jnp.sum(jnp.where(onehot, pb, 0))
        qsel = qflat == (i - 1)
        qx = jnp.where(qsel, cx, qx)
        qy = jnp.where(qsel, cy, qy)
        qz = jnp.where(qsel, cz, qz)
        qb = jnp.where(qsel, cb, qb)
        d = (px - cx) ** 2 + (py - cy) ** 2 + (pz - cz) ** 2
        d = jnp.where(pb == cb, d, jnp.inf)
        min_d = jnp.minimum(min_d, d)
        m = jnp.max(min_d)
        nxt = jnp.min(jnp.where(min_d == m, flatf, 1e9)).astype(jnp.int32)
        return nxt, min_d, qx, qy, qz, qb

    init = (
        jnp.int32(0),
        jnp.full(shape, jnp.inf, jnp.float32),
        jnp.zeros(qshape, jnp.float32),
        jnp.zeros(qshape, jnp.float32),
        jnp.zeros(qshape, jnp.float32),
        jnp.zeros(qshape, jnp.int32),
    )
    _, _, qx, qy, qz, qb = lax.fori_loop(1, N_Q + 1, body, init)
    qx_ref[...] = qx
    qy_ref[...] = qy
    qz_ref[...] = qz
    qb_ref[...] = qb


def _fps(px, py, pz, pb):
    f = jax.ShapeDtypeStruct((16, 128), jnp.float32)
    i = jax.ShapeDtypeStruct((16, 128), jnp.int32)
    return pl.pallas_call(
        _fps_body,
        out_shape=(f, f, f, i),
    )(px, py, pz, pb)




def _knn_body(q_ref, px_ref, py_ref, pz_ref, pb_ref, nbr_ref, d2_ref):
    q = q_ref[...]
    qx = q[:, 0:1]
    qy = q[:, 1:2]
    qz = q[:, 2:3]
    qb = q[:, 3:4]
    px = px_ref[...]
    py = py_ref[...]
    pz = pz_ref[...]
    pb = pb_ref[...]
    d2 = (qx - px) ** 2 + (qy - py) ** 2 + (qz - pz) ** 2
    d2m = jnp.where(pb == qb, d2, jnp.inf)
    lane = lax.broadcasted_iota(jnp.int32, d2m.shape, 1).astype(jnp.float32)
    col = lax.broadcasted_iota(jnp.int32, (8, KMAX), 1)

    def body(k, carry):
        d2m, nbr, d2v = carry
        m = jnp.min(d2m, axis=1, keepdims=True)
        idx = jnp.min(jnp.where(d2m == m, lane, 1e9), axis=1, keepdims=True)
        d2m = jnp.where(lane == idx, jnp.inf, d2m)
        sel = col == k
        nbr = jnp.where(sel, idx.astype(jnp.int32), nbr)
        d2v = jnp.where(sel, m, d2v)
        return d2m, nbr, d2v

    init = (d2m, jnp.zeros((8, KMAX), jnp.int32), jnp.zeros((8, KMAX), jnp.float32))
    _, nbr, d2v = lax.fori_loop(0, KMAX, body, init)
    nbr_ref[...] = nbr
    d2_ref[...] = d2v


def _knn(qall, px, py, pz, pb):
    grid = (N_Q // 8,)
    return pl.pallas_call(
        _knn_body,
        grid=grid,
        in_specs=[
            pl.BlockSpec((8, 4), lambda i: (i, 0)),
            pl.BlockSpec((8, N_PTS), lambda i: (0, 0)),
            pl.BlockSpec((8, N_PTS), lambda i: (0, 0)),
            pl.BlockSpec((8, N_PTS), lambda i: (0, 0)),
            pl.BlockSpec((8, N_PTS), lambda i: (0, 0)),
        ],
        out_specs=[
            pl.BlockSpec((8, KMAX), lambda i: (i, 0)),
            pl.BlockSpec((8, KMAX), lambda i: (i, 0)),
        ],
        out_shape=[
            jax.ShapeDtypeStruct((N_Q, KMAX), jnp.int32),
            jax.ShapeDtypeStruct((N_Q, KMAX), jnp.float32),
        ],
    )(qall, px, py, pz, pb)



_SC_NW = 32
_SC_CHUNK = 128
_ROWS_PER_W = (N_Q * KMAX) // _SC_NW


def _sc_gather(table, idx_flat):
    mesh = plsc.VectorSubcoreMesh(core_axis_name="c", subcore_axis_name="s")

    @functools.partial(
        pl.kernel,
        mesh=mesh,
        out_type=jax.ShapeDtypeStruct((N_Q * KMAX, D_TAB), jnp.float32),
        scratch_types=[
            pltpu.VMEM((_SC_CHUNK,), jnp.int32),
            pltpu.VMEM((_SC_CHUNK, D_TAB), jnp.float32),
            pltpu.SemaphoreType.DMA,
        ],
    )
    def k(table_hbm, idx_hbm, out_hbm, idx_v, rows_v, sem):
        wid = lax.axis_index("s") * 2 + lax.axis_index("c")
        wbase = wid * _ROWS_PER_W

        def body(c, carry):
            base = wbase + c * _SC_CHUNK
            pltpu.sync_copy(idx_hbm.at[pl.ds(base, _SC_CHUNK)], idx_v)
            pltpu.async_copy(table_hbm.at[idx_v], rows_v, sem).wait()
            pltpu.sync_copy(rows_v, out_hbm.at[pl.ds(base, _SC_CHUNK)])
            return carry

        lax.fori_loop(0, _ROWS_PER_W // _SC_CHUNK, body, 0)

    return k(table, idx_flat)




def _conv_body(K, C3, r2, g_ref, q_ref, d2_ref, w0_ref, b0_ref, w1_ref, b1_ref,
               w2_ref, b2_ref, out_ref, a1_ref):
    QB = q_ref.shape[0]
    q = q_ref[...]
    qx = q[:, 0:1]
    qy = q[:, 1:2]
    qz = q[:, 2:3]
    w0 = w0_ref[...]
    qcorr = (qx * w0_ref[64:65, :] + qy * w0_ref[65:66, :]
             + qz * w0_ref[66:67, :])
    b0 = b0_ref[...]
    for k in range(K):
        g = g_ref[k]
        h = jnp.dot(g, w0, preferred_element_type=jnp.float32) + b0 - qcorr
        a1_ref[k * QB:(k + 1) * QB, :] = jnp.maximum(h, 0.0)
    a1 = a1_ref[...]
    a2 = jnp.maximum(
        jnp.dot(a1, w1_ref[...], preferred_element_type=jnp.float32)
        + b1_ref[...], 0.0)
    a3 = jnp.maximum(
        jnp.dot(a2, w2_ref[...], preferred_element_type=jnp.float32)
        + b2_ref[...], 0.0)
    acc = jnp.full((QB, C3), -1.0, jnp.float32)
    for k in range(K):
        mask = d2_ref[:, k:k + 1] <= r2
        acc = jnp.maximum(acc, jnp.where(mask, a3[k * QB:(k + 1) * QB, :], -1.0))
    out_ref[...] = jnp.where(acc < 0.0, 0.0, acc)


def _conv(g3, qall, d2v, params, K, r):
    (w0p, b0), (w1, b1), (w2, b2) = params
    C1 = w0p.shape[1]
    C3 = w2.shape[1]
    QB = 128
    r2 = np.float32(r * r)
    grid = (N_Q // QB,)
    body = functools.partial(_conv_body, K, C3, r2)
    return pl.pallas_call(
        body,
        grid=grid,
        in_specs=[
            pl.BlockSpec((K, QB, D_TAB), lambda i: (0, i, 0)),
            pl.BlockSpec((QB, 4), lambda i: (i, 0)),
            pl.BlockSpec((QB, KMAX), lambda i: (i, 0)),
            pl.BlockSpec(w0p.shape, lambda i: (0, 0)),
            pl.BlockSpec(b0.shape, lambda i: (0, 0)),
            pl.BlockSpec(w1.shape, lambda i: (0, 0)),
            pl.BlockSpec(b1.shape, lambda i: (0, 0)),
            pl.BlockSpec(w2.shape, lambda i: (0, 0)),
            pl.BlockSpec(b2.shape, lambda i: (0, 0)),
        ],
        out_specs=pl.BlockSpec((QB, C3), lambda i: (i, 0)),
        out_shape=jax.ShapeDtypeStruct((N_Q, C3), jnp.float32),
        scratch_shapes=[pltpu.VMEM((K * QB, C1), jnp.float32)],
    )(g3, qall, d2v, w0p, b0, w1, b1, w2, b2)




def kernel(x, pos, batch, W0_0, b0_0, W0_1, b0_1, W0_2, b0_2,
           W1_0, b1_0, W1_1, b1_1, W1_2, b1_2,
           W2_0, b2_0, W2_1, b2_1, W2_2, b2_2):
    px = pos[:, 0].reshape(64, 128)
    py = pos[:, 1].reshape(64, 128)
    pz = pos[:, 2].reshape(64, 128)
    pb = batch.astype(jnp.int32).reshape(64, 128)

    qx, qy, qz, qb = _fps(px, py, pz, pb)
    qxf = qx.reshape(N_Q)
    qyf = qy.reshape(N_Q)
    qzf = qz.reshape(N_Q)
    qbf = qb.reshape(N_Q)
    qall = jnp.stack([qxf, qyf, qzf, qbf.astype(jnp.float32)], axis=1)

    rep = lambda a: jnp.broadcast_to(a.reshape(1, N_PTS), (8, N_PTS))
    nbr, d2v = _knn(qall, rep(pos[:, 0]), rep(pos[:, 1]), rep(pos[:, 2]),
                    rep(batch.astype(jnp.float32)))

    table = jnp.concatenate(
        [x, pos, jnp.zeros((N_PTS, D_TAB - 67), jnp.float32)], axis=1)
    idx_flat = nbr.T.reshape(-1)
    g = _sc_gather(table, idx_flat)
    g3 = g.reshape(KMAX, N_Q, D_TAB)

    weights = [
        [(W0_0, b0_0), (W0_1, b0_1), (W0_2, b0_2)],
        [(W1_0, b1_0), (W1_1, b1_1), (W1_2, b1_2)],
        [(W2_0, b2_0), (W2_1, b2_1), (W2_2, b2_2)],
    ]
    outs = []
    for i in range(3):
        (W0, b0), (W1, b1), (W2, b2) = weights[i]
        w0p = jnp.zeros((D_TAB, W0.shape[1]), jnp.float32).at[:67].set(W0)
        params = ((w0p, b0.reshape(1, -1)), (W1, b1.reshape(1, -1)),
                  (W2, b2.reshape(1, -1)))
        outs.append(_conv(g3, qall, d2v, params, _K_LIST[i], _R_LIST[i]))

    new_x = jnp.concatenate(outs, axis=1)
    q_pos = jnp.stack([qxf, qyf, qzf], axis=1)
    return new_x, q_pos, qbf.astype(batch.dtype)

# --- scband reference (transcript-rebuilt; emitter-appended) ---
"""Pipeline reference for scband-samodule-msg-58231166599287 (READ-ONLY COPY).

The authoritative reference and input builder live on the scoring server;
editing this copy changes nothing except your own understanding.
"""

import jax, jax.numpy as jnp
import numpy as np

SAMPLE_POINTS = 2048
R_LIST = [0.2, 0.4, 0.8]
K_LIST = [16, 32, 64]
NN_LIST = [[67, 32, 32, 64], [67, 64, 64, 128], [67, 64, 64, 128]]
N_POINTS = 8192
N_FEAT = 64
N_BATCH = 8


def setup_inputs(seed=0):
    key = jax.random.key(seed)
    ks = jax.random.split(key, 4)
    inp = {}
    inp['x'] = jax.random.normal(ks[0], (N_POINTS, N_FEAT), dtype=jnp.float32)
    inp['pos'] = jax.random.uniform(ks[1], (N_POINTS, 3), dtype=jnp.float32)
    inp['batch'] = jnp.sort(jax.random.randint(ks[2], (N_POINTS,), 0, N_BATCH))
    for i, dims in enumerate(NN_LIST):
        for l in range(len(dims) - 1):
            kw = jax.random.fold_in(ks[3], i * 10 + l)
            inp['W%d_%d' % (i, l)] = jax.random.normal(kw, (dims[l], dims[l + 1]), dtype=jnp.float32) * (1.0 / np.sqrt(dims[l]))
            inp['b%d_%d' % (i, l)] = jnp.zeros((dims[l + 1],), dtype=jnp.float32)
    return inp


def fps(pos, batch, n_samples):
    N = pos.shape[0]
    def body(i, carry):
        idxs, min_d = carry
        cur = idxs[i - 1]
        d = jnp.sum((pos - pos[cur]) ** 2, axis=1)
        d = jnp.where(batch == batch[cur], d, jnp.inf)
        min_d = jnp.minimum(min_d, d)
        nxt = jnp.argmax(min_d).astype(jnp.int32)
        idxs = idxs.at[i].set(nxt)
        return idxs, min_d
    idxs = jnp.zeros((n_samples,), dtype=jnp.int32)
    min_d = jnp.full((N,), jnp.inf, dtype=jnp.float32)
    idxs, _ = jax.lax.fori_loop(1, n_samples, body, (idxs, min_d))
    return idxs


def radius_neighbors(d2, q_batch, batch, r, K):
    valid = (q_batch[:, None] == batch[None, :]) & (d2 <= r * r)
    neg = jnp.where(valid, -d2, -jnp.inf)
    vals, nbr = jax.lax.top_k(neg, K)
    mask = vals > -jnp.inf
    return nbr, mask


def point_conv(x, pos, q_pos, nbr, mask, params):
    x_j = x[nbr]
    rel = pos[nbr] - q_pos[:, None, :]
    h = jnp.concatenate([x_j, rel], axis=-1)
    for (W, b) in params:
        h = jnp.maximum(h @ W + b, 0.0)
    h = jnp.where(mask[:, :, None], h, -jnp.inf)
    out = jnp.max(h, axis=1)
    return jnp.where(jnp.isfinite(out), out, 0.0)


def forward(x, pos, batch, params_list):
    idx = fps(jax.lax.stop_gradient(pos), batch, SAMPLE_POINTS)
    q_pos = pos[idx]
    q_batch = batch[idx]
    sp = jax.lax.stop_gradient(pos)
    d2 = jnp.sum((sp[idx][:, None, :] - sp[None, :, :]) ** 2, axis=-1)
    outs = []
    for i in range(len(R_LIST)):
        nbr, mask = radius_neighbors(d2, q_batch, batch, R_LIST[i], K_LIST[i])
        outs.append(point_conv(x, pos, q_pos, nbr, mask, params_list[i]))
    new_x = jnp.concatenate(outs, axis=1)
    return new_x, q_pos, q_batch


def reference(x, pos, batch,
              W0_0, b0_0, W0_1, b0_1, W0_2, b0_2,
              W1_0, b1_0, W1_1, b1_1, W1_2, b1_2,
              W2_0, b2_0, W2_1, b2_1, W2_2, b2_2):
    params_list = [
        [(W0_0, b0_0), (W0_1, b0_1), (W0_2, b0_2)],
        [(W1_0, b1_0), (W1_1, b1_1), (W1_2, b1_2)],
        [(W2_0, b2_0), (W2_1, b2_1), (W2_2, b2_2)],
    ]
    return forward(x, pos, batch, params_list)

if __name__ == "__main__":
    import jax
    _d = setup_inputs()
    print(jax.jit(kernel)(*tuple(_d.values())))

</pallas_src>

<mosaic_0001>
#map = affine_map<(d0, d1) -> (0, 0)>
#map1 = affine_map<(d0, d1) -> (0)>
module attributes {stable_mosaic.version = 14 : i64} {
  func.func @k(%arg0: i32, %arg1: i32, %arg2: memref<8192x128xf32, #tpu.memory_space<hbm>>, %arg3: memref<131072xi32, #tpu.memory_space<hbm>>, %arg4: memref<131072x128xf32, #tpu.memory_space<hbm>>, %arg5: memref<128xi32, #tpu.memory_space<vmem>>, %arg6: memref<128x128xf32, #tpu.memory_space<vmem>>, %arg7: memref<!tpu.dma_semaphore, #tpu.memory_space<semaphore_mem>>) attributes {dimension_semantics = [#tpu.dimension_semantics<core_parallel>, #tpu.dimension_semantics<subcore_parallel>], iteration_bounds = array<i64: 2, 16>, scalar_prefetch = 0 : i64, scratch_operands = 3 : i64, tpu.core_type = #tpu.core_type<sc_vector_subcore>, window_params = [{transform_indices = #map}, {transform_indices = #map1}, {transform_indices = #map}]} {
    %mul3A = arith.constant 2 : i32
    %mul3A_0 = arith.muli %arg1, %mul3A : i32
    %add3A = arith.addi %mul3A_0, %arg0 : i32
    %mul3A_1 = arith.constant 4096 : i32
    %mul3A_2 = arith.muli %add3A, %mul3A_1 : i32
    %scan3A = arith.constant 0 : i32
    %scan3A_3 = arith.constant 0 : i32
    %scan3A_4 = arith.constant 32 : i32
    %scan3A_5 = arith.addi %scan3A_3, %scan3A_4 : i32
    %scan3A_6 = arith.constant 1 : i32
    scf.for %scan3A_8 = %scan3A_3 to %scan3A_5 step %scan3A_6  : i32 {
      %mul3A_9 = arith.constant 128 : i32
      %mul3A_10 = arith.muli %scan3A_8, %mul3A_9 : i32
      %add3A_11 = arith.addi %mul3A_2, %mul3A_10 : i32
      "tpu.region"() ({
        %run_scoped3A = tpu.sem_alloc : memref<!tpu.dma_semaphore, #tpu.memory_space<semaphore_mem>>
        %dma_start3A_16 = tpu.memref_slice %arg3[%add3A_11] : memref<131072xi32, #tpu.memory_space<hbm>> -> memref<128xi32, #tpu.memory_space<hbm>>
        %dma_start3A_17 = tpu.memref_slice %arg3[%add3A_11] : memref<131072xi32, #tpu.memory_space<hbm>> -> memref<128xi32, #tpu.memory_space<hbm>>
        tpu.enqueue_dma source(%dma_start3A_17 : memref<128xi32, #tpu.memory_space<hbm>>) target(%arg5 : memref<128xi32, #tpu.memory_space<vmem>>) target_semaphore(%run_scoped3A : memref<!tpu.dma_semaphore, #tpu.memory_space<semaphore_mem>>)
        %dma_wait3A_18 = tpu.memref_slice %arg3[%add3A_11] : memref<131072xi32, #tpu.memory_space<hbm>> -> memref<128xi32, #tpu.memory_space<hbm>>
        %dma_wait3A_19 = tpu.memref_slice %arg3[%add3A_11] : memref<131072xi32, #tpu.memory_space<hbm>> -> memref<128xi32, #tpu.memory_space<hbm>>
        tpu.wait_dma2 semaphore(%run_scoped3A : memref<!tpu.dma_semaphore, #tpu.memory_space<semaphore_mem>>) src(%dma_wait3A_19 : memref<128xi32, #tpu.memory_space<hbm>>) dst(%arg5 : memref<128xi32, #tpu.memory_space<vmem>>)
        tpu.yield
      }) : () -> ()
      %dma_start3A = arith.constant 0 : i32
      %dma_start3A_12 = arith.constant 0 : i32
      %dma_start3A_13 = tpu.memref_slice %arg2[%dma_start3A, %dma_start3A_12] : memref<8192x128xf32, #tpu.memory_space<hbm>> -> memref<8192x128xf32, #tpu.memory_space<hbm>>
      tpu.enqueue_indirect_dma source(%dma_start3A_13 : memref<8192x128xf32, #tpu.memory_space<hbm>>) target(%arg6 : memref<128x128xf32, #tpu.memory_space<vmem>>) offsets(%arg5 : memref<128xi32, #tpu.memory_space<vmem>>) semaphore(%arg7 : memref<!tpu.dma_semaphore, #tpu.memory_space<semaphore_mem>>)
      %dma_wait3A = arith.constant 0 : i32
      %dma_wait3A_14 = arith.constant 0 : i32
      %dma_wait3A_15 = tpu.memref_slice %arg2[%dma_wait3A, %dma_wait3A_14] : memref<8192x128xf32, #tpu.memory_space<hbm>> -> memref<8192x128xf32, #tpu.memory_space<hbm>>
      tpu.wait_indirect_dma semaphore(%arg7 : memref<!tpu.dma_semaphore, #tpu.memory_space<semaphore_mem>>) src(%dma_wait3A_15 : memref<8192x128xf32, #tpu.memory_space<hbm>>) dst(%arg6 : memref<128x128xf32, #tpu.memory_space<vmem>>)
      "tpu.region"() ({
        %run_scoped3A = tpu.sem_alloc : memref<!tpu.dma_semaphore, #tpu.memory_space<semaphore_mem>>
        %dma_start3A_16 = arith.constant 0 : i32
        %dma_start3A_17 = tpu.memref_slice %arg4[%add3A_11, %dma_start3A_16] : memref<131072x128xf32, #tpu.memory_space<hbm>> -> memref<128x128xf32, #tpu.memory_space<hbm>>
        %dma_start3A_18 = arith.constant 0 : i32
        %dma_start3A_19 = tpu.memref_slice %arg4[%add3A_11, %dma_start3A_18] : memref<131072x128xf32, #tpu.memory_space<hbm>> -> memref<128x128xf32, #tpu.memory_space<hbm>>
        tpu.enqueue_dma source(%arg6 : memref<128x128xf32, #tpu.memory_space<vmem>>) target(%dma_start3A_19 : memref<128x128xf32, #tpu.memory_space<hbm>>) target_semaphore(%run_scoped3A : memref<!tpu.dma_semaphore, #tpu.memory_space<semaphore_mem>>)
        %dma_wait3A_20 = arith.constant 0 : i32
        %dma_wait3A_21 = tpu.memref_slice %arg4[%add3A_11, %dma_wait3A_20] : memref<131072x128xf32, #tpu.memory_space<hbm>> -> memref<128x128xf32, #tpu.memory_space<hbm>>
        %dma_wait3A_22 = arith.constant 0 : i32
        %dma_wait3A_23 = tpu.memref_slice %arg4[%add3A_11, %dma_wait3A_22] : memref<131072x128xf32, #tpu.memory_space<hbm>> -> memref<128x128xf32, #tpu.memory_space<hbm>>
        tpu.wait_dma2 semaphore(%run_scoped3A : memref<!tpu.dma_semaphore, #tpu.memory_space<semaphore_mem>>) src(%arg6 : memref<128x128xf32, #tpu.memory_space<vmem>>) dst(%dma_wait3A_23 : memref<128x128xf32, #tpu.memory_space<hbm>>)
        tpu.yield
      }) : () -> ()
    }
    %scan3A_7 = arith.constant 32 : i32
    return
  }
}

module attributes {stable_mosaic.version = 14 : i64} {
  func.func @_fps_body(%arg0: memref<64x128xf32, #tpu.memory_space<vmem>>, %arg1: memref<64x128xf32, #tpu.memory_space<vmem>>, %arg2: memref<64x128xf32, #tpu.memory_space<vmem>>, %arg3: memref<64x128xi32, #tpu.memory_space<vmem>>, %arg4: memref<16x128xf32, #tpu.memory_space<vmem>>, %arg5: memref<16x128xf32, #tpu.memory_space<vmem>>, %arg6: memref<16x128xf32, #tpu.memory_space<vmem>>, %arg7: memref<16x128xi32, #tpu.memory_space<vmem>>) attributes {dimension_semantics = [], scalar_prefetch = 0 : i64, scratch_operands = 0 : i64, tpu.core_type = #tpu.core_type<tc>} {
    %get3A = arith.constant 0 : index
    %get3A_0 = arith.constant 0 : index
    %get3A_1 = vector.load %arg0[%get3A, %get3A_0] : memref<64x128xf32, #tpu.memory_space<vmem>>, vector<64x128xf32>
    %get3A_2 = arith.constant 0 : index
    %get3A_3 = arith.constant 0 : index
    %get3A_4 = vector.load %arg1[%get3A_2, %get3A_3] : memref<64x128xf32, #tpu.memory_space<vmem>>, vector<64x128xf32>
    %get3A_5 = arith.constant 0 : index
    %get3A_6 = arith.constant 0 : index
    %get3A_7 = vector.load %arg2[%get3A_5, %get3A_6] : memref<64x128xf32, #tpu.memory_space<vmem>>, vector<64x128xf32>
    %get3A_8 = arith.constant 0 : index
    %get3A_9 = arith.constant 0 : index
    %get3A_10 = vector.load %arg3[%get3A_8, %get3A_9] : memref<64x128xi32, #tpu.memory_space<vmem>>, vector<64x128xi32>
    %iota3A = tpu.iota {dimensions = array<i32: 0>} : vector<64x128xi32>
    %iota3A_11 = tpu.iota {dimensions = array<i32: 1>} : vector<64x128xi32>
    %mul3A = arith.constant 128 : i32
    %mul3A_12 = vector.broadcast %mul3A : i32 to vector<64x128xi32>
    %mul3A_13 = arith.muli %iota3A, %mul3A_12 : vector<64x128xi32>
    %add3A = arith.addi %mul3A_13, %iota3A_11 : vector<64x128xi32>
    %convert_element_type3A = arith.sitofp %add3A : vector<64x128xi32> to vector<64x128xf32>
    %iota3A_14 = tpu.iota {dimensions = array<i32: 0>} : vector<16x128xi32>
    %iota3A_15 = tpu.iota {dimensions = array<i32: 1>} : vector<16x128xi32>
    %mul3A_16 = arith.constant 128 : i32
    %mul3A_17 = vector.broadcast %mul3A_16 : i32 to vector<16x128xi32>
    %mul3A_18 = arith.muli %iota3A_14, %mul3A_17 : vector<16x128xi32>
    %add3A_19 = arith.addi %mul3A_18, %iota3A_15 : vector<16x128xi32>
    %broadcast_in_dim3A = arith.constant 0x7F800000 : f32
    %broadcast_in_dim3A_20 = vector.broadcast %broadcast_in_dim3A : f32 to vector<64x128xf32>
    %broadcast_in_dim3A_21 = arith.constant 0.000000e+00 : f32
    %broadcast_in_dim3A_22 = vector.broadcast %broadcast_in_dim3A_21 : f32 to vector<16x128xf32>
    %broadcast_in_dim3A_23 = arith.constant 0.000000e+00 : f32
    %broadcast_in_dim3A_24 = vector.broadcast %broadcast_in_dim3A_23 : f32 to vector<16x128xf32>
    %broadcast_in_dim3A_25 = arith.constant 0.000000e+00 : f32
    %broadcast_in_dim3A_26 = vector.broadcast %broadcast_in_dim3A_25 : f32 to vector<16x128xf32>
    %broadcast_in_dim3A_27 = arith.constant 0 : i32
    %broadcast_in_dim3A_28 = vector.broadcast %broadcast_in_dim3A_27 : i32 to vector<16x128xi32>
    %scan3A = arith.constant 0 : i32
    %scan3A_29 = arith.constant 1 : i32
    %scan3A_30 = arith.constant 2048 : i32
    %scan3A_31 = arith.addi %scan3A_29, %scan3A_30 : i32
    %scan3A_32 = arith.constant 1 : i32
    %scan3A_33:6 = scf.for %scan3A_46 = %scan3A_29 to %scan3A_31 step %scan3A_32 iter_args(%scan3A_47 = %scan3A, %scan3A_48 = %broadcast_in_dim3A_20, %scan3A_49 = %broadcast_in_dim3A_22, %scan3A_50 = %broadcast_in_dim3A_24, %scan3A_51 = %broadcast_in_dim3A_26, %scan3A_52 = %broadcast_in_dim3A_28) -> (i32, vector<64x128xf32>, vector<16x128xf32>, vector<16x128xf32>, vector<16x128xf32>, vector<16x128xi32>)  : i32 {
      %eq3A = vector.broadcast %scan3A_47 : i32 to vector<64x128xi32>
      %eq3A_53 = arith.cmpi eq, %add3A, %eq3A : vector<64x128xi32>
      %jit3A = arith.constant 0.000000e+00 : f32
      %broadcast_in_dim3A_54 = vector.broadcast %jit3A : f32 to vector<64x128xf32>
      %select_n3A = arith.select %eq3A_53, %get3A_1, %broadcast_in_dim3A_54 : vector<64x128xi1>, vector<64x128xf32>
      %reduce_sum3A = vector.shape_cast %select_n3A : vector<64x128xf32> to vector<1x64x128xf32>
      %reduce_sum3A_55 = arith.constant dense<0.000000e+00> : vector<1xf32>
      %reduce_sum3A_56 = vector.multi_reduction <add>, %reduce_sum3A, %reduce_sum3A_55 [1, 2] : vector<1x64x128xf32> to vector<1xf32>
      %reduce_sum3A_57 = vector.shape_cast %reduce_sum3A_56 : vector<1xf32> to vector<1x1x1xf32>
      %reduce_sum3A_58 = vector.extract %reduce_sum3A_57[0, 0, 0] : f32 from vector<1x1x1xf32>
      %jit3A_59 = arith.constant 0.000000e+00 : f32
      %broadcast_in_dim3A_60 = vector.broadcast %jit3A_59 : f32 to vector<64x128xf32>
      %select_n3A_61 = arith.select %eq3A_53, %get3A_4, %broadcast_in_dim3A_60 : vector<64x128xi1>, vector<64x128xf32>
      %reduce_sum3A_62 = vector.shape_cast %select_n3A_61 : vector<64x128xf32> to vector<1x64x128xf32>
      %reduce_sum3A_63 = arith.constant dense<0.000000e+00> : vector<1xf32>
      %reduce_sum3A_64 = vector.multi_reduction <add>, %reduce_sum3A_62, %reduce_sum3A_63 [1, 2] : vector<1x64x128xf32> to vector<1xf32>
      %reduce_sum3A_65 = vector.shape_cast %reduce_sum3A_64 : vector<1xf32> to vector<1x1x1xf32>
      %reduce_sum3A_66 = vector.extract %reduce_sum3A_65[0, 0, 0] : f32 from vector<1x1x1xf32>
      %jit3A_67 = arith.constant 0.000000e+00 : f32
      %broadcast_in_dim3A_68 = vector.broadcast %jit3A_67 : f32 to vector<64x128xf32>
      %select_n3A_69 = arith.select %eq3A_53, %get3A_7, %broadcast_in_dim3A_68 : vector<64x128xi1>, vector<64x128xf32>
      %reduce_sum3A_70 = vector.shape_cast %select_n3A_69 : vector<64x128xf32> to vector<1x64x128xf32>
      %reduce_sum3A_71 = arith.constant dense<0.000000e+00> : vector<1xf32>
      %reduce_sum3A_72 = vector.multi_reduction <add>, %reduce_sum3A_70, %reduce_sum3A_71 [1, 2] : vector<1x64x128xf32> to vector<1xf32>
      %reduce_sum3A_73 = vector.shape_cast %reduce_sum3A_72 : vector<1xf32> to vector<1x1x1xf32>
      %reduce_sum3A_74 = vector.extract %reduce_sum3A_73[0, 0, 0] : f32 from vector<1x1x1xf32>
      %jit3A_75 = arith.constant 0 : i32
      %broadcast_in_dim3A_76 = vector.broadcast %jit3A_75 : i32 to vector<64x128xi32>
      %select_n3A_77 = arith.select %eq3A_53, %get3A_10, %broadcast_in_dim3A_76 : vector<64x128xi1>, vector<64x128xi32>
      %reduce_sum3A_78 = vector.shape_cast %select_n3A_77 : vector<64x128xi32> to vector<1x64x128xi32>
      %reduce_sum3A_79 = arith.constant dense<0> : vector<1xi32>
      %reduce_sum3A_80 = vector.multi_reduction <add>, %reduce_sum3A_78, %reduce_sum3A_79 [1, 2] : vector<1x64x128xi32> to vector<1xi32>
      %reduce_sum3A_81 = vector.shape_cast %reduce_sum3A_80 : vector<1xi32> to vector<1x1x1xi32>
      %reduce_sum3A_82 = vector.extract %reduce_sum3A_81[0, 0, 0] : i32 from vector<1x1x1xi32>
      %sub3A = arith.constant 1 : i32
      %sub3A_83 = arith.subi %scan3A_46, %sub3A : i32
      %eq3A_84 = vector.broadcast %sub3A_83 : i32 to vector<16x128xi32>
      %eq3A_85 = arith.cmpi eq, %add3A_19, %eq3A_84 : vector<16x128xi32>
      %broadcast_in_dim3A_86 = vector.broadcast %reduce_sum3A_58 : f32 to vector<16x128xf32>
      %select_n3A_87 = arith.select %eq3A_85, %broadcast_in_dim3A_86, %scan3A_49 : vector<16x128xi1>, vector<16x128xf32>
      %broadcast_in_dim3A_88 = vector.broadcast %reduce_sum3A_66 : f32 to vector<16x128xf32>
      %select_n3A_89 = arith.select %eq3A_85, %broadcast_in_dim3A_88, %scan3A_50 : vector<16x128xi1>, vector<16x128xf32>
      %broadcast_in_dim3A_90 = vector.broadcast %reduce_sum3A_74 : f32 to vector<16x128xf32>
      %select_n3A_91 = arith.select %eq3A_85, %broadcast_in_dim3A_90, %scan3A_51 : vector<16x128xi1>, vector<16x128xf32>
      %broadcast_in_dim3A_92 = vector.broadcast %reduce_sum3A_82 : i32 to vector<16x128xi32>
      %select_n3A_93 = arith.select %eq3A_85, %broadcast_in_dim3A_92, %scan3A_52 : vector<16x128xi1>, vector<16x128xi32>
      %sub3A_94 = vector.broadcast %reduce_sum3A_58 : f32 to vector<64x128xf32>
      %sub3A_95 = arith.subf %get3A_1, %sub3A_94 : vector<64x128xf32>
      %integer_pow3A = arith.mulf %sub3A_95, %sub3A_95 : vector<64x128xf32>
      %sub3A_96 = vector.broadcast %reduce_sum3A_66 : f32 to vector<64x128xf32>
      %sub3A_97 = arith.subf %get3A_4, %sub3A_96 : vector<64x128xf32>
      %integer_pow3A_98 = arith.mulf %sub3A_97, %sub3A_97 : vector<64x128xf32>
      %add3A_99 = arith.addf %integer_pow3A, %integer_pow3A_98 : vector<64x128xf32>
      %sub3A_100 = vector.broadcast %reduce_sum3A_74 : f32 to vector<64x128xf32>
      %sub3A_101 = arith.subf %get3A_7, %sub3A_100 : vector<64x128xf32>
      %integer_pow3A_102 = arith.mulf %sub3A_101, %sub3A_101 : vector<64x128xf32>
      %add3A_103 = arith.addf %add3A_99, %integer_pow3A_102 : vector<64x128xf32>
      %eq3A_104 = vector.broadcast %reduce_sum3A_82 : i32 to vector<64x128xi32>
      %eq3A_105 = arith.cmpi eq, %get3A_10, %eq3A_104 : vector<64x128xi32>
      %jit3A_106 = arith.constant 0x7F800000 : f32
      %broadcast_in_dim3A_107 = vector.broadcast %jit3A_106 : f32 to vector<64x128xf32>
      %select_n3A_108 = arith.select %eq3A_105, %add3A_103, %broadcast_in_dim3A_107 : vector<64x128xi1>, vector<64x128xf32>
      %min3A = arith.minimumf %scan3A_48, %select_n3A_108 : vector<64x128xf32>
      %reduce_max3A = vector.shape_cast %min3A : vector<64x128xf32> to vector<1x64x128xf32>
      %reduce_max3A_109 = arith.constant dense<0xFF800000> : vector<1xf32>
      %reduce_max3A_110 = vector.multi_reduction <maximumf>, %reduce_max3A, %reduce_max3A_109 [1, 2] : vector<1x64x128xf32> to vector<1xf32>
      %reduce_max3A_111 = vector.shape_cast %reduce_max3A_110 : vector<1xf32> to vector<1x1x1xf32>
      %reduce_max3A_112 = vector.extract %reduce_max3A_111[0, 0, 0] : f32 from vector<1x1x1xf32>
      %eq3A_113 = vector.broadcast %reduce_max3A_112 : f32 to vector<64x128xf32>
      %eq3A_114 = arith.cmpf oeq, %min3A, %eq3A_113 : vector<64x128xf32>
      %jit3A_115 = arith.constant 1.000000e+09 : f32
      %broadcast_in_dim3A_116 = vector.broadcast %jit3A_115 : f32 to vector<64x128xf32>
      %select_n3A_117 = arith.select %eq3A_114, %convert_element_type3A, %broadcast_in_dim3A_116 : vector<64x128xi1>, vector<64x128xf32>
      %reduce_min3A = vector.shape_cast %select_n3A_117 : vector<64x128xf32> to vector<1x64x128xf32>
      %reduce_min3A_118 = arith.constant dense<0x7F800000> : vector<1xf32>
      %reduce_min3A_119 = vector.multi_reduction <minimumf>, %reduce_min3A, %reduce_min3A_118 [1, 2] : vector<1x64x128xf32> to vector<1xf32>
      %reduce_min3A_120 = vector.shape_cast %reduce_min3A_119 : vector<1xf32> to vector<1x1x1xf32>
      %reduce_min3A_121 = vector.extract %reduce_min3A_120[0, 0, 0] : f32 from vector<1x1x1xf32>
      %convert_element_type3A_122 = arith.fptosi %reduce_min3A_121 : f32 to i32
      scf.yield %convert_element_type3A_122, %min3A, %select_n3A_87, %select_n3A_89, %select_n3A_91, %select_n3A_93 : i32, vector<64x128xf32>, vector<16x128xf32>, vector<16x128xf32>, vector<16x128xf32>, vector<16x128xi32>
    }
    %scan3A_34 = arith.constant 2048 : i32
    %swap3A = arith.constant 0 : index
    %swap3A_35 = arith.constant 0 : index
    %swap3A_36 = vector.load %arg4[%swap3A, %swap3A_35] : memref<16x128xf32, #tpu.memory_space<vmem>>, vector<16x128xf32>
    tpu.vector_store %arg4[%swap3A, %swap3A_35], %scan3A_33#2 {strides = array<i32>} : memref<16x128xf32, #tpu.memory_space<vmem>>, vector<16x128xf32>,
    %swap3A_37 = arith.constant 0 : index
    %swap3A_38 = arith.constant 0 : index
    %swap3A_39 = vector.load %arg5[%swap3A_37, %swap3A_38] : memref<16x128xf32, #tpu.memory_space<vmem>>, vector<16x128xf32>
    tpu.vector_store %arg5[%swap3A_37, %swap3A_38], %scan3A_33#3 {strides = array<i32>} : memref<16x128xf32, #tpu.memory_space<vmem>>, vector<16x128xf32>,
    %swap3A_40 = arith.constant 0 : index
    %swap3A_41 = arith.constant 0 : index
    %swap3A_42 = vector.load %arg6[%swap3A_40, %swap3A_41] : memref<16x128xf32, #tpu.memory_space<vmem>>, vector<16x128xf32>
    tpu.vector_store %arg6[%swap3A_40, %swap3A_41], %scan3A_33#4 {strides = array<i32>} : memref<16x128xf32, #tpu.memory_space<vmem>>, vector<16x128xf32>,
    %swap3A_43 = arith.constant 0 : index
    %swap3A_44 = arith.constant 0 : index
    %swap3A_45 = vector.load %arg7[%swap3A_43, %swap3A_44] : memref<16x128xi32, #tpu.memory_space<vmem>>, vector<16x128xi32>
    tpu.vector_store %arg7[%swap3A_43, %swap3A_44], %scan3A_33#5 {strides = array<i32>} : memref<16x128xi32, #tpu.memory_space<vmem>>, vector<16x128xi32>,
    return
  }
}

module attributes {stable_mosaic.version = 14 : i64} {
  func.func @_knn_body(%arg0: i32, %arg1: memref<8x4xf32, #tpu.memory_space<vmem>>, %arg2: memref<8x8192xf32, #tpu.memory_space<vmem>>, %arg3: memref<8x8192xf32, #tpu.memory_space<vmem>>, %arg4: memref<8x8192xf32, #tpu.memory_space<vmem>>, %arg5: memref<8x8192xf32, #tpu.memory_space<vmem>>, %arg6: memref<8x64xi32, #tpu.memory_space<vmem>>, %arg7: memref<8x64xf32, #tpu.memory_space<vmem>>) attributes {dimension_semantics = [#tpu.dimension_semantics<arbitrary>], iteration_bounds = array<i64: 256>, scalar_prefetch = 0 : i64, scratch_operands = 0 : i64, tpu.core_type = #tpu.core_type<tc>, window_params = [{transform_indices = @transform_0, window_bounds = array<i64: 8, 4>}, {pipeline_mode = #tpu.pipeline_mode<synchronous>, transform_indices = @transform_1, window_bounds = array<i64: 8, 8192>}, {pipeline_mode = #tpu.pipeline_mode<synchronous>, transform_indices = @transform_2, window_bounds = array<i64: 8, 8192>}, {pipeline_mode = #tpu.pipeline_mode<synchronous>, transform_indices = @transform_3, window_bounds = array<i64: 8, 8192>}, {pipeline_mode = #tpu.pipeline_mode<synchronous>, transform_indices = @transform_4, window_bounds = array<i64: 8, 8192>}, {transform_indices = @transform_5, window_bounds = array<i64: 8, 64>}, {transform_indices = @transform_6, window_bounds = array<i64: 8, 64>}]} {
    %get3A = arith.constant 0 : index
    %get3A_0 = arith.constant 0 : index
    %get3A_1 = vector.load %arg1[%get3A, %get3A_0] : memref<8x4xf32, #tpu.memory_space<vmem>>, vector<8x4xf32>
    %slice3A = vector.extract_strided_slice %get3A_1 {offsets = [0, 0], sizes = [8, 1], strides = [1, 1]} : vector<8x4xf32> to vector<8x1xf32>
    %slice3A_2 = vector.extract_strided_slice %get3A_1 {offsets = [0, 1], sizes = [8, 1], strides = [1, 1]} : vector<8x4xf32> to vector<8x1xf32>
    %slice3A_3 = vector.extract_strided_slice %get3A_1 {offsets = [0, 2], sizes = [8, 1], strides = [1, 1]} : vector<8x4xf32> to vector<8x1xf32>
    %slice3A_4 = vector.extract_strided_slice %get3A_1 {offsets = [0, 3], sizes = [8, 1], strides = [1, 1]} : vector<8x4xf32> to vector<8x1xf32>
    %get3A_5 = arith.constant 0 : index
    %get3A_6 = arith.constant 0 : index
    %get3A_7 = vector.load %arg2[%get3A_5, %get3A_6] : memref<8x8192xf32, #tpu.memory_space<vmem>>, vector<8x8192xf32>
    %get3A_8 = arith.constant 0 : index
    %get3A_9 = arith.constant 0 : index
    %get3A_10 = vector.load %arg3[%get3A_8, %get3A_9] : memref<8x8192xf32, #tpu.memory_space<vmem>>, vector<8x8192xf32>
    %get3A_11 = arith.constant 0 : index
    %get3A_12 = arith.constant 0 : index
    %get3A_13 = vector.load %arg4[%get3A_11, %get3A_12] : memref<8x8192xf32, #tpu.memory_space<vmem>>, vector<8x8192xf32>
    %get3A_14 = arith.constant 0 : index
    %get3A_15 = arith.constant 0 : index
    %get3A_16 = vector.load %arg5[%get3A_14, %get3A_15] : memref<8x8192xf32, #tpu.memory_space<vmem>>, vector<8x8192xf32>
    %sub3A = vector.broadcast %slice3A : vector<8x1xf32> to vector<8x8192xf32>
    %sub3A_17 = arith.subf %sub3A, %get3A_7 : vector<8x8192xf32>
    %integer_pow3A = arith.mulf %sub3A_17, %sub3A_17 : vector<8x8192xf32>
    %sub3A_18 = vector.broadcast %slice3A_2 : vector<8x1xf32> to vector<8x8192xf32>
    %sub3A_19 = arith.subf %sub3A_18, %get3A_10 : vector<8x8192xf32>
    %integer_pow3A_20 = arith.mulf %sub3A_19, %sub3A_19 : vector<8x8192xf32>
    %add3A = arith.addf %integer_pow3A, %integer_pow3A_20 : vector<8x8192xf32>
    %sub3A_21 = vector.broadcast %slice3A_3 : vector<8x1xf32> to vector<8x8192xf32>
    %sub3A_22 = arith.subf %sub3A_21, %get3A_13 : vector<8x8192xf32>
    %integer_pow3A_23 = arith.mulf %sub3A_22, %sub3A_22 : vector<8x8192xf32>
    %add3A_24 = arith.addf %add3A, %integer_pow3A_23 : vector<8x8192xf32>
    %eq3A = vector.broadcast %slice3A_4 : vector<8x1xf32> to vector<8x8192xf32>
    %eq3A_25 = arith.cmpf oeq, %get3A_16, %eq3A : vector<8x8192xf32>
    %jit3A = arith.constant 0x7F800000 : f32
    %broadcast_in_dim3A = vector.broadcast %jit3A : f32 to vector<8x8192xf32>
    %select_n3A = arith.select %eq3A_25, %add3A_24, %broadcast_in_dim3A : vector<8x8192xi1>, vector<8x8192xf32>
    %iota3A = tpu.iota {dimensions = array<i32: 1>} : vector<8x8192xi32>
    %convert_element_type3A = arith.sitofp %iota3A : vector<8x8192xi32> to vector<8x8192xf32>
    %iota3A_26 = tpu.iota {dimensions = array<i32: 1>} : vector<8x64xi32>
    %broadcast_in_dim3A_27 = arith.constant 0 : i32
    %broadcast_in_dim3A_28 = vector.broadcast %broadcast_in_dim3A_27 : i32 to vector<8x64xi32>
    %broadcast_in_dim3A_29 = arith.constant 0.000000e+00 : f32
    %broadcast_in_dim3A_30 = vector.broadcast %broadcast_in_dim3A_29 : f32 to vector<8x64xf32>
    %scan3A = arith.constant 0 : i32
    %scan3A_31 = arith.constant 64 : i32
    %scan3A_32 = arith.addi %scan3A, %scan3A_31 : i32
    %scan3A_33 = arith.constant 1 : i32
    %scan3A_34:3 = scf.for %scan3A_41 = %scan3A to %scan3A_32 step %scan3A_33 iter_args(%scan3A_42 = %select_n3A, %scan3A_43 = %broadcast_in_dim3A_28, %scan3A_44 = %broadcast_in_dim3A_30) -> (vector<8x8192xf32>, vector<8x64xi32>, vector<8x64xf32>)  : i32 {
      %reduce_min3A = arith.constant dense<0x7F800000> : vector<8xf32>
      %reduce_min3A_45 = vector.multi_reduction <minimumf>, %scan3A_42, %reduce_min3A [1] : vector<8x8192xf32> to vector<8xf32>
      %broadcast_in_dim3A_46 = vector.shape_cast %reduce_min3A_45 : vector<8xf32> to vector<8x1xf32>
      %eq3A_47 = vector.broadcast %broadcast_in_dim3A_46 : vector<8x1xf32> to vector<8x8192xf32>
      %eq3A_48 = arith.cmpf oeq, %scan3A_42, %eq3A_47 : vector<8x8192xf32>
      %jit3A_49 = arith.constant 1.000000e+09 : f32
      %broadcast_in_dim3A_50 = vector.broadcast %jit3A_49 : f32 to vector<8x8192xf32>
      %select_n3A_51 = arith.select %eq3A_48, %convert_element_type3A, %broadcast_in_dim3A_50 : vector<8x8192xi1>, vector<8x8192xf32>
      %reduce_min3A_52 = arith.constant dense<0x7F800000> : vector<8xf32>
      %reduce_min3A_53 = vector.multi_reduction <minimumf>, %select_n3A_51, %reduce_min3A_52 [1] : vector<8x8192xf32> to vector<8xf32>
      %broadcast_in_dim3A_54 = vector.shape_cast %reduce_min3A_53 : vector<8xf32> to vector<8x1xf32>
      %eq3A_55 = vector.broadcast %broadcast_in_dim3A_54 : vector<8x1xf32> to vector<8x8192xf32>
      %eq3A_56 = arith.cmpf oeq, %convert_element_type3A, %eq3A_55 : vector<8x8192xf32>
      %jit3A_57 = arith.constant 0x7F800000 : f32
      %broadcast_in_dim3A_58 = vector.broadcast %jit3A_57 : f32 to vector<8x8192xf32>
      %select_n3A_59 = arith.select %eq3A_56, %broadcast_in_dim3A_58, %scan3A_42 : vector<8x8192xi1>, vector<8x8192xf32>
      %eq3A_60 = vector.broadcast %scan3A_41 : i32 to vector<8x64xi32>
      %eq3A_61 = arith.cmpi eq, %iota3A_26, %eq3A_60 : vector<8x64xi32>
      %convert_element_type3A_62 = arith.fptosi %broadcast_in_dim3A_54 : vector<8x1xf32> to vector<8x1xi32>
      %broadcast_in_dim3A_63 = vector.shape_cast %convert_element_type3A_62 : vector<8x1xi32> to vector<8x1xi32>
      %broadcast_in_dim3A_64 = vector.broadcast %broadcast_in_dim3A_63 : vector<8x1xi32> to vector<8x64xi32>
      %select_n3A_65 = arith.select %eq3A_61, %broadcast_in_dim3A_64, %scan3A_43 : vector<8x64xi1>, vector<8x64xi32>
      %broadcast_in_dim3A_66 = vector.shape_cast %broadcast_in_dim3A_46 : vector<8x1xf32> to vector<8x1xf32>
      %broadcast_in_dim3A_67 = vector.broadcast %broadcast_in_dim3A_66 : vector<8x1xf32> to vector<8x64xf32>
      %select_n3A_68 = arith.select %eq3A_61, %broadcast_in_dim3A_67, %scan3A_44 : vector<8x64xi1>, vector<8x64xf32>
      scf.yield %select_n3A_59, %select_n3A_65, %select_n3A_68 : vector<8x8192xf32>, vector<8x64xi32>, vector<8x64xf32>
    }
    %scan3A_35 = arith.constant 64 : i32
    %swap3A = arith.constant 0 : index
    %swap3A_36 = arith.constant 0 : index
    %swap3A_37 = vector.load %arg6[%swap3A, %swap3A_36] : memref<8x64xi32, #tpu.memory_space<vmem>>, vector<8x64xi32>
    tpu.vector_store %arg6[%swap3A, %swap3A_36], %scan3A_34#1 {strides = array<i32>} : memref<8x64xi32, #tpu.memory_space<vmem>>, vector<8x64xi32>,
    %swap3A_38 = arith.constant 0 : index
    %swap3A_39 = arith.constant 0 : index
    %swap3A_40 = vector.load %arg7[%swap3A_38, %swap3A_39] : memref<8x64xf32, #tpu.memory_space<vmem>>, vector<8x64xf32>
    tpu.vector_store %arg7[%swap3A_38, %swap3A_39], %scan3A_34#2 {strides = array<i32>} : memref<8x64xf32, #tpu.memory_space<vmem>>, vector<8x64xf32>,
    return
  }
  func.func @transform_0(%arg0: i32) -> (i32, i32) {
    %c0_i32 = arith.constant 0 : i32
    %c0_i32_0 = arith.constant 0 : i32
    return %arg0, %c0_i32 : i32, i32
  }
  func.func @transform_1(%arg0: i32) -> (i32, i32) {
    %c0_i32 = arith.constant 0 : i32
    %c0_i32_0 = arith.constant 0 : i32
    %c0_i32_1 = arith.constant 0 : i32
    return %c0_i32, %c0_i32_0 : i32, i32
  }
  func.func @transform_2(%arg0: i32) -> (i32, i32) {
    %c0_i32 = arith.constant 0 : i32
    %c0_i32_0 = arith.constant 0 : i32
    %c0_i32_1 = arith.constant 0 : i32
    return %c0_i32, %c0_i32_0 : i32, i32
  }
  func.func @transform_3(%arg0: i32) -> (i32, i32) {
    %c0_i32 = arith.constant 0 : i32
    %c0_i32_0 = arith.constant 0 : i32
    %c0_i32_1 = arith.constant 0 : i32
    return %c0_i32, %c0_i32_0 : i32, i32
  }
  func.func @transform_4(%arg0: i32) -> (i32, i32) {
    %c0_i32 = arith.constant 0 : i32
    %c0_i32_0 = arith.constant 0 : i32
    %c0_i32_1 = arith.constant 0 : i32
    return %c0_i32, %c0_i32_0 : i32, i32
  }
  func.func @transform_5(%arg0: i32) -> (i32, i32) {
    %c0_i32 = arith.constant 0 : i32
    %c0_i32_0 = arith.constant 0 : i32
    return %arg0, %c0_i32 : i32, i32
  }
  func.func @transform_6(%arg0: i32) -> (i32, i32) {
    %c0_i32 = arith.constant 0 : i32
    %c0_i32_0 = arith.constant 0 : i32
    return %arg0, %c0_i32 : i32, i32
  }
}

module attributes {stable_mosaic.version = 14 : i64} {
  func.func @_conv_body(%arg0: i32, %arg1: memref<16x128x128xf32, #tpu.memory_space<vmem>>, %arg2: memref<128x4xf32, #tpu.memory_space<vmem>>, %arg3: memref<128x64xf32, #tpu.memory_space<vmem>>, %arg4: memref<128x32xf32, #tpu.memory_space<vmem>>, %arg5: memref<1x32xf32, #tpu.memory_space<vmem>>, %arg6: memref<32x32xf32, #tpu.memory_space<vmem>>, %arg7: memref<1x32xf32, #tpu.memory_space<vmem>>, %arg8: memref<32x64xf32, #tpu.memory_space<vmem>>, %arg9: memref<1x64xf32, #tpu.memory_space<vmem>>, %arg10: memref<128x64xf32, #tpu.memory_space<vmem>>, %arg11: memref<2048x32xf32, #tpu.memory_space<vmem>>) attributes {dimension_semantics = [#tpu.dimension_semantics<arbitrary>], iteration_bounds = array<i64: 16>, scalar_prefetch = 0 : i64, scratch_operands = 1 : i64, tpu.core_type = #tpu.core_type<tc>, window_params = [{transform_indices = @transform_0, window_bounds = array<i64: 16, 128, 128>}, {transform_indices = @transform_1, window_bounds = array<i64: 128, 4>}, {transform_indices = @transform_2, window_bounds = array<i64: 128, 64>}, {pipeline_mode = #tpu.pipeline_mode<synchronous>, transform_indices = @transform_3, window_bounds = array<i64: 128, 32>}, {pipeline_mode = #tpu.pipeline_mode<synchronous>, transform_indices = @transform_4, window_bounds = array<i64: 1, 32>}, {pipeline_mode = #tpu.pipeline_mode<synchronous>, transform_indices = @transform_5, window_bounds = array<i64: 32, 32>}, {pipeline_mode = #tpu.pipeline_mode<synchronous>, transform_indices = @transform_6, window_bounds = array<i64: 1, 32>}, {pipeline_mode = #tpu.pipeline_mode<synchronous>, transform_indices = @transform_7, window_bounds = array<i64: 32, 64>}, {pipeline_mode = #tpu.pipeline_mode<synchronous>, transform_indices = @transform_8, window_bounds = array<i64: 1, 64>}, {transform_indices = @transform_9, window_bounds = array<i64: 128, 64>}]} {
    %get3A = arith.constant 0 : index
    %get3A_0 = arith.constant 0 : index
    %get3A_1 = vector.load %arg2[%get3A, %get3A_0] : memref<128x4xf32, #tpu.memory_space<vmem>>, vector<128x4xf32>
    %slice3A = vector.extract_strided_slice %get3A_1 {offsets = [0, 0], sizes = [128, 1], strides = [1, 1]} : vector<128x4xf32> to vector<128x1xf32>
    %slice3A_2 = vector.extract_strided_slice %get3A_1 {offsets = [0, 1], sizes = [128, 1], strides = [1, 1]} : vector<128x4xf32> to vector<128x1xf32>
    %slice3A_3 = vector.extract_strided_slice %get3A_1 {offsets = [0, 2], sizes = [128, 1], strides = [1, 1]} : vector<128x4xf32> to vector<128x1xf32>
    %get3A_4 = arith.constant 0 : index
    %get3A_5 = arith.constant 0 : index
    %get3A_6 = vector.load %arg4[%get3A_4, %get3A_5] : memref<128x32xf32, #tpu.memory_space<vmem>>, vector<128x32xf32>
    %get3A_7 = arith.constant 64 : index
    %get3A_8 = arith.constant 0 : index
    %get3A_9 = vector.load %arg4[%get3A_7, %get3A_8] : memref<128x32xf32, #tpu.memory_space<vmem>>, vector<1x32xf32>
    %mul3A = vector.broadcast %slice3A : vector<128x1xf32> to vector<128x32xf32>
    %mul3A_10 = vector.broadcast %get3A_9 : vector<1x32xf32> to vector<128x32xf32>
    %mul3A_11 = arith.mulf %mul3A, %mul3A_10 : vector<128x32xf32>
    %get3A_12 = arith.constant 65 : index
    %get3A_13 = arith.constant 0 : index
    %get3A_14 = vector.load %arg4[%get3A_12, %get3A_13] : memref<128x32xf32, #tpu.memory_space<vmem>>, vector<1x32xf32>
    %mul3A_15 = vector.broadcast %slice3A_2 : vector<128x1xf32> to vector<128x32xf32>
    %mul3A_16 = vector.broadcast %get3A_14 : vector<1x32xf32> to vector<128x32xf32>
    %mul3A_17 = arith.mulf %mul3A_15, %mul3A_16 : vector<128x32xf32>
    %add3A = arith.addf %mul3A_11, %mul3A_17 : vector<128x32xf32>
    %get3A_18 = arith.constant 66 : index
    %get3A_19 = arith.constant 0 : index
    %get3A_20 = vector.load %arg4[%get3A_18, %get3A_19] : memref<128x32xf32, #tpu.memory_space<vmem>>, vector<1x32xf32>
    %mul3A_21 = vector.broadcast %slice3A_3 : vector<128x1xf32> to vector<128x32xf32>
    %mul3A_22 = vector.broadcast %get3A_20 : vector<1x32xf32> to vector<128x32xf32>
    %mul3A_23 = arith.mulf %mul3A_21, %mul3A_22 : vector<128x32xf32>
    %add3A_24 = arith.addf %add3A, %mul3A_23 : vector<128x32xf32>
    %get3A_25 = arith.constant 0 : index
    %get3A_26 = arith.constant 0 : index
    %get3A_27 = vector.load %arg5[%get3A_25, %get3A_26] : memref<1x32xf32, #tpu.memory_space<vmem>>, vector<1x32xf32>
    %get3A_28 = arith.constant 0 : index
    %get3A_29 = arith.constant 0 : index
    %get3A_30 = arith.constant 0 : index
    %get3A_31 = vector.load %arg1[%get3A_28, %get3A_29, %get3A_30] : memref<16x128x128xf32, #tpu.memory_space<vmem>>, vector<1x128x128xf32>
    %get3A_32 = vector.shape_cast %get3A_31 : vector<1x128x128xf32> to vector<128x128xf32>
    %dot_general3A = arith.constant dense<0.000000e+00> : vector<128x32xf32>
    %dot_general3A_33 = tpu.matmul %get3A_32, %get3A_6, %dot_general3A {dimension_numbers = #tpu.dot_dimension_numbers<[1], [0], [0], [1], [0, 0, 1, 1], [], []>, transpose_lhs_hint = false} : vector<128x128xf32>, vector<128x32xf32>, vector<128x32xf32> -> vector<128x32xf32>
    %add3A_34 = vector.broadcast %get3A_27 : vector<1x32xf32> to vector<128x32xf32>
    %add3A_35 = arith.addf %dot_general3A_33, %add3A_34 : vector<128x32xf32>
    %sub3A = arith.subf %add3A_35, %add3A_24 : vector<128x32xf32>
    %max3A = arith.constant 0.000000e+00 : f32
    %max3A_36 = vector.broadcast %max3A : f32 to vector<128x32xf32>
    %max3A_37 = arith.maximumf %sub3A, %max3A_36 : vector<128x32xf32>
    %swap3A = arith.constant 0 : index
    %swap3A_38 = arith.constant 0 : index
    %swap3A_39 = vector.load %arg11[%swap3A, %swap3A_38] : memref<2048x32xf32, #tpu.memory_space<vmem>>, vector<128x32xf32>
    tpu.vector_store %arg11[%swap3A, %swap3A_38], %max3A_37 {strides = array<i32>} : memref<2048x32xf32, #tpu.memory_space<vmem>>, vector<128x32xf32>,
    %get3A_40 = arith.constant 1 : index
    %get3A_41 = arith.constant 0 : index
    %get3A_42 = arith.constant 0 : index
    %get3A_43 = vector.load %arg1[%get3A_40, %get3A_41, %get3A_42] : memref<16x128x128xf32, #tpu.memory_space<vmem>>, vector<1x128x128xf32>
    %get3A_44 = vector.shape_cast %get3A_43 : vector<1x128x128xf32> to vector<128x128xf32>
    %dot_general3A_45 = arith.constant dense<0.000000e+00> : vector<128x32xf32>
    %dot_general3A_46 = tpu.matmul %get3A_44, %get3A_6, %dot_general3A_45 {dimension_numbers = #tpu.dot_dimension_numbers<[1], [0], [0], [1], [0, 0, 1, 1], [], []>, transpose_lhs_hint = false} : vector<128x128xf32>, vector<128x32xf32>, vector<128x32xf32> -> vector<128x32xf32>
    %add3A_47 = vector.broadcast %get3A_27 : vector<1x32xf32> to vector<128x32xf32>
    %add3A_48 = arith.addf %dot_general3A_46, %add3A_47 : vector<128x32xf32>
    %sub3A_49 = arith.subf %add3A_48, %add3A_24 : vector<128x32xf32>
    %max3A_50 = arith.constant 0.000000e+00 : f32
    %max3A_51 = vector.broadcast %max3A_50 : f32 to vector<128x32xf32>
    %max3A_52 = arith.maximumf %sub3A_49, %max3A_51 : vector<128x32xf32>
    %swap3A_53 = arith.constant 128 : index
    %swap3A_54 = arith.constant 0 : index
    %swap3A_55 = vector.load %arg11[%swap3A_53, %swap3A_54] : memref<2048x32xf32, #tpu.memory_space<vmem>>, vector<128x32xf32>
    tpu.vector_store %arg11[%swap3A_53, %swap3A_54], %max3A_52 {strides = array<i32>} : memref<2048x32xf32, #tpu.memory_space<vmem>>, vector<128x32xf32>,
    %get3A_56 = arith.constant 2 : index
    %get3A_57 = arith.constant 0 : index
    %get3A_58 = arith.constant 0 : index
    %get3A_59 = vector.load %arg1[%get3A_56, %get3A_57, %get3A_58] : memref<16x128x128xf32, #tpu.memory_space<vmem>>, vector<1x128x128xf32>
    %get3A_60 = vector.shape_cast %get3A_59 : vector<1x128x128xf32> to vector<128x128xf32>
    %dot_general3A_61 = arith.constant dense<0.000000e+00> : vector<128x32xf32>
    %dot_general3A_62 = tpu.matmul %get3A_60, %get3A_6, %dot_general3A_61 {dimension_numbers = #tpu.dot_dimension_numbers<[1], [0], [0], [1], [0, 0, 1, 1], [], []>, transpose_lhs_hint = false} : vector<128x128xf32>, vector<128x32xf32>, vector<128x32xf32> -> vector<128x32xf32>
    %add3A_63 = vector.broadcast %get3A_27 : vector<1x32xf32> to vector<128x32xf32>
    %add3A_64 = arith.addf %dot_general3A_62, %add3A_63 : vector<128x32xf32>
    %sub3A_65 = arith.subf %add3A_64, %add3A_24 : vector<128x32xf32>
    %max3A_66 = arith.constant 0.000000e+00 : f32
    %max3A_67 = vector.broadcast %max3A_66 : f32 to vector<128x32xf32>
    %max3A_68 = arith.maximumf %sub3A_65, %max3A_67 : vector<128x32xf32>
    %swap3A_69 = arith.constant 256 : index
    %swap3A_70 = arith.constant 0 : index
    %swap3A_71 = vector.load %arg11[%swap3A_69, %swap3A_70] : memref<2048x32xf32, #tpu.memory_space<vmem>>, vector<128x32xf32>
    tpu.vector_store %arg11[%swap3A_69, %swap3A_70], %max3A_68 {strides = array<i32>} : memref<2048x32xf32, #tpu.memory_space<vmem>>, vector<128x32xf32>,
    %get3A_72 = arith.constant 3 : index
    %get3A_73 = arith.constant 0 : index
    %get3A_74 = arith.constant 0 : index
    %get3A_75 = vector.load %arg1[%get3A_72, %get3A_73, %get3A_74] : memref<16x128x128xf32, #tpu.memory_space<vmem>>, vector<1x128x128xf32>
    %get3A_76 = vector.shape_cast %get3A_75 : vector<1x128x128xf32> to vector<128x128xf32>
    %dot_general3A_77 = arith.constant dense<0.000000e+00> : vector<128x32xf32>
    %dot_general3A_78 = tpu.matmul %get3A_76, %get3A_6, %dot_general3A_77 {dimension_numbers = #tpu.dot_dimension_numbers<[1], [0], [0], [1], [0, 0, 1, 1], [], []>, transpose_lhs_hint = false} : vector<128x128xf32>, vector<128x32xf32>, vector<128x32xf32> -> vector<128x32xf32>
    %add3A_79 = vector.broadcast %get3A_27 : vector<1x32xf32> to vector<128x32xf32>
    %add3A_80 = arith.addf %dot_general3A_78, %add3A_79 : vector<128x32xf32>
    %sub3A_81 = arith.subf %add3A_80, %add3A_24 : vector<128x32xf32>
    %max3A_82 = arith.constant 0.000000e+00 : f32
    %max3A_83 = vector.broadcast %max3A_82 : f32 to vector<128x32xf32>
    %max3A_84 = arith.maximumf %sub3A_81, %max3A_83 : vector<128x32xf32>
    %swap3A_85 = arith.constant 384 : index
    %swap3A_86 = arith.constant 0 : index
    %swap3A_87 = vector.load %arg11[%swap3A_85, %swap3A_86] : memref<2048x32xf32, #tpu.memory_space<vmem>>, vector<128x32xf32>
    tpu.vector_store %arg11[%swap3A_85, %swap3A_86], %max3A_84 {strides = array<i32>} : memref<2048x32xf32, #tpu.memory_space<vmem>>, vector<128x32xf32>,
    %get3A_88 = arith.constant 4 : index
    %get3A_89 = arith.constant 0 : index
    %get3A_90 = arith.constant 0 : index
    %get3A_91 = vector.load %arg1[%get3A_88, %get3A_89, %get3A_90] : memref<16x128x128xf32, #tpu.memory_space<vmem>>, vector<1x128x128xf32>
    %get3A_92 = vector.shape_cast %get3A_91 : vector<1x128x128xf32> to vector<128x128xf32>
    %dot_general3A_93 = arith.constant dense<0.000000e+00> : vector<128x32xf32>
    %dot_general3A_94 = tpu.matmul %get3A_92, %get3A_6, %dot_general3A_93 {dimension_numbers = #tpu.dot_dimension_numbers<[1], [0], [0], [1], [0, 0, 1, 1], [], []>, transpose_lhs_hint = false} : vector<128x128xf32>, vector<128x32xf32>, vector<128x32xf32> -> vector<128x32xf32>
    %add3A_95 = vector.broadcast %get3A_27 : vector<1x32xf32> to vector<128x32xf32>
    %add3A_96 = arith.addf %dot_general3A_94, %add3A_95 : vector<128x32xf32>
    %sub3A_97 = arith.subf %add3A_96, %add3A_24 : vector<128x32xf32>
    %max3A_98 = arith.constant 0.000000e+00 : f32
    %max3A_99 = vector.broadcast %max3A_98 : f32 to vector<128x32xf32>
    %max3A_100 = arith.maximumf %sub3A_97, %max3A_99 : vector<128x32xf32>
    %swap3A_101 = arith.constant 512 : index
    %swap3A_102 = arith.constant 0 : index
    %swap3A_103 = vector.load %arg11[%swap3A_101, %swap3A_102] : memref<2048x32xf32, #tpu.memory_space<vmem>>, vector<128x32xf32>
    tpu.vector_store %arg11[%swap3A_101, %swap3A_102], %max3A_100 {strides = array<i32>} : memref<2048x32xf32, #tpu.memory_space<vmem>>, vector<128x32xf32>,
    %get3A_104 = arith.constant 5 : index
    %get3A_105 = arith.constant 0 : index
    %get3A_106 = arith.constant 0 : index
    %get3A_107 = vector.load %arg1[%get3A_104, %get3A_105, %get3A_106] : memref<16x128x128xf32, #tpu.memory_space<vmem>>, vector<1x128x128xf32>
    %get3A_108 = vector.shape_cast %get3A_107 : vector<1x128x128xf32> to vector<128x128xf32>
    %dot_general3A_109 = arith.constant dense<0.000000e+00> : vector<128x32xf32>
    %dot_general3A_110 = tpu.matmul %get3A_108, %get3A_6, %dot_general3A_109 {dimension_numbers = #tpu.dot_dimension_numbers<[1], [0], [0], [1], [0, 0, 1, 1], [], []>, transpose_lhs_hint = false} : vector<128x128xf32>, vector<128x32xf32>, vector<128x32xf32> -> vector<128x32xf32>
    %add3A_111 = vector.broadcast %get3A_27 : vector<1x32xf32> to vector<128x32xf32>
    %add3A_112 = arith.addf %dot_general3A_110, %add3A_111 : vector<128x32xf32>
    %sub3A_113 = arith.subf %add3A_112, %add3A_24 : vector<128x32xf32>
    %max3A_114 = arith.constant 0.000000e+00 : f32
    %max3A_115 = vector.broadcast %max3A_114 : f32 to vector<128x32xf32>
    %max3A_116 = arith.maximumf %sub3A_113, %max3A_115 : vector<128x32xf32>
    %swap3A_117 = arith.constant 640 : index
    %swap3A_118 = arith.constant 0 : index
    %swap3A_119 = vector.load %arg11[%swap3A_117, %swap3A_118] : memref<2048x32xf32, #tpu.memory_space<vmem>>, vector<128x32xf32>
    tpu.vector_store %arg11[%swap3A_117, %swap3A_118], %max3A_116 {strides = array<i32>} : memref<2048x32xf32, #tpu.memory_space<vmem>>, vector<128x32xf32>,
    %get3A_120 = arith.constant 6 : index
    %get3A_121 = arith.constant 0 : index
    %get3A_122 = arith.constant 0 : index
    %get3A_123 = vector.load %arg1[%get3A_120, %get3A_121, %get3A_122] : memref<16x128x128xf32, #tpu.memory_space<vmem>>, vector<1x128x128xf32>
    %get3A_124 = vector.shape_cast %get3A_123 : vector<1x128x128xf32> to vector<128x128xf32>
    %dot_general3A_125 = arith.constant dense<0.000000e+00> : vector<128x32xf32>
    %dot_general3A_126 = tpu.matmul %get3A_124, %get3A_6, %dot_general3A_125 {dimension_numbers = #tpu.dot_dimension_numbers<[1], [0], [0], [1], [0, 0, 1, 1], [], []>, transpose_lhs_hint = false} : vector<128x128xf32>, vector<128x32xf32>, vector<128x32xf32> -> vector<128x32xf32>
    %add3A_127 = vector.broadcast %get3A_27 : vector<1x32xf32> to vector<128x32xf32>
    %add3A_128 = arith.addf %dot_general3A_126, %add3A_127 : vector<128x32xf32>
    %sub3A_129 = arith.subf %add3A_128, %add3A_24 : vector<128x32xf32>
    %max3A_130 = arith.constant 0.000000e+00 : f32
    %max3A_131 = vector.broadcast %max3A_130 : f32 to vector<128x32xf32>
    %max3A_132 = arith.maximumf %sub3A_129, %max3A_131 : vector<128x32xf32>
    %swap3A_133 = arith.constant 768 : index
    %swap3A_134 = arith.constant 0 : index
    %swap3A_135 = vector.load %arg11[%swap3A_133, %swap3A_134] : memref<2048x32xf32, #tpu.memory_space<vmem>>, vector<128x32xf32>
    tpu.vector_store %arg11[%swap3A_133, %swap3A_134], %max3A_132 {strides = array<i32>} : memref<2048x32xf32, #tpu.memory_space<vmem>>, vector<128x32xf32>,
    %get3A_136 = arith.constant 7 : index
    %get3A_137 = arith.constant 0 : index
    %get3A_138 = arith.constant 0 : index
    %get3A_139 = vector.load %arg1[%get3A_136, %get3A_137, %get3A_138] : memref<16x128x128xf32, #tpu.memory_space<vmem>>, vector<1x128x128xf32>
    %get3A_140 = vector.shape_cast %get3A_139 : vector<1x128x128xf32> to vector<128x128xf32>
    %dot_general3A_141 = arith.constant dense<0.000000e+00> : vector<128x32xf32>
    %dot_general3A_142 = tpu.matmul %get3A_140, %get3A_6, %dot_general3A_141 {dimension_numbers = #tpu.dot_dimension_numbers<[1], [0], [0], [1], [0, 0, 1, 1], [], []>, transpose_lhs_hint = false} : vector<128x128xf32>, vector<128x32xf32>, vector<128x32xf32> -> vector<128x32xf32>
    %add3A_143 = vector.broadcast %get3A_27 : vector<1x32xf32> to vector<128x32xf32>
    %add3A_144 = arith.addf %dot_general3A_142, %add3A_143 : vector<128x32xf32>
    %sub3A_145 = arith.subf %add3A_144, %add3A_24 : vector<128x32xf32>
    %max3A_146 = arith.constant 0.000000e+00 : f32
    %max3A_147 = vector.broadcast %max3A_146 : f32 to vector<128x32xf32>
    %max3A_148 = arith.maximumf %sub3A_145, %max3A_147 : vector<128x32xf32>
    %swap3A_149 = arith.constant 896 : index
    %swap3A_150 = arith.constant 0 : index
    %swap3A_151 = vector.load %arg11[%swap3A_149, %swap3A_150] : memref<2048x32xf32, #tpu.memory_space<vmem>>, vector<128x32xf32>
    tpu.vector_store %arg11[%swap3A_149, %swap3A_150], %max3A_148 {strides = array<i32>} : memref<2048x32xf32, #tpu.memory_space<vmem>>, vector<128x32xf32>,
    %get3A_152 = arith.constant 8 : index
    %get3A_153 = arith.constant 0 : index
    %get3A_154 = arith.constant 0 : index
    %get3A_155 = vector.load %arg1[%get3A_152, %get3A_153, %get3A_154] : memref<16x128x128xf32, #tpu.memory_space<vmem>>, vector<1x128x128xf32>
    %get3A_156 = vector.shape_cast %get3A_155 : vector<1x128x128xf32> to vector<128x128xf32>
    %dot_general3A_157 = arith.constant dense<0.000000e+00> : vector<128x32xf32>
    %dot_general3A_158 = tpu.matmul %get3A_156, %get3A_6, %dot_general3A_157 {dimension_numbers = #tpu.dot_dimension_numbers<[1], [0], [0], [1], [0, 0, 1, 1], [], []>, transpose_lhs_hint = false} : vector<128x128xf32>, vector<128x32xf32>, vector<128x32xf32> -> vector<128x32xf32>
    %add3A_159 = vector.broadcast %get3A_27 : vector<1x32xf32> to vector<128x32xf32>
    %add3A_160 = arith.addf %dot_general3A_158, %add3A_159 : vector<128x32xf32>
    %sub3A_161 = arith.subf %add3A_160, %add3A_24 : vector<128x32xf32>
    %max3A_162 = arith.constant 0.000000e+00 : f32
    %max3A_163 = vector.broadcast %max3A_162 : f32 to vector<128x32xf32>
    %max3A_164 = arith.maximumf %sub3A_161, %max3A_163 : vector<128x32xf32>
    %swap3A_165 = arith.constant 1024 : index
    %swap3A_166 = arith.constant 0 : index
    %swap3A_167 = vector.load %arg11[%swap3A_165, %swap3A_166] : memref<2048x32xf32, #tpu.memory_space<vmem>>, vector<128x32xf32>
    tpu.vector_store %arg11[%swap3A_165, %swap3A_166], %max3A_164 {strides = array<i32>} : memref<2048x32xf32, #tpu.memory_space<vmem>>, vector<128x32xf32>,
    %get3A_168 = arith.constant 9 : index
    %get3A_169 = arith.constant 0 : index
    %get3A_170 = arith.constant 0 : index
    %get3A_171 = vector.load %arg1[%get3A_168, %get3A_169, %get3A_170] : memref<16x128x128xf32, #tpu.memory_space<vmem>>, vector<1x128x128xf32>
    %get3A_172 = vector.shape_cast %get3A_171 : vector<1x128x128xf32> to vector<128x128xf32>
    %dot_general3A_173 = arith.constant dense<0.000000e+00> : vector<128x32xf32>
    %dot_general3A_174 = tpu.matmul %get3A_172, %get3A_6, %dot_general3A_173 {dimension_numbers = #tpu.dot_dimension_numbers<[1], [0], [0], [1], [0, 0, 1, 1], [], []>, transpose_lhs_hint = false} : vector<128x128xf32>, vector<128x32xf32>, vector<128x32xf32> -> vector<128x32xf32>
    %add3A_175 = vector.broadcast %get3A_27 : vector<1x32xf32> to vector<128x32xf32>
    %add3A_176 = arith.addf %dot_general3A_174, %add3A_175 : vector<128x32xf32>
    %sub3A_177 = arith.subf %add3A_176, %add3A_24 : vector<128x32xf32>
    %max3A_178 = arith.constant 0.000000e+00 : f32
    %max3A_179 = vector.broadcast %max3A_178 : f32 to vector<128x32xf32>
    %max3A_180 = arith.maximumf %sub3A_177, %max3A_179 : vector<128x32xf32>
    %swap3A_181 = arith.constant 1152 : index
    %swap3A_182 = arith.constant 0 : index
    %swap3A_183 = vector.load %arg11[%swap3A_181, %swap3A_182] : memref<2048x32xf32, #tpu.memory_space<vmem>>, vector<128x32xf32>
    tpu.vector_store %arg11[%swap3A_181, %swap3A_182], %max3A_180 {strides = array<i32>} : memref<2048x32xf32, #tpu.memory_space<vmem>>, vector<128x32xf32>,
    %get3A_184 = arith.constant 10 : index
    %get3A_185 = arith.constant 0 : index
    %get3A_186 = arith.constant 0 : index
    %get3A_187 = vector.load %arg1[%get3A_184, %get3A_185, %get3A_186] : memref<16x128x128xf32, #tpu.memory_space<vmem>>, vector<1x128x128xf32>
    %get3A_188 = vector.shape_cast %get3A_187 : vector<1x128x128xf32> to vector<128x128xf32>
    %dot_general3A_189 = arith.constant dense<0.000000e+00> : vector<128x32xf32>
    %dot_general3A_190 = tpu.matmul %get3A_188, %get3A_6, %dot_general3A_189 {dimension_numbers = #tpu.dot_dimension_numbers<[1], [0], [0], [1], [0, 0, 1, 1], [], []>, transpose_lhs_hint = false} : vector<128x128xf32>, vector<128x32xf32>, vector<128x32xf32> -> vector<128x32xf32>
    %add3A_191 = vector.broadcast %get3A_27 : vector<1x32xf32> to vector<128x32xf32>
    %add3A_192 = arith.addf %dot_general3A_190, %add3A_191 : vector<128x32xf32>
    %sub3A_193 = arith.subf %add3A_192, %add3A_24 : vector<128x32xf32>
    %max3A_194 = arith.constant 0.000000e+00 : f32
    %max3A_195 = vector.broadcast %max3A_194 : f32 to vector<128x32xf32>
    %max3A_196 = arith.maximumf %sub3A_193, %max3A_195 : vector<128x32xf32>
    %swap3A_197 = arith.constant 1280 : index
    %swap3A_198 = arith.constant 0 : index
    %swap3A_199 = vector.load %arg11[%swap3A_197, %swap3A_198] : memref<2048x32xf32, #tpu.memory_space<vmem>>, vector<128x32xf32>
    tpu.vector_store %arg11[%swap3A_197, %swap3A_198], %max3A_196 {strides = array<i32>} : memref<2048x32xf32, #tpu.memory_space<vmem>>, vector<128x32xf32>,
    %get3A_200 = arith.constant 11 : index
    %get3A_201 = arith.constant 0 : index
    %get3A_202 = arith.constant 0 : index
    %get3A_203 = vector.load %arg1[%get3A_200, %get3A_201, %get3A_202] : memref<16x128x128xf32, #tpu.memory_space<vmem>>, vector<1x128x128xf32>
    %get3A_204 = vector.shape_cast %get3A_203 : vector<1x128x128xf32> to vector<128x128xf32>
    %dot_general3A_205 = arith.constant dense<0.000000e+00> : vector<128x32xf32>
    %dot_general3A_206 = tpu.matmul %get3A_204, %get3A_6, %dot_general3A_205 {dimension_numbers = #tpu.dot_dimension_numbers<[1], [0], [0], [1], [0, 0, 1, 1], [], []>, transpose_lhs_hint = false} : vector<128x128xf32>, vector<128x32xf32>, vector<128x32xf32> -> vector<128x32xf32>
    %add3A_207 = vector.broadcast %get3A_27 : vector<1x32xf32> to vector<128x32xf32>
    %add3A_208 = arith.addf %dot_general3A_206, %add3A_207 : vector<128x32xf32>
    %sub3A_209 = arith.subf %add3A_208, %add3A_24 : vector<128x32xf32>
    %max3A_210 = arith.constant 0.000000e+00 : f32
    %max3A_211 = vector.broadcast %max3A_210 : f32 to vector<128x32xf32>
    %max3A_212 = arith.maximumf %sub3A_209, %max3A_211 : vector<128x32xf32>
    %swap3A_213 = arith.constant 1408 : index
    %swap3A_214 = arith.constant 0 : index
    %swap3A_215 = vector.load %arg11[%swap3A_213, %swap3A_214] : memref<2048x32xf32, #tpu.memory_space<vmem>>, vector<128x32xf32>
    tpu.vector_store %arg11[%swap3A_213, %swap3A_214], %max3A_212 {strides = array<i32>} : memref<2048x32xf32, #tpu.memory_space<vmem>>, vector<128x32xf32>,
    %get3A_216 = arith.constant 12 : index
    %get3A_217 = arith.constant 0 : index
    %get3A_218 = arith.constant 0 : index
    %get3A_219 = vector.load %arg1[%get3A_216, %get3A_217, %get3A_218] : memref<16x128x128xf32, #tpu.memory_space<vmem>>, vector<1x128x128xf32>
    %get3A_220 = vector.shape_cast %get3A_219 : vector<1x128x128xf32> to vector<128x128xf32>
    %dot_general3A_221 = arith.constant dense<0.000000e+00> : vector<128x32xf32>
    %dot_general3A_222 = tpu.matmul %get3A_220, %get3A_6, %dot_general3A_221 {dimension_numbers = #tpu.dot_dimension_numbers<[1], [0], [0], [1], [0, 0, 1, 1], [], []>, transpose_lhs_hint = false} : vector<128x128xf32>, vector<128x32xf32>, vector<128x32xf32> -> vector<128x32xf32>
    %add3A_223 = vector.broadcast %get3A_27 : vector<1x32xf32> to vector<128x32xf32>
    %add3A_224 = arith.addf %dot_general3A_222, %add3A_223 : vector<128x32xf32>
    %sub3A_225 = arith.subf %add3A_224, %add3A_24 : vector<128x32xf32>
    %max3A_226 = arith.constant 0.000000e+00 : f32
    %max3A_227 = vector.broadcast %max3A_226 : f32 to vector<128x32xf32>
    %max3A_228 = arith.maximumf %sub3A_225, %max3A_227 : vector<128x32xf32>
    %swap3A_229 = arith.constant 1536 : index
    %swap3A_230 = arith.constant 0 : index
    %swap3A_231 = vector.load %arg11[%swap3A_229, %swap3A_230] : memref<2048x32xf32, #tpu.memory_space<vmem>>, vector<128x32xf32>
    tpu.vector_store %arg11[%swap3A_229, %swap3A_230], %max3A_228 {strides = array<i32>} : memref<2048x32xf32, #tpu.memory_space<vmem>>, vector<128x32xf32>,
    %get3A_232 = arith.constant 13 : index
    %get3A_233 = arith.constant 0 : index
    %get3A_234 = arith.constant 0 : index
    %get3A_235 = vector.load %arg1[%get3A_232, %get3A_233, %get3A_234] : memref<16x128x128xf32, #tpu.memory_space<vmem>>, vector<1x128x128xf32>
    %get3A_236 = vector.shape_cast %get3A_235 : vector<1x128x128xf32> to vector<128x128xf32>
    %dot_general3A_237 = arith.constant dense<0.000000e+00> : vector<128x32xf32>
    %dot_general3A_238 = tpu.matmul %get3A_236, %get3A_6, %dot_general3A_237 {dimension_numbers = #tpu.dot_dimension_numbers<[1], [0], [0], [1], [0, 0, 1, 1], [], []>, transpose_lhs_hint = false} : vector<128x128xf32>, vector<128x32xf32>, vector<128x32xf32> -> vector<128x32xf32>
    %add3A_239 = vector.broadcast %get3A_27 : vector<1x32xf32> to vector<128x32xf32>
    %add3A_240 = arith.addf %dot_general3A_238, %add3A_239 : vector<128x32xf32>
    %sub3A_241 = arith.subf %add3A_240, %add3A_24 : vector<128x32xf32>
    %max3A_242 = arith.constant 0.000000e+00 : f32
    %max3A_243 = vector.broadcast %max3A_242 : f32 to vector<128x32xf32>
    %max3A_244 = arith.maximumf %sub3A_241, %max3A_243 : vector<128x32xf32>
    %swap3A_245 = arith.constant 1664 : index
    %swap3A_246 = arith.constant 0 : index
    %swap3A_247 = vector.load %arg11[%swap3A_245, %swap3A_246] : memref<2048x32xf32, #tpu.memory_space<vmem>>, vector<128x32xf32>
    tpu.vector_store %arg11[%swap3A_245, %swap3A_246], %max3A_244 {strides = array<i32>} : memref<2048x32xf32, #tpu.memory_space<vmem>>, vector<128x32xf32>,
    %get3A_248 = arith.constant 14 : index
    %get3A_249 = arith.constant 0 : index
    %get3A_250 = arith.constant 0 : index
    %get3A_251 = vector.load %arg1[%get3A_248, %get3A_249, %get3A_250] : memref<16x128x128xf32, #tpu.memory_space<vmem>>, vector<1x128x128xf32>
    %get3A_252 = vector.shape_cast %get3A_251 : vector<1x128x128xf32> to vector<128x128xf32>
    %dot_general3A_253 = arith.constant dense<0.000000e+00> : vector<128x32xf32>
    %dot_general3A_254 = tpu.matmul %get3A_252, %get3A_6, %dot_general3A_253 {dimension_numbers = #tpu.dot_dimension_numbers<[1], [0], [0], [1], [0, 0, 1, 1], [], []>, transpose_lhs_hint = false} : vector<128x128xf32>, vector<128x32xf32>, vector<128x32xf32> -> vector<128x32xf32>
    %add3A_255 = vector.broadcast %get3A_27 : vector<1x32xf32> to vector<128x32xf32>
    %add3A_256 = arith.addf %dot_general3A_254, %add3A_255 : vector<128x32xf32>
    %sub3A_257 = arith.subf %add3A_256, %add3A_24 : vector<128x32xf32>
    %max3A_258 = arith.constant 0.000000e+00 : f32
    %max3A_259 = vector.broadcast %max3A_258 : f32 to vector<128x32xf32>
    %max3A_260 = arith.maximumf %sub3A_257, %max3A_259 : vector<128x32xf32>
    %swap3A_261 = arith.constant 1792 : index
    %swap3A_262 = arith.constant 0 : index
    %swap3A_263 = vector.load %arg11[%swap3A_261, %swap3A_262] : memref<2048x32xf32, #tpu.memory_space<vmem>>, vector<128x32xf32>
    tpu.vector_store %arg11[%swap3A_261, %swap3A_262], %max3A_260 {strides = array<i32>} : memref<2048x32xf32, #tpu.memory_space<vmem>>, vector<128x32xf32>,
    %get3A_264 = arith.constant 15 : index
    %get3A_265 = arith.constant 0 : index
    %get3A_266 = arith.constant 0 : index
    %get3A_267 = vector.load %arg1[%get3A_264, %get3A_265, %get3A_266] : memref<16x128x128xf32, #tpu.memory_space<vmem>>, vector<1x128x128xf32>
    %get3A_268 = vector.shape_cast %get3A_267 : vector<1x128x128xf32> to vector<128x128xf32>
    %dot_general3A_269 = arith.constant dense<0.000000e+00> : vector<128x32xf32>
    %dot_general3A_270 = tpu.matmul %get3A_268, %get3A_6, %dot_general3A_269 {dimension_numbers = #tpu.dot_dimension_numbers<[1], [0], [0], [1], [0, 0, 1, 1], [], []>, transpose_lhs_hint = false} : vector<128x128xf32>, vector<128x32xf32>, vector<128x32xf32> -> vector<128x32xf32>
    %add3A_271 = vector.broadcast %get3A_27 : vector<1x32xf32> to vector<128x32xf32>
    %add3A_272 = arith.addf %dot_general3A_270, %add3A_271 : vector<128x32xf32>
    %sub3A_273 = arith.subf %add3A_272, %add3A_24 : vector<128x32xf32>
    %max3A_274 = arith.constant 0.000000e+00 : f32
    %max3A_275 = vector.broadcast %max3A_274 : f32 to vector<128x32xf32>
    %max3A_276 = arith.maximumf %sub3A_273, %max3A_275 : vector<128x32xf32>
    %swap3A_277 = arith.constant 1920 : index
    %swap3A_278 = arith.constant 0 : index
    %swap3A_279 = vector.load %arg11[%swap3A_277, %swap3A_278] : memref<2048x32xf32, #tpu.memory_space<vmem>>, vector<128x32xf32>
    tpu.vector_store %arg11[%swap3A_277, %swap3A_278], %max3A_276 {strides = array<i32>} : memref<2048x32xf32, #tpu.memory_space<vmem>>, vector<128x32xf32>,
    %get3A_280 = arith.constant 0 : index
    %get3A_281 = arith.constant 0 : index
    %get3A_282 = vector.load %arg11[%get3A_280, %get3A_281] : memref<2048x32xf32, #tpu.memory_space<vmem>>, vector<2048x32xf32>
    %get3A_283 = arith.constant 0 : index
    %get3A_284 = arith.constant 0 : index
    %get3A_285 = vector.load %arg6[%get3A_283, %get3A_284] : memref<32x32xf32, #tpu.memory_space<vmem>>, vector<32x32xf32>
    %dot_general3A_286 = arith.constant dense<0.000000e+00> : vector<2048x32xf32>
    %dot_general3A_287 = tpu.matmul %get3A_282, %get3A_285, %dot_general3A_286 {dimension_numbers = #tpu.dot_dimension_numbers<[1], [0], [0], [1], [0, 0, 1, 1], [], []>, transpose_lhs_hint = false} : vector<2048x32xf32>, vector<32x32xf32>, vector<2048x32xf32> -> vector<2048x32xf32>
    %get3A_288 = arith.constant 0 : index
    %get3A_289 = arith.constant 0 : index
    %get3A_290 = vector.load %arg7[%get3A_288, %get3A_289] : memref<1x32xf32, #tpu.memory_space<vmem>>, vector<1x32xf32>
    %add3A_291 = vector.broadcast %get3A_290 : vector<1x32xf32> to vector<2048x32xf32>
    %add3A_292 = arith.addf %dot_general3A_287, %add3A_291 : vector<2048x32xf32>
    %max3A_293 = arith.constant 0.000000e+00 : f32
    %max3A_294 = vector.broadcast %max3A_293 : f32 to vector<2048x32xf32>
    %max3A_295 = arith.maximumf %add3A_292, %max3A_294 : vector<2048x32xf32>
    %get3A_296 = arith.constant 0 : index
    %get3A_297 = arith.constant 0 : index
    %get3A_298 = vector.load %arg8[%get3A_296, %get3A_297] : memref<32x64xf32, #tpu.memory_space<vmem>>, vector<32x64xf32>
    %dot_general3A_299 = arith.constant dense<0.000000e+00> : vector<2048x64xf32>
    %dot_general3A_300 = tpu.matmul %max3A_295, %get3A_298, %dot_general3A_299 {dimension_numbers = #tpu.dot_dimension_numbers<[1], [0], [0], [1], [0, 0, 1, 1], [], []>, transpose_lhs_hint = false} : vector<2048x32xf32>, vector<32x64xf32>, vector<2048x64xf32> -> vector<2048x64xf32>
    %get3A_301 = arith.constant 0 : index
    %get3A_302 = arith.constant 0 : index
    %get3A_303 = vector.load %arg9[%get3A_301, %get3A_302] : memref<1x64xf32, #tpu.memory_space<vmem>>, vector<1x64xf32>
    %add3A_304 = vector.broadcast %get3A_303 : vector<1x64xf32> to vector<2048x64xf32>
    %add3A_305 = arith.addf %dot_general3A_300, %add3A_304 : vector<2048x64xf32>
    %max3A_306 = arith.constant 0.000000e+00 : f32
    %max3A_307 = vector.broadcast %max3A_306 : f32 to vector<2048x64xf32>
    %max3A_308 = arith.maximumf %add3A_305, %max3A_307 : vector<2048x64xf32>
    %broadcast_in_dim3A = arith.constant -1.000000e+00 : f32
    %broadcast_in_dim3A_309 = vector.broadcast %broadcast_in_dim3A : f32 to vector<128x64xf32>
    %get3A_310 = arith.constant 0 : index
    %get3A_311 = arith.constant 0 : index
    %get3A_312 = vector.load %arg3[%get3A_310, %get3A_311] : memref<128x64xf32, #tpu.memory_space<vmem>>, vector<128x1xf32>
    %le3A = arith.constant 4.000000e-02 : f32
    %le3A_313 = vector.broadcast %le3A : f32 to vector<128x1xf32>
    %le3A_314 = arith.cmpf ole, %get3A_312, %le3A_313 : vector<128x1xf32>
    %slice3A_315 = vector.extract_strided_slice %max3A_308 {offsets = [0, 0], sizes = [128, 64], strides = [1, 1]} : vector<2048x64xf32> to vector<128x64xf32>
    %jit3A = arith.constant -1.000000e+00 : f32
    %broadcast_in_dim3A_316 = vector.shape_cast %le3A_314 : vector<128x1xi1> to vector<128x1xi1>
    %broadcast_in_dim3A_317 = vector.broadcast %broadcast_in_dim3A_316 : vector<128x1xi1> to vector<128x64xi1>
    %broadcast_in_dim3A_318 = vector.broadcast %jit3A : f32 to vector<128x64xf32>
    %select_n3A = arith.select %broadcast_in_dim3A_317, %slice3A_315, %broadcast_in_dim3A_318 : vector<128x64xi1>, vector<128x64xf32>
    %max3A_319 = arith.maximumf %broadcast_in_dim3A_309, %select_n3A : vector<128x64xf32>
    %get3A_320 = arith.constant 0 : index
    %get3A_321 = arith.constant 1 : index
    %get3A_322 = vector.load %arg3[%get3A_320, %get3A_321] : memref<128x64xf32, #tpu.memory_space<vmem>>, vector<128x1xf32>
    %le3A_323 = arith.constant 4.000000e-02 : f32
    %le3A_324 = vector.broadcast %le3A_323 : f32 to vector<128x1xf32>
    %le3A_325 = arith.cmpf ole, %get3A_322, %le3A_324 : vector<128x1xf32>
    %slice3A_326 = vector.extract_strided_slice %max3A_308 {offsets = [128, 0], sizes = [128, 64], strides = [1, 1]} : vector<2048x64xf32> to vector<128x64xf32>
    %jit3A_327 = arith.constant -1.000000e+00 : f32
    %broadcast_in_dim3A_328 = vector.shape_cast %le3A_325 : vector<128x1xi1> to vector<128x1xi1>
    %broadcast_in_dim3A_329 = vector.broadcast %broadcast_in_dim3A_328 : vector<128x1xi1> to vector<128x64xi1>
    %broadcast_in_dim3A_330 = vector.broadcast %jit3A_327 : f32 to vector<128x64xf32>
    %select_n3A_331 = arith.select %broadcast_in_dim3A_329, %slice3A_326, %broadcast_in_dim3A_330 : vector<128x64xi1>, vector<128x64xf32>
    %max3A_332 = arith.maximumf %max3A_319, %select_n3A_331 : vector<128x64xf32>
    %get3A_333 = arith.constant 0 : index
    %get3A_334 = arith.constant 2 : index
    %get3A_335 = vector.load %arg3[%get3A_333, %get3A_334] : memref<128x64xf32, #tpu.memory_space<vmem>>, vector<128x1xf32>
    %le3A_336 = arith.constant 4.000000e-02 : f32
    %le3A_337 = vector.broadcast %le3A_336 : f32 to vector<128x1xf32>
    %le3A_338 = arith.cmpf ole, %get3A_335, %le3A_337 : vector<128x1xf32>
    %slice3A_339 = vector.extract_strided_slice %max3A_308 {offsets = [256, 0], sizes = [128, 64], strides = [1, 1]} : vector<2048x64xf32> to vector<128x64xf32>
    %jit3A_340 = arith.constant -1.000000e+00 : f32
    %broadcast_in_dim3A_341 = vector.shape_cast %le3A_338 : vector<128x1xi1> to vector<128x1xi1>
    %broadcast_in_dim3A_342 = vector.broadcast %broadcast_in_dim3A_341 : vector<128x1xi1> to vector<128x64xi1>
    %broadcast_in_dim3A_343 = vector.broadcast %jit3A_340 : f32 to vector<128x64xf32>
    %select_n3A_344 = arith.select %broadcast_in_dim3A_342, %slice3A_339, %broadcast_in_dim3A_343 : vector<128x64xi1>, vector<128x64xf32>
    %max3A_345 = arith.maximumf %max3A_332, %select_n3A_344 : vector<128x64xf32>
    %get3A_346 = arith.constant 0 : index
    %get3A_347 = arith.constant 3 : index
    %get3A_348 = vector.load %arg3[%get3A_346, %get3A_347] : memref<128x64xf32, #tpu.memory_space<vmem>>, vector<128x1xf32>
    %le3A_349 = arith.constant 4.000000e-02 : f32
    %le3A_350 = vector.broadcast %le3A_349 : f32 to vector<128x1xf32>
    %le3A_351 = arith.cmpf ole, %get3A_348, %le3A_350 : vector<128x1xf32>
    %slice3A_352 = vector.extract_strided_slice %max3A_308 {offsets = [384, 0], sizes = [128, 64], strides = [1, 1]} : vector<2048x64xf32> to vector<128x64xf32>
    %jit3A_353 = arith.constant -1.000000e+00 : f32
    %broadcast_in_dim3A_354 = vector.shape_cast %le3A_351 : vector<128x1xi1> to vector<128x1xi1>
    %broadcast_in_dim3A_355 = vector.broadcast %broadcast_in_dim3A_354 : vector<128x1xi1> to vector<128x64xi1>
    %broadcast_in_dim3A_356 = vector.broadcast %jit3A_353 : f32 to vector<128x64xf32>
    %select_n3A_357 = arith.select %broadcast_in_dim3A_355, %slice3A_352, %broadcast_in_dim3A_356 : vector<128x64xi1>, vector<128x64xf32>
    %max3A_358 = arith.maximumf %max3A_345, %select_n3A_357 : vector<128x64xf32>
    %get3A_359 = arith.constant 0 : index
    %get3A_360 = arith.constant 4 : index
    %get3A_361 = vector.load %arg3[%get3A_359, %get3A_360] : memref<128x64xf32, #tpu.memory_space<vmem>>, vector<128x1xf32>
    %le3A_362 = arith.constant 4.000000e-02 : f32
    %le3A_363 = vector.broadcast %le3A_362 : f32 to vector<128x1xf32>
    %le3A_364 = arith.cmpf ole, %get3A_361, %le3A_363 : vector<128x1xf32>
    %slice3A_365 = vector.extract_strided_slice %max3A_308 {offsets = [512, 0], sizes = [128, 64], strides = [1, 1]} : vector<2048x64xf32> to vector<128x64xf32>
    %jit3A_366 = arith.constant -1.000000e+00 : f32
    %broadcast_in_dim3A_367 = vector.shape_cast %le3A_364 : vector<128x1xi1> to vector<128x1xi1>
    %broadcast_in_dim3A_368 = vector.broadcast %broadcast_in_dim3A_367 : vector<128x1xi1> to vector<128x64xi1>
    %broadcast_in_dim3A_369 = vector.broadcast %jit3A_366 : f32 to vector<128x64xf32>
    %select_n3A_370 = arith.select %broadcast_in_dim3A_368, %slice3A_365, %broadcast_in_dim3A_369 : vector<128x64xi1>, vector<128x64xf32>
    %max3A_371 = arith.maximumf %max3A_358, %select_n3A_370 : vector<128x64xf32>
    %get3A_372 = arith.constant 0 : index
    %get3A_373 = arith.constant 5 : index
    %get3A_374 = vector.load %arg3[%get3A_372, %get3A_373] : memref<128x64xf32, #tpu.memory_space<vmem>>, vector<128x1xf32>
    %le3A_375 = arith.constant 4.000000e-02 : f32
    %le3A_376 = vector.broadcast %le3A_375 : f32 to vector<128x1xf32>
    %le3A_377 = arith.cmpf ole, %get3A_374, %le3A_376 : vector<128x1xf32>
    %slice3A_378 = vector.extract_strided_slice %max3A_308 {offsets = [640, 0], sizes = [128, 64], strides = [1, 1]} : vector<2048x64xf32> to vector<128x64xf32>
    %jit3A_379 = arith.constant -1.000000e+00 : f32
    %broadcast_in_dim3A_380 = vector.shape_cast %le3A_377 : vector<128x1xi1> to vector<128x1xi1>
    %broadcast_in_dim3A_381 = vector.broadcast %broadcast_in_dim3A_380 : vector<128x1xi1> to vector<128x64xi1>
    %broadcast_in_dim3A_382 = vector.broadcast %jit3A_379 : f32 to vector<128x64xf32>
    %select_n3A_383 = arith.select %broadcast_in_dim3A_381, %slice3A_378, %broadcast_in_dim3A_382 : vector<128x64xi1>, vector<128x64xf32>
    %max3A_384 = arith.maximumf %max3A_371, %select_n3A_383 : vector<128x64xf32>
    %get3A_385 = arith.constant 0 : index
    %get3A_386 = arith.constant 6 : index
    %get3A_387 = vector.load %arg3[%get3A_385, %get3A_386] : memref<128x64xf32, #tpu.memory_space<vmem>>, vector<128x1xf32>
    %le3A_388 = arith.constant 4.000000e-02 : f32
    %le3A_389 = vector.broadcast %le3A_388 : f32 to vector<128x1xf32>
    %le3A_390 = arith.cmpf ole, %get3A_387, %le3A_389 : vector<128x1xf32>
    %slice3A_391 = vector.extract_strided_slice %max3A_308 {offsets = [768, 0], sizes = [128, 64], strides = [1, 1]} : vector<2048x64xf32> to vector<128x64xf32>
    %jit3A_392 = arith.constant -1.000000e+00 : f32
    %broadcast_in_dim3A_393 = vector.shape_cast %le3A_390 : vector<128x1xi1> to vector<128x1xi1>
    %broadcast_in_dim3A_394 = vector.broadcast %broadcast_in_dim3A_393 : vector<128x1xi1> to vector<128x64xi1>
    %broadcast_in_dim3A_395 = vector.broadcast %jit3A_392 : f32 to vector<128x64xf32>
    %select_n3A_396 = arith.select %broadcast_in_dim3A_394, %slice3A_391, %broadcast_in_dim3A_395 : vector<128x64xi1>, vector<128x64xf32>
    %max3A_397 = arith.maximumf %max3A_384, %select_n3A_396 : vector<128x64xf32>
    %get3A_398 = arith.constant 0 : index
    %get3A_399 = arith.constant 7 : index
    %get3A_400 = vector.load %arg3[%get3A_398, %get3A_399] : memref<128x64xf32, #tpu.memory_space<vmem>>, vector<128x1xf32>
    %le3A_401 = arith.constant 4.000000e-02 : f32
    %le3A_402 = vector.broadcast %le3A_401 : f32 to vector<128x1xf32>
    %le3A_403 = arith.cmpf ole, %get3A_400, %le3A_402 : vector<128x1xf32>
    %slice3A_404 = vector.extract_strided_slice %max3A_308 {offsets = [896, 0], sizes = [128, 64], strides = [1, 1]} : vector<2048x64xf32> to vector<128x64xf32>
    %jit3A_405 = arith.constant -1.000000e+00 : f32
    %broadcast_in_dim3A_406 = vector.shape_cast %le3A_403 : vector<128x1xi1> to vector<128x1xi1>
    %broadcast_in_dim3A_407 = vector.broadcast %broadcast_in_dim3A_406 : vector<128x1xi1> to vector<128x64xi1>
    %broadcast_in_dim3A_408 = vector.broadcast %jit3A_405 : f32 to vector<128x64xf32>
    %select_n3A_409 = arith.select %broadcast_in_dim3A_407, %slice3A_404, %broadcast_in_dim3A_408 : vector<128x64xi1>, vector<128x64xf32>
    %max3A_410 = arith.maximumf %max3A_397, %select_n3A_409 : vector<128x64xf32>
    %get3A_411 = arith.constant 0 : index
    %get3A_412 = arith.constant 8 : index
    %get3A_413 = vector.load %arg3[%get3A_411, %get3A_412] : memref<128x64xf32, #tpu.memory_space<vmem>>, vector<128x1xf32>
    %le3A_414 = arith.constant 4.000000e-02 : f32
    %le3A_415 = vector.broadcast %le3A_414 : f32 to vector<128x1xf32>
    %le3A_416 = arith.cmpf ole, %get3A_413, %le3A_415 : vector<128x1xf32>
    %slice3A_417 = vector.extract_strided_slice %max3A_308 {offsets = [1024, 0], sizes = [128, 64], strides = [1, 1]} : vector<2048x64xf32> to vector<128x64xf32>
    %jit3A_418 = arith.constant -1.000000e+00 : f32
    %broadcast_in_dim3A_419 = vector.shape_cast %le3A_416 : vector<128x1xi1> to vector<128x1xi1>
    %broadcast_in_dim3A_420 = vector.broadcast %broadcast_in_dim3A_419 : vector<128x1xi1> to vector<128x64xi1>
    %broadcast_in_dim3A_421 = vector.broadcast %jit3A_418 : f32 to vector<128x64xf32>
    %select_n3A_422 = arith.select %broadcast_in_dim3A_420, %slice3A_417, %broadcast_in_dim3A_421 : vector<128x64xi1>, vector<128x64xf32>
    %max3A_423 = arith.maximumf %max3A_410, %select_n3A_422 : vector<128x64xf32>
    %get3A_424 = arith.constant 0 : index
    %get3A_425 = arith.constant 9 : index
    %get3A_426 = vector.load %arg3[%get3A_424, %get3A_425] : memref<128x64xf32, #tpu.memory_space<vmem>>, vector<128x1xf32>
    %le3A_427 = arith.constant 4.000000e-02 : f32
    %le3A_428 = vector.broadcast %le3A_427 : f32 to vector<128x1xf32>
    %le3A_429 = arith.cmpf ole, %get3A_426, %le3A_428 : vector<128x1xf32>
    %slice3A_430 = vector.extract_strided_slice %max3A_308 {offsets = [1152, 0], sizes = [128, 64], strides = [1, 1]} : vector<2048x64xf32> to vector<128x64xf32>
    %jit3A_431 = arith.constant -1.000000e+00 : f32
    %broadcast_in_dim3A_432 = vector.shape_cast %le3A_429 : vector<128x1xi1> to vector<128x1xi1>
    %broadcast_in_dim3A_433 = vector.broadcast %broadcast_in_dim3A_432 : vector<128x1xi1> to vector<128x64xi1>
    %broadcast_in_dim3A_434 = vector.broadcast %jit3A_431 : f32 to vector<128x64xf32>
    %select_n3A_435 = arith.select %broadcast_in_dim3A_433, %slice3A_430, %broadcast_in_dim3A_434 : vector<128x64xi1>, vector<128x64xf32>
    %max3A_436 = arith.maximumf %max3A_423, %select_n3A_435 : vector<128x64xf32>
    %get3A_437 = arith.constant 0 : index
    %get3A_438 = arith.constant 10 : index
    %get3A_439 = vector.load %arg3[%get3A_437, %get3A_438] : memref<128x64xf32, #tpu.memory_space<vmem>>, vector<128x1xf32>
    %le3A_440 = arith.constant 4.000000e-02 : f32
    %le3A_441 = vector.broadcast %le3A_440 : f32 to vector<128x1xf32>
    %le3A_442 = arith.cmpf ole, %get3A_439, %le3A_441 : vector<128x1xf32>
    %slice3A_443 = vector.extract_strided_slice %max3A_308 {offsets = [1280, 0], sizes = [128, 64], strides = [1, 1]} : vector<2048x64xf32> to vector<128x64xf32>
    %jit3A_444 = arith.constant -1.000000e+00 : f32
    %broadcast_in_dim3A_445 = vector.shape_cast %le3A_442 : vector<128x1xi1> to vector<128x1xi1>
    %broadcast_in_dim3A_446 = vector.broadcast %broadcast_in_dim3A_445 : vector<128x1xi1> to vector<128x64xi1>
    %broadcast_in_dim3A_447 = vector.broadcast %jit3A_444 : f32 to vector<128x64xf32>
    %select_n3A_448 = arith.select %broadcast_in_dim3A_446, %slice3A_443, %broadcast_in_dim3A_447 : vector<128x64xi1>, vector<128x64xf32>
    %max3A_449 = arith.maximumf %max3A_436, %select_n3A_448 : vector<128x64xf32>
    %get3A_450 = arith.constant 0 : index
    %get3A_451 = arith.constant 11 : index
    %get3A_452 = vector.load %arg3[%get3A_450, %get3A_451] : memref<128x64xf32, #tpu.memory_space<vmem>>, vector<128x1xf32>
    %le3A_453 = arith.constant 4.000000e-02 : f32
    %le3A_454 = vector.broadcast %le3A_453 : f32 to vector<128x1xf32>
    %le3A_455 = arith.cmpf ole, %get3A_452, %le3A_454 : vector<128x1xf32>
    %slice3A_456 = vector.extract_strided_slice %max3A_308 {offsets = [1408, 0], sizes = [128, 64], strides = [1, 1]} : vector<2048x64xf32> to vector<128x64xf32>
    %jit3A_457 = arith.constant -1.000000e+00 : f32
    %broadcast_in_dim3A_458 = vector.shape_cast %le3A_455 : vector<128x1xi1> to vector<128x1xi1>
    %broadcast_in_dim3A_459 = vector.broadcast %broadcast_in_dim3A_458 : vector<128x1xi1> to vector<128x64xi1>
    %broadcast_in_dim3A_460 = vector.broadcast %jit3A_457 : f32 to vector<128x64xf32>
    %select_n3A_461 = arith.select %broadcast_in_dim3A_459, %slice3A_456, %broadcast_in_dim3A_460 : vector<128x64xi1>, vector<128x64xf32>
    %max3A_462 = arith.maximumf %max3A_449, %select_n3A_461 : vector<128x64xf32>
    %get3A_463 = arith.constant 0 : index
    %get3A_464 = arith.constant 12 : index
    %get3A_465 = vector.load %arg3[%get3A_463, %get3A_464] : memref<128x64xf32, #tpu.memory_space<vmem>>, vector<128x1xf32>
    %le3A_466 = arith.constant 4.000000e-02 : f32
    %le3A_467 = vector.broadcast %le3A_466 : f32 to vector<128x1xf32>
    %le3A_468 = arith.cmpf ole, %get3A_465, %le3A_467 : vector<128x1xf32>
    %slice3A_469 = vector.extract_strided_slice %max3A_308 {offsets = [1536, 0], sizes = [128, 64], strides = [1, 1]} : vector<2048x64xf32> to vector<128x64xf32>
    %jit3A_470 = arith.constant -1.000000e+00 : f32
    %broadcast_in_dim3A_471 = vector.shape_cast %le3A_468 : vector<128x1xi1> to vector<128x1xi1>
    %broadcast_in_dim3A_472 = vector.broadcast %broadcast_in_dim3A_471 : vector<128x1xi1> to vector<128x64xi1>
    %broadcast_in_dim3A_473 = vector.broadcast %jit3A_470 : f32 to vector<128x64xf32>
    %select_n3A_474 = arith.select %broadcast_in_dim3A_472, %slice3A_469, %broadcast_in_dim3A_473 : vector<128x64xi1>, vector<128x64xf32>
    %max3A_475 = arith.maximumf %max3A_462, %select_n3A_474 : vector<128x64xf32>
    %get3A_476 = arith.constant 0 : index
    %get3A_477 = arith.constant 13 : index
    %get3A_478 = vector.load %arg3[%get3A_476, %get3A_477] : memref<128x64xf32, #tpu.memory_space<vmem>>, vector<128x1xf32>
    %le3A_479 = arith.constant 4.000000e-02 : f32
    %le3A_480 = vector.broadcast %le3A_479 : f32 to vector<128x1xf32>
    %le3A_481 = arith.cmpf ole, %get3A_478, %le3A_480 : vector<128x1xf32>
    %slice3A_482 = vector.extract_strided_slice %max3A_308 {offsets = [1664, 0], sizes = [128, 64], strides = [1, 1]} : vector<2048x64xf32> to vector<128x64xf32>
    %jit3A_483 = arith.constant -1.000000e+00 : f32
    %broadcast_in_dim3A_484 = vector.shape_cast %le3A_481 : vector<128x1xi1> to vector<128x1xi1>
    %broadcast_in_dim3A_485 = vector.broadcast %broadcast_in_dim3A_484 : vector<128x1xi1> to vector<128x64xi1>
    %broadcast_in_dim3A_486 = vector.broadcast %jit3A_483 : f32 to vector<128x64xf32>
    %select_n3A_487 = arith.select %broadcast_in_dim3A_485, %slice3A_482, %broadcast_in_dim3A_486 : vector<128x64xi1>, vector<128x64xf32>
    %max3A_488 = arith.maximumf %max3A_475, %select_n3A_487 : vector<128x64xf32>
    %get3A_489 = arith.constant 0 : index
    %get3A_490 = arith.constant 14 : index
    %get3A_491 = vector.load %arg3[%get3A_489, %get3A_490] : memref<128x64xf32, #tpu.memory_space<vmem>>, vector<128x1xf32>
    %le3A_492 = arith.constant 4.000000e-02 : f32
    %le3A_493 = vector.broadcast %le3A_492 : f32 to vector<128x1xf32>
    %le3A_494 = arith.cmpf ole, %get3A_491, %le3A_493 : vector<128x1xf32>
    %slice3A_495 = vector.extract_strided_slice %max3A_308 {offsets = [1792, 0], sizes = [128, 64], strides = [1, 1]} : vector<2048x64xf32> to vector<128x64xf32>
    %jit3A_496 = arith.constant -1.000000e+00 : f32
    %broadcast_in_dim3A_497 = vector.shape_cast %le3A_494 : vector<128x1xi1> to vector<128x1xi1>
    %broadcast_in_dim3A_498 = vector.broadcast %broadcast_in_dim3A_497 : vector<128x1xi1> to vector<128x64xi1>
    %broadcast_in_dim3A_499 = vector.broadcast %jit3A_496 : f32 to vector<128x64xf32>
    %select_n3A_500 = arith.select %broadcast_in_dim3A_498, %slice3A_495, %broadcast_in_dim3A_499 : vector<128x64xi1>, vector<128x64xf32>
    %max3A_501 = arith.maximumf %max3A_488, %select_n3A_500 : vector<128x64xf32>
    %get3A_502 = arith.constant 0 : index
    %get3A_503 = arith.constant 15 : index
    %get3A_504 = vector.load %arg3[%get3A_502, %get3A_503] : memref<128x64xf32, #tpu.memory_space<vmem>>, vector<128x1xf32>
    %le3A_505 = arith.constant 4.000000e-02 : f32
    %le3A_506 = vector.broadcast %le3A_505 : f32 to vector<128x1xf32>
    %le3A_507 = arith.cmpf ole, %get3A_504, %le3A_506 : vector<128x1xf32>
    %slice3A_508 = vector.extract_strided_slice %max3A_308 {offsets = [1920, 0], sizes = [128, 64], strides = [1, 1]} : vector<2048x64xf32> to vector<128x64xf32>
    %jit3A_509 = arith.constant -1.000000e+00 : f32
    %broadcast_in_dim3A_510 = vector.shape_cast %le3A_507 : vector<128x1xi1> to vector<128x1xi1>
    %broadcast_in_dim3A_511 = vector.broadcast %broadcast_in_dim3A_510 : vector<128x1xi1> to vector<128x64xi1>
    %broadcast_in_dim3A_512 = vector.broadcast %jit3A_509 : f32 to vector<128x64xf32>
    %select_n3A_513 = arith.select %broadcast_in_dim3A_511, %slice3A_508, %broadcast_in_dim3A_512 : vector<128x64xi1>, vector<128x64xf32>
    %max3A_514 = arith.maximumf %max3A_501, %select_n3A_513 : vector<128x64xf32>
    %lt3A = arith.constant 0.000000e+00 : f32
    %lt3A_515 = vector.broadcast %lt3A : f32 to vector<128x64xf32>
    %lt3A_516 = arith.cmpf olt, %max3A_514, %lt3A_515 : vector<128x64xf32>
    %jit3A_517 = arith.constant 0.000000e+00 : f32
    %broadcast_in_dim3A_518 = vector.broadcast %jit3A_517 : f32 to vector<128x64xf32>
    %select_n3A_519 = arith.select %lt3A_516, %broadcast_in_dim3A_518, %max3A_514 : vector<128x64xi1>, vector<128x64xf32>
    %swap3A_520 = arith.constant 0 : index
    %swap3A_521 = arith.constant 0 : index
    %swap3A_522 = vector.load %arg10[%swap3A_520, %swap3A_521] : memref<128x64xf32, #tpu.memory_space<vmem>>, vector<128x64xf32>
    tpu.vector_store %arg10[%swap3A_520, %swap3A_521], %select_n3A_519 {strides = array<i32>} : memref<128x64xf32, #tpu.memory_space<vmem>>, vector<128x64xf32>,
    return
  }
  func.func @transform_0(%arg0: i32) -> (i32, i32, i32) {
    %c0_i32 = arith.constant 0 : i32
    %c0_i32_0 = arith.constant 0 : i32
    %c0_i32_1 = arith.constant 0 : i32
    return %c0_i32, %arg0, %c0_i32_0 : i32, i32, i32
  }
  func.func @transform_1(%arg0: i32) -> (i32, i32) {
    %c0_i32 = arith.constant 0 : i32
    %c0_i32_0 = arith.constant 0 : i32
    return %arg0, %c0_i32 : i32, i32
  }
  func.func @transform_2(%arg0: i32) -> (i32, i32) {
    %c0_i32 = arith.constant 0 : i32
    %c0_i32_0 = arith.constant 0 : i32
    return %arg0, %c0_i32 : i32, i32
  }
  func.func @transform_3(%arg0: i32) -> (i32, i32) {
    %c0_i32 = arith.constant 0 : i32
    %c0_i32_0 = arith.constant 0 : i32
    %c0_i32_1 = arith.constant 0 : i32
    return %c0_i32, %c0_i32_0 : i32, i32
  }
  func.func @transform_4(%arg0: i32) -> (i32, i32) {
    %c0_i32 = arith.constant 0 : i32
    %c0_i32_0 = arith.constant 0 : i32
    %c0_i32_1 = arith.constant 0 : i32
    return %c0_i32, %c0_i32_0 : i32, i32
  }
  func.func @transform_5(%arg0: i32) -> (i32, i32) {
    %c0_i32 = arith.constant 0 : i32
    %c0_i32_0 = arith.constant 0 : i32
    %c0_i32_1 = arith.constant 0 : i32
    return %c0_i32, %c0_i32_0 : i32, i32
  }
  func.func @transform_6(%arg0: i32) -> (i32, i32) {
    %c0_i32 = arith.constant 0 : i32
    %c0_i32_0 = arith.constant 0 : i32
    %c0_i32_1 = arith.constant 0 : i32
    return %c0_i32, %c0_i32_0 : i32, i32
  }
  func.func @transform_7(%arg0: i32) -> (i32, i32) {
    %c0_i32 = arith.constant 0 : i32
    %c0_i32_0 = arith.constant 0 : i32
    %c0_i32_1 = arith.constant 0 : i32
    return %c0_i32, %c0_i32_0 : i32, i32
  }
  func.func @transform_8(%arg0: i32) -> (i32, i32) {
    %c0_i32 = arith.constant 0 : i32
    %c0_i32_0 = arith.constant 0 : i32
    %c0_i32_1 = arith.constant 0 : i32
    return %c0_i32, %c0_i32_0 : i32, i32
  }
  func.func @transform_9(%arg0: i32) -> (i32, i32) {
    %c0_i32 = arith.constant 0 : i32
    %c0_i32_0 = arith.constant 0 : i32
    return %arg0, %c0_i32 : i32, i32
  }
}

module attributes {stable_mosaic.version = 14 : i64} {
  func.func @_conv_body(%arg0: i32, %arg1: memref<64x128x128xf32, #tpu.memory_space<vmem>>, %arg2: memref<128x4xf32, #tpu.memory_space<vmem>>, %arg3: memref<128x64xf32, #tpu.memory_space<vmem>>, %arg4: memref<128x64xf32, #tpu.memory_space<vmem>>, %arg5: memref<1x64xf32, #tpu.memory_space<vmem>>, %arg6: memref<64x64xf32, #tpu.memory_space<vmem>>, %arg7: memref<1x64xf32, #tpu.memory_space<vmem>>, %arg8: memref<64x128xf32, #tpu.memory_space<vmem>>, %arg9: memref<1x128xf32, #tpu.memory_space<vmem>>, %arg10: memref<128x128xf32, #tpu.memory_space<vmem>>, %arg11: memref<8192x64xf32, #tpu.memory_space<vmem>>) attributes {dimension_semantics = [#tpu.dimension_semantics<arbitrary>], iteration_bounds = array<i64: 16>, scalar_prefetch = 0 : i64, scratch_operands = 1 : i64, tpu.core_type = #tpu.core_type<tc>, window_params = [{transform_indices = @transform_0, window_bounds = array<i64: 64, 128, 128>}, {transform_indices = @transform_1, window_bounds = array<i64: 128, 4>}, {transform_indices = @transform_2, window_bounds = array<i64: 128, 64>}, {pipeline_mode = #tpu.pipeline_mode<synchronous>, transform_indices = @transform_3, window_bounds = array<i64: 128, 64>}, {pipeline_mode = #tpu.pipeline_mode<synchronous>, transform_indices = @transform_4, window_bounds = array<i64: 1, 64>}, {pipeline_mode = #tpu.pipeline_mode<synchronous>, transform_indices = @transform_5, window_bounds = array<i64: 64, 64>}, {pipeline_mode = #tpu.pipeline_mode<synchronous>, transform_indices = @transform_6, window_bounds = array<i64: 1, 64>}, {pipeline_mode = #tpu.pipeline_mode<synchronous>, transform_indices = @transform_7, window_bounds = array<i64: 64, 128>}, {pipeline_mode = #tpu.pipeline_mode<synchronous>, transform_indices = @transform_8, window_bounds = array<i64: 1, 128>}, {transform_indices = @transform_9, window_bounds = array<i64: 128, 128>}]} {
    %get3A = arith.constant 0 : index
    %get3A_0 = arith.constant 0 : index
    %get3A_1 = vector.load %arg2[%get3A, %get3A_0] : memref<128x4xf32, #tpu.memory_space<vmem>>, vector<128x4xf32>
    %slice3A = vector.extract_strided_slice %get3A_1 {offsets = [0, 0], sizes = [128, 1], strides = [1, 1]} : vector<128x4xf32> to vector<128x1xf32>
    %slice3A_2 = vector.extract_strided_slice %get3A_1 {offsets = [0, 1], sizes = [128, 1], strides = [1, 1]} : vector<128x4xf32> to vector<128x1xf32>
    %slice3A_3 = vector.extract_strided_slice %get3A_1 {offsets = [0, 2], sizes = [128, 1], strides = [1, 1]} : vector<128x4xf32> to vector<128x1xf32>
    %get3A_4 = arith.constant 0 : index
    %get3A_5 = arith.constant 0 : index
    %get3A_6 = vector.load %arg4[%get3A_4, %get3A_5] : memref<128x64xf32, #tpu.memory_space<vmem>>, vector<128x64xf32>
    %get3A_7 = arith.constant 64 : index
    %get3A_8 = arith.constant 0 : index
    %get3A_9 = vector.load %arg4[%get3A_7, %get3A_8] : memref<128x64xf32, #tpu.memory_space<vmem>>, vector<1x64xf32>
    %mul3A = vector.broadcast %slice3A : vector<128x1xf32> to vector<128x64xf32>
    %mul3A_10 = vector.broadcast %get3A_9 : vector<1x64xf32> to vector<128x64xf32>
    %mul3A_11 = arith.mulf %mul3A, %mul3A_10 : vector<128x64xf32>
    %get3A_12 = arith.constant 65 : index
    %get3A_13 = arith.constant 0 : index
    %get3A_14 = vector.load %arg4[%get3A_12, %get3A_13] : memref<128x64xf32, #tpu.memory_space<vmem>>, vector<1x64xf32>
    %mul3A_15 = vector.broadcast %slice3A_2 : vector<128x1xf32> to vector<128x64xf32>
    %mul3A_16 = vector.broadcast %get3A_14 : vector<1x64xf32> to vector<128x64xf32>
    %mul3A_17 = arith.mulf %mul3A_15, %mul3A_16 : vector<128x64xf32>
    %add3A = arith.addf %mul3A_11, %mul3A_17 : vector<128x64xf32>
    %get3A_18 = arith.constant 66 : index
    %get3A_19 = arith.constant 0 : index
    %get3A_20 = vector.load %arg4[%get3A_18, %get3A_19] : memref<128x64xf32, #tpu.memory_space<vmem>>, vector<1x64xf32>
    %mul3A_21 = vector.broadcast %slice3A_3 : vector<128x1xf32> to vector<128x64xf32>
    %mul3A_22 = vector.broadcast %get3A_20 : vector<1x64xf32> to vector<128x64xf32>
    %mul3A_23 = arith.mulf %mul3A_21, %mul3A_22 : vector<128x64xf32>
    %add3A_24 = arith.addf %add3A, %mul3A_23 : vector<128x64xf32>
    %get3A_25 = arith.constant 0 : index
    %get3A_26 = arith.constant 0 : index
    %get3A_27 = vector.load %arg5[%get3A_25, %get3A_26] : memref<1x64xf32, #tpu.memory_space<vmem>>, vector<1x64xf32>
    %get3A_28 = arith.constant 0 : index
    %get3A_29 = arith.constant 0 : index
    %get3A_30 = arith.constant 0 : index
    %get3A_31 = vector.load %arg1[%get3A_28, %get3A_29, %get3A_30] : memref<64x128x128xf32, #tpu.memory_space<vmem>>, vector<1x128x128xf32>
    %get3A_32 = vector.shape_cast %get3A_31 : vector<1x128x128xf32> to vector<128x128xf32>
    %dot_general3A = arith.constant dense<0.000000e+00> : vector<128x64xf32>
    %dot_general3A_33 = tpu.matmul %get3A_32, %get3A_6, %dot_general3A {dimension_numbers = #tpu.dot_dimension_numbers<[1], [0], [0], [1], [0, 0, 1, 1], [], []>, transpose_lhs_hint = false} : vector<128x128xf32>, vector<128x64xf32>, vector<128x64xf32> -> vector<128x64xf32>
    %add3A_34 = vector.broadcast %get3A_27 : vector<1x64xf32> to vector<128x64xf32>
    %add3A_35 = arith.addf %dot_general3A_33, %add3A_34 : vector<128x64xf32>
    %sub3A = arith.subf %add3A_35, %add3A_24 : vector<128x64xf32>
    %max3A = arith.constant 0.000000e+00 : f32
    %max3A_36 = vector.broadcast %max3A : f32 to vector<128x64xf32>
    %max3A_37 = arith.maximumf %sub3A, %max3A_36 : vector<128x64xf32>
    %swap3A = arith.constant 0 : index
    %swap3A_38 = arith.constant 0 : index
    %swap3A_39 = vector.load %arg11[%swap3A, %swap3A_38] : memref<8192x64xf32, #tpu.memory_space<vmem>>, vector<128x64xf32>
    tpu.vector_store %arg11[%swap3A, %swap3A_38], %max3A_37 {strides = array<i32>} : memref<8192x64xf32, #tpu.memory_space<vmem>>, vector<128x64xf32>,
    %get3A_40 = arith.constant 1 : index
    %get3A_41 = arith.constant 0 : index
    %get3A_42 = arith.constant 0 : index
    %get3A_43 = vector.load %arg1[%get3A_40, %get3A_41, %get3A_42] : memref<64x128x128xf32, #tpu.memory_space<vmem>>, vector<1x128x128xf32>
    %get3A_44 = vector.shape_cast %get3A_43 : vector<1x128x128xf32> to vector<128x128xf32>
    %dot_general3A_45 = arith.constant dense<0.000000e+00> : vector<128x64xf32>
    %dot_general3A_46 = tpu.matmul %get3A_44, %get3A_6, %dot_general3A_45 {dimension_numbers = #tpu.dot_dimension_numbers<[1], [0], [0], [1], [0, 0, 1, 1], [], []>, transpose_lhs_hint = false} : vector<128x128xf32>, vector<128x64xf32>, vector<128x64xf32> -> vector<128x64xf32>
    %add3A_47 = vector.broadcast %get3A_27 : vector<1x64xf32> to vector<128x64xf32>
    %add3A_48 = arith.addf %dot_general3A_46, %add3A_47 : vector<128x64xf32>
    %sub3A_49 = arith.subf %add3A_48, %add3A_24 : vector<128x64xf32>
    %max3A_50 = arith.constant 0.000000e+00 : f32
    %max3A_51 = vector.broadcast %max3A_50 : f32 to vector<128x64xf32>
    %max3A_52 = arith.maximumf %sub3A_49, %max3A_51 : vector<128x64xf32>
    %swap3A_53 = arith.constant 128 : index
    %swap3A_54 = arith.constant 0 : index
    %swap3A_55 = vector.load %arg11[%swap3A_53, %swap3A_54] : memref<8192x64xf32, #tpu.memory_space<vmem>>, vector<128x64xf32>
    tpu.vector_store %arg11[%swap3A_53, %swap3A_54], %max3A_52 {strides = array<i32>} : memref<8192x64xf32, #tpu.memory_space<vmem>>, vector<128x64xf32>,
    %get3A_56 = arith.constant 2 : index
    %get3A_57 = arith.constant 0 : index
    %get3A_58 = arith.constant 0 : index
    %get3A_59 = vector.load %arg1[%get3A_56, %get3A_57, %get3A_58] : memref<64x128x128xf32, #tpu.memory_space<vmem>>, vector<1x128x128xf32>
    %get3A_60 = vector.shape_cast %get3A_59 : vector<1x128x128xf32> to vector<128x128xf32>
    %dot_general3A_61 = arith.constant dense<0.000000e+00> : vector<128x64xf32>
    %dot_general3A_62 = tpu.matmul %get3A_60, %get3A_6, %dot_general3A_61 {dimension_numbers = #tpu.dot_dimension_numbers<[1], [0], [0], [1], [0, 0, 1, 1], [], []>, transpose_lhs_hint = false} : vector<128x128xf32>, vector<128x64xf32>, vector<128x64xf32> -> vector<128x64xf32>
    %add3A_63 = vector.broadcast %get3A_27 : vector<1x64xf32> to vector<128x64xf32>
    %add3A_64 = arith.addf %dot_general3A_62, %add3A_63 : vector<128x64xf32>
    %sub3A_65 = arith.subf %add3A_64, %add3A_24 : vector<128x64xf32>
    %max3A_66 = arith.constant 0.000000e+00 : f32
    %max3A_67 = vector.broadcast %max3A_66 : f32 to vector<128x64xf32>
    %max3A_68 = arith.maximumf %sub3A_65, %max3A_67 : vector<128x64xf32>
    %swap3A_69 = arith.constant 256 : index
    %swap3A_70 = arith.constant 0 : index
    %swap3A_71 = vector.load %arg11[%swap3A_69, %swap3A_70] : memref<8192x64xf32, #tpu.memory_space<vmem>>, vector<128x64xf32>
    tpu.vector_store %arg11[%swap3A_69, %swap3A_70], %max3A_68 {strides = array<i32>} : memref<8192x64xf32, #tpu.memory_space<vmem>>, vector<128x64xf32>,
    %get3A_72 = arith.constant 3 : index
    %get3A_73 = arith.constant 0 : index
    %get3A_74 = arith.constant 0 : index
    %get3A_75 = vector.load %arg1[%get3A_72, %get3A_73, %get3A_74] : memref<64x128x128xf32, #tpu.memory_space<vmem>>, vector<1x128x128xf32>
    %get3A_76 = vector.shape_cast %get3A_75 : vector<1x128x128xf32> to vector<128x128xf32>
    %dot_general3A_77 = arith.constant dense<0.000000e+00> : vector<128x64xf32>
    %dot_general3A_78 = tpu.matmul %get3A_76, %get3A_6, %dot_general3A_77 {dimension_numbers = #tpu.dot_dimension_numbers<[1], [0], [0], [1], [0, 0, 1, 1], [], []>, transpose_lhs_hint = false} : vector<128x128xf32>, vector<128x64xf32>, vector<128x64xf32> -> vector<128x64xf32>
    %add3A_79 = vector.broadcast %get3A_27 : vector<1x64xf32> to vector<128x64xf32>
    %add3A_80 = arith.addf %dot_general3A_78, %add3A_79 : vector<128x64xf32>
    %sub3A_81 = arith.subf %add3A_80, %add3A_24 : vector<128x64xf32>
    %max3A_82 = arith.constant 0.000000e+00 : f32
    %max3A_83 = vector.broadcast %max3A_82 : f32 to vector<128x64xf32>
    %max3A_84 = arith.maximumf %sub3A_81, %max3A_83 : vector<128x64xf32>
    %swap3A_85 = arith.constant 384 : index
    %swap3A_86 = arith.constant 0 : index
    %swap3A_87 = vector.load %arg11[%swap3A_85, %swap3A_86] : memref<8192x64xf32, #tpu.memory_space<vmem>>, vector<128x64xf32>
    tpu.vector_store %arg11[%swap3A_85, %swap3A_86], %max3A_84 {strides = array<i32>} : memref<8192x64xf32, #tpu.memory_space<vmem>>, vector<128x64xf32>,
    %get3A_88 = arith.constant 4 : index
    %get3A_89 = arith.constant 0 : index
    %get3A_90 = arith.constant 0 : index
    %get3A_91 = vector.load %arg1[%get3A_88, %get3A_89, %get3A_90] : memref<64x128x128xf32, #tpu.memory_space<vmem>>, vector<1x128x128xf32>
    %get3A_92 = vector.shape_cast %get3A_91 : vector<1x128x128xf32> to vector<128x128xf32>
    %dot_general3A_93 = arith.constant dense<0.000000e+00> : vector<128x64xf32>
    %dot_general3A_94 = tpu.matmul %get3A_92, %get3A_6, %dot_general3A_93 {dimension_numbers = #tpu.dot_dimension_numbers<[1], [0], [0], [1], [0, 0, 1, 1], [], []>, transpose_lhs_hint = false} : vector<128x128xf32>, vector<128x64xf32>, vector<128x64xf32> -> vector<128x64xf32>
    %add3A_95 = vector.broadcast %get3A_27 : vector<1x64xf32> to vector<128x64xf32>
    %add3A_96 = arith.addf %dot_general3A_94, %add3A_95 : vector<128x64xf32>
    %sub3A_97 = arith.subf %add3A_96, %add3A_24 : vector<128x64xf32>
    %max3A_98 = arith.constant 0.000000e+00 : f32
    %max3A_99 = vector.broadcast %max3A_98 : f32 to vector<128x64xf32>
    %max3A_100 = arith.maximumf %sub3A_97, %max3A_99 : vector<128x64xf32>
    %swap3A_101 = arith.constant 512 : index
    %swap3A_102 = arith.constant 0 : index
    %swap3A_103 = vector.load %arg11[%swap3A_101, %swap3A_102] : memref<8192x64xf32, #tpu.memory_space<vmem>>, vector<128x64xf32>
    tpu.vector_store %arg11[%swap3A_101, %swap3A_102], %max3A_100 {strides = array<i32>} : memref<8192x64xf32, #tpu.memory_space<vmem>>, vector<128x64xf32>,
    %get3A_104 = arith.constant 5 : index
    %get3A_105 = arith.constant 0 : index
    %get3A_106 = arith.constant 0 : index
    %get3A_107 = vector.load %arg1[%get3A_104, %get3A_105, %get3A_106] : memref<64x128x128xf32, #tpu.memory_space<vmem>>, vector<1x128x128xf32>
    %get3A_108 = vector.shape_cast %get3A_107 : vector<1x128x128xf32> to vector<128x128xf32>
    %dot_general3A_109 = arith.constant dense<0.000000e+00> : vector<128x64xf32>
    %dot_general3A_110 = tpu.matmul %get3A_108, %get3A_6, %dot_general3A_109 {dimension_numbers = #tpu.dot_dimension_numbers<[1], [0], [0], [1], [0, 0, 1, 1], [], []>, transpose_lhs_hint = false} : vector<128x128xf32>, vector<128x64xf32>, vector<128x64xf32> -> vector<128x64xf32>
    %add3A_111 = vector.broadcast %get3A_27 : vector<1x64xf32> to vector<128x64xf32>
    %add3A_112 = arith.addf %dot_general3A_110, %add3A_111 : vector<128x64xf32>
    %sub3A_113 = arith.subf %add3A_112, %add3A_24 : vector<128x64xf32>
    %max3A_114 = arith.constant 0.000000e+00 : f32
    %max3A_115 = vector.broadcast %max3A_114 : f32 to vector<128x64xf32>
    %max3A_116 = arith.maximumf %sub3A_113, %max3A_115 : vector<128x64xf32>
    %swap3A_117 = arith.constant 640 : index
    %swap3A_118 = arith.constant 0 : index
    %swap3A_119 = vector.load %arg11[%swap3A_117, %swap3A_118] : memref<8192x64xf32, #tpu.memory_space<vmem>>, vector<128x64xf32>
    tpu.vector_store %arg11[%swap3A_117, %swap3A_118], %max3A_116 {strides = array<i32>} : memref<8192x64xf32, #tpu.memory_space<vmem>>, vector<128x64xf32>,
    %get3A_120 = arith.constant 6 : index
    %get3A_121 = arith.constant 0 : index
    %get3A_122 = arith.constant 0 : index
    %get3A_123 = vector.load %arg1[%get3A_120, %get3A_121, %get3A_122] : memref<64x128x128xf32, #tpu.memory_space<vmem>>, vector<1x128x128xf32>
    %get3A_124 = vector.shape_cast %get3A_123 : vector<1x128x128xf32> to vector<128x128xf32>
    %dot_general3A_125 = arith.constant dense<0.000000e+00> : vector<128x64xf32>
    %dot_general3A_126 = tpu.matmul %get3A_124, %get3A_6, %dot_general3A_125 {dimension_numbers = #tpu.dot_dimension_numbers<[1], [0], [0], [1], [0, 0, 1, 1], [], []>, transpose_lhs_hint = false} : vector<128x128xf32>, vector<128x64xf32>, vector<128x64xf32> -> vector<128x64xf32>
    %add3A_127 = vector.broadcast %get3A_27 : vector<1x64xf32> to vector<128x64xf32>
    %add3A_128 = arith.addf %dot_general3A_126, %add3A_127 : vector<128x64xf32>
    %sub3A_129 = arith.subf %add3A_128, %add3A_24 : vector<128x64xf32>
    %max3A_130 = arith.constant 0.000000e+00 : f32
    %max3A_131 = vector.broadcast %max3A_130 : f32 to vector<128x64xf32>
    %max3A_132 = arith.maximumf %sub3A_129, %max3A_131 : vector<128x64xf32>
    %swap3A_133 = arith.constant 768 : index
    %swap3A_134 = arith.constant 0 : index
    %swap3A_135 = vector.load %arg11[%swap3A_133, %swap3A_134] : memref<8192x64xf32, #tpu.memory_space<vmem>>, vector<128x64xf32>
    tpu.vector_store %arg11[%swap3A_133, %swap3A_134], %max3A_132 {strides = array<i32>} : memref<8192x64xf32, #tpu.memory_space<vmem>>, vector<128x64xf32>,
    %get3A_136 = arith.constant 7 : index
    %get3A_137 = arith.constant 0 : index
    %get3A_138 = arith.constant 0 : index
    %get3A_139 = vector.load %arg1[%get3A_136, %get3A_137, %get3A_138] : memref<64x128x128xf32, #tpu.memory_space<vmem>>, vector<1x128x128xf32>
    %get3A_140 = vector.shape_cast %get3A_139 : vector<1x128x128xf32> to vector<128x128xf32>
    %dot_general3A_141 = arith.constant dense<0.000000e+00> : vector<128x64xf32>
    %dot_general3A_142 = tpu.matmul %get3A_140, %get3A_6, %dot_general3A_141 {dimension_numbers = #tpu.dot_dimension_numbers<[1], [0], [0], [1], [0, 0, 1, 1], [], []>, transpose_lhs_hint = false} : vector<128x128xf32>, vector<128x64xf32>, vector<128x64xf32> -> vector<128x64xf32>
    %add3A_143 = vector.broadcast %get3A_27 : vector<1x64xf32> to vector<128x64xf32>
    %add3A_144 = arith.addf %dot_general3A_142, %add3A_143 : vector<128x64xf32>
    %sub3A_145 = arith.subf %add3A_144, %add3A_24 : vector<128x64xf32>
    %max3A_146 = arith.constant 0.000000e+00 : f32
    %max3A_147 = vector.broadcast %max3A_146 : f32 to vector<128x64xf32>
    %max3A_148 = arith.maximumf %sub3A_145, %max3A_147 : vector<128x64xf32>
    %swap3A_149 = arith.constant 896 : index
    %swap3A_150 = arith.constant 0 : index
    %swap3A_151 = vector.load %arg11[%swap3A_149, %swap3A_150] : memref<8192x64xf32, #tpu.memory_space<vmem>>, vector<128x64xf32>
    tpu.vector_store %arg11[%swap3A_149, %swap3A_150], %max3A_148 {strides = array<i32>} : memref<8192x64xf32, #tpu.memory_space<vmem>>, vector<128x64xf32>,
    %get3A_152 = arith.constant 8 : index
    %get3A_153 = arith.constant 0 : index
    %get3A_154 = arith.constant 0 : index
    %get3A_155 = vector.load %arg1[%get3A_152, %get3A_153, %get3A_154] : memref<64x128x128xf32, #tpu.memory_space<vmem>>, vector<1x128x128xf32>
    %get3A_156 = vector.shape_cast %get3A_155 : vector<1x128x128xf32> to vector<128x128xf32>
    %dot_general3A_157 = arith.constant dense<0.000000e+00> : vector<128x64xf32>
    %dot_general3A_158 = tpu.matmul %get3A_156, %get3A_6, %dot_general3A_157 {dimension_numbers = #tpu.dot_dimension_numbers<[1], [0], [0], [1], [0, 0, 1, 1], [], []>, transpose_lhs_hint = false} : vector<128x128xf32>, vector<128x64xf32>, vector<128x64xf32> -> vector<128x64xf32>
    %add3A_159 = vector.broadcast %get3A_27 : vector<1x64xf32> to vector<128x64xf32>
    %add3A_160 = arith.addf %dot_general3A_158, %add3A_159 : vector<128x64xf32>
    %sub3A_161 = arith.subf %add3A_160, %add3A_24 : vector<128x64xf32>
    %max3A_162 = arith.constant 0.000000e+00 : f32
    %max3A_163 = vector.broadcast %max3A_162 : f32 to vector<128x64xf32>
    %max3A_164 = arith.maximumf %sub3A_161, %max3A_163 : vector<128x64xf32>
    %swap3A_165 = arith.constant 1024 : index
    %swap3A_166 = arith.constant 0 : index
    %swap3A_167 = vector.load %arg11[%swap3A_165, %swap3A_166] : memref<8192x64xf32, #tpu.memory_space<vmem>>, vector<128x64xf32>
    tpu.vector_store %arg11[%swap3A_165, %swap3A_166], %max3A_164 {strides = array<i32>} : memref<8192x64xf32, #tpu.memory_space<vmem>>, vector<128x64xf32>,
    %get3A_168 = arith.constant 9 : index
    %get3A_169 = arith.constant 0 : index
    %get3A_170 = arith.constant 0 : index
    %get3A_171 = vector.load %arg1[%get3A_168, %get3A_169, %get3A_170] : memref<64x128x128xf32, #tpu.memory_space<vmem>>, vector<1x128x128xf32>
    %get3A_172 = vector.shape_cast %get3A_171 : vector<1x128x128xf32> to vector<128x128xf32>
    %dot_general3A_173 = arith.constant dense<0.000000e+00> : vector<128x64xf32>
    %dot_general3A_174 = tpu.matmul %get3A_172, %get3A_6, %dot_general3A_173 {dimension_numbers = #tpu.dot_dimension_numbers<[1], [0], [0], [1], [0, 0, 1, 1], [], []>, transpose_lhs_hint = false} : vector<128x128xf32>, vector<128x64xf32>, vector<128x64xf32> -> vector<128x64xf32>
    %add3A_175 = vector.broadcast %get3A_27 : vector<1x64xf32> to vector<128x64xf32>
    %add3A_176 = arith.addf %dot_general3A_174, %add3A_175 : vector<128x64xf32>
    %sub3A_177 = arith.subf %add3A_176, %add3A_24 : vector<128x64xf32>
    %max3A_178 = arith.constant 0.000000e+00 : f32
    %max3A_179 = vector.broadcast %max3A_178 : f32 to vector<128x64xf32>
    %max3A_180 = arith.maximumf %sub3A_177, %max3A_179 : vector<128x64xf32>
    %swap3A_181 = arith.constant 1152 : index
    %swap3A_182 = arith.constant 0 : index
    %swap3A_183 = vector.load %arg11[%swap3A_181, %swap3A_182] : memref<8192x64xf32, #tpu.memory_space<vmem>>, vector<128x64xf32>
    tpu.vector_store %arg11[%swap3A_181, %swap3A_182], %max3A_180 {strides = array<i32>} : memref<8192x64xf32, #tpu.memory_space<vmem>>, vector<128x64xf32>,
    %get3A_184 = arith.constant 10 : index
    %get3A_185 = arith.constant 0 : index
    %get3A_186 = arith.constant 0 : index
    %get3A_187 = vector.load %arg1[%get3A_184, %get3A_185, %get3A_186] : memref<64x128x128xf32, #tpu.memory_space<vmem>>, vector<1x128x128xf32>
    %get3A_188 = vector.shape_cast %get3A_187 : vector<1x128x128xf32> to vector<128x128xf32>
    %dot_general3A_189 = arith.constant dense<0.000000e+00> : vector<128x64xf32>
    %dot_general3A_190 = tpu.matmul %get3A_188, %get3A_6, %dot_general3A_189 {dimension_numbers = #tpu.dot_dimension_numbers<[1], [0], [0], [1], [0, 0, 1, 1], [], []>, transpose_lhs_hint = false} : vector<128x128xf32>, vector<128x64xf32>, vector<128x64xf32> -> vector<128x64xf32>
    %add3A_191 = vector.broadcast %get3A_27 : vector<1x64xf32> to vector<128x64xf32>
    %add3A_192 = arith.addf %dot_general3A_190, %add3A_191 : vector<128x64xf32>
    %sub3A_193 = arith.subf %add3A_192, %add3A_24 : vector<128x64xf32>
    %max3A_194 = arith.constant 0.000000e+00 : f32
    %max3A_195 = vector.broadcast %max3A_194 : f32 to vector<128x64xf32>
    %max3A_196 = arith.maximumf %sub3A_193, %max3A_195 : vector<128x64xf32>
    %swap3A_197 = arith.constant 1280 : index
    %swap3A_198 = arith.constant 0 : index
    %swap3A_199 = vector.load %arg11[%swap3A_197, %swap3A_198] : memref<8192x64xf32, #tpu.memory_space<vmem>>, vector<128x64xf32>
    tpu.vector_store %arg11[%swap3A_197, %swap3A_198], %max3A_196 {strides = array<i32>} : memref<8192x64xf32, #tpu.memory_space<vmem>>, vector<128x64xf32>,
    %get3A_200 = arith.constant 11 : index
    %get3A_201 = arith.constant 0 : index
    %get3A_202 = arith.constant 0 : index
    %get3A_203 = vector.load %arg1[%get3A_200, %get3A_201, %get3A_202] : memref<64x128x128xf32, #tpu.memory_space<vmem>>, vector<1x128x128xf32>
    %get3A_204 = vector.shape_cast %get3A_203 : vector<1x128x128xf32> to vector<128x128xf32>
    %dot_general3A_205 = arith.constant dense<0.000000e+00> : vector<128x64xf32>
    %dot_general3A_206 = tpu.matmul %get3A_204, %get3A_6, %dot_general3A_205 {dimension_numbers = #tpu.dot_dimension_numbers<[1], [0], [0], [1], [0, 0, 1, 1], [], []>, transpose_lhs_hint = false} : vector<128x128xf32>, vector<128x64xf32>, vector<128x64xf32> -> vector<128x64xf32>
    %add3A_207 = vector.broadcast %get3A_27 : vector<1x64xf32> to vector<128x64xf32>
    %add3A_208 = arith.addf %dot_general3A_206, %add3A_207 : vector<128x64xf32>
    %sub3A_209 = arith.subf %add3A_208, %add3A_24 : vector<128x64xf32>
    %max3A_210 = arith.constant 0.000000e+00 : f32
    %max3A_211 = vector.broadcast %max3A_210 : f32 to vector<128x64xf32>
    %max3A_212 = arith.maximumf %sub3A_209, %max3A_211 : vector<128x64xf32>
    %swap3A_213 = arith.constant 1408 : index
    %swap3A_214 = arith.constant 0 : index
    %swap3A_215 = vector.load %arg11[%swap3A_213, %swap3A_214] : memref<8192x64xf32, #tpu.memory_space<vmem>>, vector<128x64xf32>
    tpu.vector_store %arg11[%swap3A_213, %swap3A_214], %max3A_212 {strides = array<i32>} : memref<8192x64xf32, #tpu.memory_space<vmem>>, vector<128x64xf32>,
    %get3A_216 = arith.constant 12 : index
    %get3A_217 = arith.constant 0 : index
    %get3A_218 = arith.constant 0 : index
    %get3A_219 = vector.load %arg1[%get3A_216, %get3A_217, %get3A_218] : memref<64x128x128xf32, #tpu.memory_space<vmem>>, vector<1x128x128xf32>
    %get3A_220 = vector.shape_cast %get3A_219 : vector<1x128x128xf32> to vector<128x128xf32>
    %dot_general3A_221 = arith.constant dense<0.000000e+00> : vector<128x64xf32>
    %dot_general3A_222 = tpu.matmul %get3A_220, %get3A_6, %dot_general3A_221 {dimension_numbers = #tpu.dot_dimension_numbers<[1], [0], [0], [1], [0, 0, 1, 1], [], []>, transpose_lhs_hint = false} : vector<128x128xf32>, vector<128x64xf32>, vector<128x64xf32> -> vector<128x64xf32>
    %add3A_223 = vector.broadcast %get3A_27 : vector<1x64xf32> to vector<128x64xf32>
    %add3A_224 = arith.addf %dot_general3A_222, %add3A_223 : vector<128x64xf32>
    %sub3A_225 = arith.subf %add3A_224, %add3A_24 : vector<128x64xf32>
    %max3A_226 = arith.constant 0.000000e+00 : f32
    %max3A_227 = vector.broadcast %max3A_226 : f32 to vector<128x64xf32>
    %max3A_228 = arith.maximumf %sub3A_225, %max3A_227 : vector<128x64xf32>
    %swap3A_229 = arith.constant 1536 : index
    %swap3A_230 = arith.constant 0 : index
    %swap3A_231 = vector.load %arg11[%swap3A_229, %swap3A_230] : memref<8192x64xf32, #tpu.memory_space<vmem>>, vector<128x64xf32>
    tpu.vector_store %arg11[%swap3A_229, %swap3A_230], %max3A_228 {strides = array<i32>} : memref<8192x64xf32, #tpu.memory_space<vmem>>, vector<128x64xf32>,
    %get3A_232 = arith.constant 13 : index
    %get3A_233 = arith.constant 0 : index
    %get3A_234 = arith.constant 0 : index
    %get3A_235 = vector.load %arg1[%get3A_232, %get3A_233, %get3A_234] : memref<64x128x128xf32, #tpu.memory_space<vmem>>, vector<1x128x128xf32>
    %get3A_236 = vector.shape_cast %get3A_235 : vector<1x128x128xf32> to vector<128x128xf32>
    %dot_general3A_237 = arith.constant dense<0.000000e+00> : vector<128x64xf32>
    %dot_general3A_238 = tpu.matmul %get3A_236, %get3A_6, %dot_general3A_237 {dimension_numbers = #tpu.dot_dimension_numbers<[1], [0], [0], [1], [0, 0, 1, 1], [], []>, transpose_lhs_hint = false} : vector<128x128xf32>, vector<128x64xf32>, vector<128x64xf32> -> vector<128x64xf32>
    %add3A_239 = vector.broadcast %get3A_27 : vector<1x64xf32> to vector<128x64xf32>
    %add3A_240 = arith.addf %dot_general3A_238, %add3A_239 : vector<128x64xf32>
    %sub3A_241 = arith.subf %add3A_240, %add3A_24 : vector<128x64xf32>
    %max3A_242 = arith.constant 0.000000e+00 : f32
    %max3A_243 = vector.broadcast %max3A_242 : f32 to vector<128x64xf32>
    %max3A_244 = arith.maximumf %sub3A_241, %max3A_243 : vector<128x64xf32>
    %swap3A_245 = arith.constant 1664 : index
    %swap3A_246 = arith.constant 0 : index
    %swap3A_247 = vector.load %arg11[%swap3A_245, %swap3A_246] : memref<8192x64xf32, #tpu.memory_space<vmem>>, vector<128x64xf32>
    tpu.vector_store %arg11[%swap3A_245, %swap3A_246], %max3A_244 {strides = array<i32>} : memref<8192x64xf32, #tpu.memory_space<vmem>>, vector<128x64xf32>,
    %get3A_248 = arith.constant 14 : index
    %get3A_249 = arith.constant 0 : index
    %get3A_250 = arith.constant 0 : index
    %get3A_251 = vector.load %arg1[%get3A_248, %get3A_249, %get3A_250] : memref<64x128x128xf32, #tpu.memory_space<vmem>>, vector<1x128x128xf32>
    %get3A_252 = vector.shape_cast %get3A_251 : vector<1x128x128xf32> to vector<128x128xf32>
    %dot_general3A_253 = arith.constant dense<0.000000e+00> : vector<128x64xf32>
    %dot_general3A_254 = tpu.matmul %get3A_252, %get3A_6, %dot_general3A_253 {dimension_numbers = #tpu.dot_dimension_numbers<[1], [0], [0], [1], [0, 0, 1, 1], [], []>, transpose_lhs_hint = false} : vector<128x128xf32>, vector<128x64xf32>, vector<128x64xf32> -> vector<128x64xf32>
    %add3A_255 = vector.broadcast %get3A_27 : vector<1x64xf32> to vector<128x64xf32>
    %add3A_256 = arith.addf %dot_general3A_254, %add3A_255 : vector<128x64xf32>
    %sub3A_257 = arith.subf %add3A_256, %add3A_24 : vector<128x64xf32>
    %max3A_258 = arith.constant 0.000000e+00 : f32
    %max3A_259 = vector.broadcast %max3A_258 : f32 to vector<128x64xf32>
    %max3A_260 = arith.maximumf %sub3A_257, %max3A_259 : vector<128x64xf32>
    %swap3A_261 = arith.constant 1792 : index
    %swap3A_262 = arith.constant 0 : index
    %swap3A_263 = vector.load %arg11[%swap3A_261, %swap3A_262] : memref<8192x64xf32, #tpu.memory_space<vmem>>, vector<128x64xf32>
    tpu.vector_store %arg11[%swap3A_261, %swap3A_262], %max3A_260 {strides = array<i32>} : memref<8192x64xf32, #tpu.memory_space<vmem>>, vector<128x64xf32>,
    %get3A_264 = arith.constant 15 : index
    %get3A_265 = arith.constant 0 : index
    %get3A_266 = arith.constant 0 : index
    %get3A_267 = vector.load %arg1[%get3A_264, %get3A_265, %get3A_266] : memref<64x128x128xf32, #tpu.memory_space<vmem>>, vector<1x128x128xf32>
    %get3A_268 = vector.shape_cast %get3A_267 : vector<1x128x128xf32> to vector<128x128xf32>
    %dot_general3A_269 = arith.constant dense<0.000000e+00> : vector<128x64xf32>
    %dot_general3A_270 = tpu.matmul %get3A_268, %get3A_6, %dot_general3A_269 {dimension_numbers = #tpu.dot_dimension_numbers<[1], [0], [0], [1], [0, 0, 1, 1], [], []>, transpose_lhs_hint = false} : vector<128x128xf32>, vector<128x64xf32>, vector<128x64xf32> -> vector<128x64xf32>
    %add3A_271 = vector.broadcast %get3A_27 : vector<1x64xf32> to vector<128x64xf32>
    %add3A_272 = arith.addf %dot_general3A_270, %add3A_271 : vector<128x64xf32>
    %sub3A_273 = arith.subf %add3A_272, %add3A_24 : vector<128x64xf32>
    %max3A_274 = arith.constant 0.000000e+00 : f32
    %max3A_275 = vector.broadcast %max3A_274 : f32 to vector<128x64xf32>
    %max3A_276 = arith.maximumf %sub3A_273, %max3A_275 : vector<128x64xf32>
    %swap3A_277 = arith.constant 1920 : index
    %swap3A_278 = arith.constant 0 : index
    %swap3A_279 = vector.load %arg11[%swap3A_277, %swap3A_278] : memref<8192x64xf32, #tpu.memory_space<vmem>>, vector<128x64xf32>
    tpu.vector_store %arg11[%swap3A_277, %swap3A_278], %max3A_276 {strides = array<i32>} : memref<8192x64xf32, #tpu.memory_space<vmem>>, vector<128x64xf32>,
    %get3A_280 = arith.constant 16 : index
    %get3A_281 = arith.constant 0 : index
    %get3A_282 = arith.constant 0 : index
    %get3A_283 = vector.load %arg1[%get3A_280, %get3A_281, %get3A_282] : memref<64x128x128xf32, #tpu.memory_space<vmem>>, vector<1x128x128xf32>
    %get3A_284 = vector.shape_cast %get3A_283 : vector<1x128x128xf32> to vector<128x128xf32>
    %dot_general3A_285 = arith.constant dense<0.000000e+00> : vector<128x64xf32>
    %dot_general3A_286 = tpu.matmul %get3A_284, %get3A_6, %dot_general3A_285 {dimension_numbers = #tpu.dot_dimension_numbers<[1], [0], [0], [1], [0, 0, 1, 1], [], []>, transpose_lhs_hint = false} : vector<128x128xf32>, vector<128x64xf32>, vector<128x64xf32> -> vector<128x64xf32>
    %add3A_287 = vector.broadcast %get3A_27 : vector<1x64xf32> to vector<128x64xf32>
    %add3A_288 = arith.addf %dot_general3A_286, %add3A_287 : vector<128x64xf32>
    %sub3A_289 = arith.subf %add3A_288, %add3A_24 : vector<128x64xf32>
    %max3A_290 = arith.constant 0.000000e+00 : f32
    %max3A_291 = vector.broadcast %max3A_290 : f32 to vector<128x64xf32>
    %max3A_292 = arith.maximumf %sub3A_289, %max3A_291 : vector<128x64xf32>
    %swap3A_293 = arith.constant 2048 : index
    %swap3A_294 = arith.constant 0 : index
    %swap3A_295 = vector.load %arg11[%swap3A_293, %swap3A_294] : memref<8192x64xf32, #tpu.memory_space<vmem>>, vector<128x64xf32>
    tpu.vector_store %arg11[%swap3A_293, %swap3A_294], %max3A_292 {strides = array<i32>} : memref<8192x64xf32, #tpu.memory_space<vmem>>, vector<128x64xf32>,
    %get3A_296 = arith.constant 17 : index
    %get3A_297 = arith.constant 0 : index
    %get3A_298 = arith.constant 0 : index
    %get3A_299 = vector.load %arg1[%get3A_296, %get3A_297, %get3A_298] : memref<64x128x128xf32, #tpu.memory_space<vmem>>, vector<1x128x128xf32>
    %get3A_300 = vector.shape_cast %get3A_299 : vector<1x128x128xf32> to vector<128x128xf32>
    %dot_general3A_301 = arith.constant dense<0.000000e+00> : vector<128x64xf32>
    %dot_general3A_302 = tpu.matmul %get3A_300, %get3A_6, %dot_general3A_301 {dimension_numbers = #tpu.dot_dimension_numbers<[1], [0], [0], [1], [0, 0, 1, 1], [], []>, transpose_lhs_hint = false} : vector<128x128xf32>, vector<128x64xf32>, vector<128x64xf32> -> vector<128x64xf32>
    %add3A_303 = vector.broadcast %get3A_27 : vector<1x64xf32> to vector<128x64xf32>
    %add3A_304 = arith.addf %dot_general3A_302, %add3A_303 : vector<128x64xf32>
    %sub3A_305 = arith.subf %add3A_304, %add3A_24 : vector<128x64xf32>
    %max3A_306 = arith.constant 0.000000e+00 : f32
    %max3A_307 = vector.broadcast %max3A_306 : f32 to vector<128x64xf32>
    %max3A_308 = arith.maximumf %sub3A_305, %max3A_307 : vector<128x64xf32>
    %swap3A_309 = arith.constant 2176 : index
    %swap3A_310 = arith.constant 0 : index
    %swap3A_311 = vector.load %arg11[%swap3A_309, %swap3A_310] : memref<8192x64xf32, #tpu.memory_space<vmem>>, vector<128x64xf32>
    tpu.vector_store %arg11[%swap3A_309, %swap3A_310], %max3A_308 {strides = array<i32>} : memref<8192x64xf32, #tpu.memory_space<vmem>>, vector<128x64xf32>,
    %get3A_312 = arith.constant 18 : index
    %get3A_313 = arith.constant 0 : index
    %get3A_314 = arith.constant 0 : index
    %get3A_315 = vector.load %arg1[%get3A_312, %get3A_313, %get3A_314] : memref<64x128x128xf32, #tpu.memory_space<vmem>>, vector<1x128x128xf32>
    %get3A_316 = vector.shape_cast %get3A_315 : vector<1x128x128xf32> to vector<128x128xf32>
    %dot_general3A_317 = arith.constant dense<0.000000e+00> : vector<128x64xf32>
    %dot_general3A_318 = tpu.matmul %get3A_316, %get3A_6, %dot_general3A_317 {dimension_numbers = #tpu.dot_dimension_numbers<[1], [0], [0], [1], [0, 0, 1, 1], [], []>, transpose_lhs_hint = false} : vector<128x128xf32>, vector<128x64xf32>, vector<128x64xf32> -> vector<128x64xf32>
    %add3A_319 = vector.broadcast %get3A_27 : vector<1x64xf32> to vector<128x64xf32>
    %add3A_320 = arith.addf %dot_general3A_318, %add3A_319 : vector<128x64xf32>
    %sub3A_321 = arith.subf %add3A_320, %add3A_24 : vector<128x64xf32>
    %max3A_322 = arith.constant 0.000000e+00 : f32
    %max3A_323 = vector.broadcast %max3A_322 : f32 to vector<128x64xf32>
    %max3A_324 = arith.maximumf %sub3A_321, %max3A_323 : vector<128x64xf32>
    %swap3A_325 = arith.constant 2304 : index
    %swap3A_326 = arith.constant 0 : index
    %swap3A_327 = vector.load %arg11[%swap3A_325, %swap3A_326] : memref<8192x64xf32, #tpu.memory_space<vmem>>, vector<128x64xf32>
    tpu.vector_store %arg11[%swap3A_325, %swap3A_326], %max3A_324 {strides = array<i32>} : memref<8192x64xf32, #tpu.memory_space<vmem>>, vector<128x64xf32>,
    %get3A_328 = arith.constant 19 : index
    %get3A_329 = arith.constant 0 : index
    %get3A_330 = arith.constant 0 : index
    %get3A_331 = vector.load %arg1[%get3A_328, %get3A_329, %get3A_330] : memref<64x128x128xf32, #tpu.memory_space<vmem>>, vector<1x128x128xf32>
    %get3A_332 = vector.shape_cast %get3A_331 : vector<1x128x128xf32> to vector<128x128xf32>
    %dot_general3A_333 = arith.constant dense<0.000000e+00> : vector<128x64xf32>
    %dot_general3A_334 = tpu.matmul %get3A_332, %get3A_6, %dot_general3A_333 {dimension_numbers = #tpu.dot_dimension_numbers<[1], [0], [0], [1], [0, 0, 1, 1], [], []>, transpose_lhs_hint = false} : vector<128x128xf32>, vector<128x64xf32>, vector<128x64xf32> -> vector<128x64xf32>
    %add3A_335 = vector.broadcast %get3A_27 : vector<1x64xf32> to vector<128x64xf32>
    %add3A_336 = arith.addf %dot_general3A_334, %add3A_335 : vector<128x64xf32>
    %sub3A_337 = arith.subf %add3A_336, %add3A_24 : vector<128x64xf32>
    %max3A_338 = arith.constant 0.000000e+00 : f32
    %max3A_339 = vector.broadcast %max3A_338 : f32 to vector<128x64xf32>
    %max3A_340 = arith.maximumf %sub3A_337, %max3A_339 : vector<128x64xf32>
    %swap3A_341 = arith.constant 2432 : index
    %swap3A_342 = arith.constant 0 : index
    %swap3A_343 = vector.load %arg11[%swap3A_341, %swap3A_342] : memref<8192x64xf32, #tpu.memory_space<vmem>>, vector<128x64xf32>
    tpu.vector_store %arg11[%swap3A_341, %swap3A_342], %max3A_340 {strides = array<i32>} : memref<8192x64xf32, #tpu.memory_space<vmem>>, vector<128x64xf32>,
    %get3A_344 = arith.constant 20 : index
    %get3A_345 = arith.constant 0 : index
    %get3A_346 = arith.constant 0 : index
    %get3A_347 = vector.load %arg1[%get3A_344, %get3A_345, %get3A_346] : memref<64x128x128xf32, #tpu.memory_space<vmem>>, vector<1x128x128xf32>
    %get3A_348 = vector.shape_cast %get3A_347 : vector<1x128x128xf32> to vector<128x128xf32>
    %dot_general3A_349 = arith.constant dense<0.000000e+00> : vector<128x64xf32>
    %dot_general3A_350 = tpu.matmul %get3A_348, %get3A_6, %dot_general3A_349 {dimension_numbers = #tpu.dot_dimension_numbers<[1], [0], [0], [1], [0, 0, 1, 1], [], []>, transpose_lhs_hint = false} : vector<128x128xf32>, vector<128x64xf32>, vector<128x64xf32> -> vector<128x64xf32>
    %add3A_351 = vector.broadcast %get3A_27 : vector<1x64xf32> to vector<128x64xf32>
    %add3A_352 = arith.addf %dot_general3A_350, %add3A_351 : vector<128x64xf32>
    %sub3A_353 = arith.subf %add3A_352, %add3A_24 : vector<128x64xf32>
    %max3A_354 = arith.constant 0.000000e+00 : f32
    %max3A_355 = vector.broadcast %max3A_354 : f32 to vector<128x64xf32>
    %max3A_356 = arith.maximumf %sub3A_353, %max3A_355 : vector<128x64xf32>
    %swap3A_357 = arith.constant 2560 : index
    %swap3A_358 = arith.constant 0 : index
    %swap3A_359 = vector.load %arg11[%swap3A_357, %swap3A_358] : memref<8192x64xf32, #tpu.memory_space<vmem>>, vector<128x64xf32>
    tpu.vector_store %arg11[%swap3A_357, %swap3A_358], %max3A_356 {strides = array<i32>} : memref<8192x64xf32, #tpu.memory_space<vmem>>, vector<128x64xf32>,
    %get3A_360 = arith.constant 21 : index
    %get3A_361 = arith.constant 0 : index
    %get3A_362 = arith.constant 0 : index
    %get3A_363 = vector.load %arg1[%get3A_360, %get3A_361, %get3A_362] : memref<64x128x128xf32, #tpu.memory_space<vmem>>, vector<1x128x128xf32>
    %get3A_364 = vector.shape_cast %get3A_363 : vector<1x128x128xf32> to vector<128x128xf32>
    %dot_general3A_365 = arith.constant dense<0.000000e+00> : vector<128x64xf32>
    %dot_general3A_366 = tpu.matmul %get3A_364, %get3A_6, %dot_general3A_365 {dimension_numbers = #tpu.dot_dimension_numbers<[1], [0], [0], [1], [0, 0, 1, 1], [], []>, transpose_lhs_hint = false} : vector<128x128xf32>, vector<128x64xf32>, vector<128x64xf32> -> vector<128x64xf32>
    %add3A_367 = vector.broadcast %get3A_27 : vector<1x64xf32> to vector<128x64xf32>
    %add3A_368 = arith.addf %dot_general3A_366, %add3A_367 : vector<128x64xf32>
    %sub3A_369 = arith.subf %add3A_368, %add3A_24 : vector<128x64xf32>
    %max3A_370 = arith.constant 0.000000e+00 : f32
    %max3A_371 = vector.broadcast %max3A_370 : f32 to vector<128x64xf32>
    %max3A_372 = arith.maximumf %sub3A_369, %max3A_371 : vector<128x64xf32>
    %swap3A_373 = arith.constant 2688 : index
    %swap3A_374 = arith.constant 0 : index
    %swap3A_375 = vector.load %arg11[%swap3A_373, %swap3A_374] : memref<8192x64xf32, #tpu.memory_space<vmem>>, vector<128x64xf32>
    tpu.vector_store %arg11[%swap3A_373, %swap3A_374], %max3A_372 {strides = array<i32>} : memref<8192x64xf32, #tpu.memory_space<vmem>>, vector<128x64xf32>,
    %get3A_376 = arith.constant 22 : index
    %get3A_377 = arith.constant 0 : index
    %get3A_378 = arith.constant 0 : index
    %get3A_379 = vector.load %arg1[%get3A_376, %get3A_377, %get3A_378] : memref<64x128x128xf32, #tpu.memory_space<vmem>>, vector<1x128x128xf32>
    %get3A_380 = vector.shape_cast %get3A_379 : vector<1x128x128xf32> to vector<128x128xf32>
    %dot_general3A_381 = arith.constant dense<0.000000e+00> : vector<128x64xf32>
    %dot_general3A_382 = tpu.matmul %get3A_380, %get3A_6, %dot_general3A_381 {dimension_numbers = #tpu.dot_dimension_numbers<[1], [0], [0], [1], [0, 0, 1, 1], [], []>, transpose_lhs_hint = false} : vector<128x128xf32>, vector<128x64xf32>, vector<128x64xf32> -> vector<128x64xf32>
    %add3A_383 = vector.broadcast %get3A_27 : vector<1x64xf32> to vector<128x64xf32>
    %add3A_384 = arith.addf %dot_general3A_382, %add3A_383 : vector<128x64xf32>
    %sub3A_385 = arith.subf %add3A_384, %add3A_24 : vector<128x64xf32>
    %max3A_386 = arith.constant 0.000000e+00 : f32
    %max3A_387 = vector.broadcast %max3A_386 : f32 to vector<128x64xf32>
    %max3A_388 = arith.maximumf %sub3A_385, %max3A_387 : vector<128x64xf32>
    %swap3A_389 = arith.constant 2816 : index
    %swap3A_390 = arith.constant 0 : index
    %swap3A_391 = vector.load %arg11[%swap3A_389, %swap3A_390] : memref<8192x64xf32, #tpu.memory_space<vmem>>, vector<128x64xf32>
    tpu.vector_store %arg11[%swap3A_389, %swap3A_390], %max3A_388 {strides = array<i32>} : memref<8192x64xf32, #tpu.memory_space<vmem>>, vector<128x64xf32>,
    %get3A_392 = arith.constant 23 : index
    %get3A_393 = arith.constant 0 : index
    %get3A_394 = arith.constant 0 : index
    %get3A_395 = vector.load %arg1[%get3A_392, %get3A_393, %get3A_394] : memref<64x128x128xf32, #tpu.memory_space<vmem>>, vector<1x128x128xf32>
    %get3A_396 = vector.shape_cast %get3A_395 : vector<1x128x128xf32> to vector<128x128xf32>
    %dot_general3A_397 = arith.constant dense<0.000000e+00> : vector<128x64xf32>
    %dot_general3A_398 = tpu.matmul %get3A_396, %get3A_6, %dot_general3A_397 {dimension_numbers = #tpu.dot_dimension_numbers<[1], [0], [0], [1], [0, 0, 1, 1], [], []>, transpose_lhs_hint = false} : vector<128x128xf32>, vector<128x64xf32>, vector<128x64xf32> -> vector<128x64xf32>
    %add3A_399 = vector.broadcast %get3A_27 : vector<1x64xf32> to vector<128x64xf32>
    %add3A_400 = arith.addf %dot_general3A_398, %add3A_399 : vector<128x64xf32>
    %sub3A_401 = arith.subf %add3A_400, %add3A_24 : vector<128x64xf32>
    %max3A_402 = arith.constant 0.000000e+00 : f32
    %max3A_403 = vector.broadcast %max3A_402 : f32 to vector<128x64xf32>
    %max3A_404 = arith.maximumf %sub3A_401, %max3A_403 : vector<128x64xf32>
    %swap3A_405 = arith.constant 2944 : index
    %swap3A_406 = arith.constant 0 : index
    %swap3A_407 = vector.load %arg11[%swap3A_405, %swap3A_406] : memref<8192x64xf32, #tpu.memory_space<vmem>>, vector<128x64xf32>
    tpu.vector_store %arg11[%swap3A_405, %swap3A_406], %max3A_404 {strides = array<i32>} : memref<8192x64xf32, #tpu.memory_space<vmem>>, vector<128x64xf32>,
    %get3A_408 = arith.constant 24 : index
    %get3A_409 = arith.constant 0 : index
    %get3A_410 = arith.constant 0 : index
    %get3A_411 = vector.load %arg1[%get3A_408, %get3A_409, %get3A_410] : memref<64x128x128xf32, #tpu.memory_space<vmem>>, vector<1x128x128xf32>
    %get3A_412 = vector.shape_cast %get3A_411 : vector<1x128x128xf32> to vector<128x128xf32>
    %dot_general3A_413 = arith.constant dense<0.000000e+00> : vector<128x64xf32>
    %dot_general3A_414 = tpu.matmul %get3A_412, %get3A_6, %dot_general3A_413 {dimension_numbers = #tpu.dot_dimension_numbers<[1], [0], [0], [1], [0, 0, 1, 1], [], []>, transpose_lhs_hint = false} : vector<128x128xf32>, vector<128x64xf32>, vector<128x64xf32> -> vector<128x64xf32>
    %add3A_415 = vector.broadcast %get3A_27 : vector<1x64xf32> to vector<128x64xf32>
    %add3A_416 = arith.addf %dot_general3A_414, %add3A_415 : vector<128x64xf32>
    %sub3A_417 = arith.subf %add3A_416, %add3A_24 : vector<128x64xf32>
    %max3A_418 = arith.constant 0.000000e+00 : f32
    %max3A_419 = vector.broadcast %max3A_418 : f32 to vector<128x64xf32>
    %max3A_420 = arith.maximumf %sub3A_417, %max3A_419 : vector<128x64xf32>
    %swap3A_421 = arith.constant 3072 : index
    %swap3A_422 = arith.constant 0 : index
    %swap3A_423 = vector.load %arg11[%swap3A_421, %swap3A_422] : memref<8192x64xf32, #tpu.memory_space<vmem>>, vector<128x64xf32>
    tpu.vector_store %arg11[%swap3A_421, %swap3A_422], %max3A_420 {strides = array<i32>} : memref<8192x64xf32, #tpu.memory_space<vmem>>, vector<128x64xf32>,
    %get3A_424 = arith.constant 25 : index
    %get3A_425 = arith.constant 0 : index
    %get3A_426 = arith.constant 0 : index
    %get3A_427 = vector.load %arg1[%get3A_424, %get3A_425, %get3A_426] : memref<64x128x128xf32, #tpu.memory_space<vmem>>, vector<1x128x128xf32>
    %get3A_428 = vector.shape_cast %get3A_427 : vector<1x128x128xf32> to vector<128x128xf32>
    %dot_general3A_429 = arith.constant dense<0.000000e+00> : vector<128x64xf32>
    %dot_general3A_430 = tpu.matmul %get3A_428, %get3A_6, %dot_general3A_429 {dimension_numbers = #tpu.dot_dimension_numbers<[1], [0], [0], [1], [0, 0, 1, 1], [], []>, transpose_lhs_hint = false} : vector<128x128xf32>, vector<128x64xf32>, vector<128x64xf32> -> vector<128x64xf32>
    %add3A_431 = vector.broadcast %get3A_27 : vector<1x64xf32> to vector<128x64xf32>
    %add3A_432 = arith.addf %dot_general3A_430, %add3A_431 : vector<128x64xf32>
    %sub3A_433 = arith.subf %add3A_432, %add3A_24 : vector<128x64xf32>
    %max3A_434 = arith.constant 0.000000e+00 : f32
    %max3A_435 = vector.broadcast %max3A_434 : f32 to vector<128x64xf32>
    %max3A_436 = arith.maximumf %sub3A_433, %max3A_435 : vector<128x64xf32>
    %swap3A_437 = arith.constant 3200 : index
    %swap3A_438 = arith.constant 0 : index
    %swap3A_439 = vector.load %arg11[%swap3A_437, %swap3A_438] : memref<8192x64xf32, #tpu.memory_space<vmem>>, vector<128x64xf32>
    tpu.vector_store %arg11[%swap3A_437, %swap3A_438], %max3A_436 {strides = array<i32>} : memref<8192x64xf32, #tpu.memory_space<vmem>>, vector<128x64xf32>,
    %get3A_440 = arith.constant 26 : index
    %get3A_441 = arith.constant 0 : index
    %get3A_442 = arith.constant 0 : index
    %get3A_443 = vector.load %arg1[%get3A_440, %get3A_441, %get3A_442] : memref<64x128x128xf32, #tpu.memory_space<vmem>>, vector<1x128x128xf32>
    %get3A_444 = vector.shape_cast %get3A_443 : vector<1x128x128xf32> to vector<128x128xf32>
    %dot_general3A_445 = arith.constant dense<0.000000e+00> : vector<128x64xf32>
    %dot_general3A_446 = tpu.matmul %get3A_444, %get3A_6, %dot_general3A_445 {dimension_numbers = #tpu.dot_dimension_numbers<[1], [0], [0], [1], [0, 0, 1, 1], [], []>, transpose_lhs_hint = false} : vector<128x128xf32>, vector<128x64xf32>, vector<128x64xf32> -> vector<128x64xf32>
    %add3A_447 = vector.broadcast %get3A_27 : vector<1x64xf32> to vector<128x64xf32>
    %add3A_448 = arith.addf %dot_general3A_446, %add3A_447 : vector<128x64xf32>
    %sub3A_449 = arith.subf %add3A_448, %add3A_24 : vector<128x64xf32>
    %max3A_450 = arith.constant 0.000000e+00 : f32
    %max3A_451 = vector.broadcast %max3A_450 : f32 to vector<128x64xf32>
    %max3A_452 = arith.maximumf %sub3A_449, %max3A_451 : vector<128x64xf32>
    %swap3A_453 = arith.constant 3328 : index
    %swap3A_454 = arith.constant 0 : index
    %swap3A_455 = vector.load %arg11[%swap3A_453, %swap3A_454] : memref<8192x64xf32, #tpu.memory_space<vmem>>, vector<128x64xf32>
    tpu.vector_store %arg11[%swap3A_453, %swap3A_454], %max3A_452 {strides = array<i32>} : memref<8192x64xf32, #tpu.memory_space<vmem>>, vector<128x64xf32>,
    %get3A_456 = arith.constant 27 : index
    %get3A_457 = arith.constant 0 : index
    %get3A_458 = arith.constant 0 : index
    %get3A_459 = vector.load %arg1[%get3A_456, %get3A_457, %get3A_458] : memref<64x128x128xf32, #tpu.memory_space<vmem>>, vector<1x128x128xf32>
    %get3A_460 = vector.shape_cast %get3A_459 : vector<1x128x128xf32> to vector<128x128xf32>
    %dot_general3A_461 = arith.constant dense<0.000000e+00> : vector<128x64xf32>
    %dot_general3A_462 = tpu.matmul %get3A_460, %get3A_6, %dot_general3A_461 {dimension_numbers = #tpu.dot_dimension_numbers<[1], [0], [0], [1], [0, 0, 1, 1], [], []>, transpose_lhs_hint = false} : vector<128x128xf32>, vector<128x64xf32>, vector<128x64xf32> -> vector<128x64xf32>
    %add3A_463 = vector.broadcast %get3A_27 : vector<1x64xf32> to vector<128x64xf32>
    %add3A_464 = arith.addf %dot_general3A_462, %add3A_463 : vector<128x64xf32>
    %sub3A_465 = arith.subf %add3A_464, %add3A_24 : vector<128x64xf32>
    %max3A_466 = arith.constant 0.000000e+00 : f32
    %max3A_467 = vector.broadcast %max3A_466 : f32 to vector<128x64xf32>
    %max3A_468 = arith.maximumf %sub3A_465, %max3A_467 : vector<128x64xf32>
    %swap3A_469 = arith.constant 3456 : index
    %swap3A_470 = arith.constant 0 : index
    %swap3A_471 = vector.load %arg11[%swap3A_469, %swap3A_470] : memref<8192x64xf32, #tpu.memory_space<vmem>>, vector<128x64xf32>
    tpu.vector_store %arg11[%swap3A_469, %swap3A_470], %max3A_468 {strides = array<i32>} : memref<8192x64xf32, #tpu.memory_space<vmem>>, vector<128x64xf32>,
    %get3A_472 = arith.constant 28 : index
    %get3A_473 = arith.constant 0 : index
    %get3A_474 = arith.constant 0 : index
    %get3A_475 = vector.load %arg1[%get3A_472, %get3A_473, %get3A_474] : memref<64x128x128xf32, #tpu.memory_space<vmem>>, vector<1x128x128xf32>
    %get3A_476 = vector.shape_cast %get3A_475 : vector<1x128x128xf32> to vector<128x128xf32>
    %dot_general3A_477 = arith.constant dense<0.000000e+00> : vector<128x64xf32>
    %dot_general3A_478 = tpu.matmul %get3A_476, %get3A_6, %dot_general3A_477 {dimension_numbers = #tpu.dot_dimension_numbers<[1], [0], [0], [1], [0, 0, 1, 1], [], []>, transpose_lhs_hint = false} : vector<128x128xf32>, vector<128x64xf32>, vector<128x64xf32> -> vector<128x64xf32>
    %add3A_479 = vector.broadcast %get3A_27 : vector<1x64xf32> to vector<128x64xf32>
    %add3A_480 = arith.addf %dot_general3A_478, %add3A_479 : vector<128x64xf32>
    %sub3A_481 = arith.subf %add3A_480, %add3A_24 : vector<128x64xf32>
    %max3A_482 = arith.constant 0.000000e+00 : f32
    %max3A_483 = vector.broadcast %max3A_482 : f32 to vector<128x64xf32>
    %max3A_484 = arith.maximumf %sub3A_481, %max3A_483 : vector<128x64xf32>
    %swap3A_485 = arith.constant 3584 : index
    %swap3A_486 = arith.constant 0 : index
    %swap3A_487 = vector.load %arg11[%swap3A_485, %swap3A_486] : memref<8192x64xf32, #tpu.memory_space<vmem>>, vector<128x64xf32>
    tpu.vector_store %arg11[%swap3A_485, %swap3A_486], %max3A_484 {strides = array<i32>} : memref<8192x64xf32, #tpu.memory_space<vmem>>, vector<128x64xf32>,
    %get3A_488 = arith.constant 29 : index
    %get3A_489 = arith.constant 0 : index
    %get3A_490 = arith.constant 0 : index
    %get3A_491 = vector.load %arg1[%get3A_488, %get3A_489, %get3A_490] : memref<64x128x128xf32, #tpu.memory_space<vmem>>, vector<1x128x128xf32>
    %get3A_492 = vector.shape_cast %get3A_491 : vector<1x128x128xf32> to vector<128x128xf32>
    %dot_general3A_493 = arith.constant dense<0.000000e+00> : vector<128x64xf32>
    %dot_general3A_494 = tpu.matmul %get3A_492, %get3A_6, %dot_general3A_493 {dimension_numbers = #tpu.dot_dimension_numbers<[1], [0], [0], [1], [0, 0, 1, 1], [], []>, transpose_lhs_hint = false} : vector<128x128xf32>, vector<128x64xf32>, vector<128x64xf32> -> vector<128x64xf32>
    %add3A_495 = vector.broadcast %get3A_27 : vector<1x64xf32> to vector<128x64xf32>
    %add3A_496 = arith.addf %dot_general3A_494, %add3A_495 : vector<128x64xf32>
    %sub3A_497 = arith.subf %add3A_496, %add3A_24 : vector<128x64xf32>
    %max3A_498 = arith.constant 0.000000e+00 : f32
    %max3A_499 = vector.broadcast %max3A_498 : f32 to vector<128x64xf32>
    %max3A_500 = arith.maximumf %sub3A_497, %max3A_499 : vector<128x64xf32>
    %swap3A_501 = arith.constant 3712 : index
    %swap3A_502 = arith.constant 0 : index
    %swap3A_503 = vector.load %arg11[%swap3A_501, %swap3A_502] : memref<8192x64xf32, #tpu.memory_space<vmem>>, vector<128x64xf32>
    tpu.vector_store %arg11[%swap3A_501, %swap3A_502], %max3A_500 {strides = array<i32>} : memref<8192x64xf32, #tpu.memory_space<vmem>>, vector<128x64xf32>,
    %get3A_504 = arith.constant 30 : index
    %get3A_505 = arith.constant 0 : index
    %get3A_506 = arith.constant 0 : index
    %get3A_507 = vector.load %arg1[%get3A_504, %get3A_505, %get3A_506] : memref<64x128x128xf32, #tpu.memory_space<vmem>>, vector<1x128x128xf32>
    %get3A_508 = vector.shape_cast %get3A_507 : vector<1x128x128xf32> to vector<128x128xf32>
    %dot_general3A_509 = arith.constant dense<0.000000e+00> : vector<128x64xf32>
    %dot_general3A_510 = tpu.matmul %get3A_508, %get3A_6, %dot_general3A_509 {dimension_numbers = #tpu.dot_dimension_numbers<[1], [0], [0], [1], [0, 0, 1, 1], [], []>, transpose_lhs_hint = false} : vector<128x128xf32>, vector<128x64xf32>, vector<128x64xf32> -> vector<128x64xf32>
    %add3A_511 = vector.broadcast %get3A_27 : vector<1x64xf32> to vector<128x64xf32>
    %add3A_512 = arith.addf %dot_general3A_510, %add3A_511 : vector<128x64xf32>
    %sub3A_513 = arith.subf %add3A_512, %add3A_24 : vector<128x64xf32>
    %max3A_514 = arith.constant 0.000000e+00 : f32
    %max3A_515 = vector.broadcast %max3A_514 : f32 to vector<128x64xf32>
    %max3A_516 = arith.maximumf %sub3A_513, %max3A_515 : vector<128x64xf32>
    %swap3A_517 = arith.constant 3840 : index
    %swap3A_518 = arith.constant 0 : index
    %swap3A_519 = vector.load %arg11[%swap3A_517, %swap3A_518] : memref<8192x64xf32, #tpu.memory_space<vmem>>, vector<128x64xf32>
    tpu.vector_store %arg11[%swap3A_517, %swap3A_518], %max3A_516 {strides = array<i32>} : memref<8192x64xf32, #tpu.memory_space<vmem>>, vector<128x64xf32>,
    %get3A_520 = arith.constant 31 : index
    %get3A_521 = arith.constant 0 : index
    %get3A_522 = arith.constant 0 : index
    %get3A_523 = vector.load %arg1[%get3A_520, %get3A_521, %get3A_522] : memref<64x128x128xf32, #tpu.memory_space<vmem>>, vector<1x128x128xf32>
    %get3A_524 = vector.shape_cast %get3A_523 : vector<1x128x128xf32> to vector<128x128xf32>
    %dot_general3A_525 = arith.constant dense<0.000000e+00> : vector<128x64xf32>
    %dot_general3A_526 = tpu.matmul %get3A_524, %get3A_6, %dot_general3A_525 {dimension_numbers = #tpu.dot_dimension_numbers<[1], [0], [0], [1], [0, 0, 1, 1], [], []>, transpose_lhs_hint = false} : vector<128x128xf32>, vector<128x64xf32>, vector<128x64xf32> -> vector<128x64xf32>
    %add3A_527 = vector.broadcast %get3A_27 : vector<1x64xf32> to vector<128x64xf32>
    %add3A_528 = arith.addf %dot_general3A_526, %add3A_527 : vector<128x64xf32>
    %sub3A_529 = arith.subf %add3A_528, %add3A_24 : vector<128x64xf32>
    %max3A_530 = arith.constant 0.000000e+00 : f32
    %max3A_531 = vector.broadcast %max3A_530 : f32 to vector<128x64xf32>
    %max3A_532 = arith.maximumf %sub3A_529, %max3A_531 : vector<128x64xf32>
    %swap3A_533 = arith.constant 3968 : index
    %swap3A_534 = arith.constant 0 : index
    %swap3A_535 = vector.load %arg11[%swap3A_533, %swap3A_534] : memref<8192x64xf32, #tpu.memory_space<vmem>>, vector<128x64xf32>
    tpu.vector_store %arg11[%swap3A_533, %swap3A_534], %max3A_532 {strides = array<i32>} : memref<8192x64xf32, #tpu.memory_space<vmem>>, vector<128x64xf32>,
    %get3A_536 = arith.constant 32 : index
    %get3A_537 = arith.constant 0 : index
    %get3A_538 = arith.constant 0 : index
    %get3A_539 = vector.load %arg1[%get3A_536, %get3A_537, %get3A_538] : memref<64x128x128xf32, #tpu.memory_space<vmem>>, vector<1x128x128xf32>
    %get3A_540 = vector.shape_cast %get3A_539 : vector<1x128x128xf32> to vector<128x128xf32>
    %dot_general3A_541 = arith.constant dense<0.000000e+00> : vector<128x64xf32>
    %dot_general3A_542 = tpu.matmul %get3A_540, %get3A_6, %dot_general3A_541 {dimension_numbers = #tpu.dot_dimension_numbers<[1], [0], [0], [1], [0, 0, 1, 1], [], []>, transpose_lhs_hint = false} : vector<128x128xf32>, vector<128x64xf32>, vector<128x64xf32> -> vector<128x64xf32>
    %add3A_543 = vector.broadcast %get3A_27 : vector<1x64xf32> to vector<128x64xf32>
    %add3A_544 = arith.addf %dot_general3A_542, %add3A_543 : vector<128x64xf32>
    %sub3A_545 = arith.subf %add3A_544, %add3A_24 : vector<128x64xf32>
    %max3A_546 = arith.constant 0.000000e+00 : f32
    %max3A_547 = vector.broadcast %max3A_546 : f32 to vector<128x64xf32>
    %max3A_548 = arith.maximumf %sub3A_545, %max3A_547 : vector<128x64xf32>
    %swap3A_549 = arith.constant 4096 : index
    %swap3A_550 = arith.constant 0 : index
    %swap3A_551 = vector.load %arg11[%swap3A_549, %swap3A_550] : memref<8192x64xf32, #tpu.memory_space<vmem>>, vector<128x64xf32>
    tpu.vector_store %arg11[%swap3A_549, %swap3A_550], %max3A_548 {strides = array<i32>} : memref<8192x64xf32, #tpu.memory_space<vmem>>, vector<128x64xf32>,
    %get3A_552 = arith.constant 33 : index
    %get3A_553 = arith.constant 0 : index
    %get3A_554 = arith.constant 0 : index
    %get3A_555 = vector.load %arg1[%get3A_552, %get3A_553, %get3A_554] : memref<64x128x128xf32, #tpu.memory_space<vmem>>, vector<1x128x128xf32>
    %get3A_556 = vector.shape_cast %get3A_555 : vector<1x128x128xf32> to vector<128x128xf32>
    %dot_general3A_557 = arith.constant dense<0.000000e+00> : vector<128x64xf32>
    %dot_general3A_558 = tpu.matmul %get3A_556, %get3A_6, %dot_general3A_557 {dimension_numbers = #tpu.dot_dimension_numbers<[1], [0], [0], [1], [0, 0, 1, 1], [], []>, transpose_lhs_hint = false} : vector<128x128xf32>, vector<128x64xf32>, vector<128x64xf32> -> vector<128x64xf32>
    %add3A_559 = vector.broadcast %get3A_27 : vector<1x64xf32> to vector<128x64xf32>
    %add3A_560 = arith.addf %dot_general3A_558, %add3A_559 : vector<128x64xf32>
    %sub3A_561 = arith.subf %add3A_560, %add3A_24 : vector<128x64xf32>
    %max3A_562 = arith.constant 0.000000e+00 : f32
    %max3A_563 = vector.broadcast %max3A_562 : f32 to vector<128x64xf32>
    %max3A_564 = arith.maximumf %sub3A_561, %max3A_563 : vector<128x64xf32>
    %swap3A_565 = arith.constant 4224 : index
    %swap3A_566 = arith.constant 0 : index
    %swap3A_567 = vector.load %arg11[%swap3A_565, %swap3A_566] : memref<8192x64xf32, #tpu.memory_space<vmem>>, vector<128x64xf32>
    tpu.vector_store %arg11[%swap3A_565, %swap3A_566], %max3A_564 {strides = array<i32>} : memref<8192x64xf32, #tpu.memory_space<vmem>>, vector<128x64xf32>,
    %get3A_568 = arith.constant 34 : index
    %get3A_569 = arith.constant 0 : index
    %get3A_570 = arith.constant 0 : index
    %get3A_571 = vector.load %arg1[%get3A_568, %get3A_569, %get3A_570] : memref<64x128x128xf32, #tpu.memory_space<vmem>>, vector<1x128x128xf32>
    %get3A_572 = vector.shape_cast %get3A_571 : vector<1x128x128xf32> to vector<128x128xf32>
    %dot_general3A_573 = arith.constant dense<0.000000e+00> : vector<128x64xf32>
    %dot_general3A_574 = tpu.matmul %get3A_572, %get3A_6, %dot_general3A_573 {dimension_numbers = #tpu.dot_dimension_numbers<[1], [0], [0], [1], [0, 0, 1, 1], [], []>, transpose_lhs_hint = false} : vector<128x128xf32>, vector<128x64xf32>, vector<128x64xf32> -> vector<128x64xf32>
    %add3A_575 = vector.broadcast %get3A_27 : vector<1x64xf32> to vector<128x64xf32>
    %add3A_576 = arith.addf %dot_general3A_574, %add3A_575 : vector<128x64xf32>
    %sub3A_577 = arith.subf %add3A_576, %add3A_24 : vector<128x64xf32>
    %max3A_578 = arith.constant 0.000000e+00 : f32
    %max3A_579 = vector.broadcast %max3A_578 : f32 to vector<128x64xf32>
    %max3A_580 = arith.maximumf %sub3A_577, %max3A_579 : vector<128x64xf32>
    %swap3A_581 = arith.constant 4352 : index
    %swap3A_582 = arith.constant 0 : index
    %swap3A_583 = vector.load %arg11[%swap3A_581, %swap3A_582] : memref<8192x64xf32, #tpu.memory_space<vmem>>, vector<128x64xf32>
    tpu.vector_store %arg11[%swap3A_581, %swap3A_582], %max3A_580 {strides = array<i32>} : memref<8192x64xf32, #tpu.memory_space<vmem>>, vector<128x64xf32>,
    %get3A_584 = arith.constant 35 : index
    %get3A_585 = arith.constant 0 : index
    %get3A_586 = arith.constant 0 : index
    %get3A_587 = vector.load %arg1[%get3A_584, %get3A_585, %get3A_586] : memref<64x128x128xf32, #tpu.memory_space<vmem>>, vector<1x128x128xf32>
    %get3A_588 = vector.shape_cast %get3A_587 : vector<1x128x128xf32> to vector<128x128xf32>
    %dot_general3A_589 = arith.constant dense<0.000000e+00> : vector<128x64xf32>
    %dot_general3A_590 = tpu.matmul %get3A_588, %get3A_6, %dot_general3A_589 {dimension_numbers = #tpu.dot_dimension_numbers<[1], [0], [0], [1], [0, 0, 1, 1], [], []>, transpose_lhs_hint = false} : vector<128x128xf32>, vector<128x64xf32>, vector<128x64xf32> -> vector<128x64xf32>
    %add3A_591 = vector.broadcast %get3A_27 : vector<1x64xf32> to vector<128x64xf32>
    %add3A_592 = arith.addf %dot_general3A_590, %add3A_591 : vector<128x64xf32>
    %sub3A_593 = arith.subf %add3A_592, %add3A_24 : vector<128x64xf32>
    %max3A_594 = arith.constant 0.000000e+00 : f32
    %max3A_595 = vector.broadcast %max3A_594 : f32 to vector<128x64xf32>
    %max3A_596 = arith.maximumf %sub3A_593, %max3A_595 : vector<128x64xf32>
    %swap3A_597 = arith.constant 4480 : index
    %swap3A_598 = arith.constant 0 : index
    %swap3A_599 = vector.load %arg11[%swap3A_597, %swap3A_598] : memref<8192x64xf32, #tpu.memory_space<vmem>>, vector<128x64xf32>
    tpu.vector_store %arg11[%swap3A_597, %swap3A_598], %max3A_596 {strides = array<i32>} : memref<8192x64xf32, #tpu.memory_space<vmem>>, vector<128x64xf32>,
    %get3A_600 = arith.constant 36 : index
    %get3A_601 = arith.constant 0 : index
    %get3A_602 = arith.constant 0 : index
    %get3A_603 = vector.load %arg1[%get3A_600, %get3A_601, %get3A_602] : memref<64x128x128xf32, #tpu.memory_space<vmem>>, vector<1x128x128xf32>
    %get3A_604 = vector.shape_cast %get3A_603 : vector<1x128x128xf32> to vector<128x128xf32>
    %dot_general3A_605 = arith.constant dense<0.000000e+00> : vector<128x64xf32>
    %dot_general3A_606 = tpu.matmul %get3A_604, %get3A_6, %dot_general3A_605 {dimension_numbers = #tpu.dot_dimension_numbers<[1], [0], [0], [1], [0, 0, 1, 1], [], []>, transpose_lhs_hint = false} : vector<128x128xf32>, vector<128x64xf32>, vector<128x64xf32> -> vector<128x64xf32>
    %add3A_607 = vector.broadcast %get3A_27 : vector<1x64xf32> to vector<128x64xf32>
    %add3A_608 = arith.addf %dot_general3A_606, %add3A_607 : vector<128x64xf32>
    %sub3A_609 = arith.subf %add3A_608, %add3A_24 : vector<128x64xf32>
    %max3A_610 = arith.constant 0.000000e+00 : f32
    %max3A_611 = vector.broadcast %max3A_610 : f32 to vector<128x64xf32>
    %max3A_612 = arith.maximumf %sub3A_609, %max3A_611 : vector<128x64xf32>
    %swap3A_613 = arith.constant 4608 : index
    %swap3A_614 = arith.constant 0 : index
    %swap3A_615 = vector.load %arg11[%swap3A_613, %swap3A_614] : memref<8192x64xf32, #tpu.memory_space<vmem>>, vector<128x64xf32>
    tpu.vector_store %arg11[%swap3A_613, %swap3A_614], %max3A_612 {strides = array<i32>} : memref<8192x64xf32, #tpu.memory_space<vmem>>, vector<128x64xf32>,
    %get3A_616 = arith.constant 37 : index
    %get3A_617 = arith.constant 0 : index
    %get3A_618 = arith.constant 0 : index
    %get3A_619 = vector.load %arg1[%get3A_616, %get3A_617, %get3A_618] : memref<64x128x128xf32, #tpu.memory_space<vmem>>, vector<1x128x128xf32>
    %get3A_620 = vector.shape_cast %get3A_619 : vector<1x128x128xf32> to vector<128x128xf32>
    %dot_general3A_621 = arith.constant dense<0.000000e+00> : vector<128x64xf32>
    %dot_general3A_622 = tpu.matmul %get3A_620, %get3A_6, %dot_general3A_621 {dimension_numbers = #tpu.dot_dimension_numbers<[1], [0], [0], [1], [0, 0, 1, 1], [], []>, transpose_lhs_hint = false} : vector<128x128xf32>, vector<128x64xf32>, vector<128x64xf32> -> vector<128x64xf32>
    %add3A_623 = vector.broadcast %get3A_27 : vector<1x64xf32> to vector<128x64xf32>
    %add3A_624 = arith.addf %dot_general3A_622, %add3A_623 : vector<128x64xf32>
    %sub3A_625 = arith.subf %add3A_624, %add3A_24 : vector<128x64xf32>
    %max3A_626 = arith.constant 0.000000e+00 : f32
    %max3A_627 = vector.broadcast %max3A_626 : f32 to vector<128x64xf32>
    %max3A_628 = arith.maximumf %sub3A_625, %max3A_627 : vector<128x64xf32>
    %swap3A_629 = arith.constant 4736 : index
    %swap3A_630 = arith.constant 0 : index
    %swap3A_631 = vector.load %arg11[%swap3A_629, %swap3A_630] : memref<8192x64xf32, #tpu.memory_space<vmem>>, vector<128x64xf32>
    tpu.vector_store %arg11[%swap3A_629, %swap3A_630], %max3A_628 {strides = array<i32>} : memref<8192x64xf32, #tpu.memory_space<vmem>>, vector<128x64xf32>,
    %get3A_632 = arith.constant 38 : index
    %get3A_633 = arith.constant 0 : index
    %get3A_634 = arith.constant 0 : index
    %get3A_635 = vector.load %arg1[%get3A_632, %get3A_633, %get3A_634] : memref<64x128x128xf32, #tpu.memory_space<vmem>>, vector<1x128x128xf32>
    %get3A_636 = vector.shape_cast %get3A_635 : vector<1x128x128xf32> to vector<128x128xf32>
    %dot_general3A_637 = arith.constant dense<0.000000e+00> : vector<128x64xf32>
    %dot_general3A_638 = tpu.matmul %get3A_636, %get3A_6, %dot_general3A_637 {dimension_numbers = #tpu.dot_dimension_numbers<[1], [0], [0], [1], [0, 0, 1, 1], [], []>, transpose_lhs_hint = false} : vector<128x128xf32>, vector<128x64xf32>, vector<128x64xf32> -> vector<128x64xf32>
    %add3A_639 = vector.broadcast %get3A_27 : vector<1x64xf32> to vector<128x64xf32>
    %add3A_640 = arith.addf %dot_general3A_638, %add3A_639 : vector<128x64xf32>
    %sub3A_641 = arith.subf %add3A_640, %add3A_24 : vector<128x64xf32>
    %max3A_642 = arith.constant 0.000000e+00 : f32
    %max3A_643 = vector.broadcast %max3A_642 : f32 to vector<128x64xf32>
    %max3A_644 = arith.maximumf %sub3A_641, %max3A_643 : vector<128x64xf32>
    %swap3A_645 = arith.constant 4864 : index
    %swap3A_646 = arith.constant 0 : index
    %swap3A_647 = vector.load %arg11[%swap3A_645, %swap3A_646] : memref<8192x64xf32, #tpu.memory_space<vmem>>, vector<128x64xf32>
    tpu.vector_store %arg11[%swap3A_645, %swap3A_646], %max3A_644 {strides = array<i32>} : memref<8192x64xf32, #tpu.memory_space<vmem>>, vector<128x64xf32>,
    %get3A_648 = arith.constant 39 : index
    %get3A_649 = arith.constant 0 : index
    %get3A_650 = arith.constant 0 : index
    %get3A_651 = vector.load %arg1[%get3A_648, %get3A_649, %get3A_650] : memref<64x128x128xf32, #tpu.memory_space<vmem>>, vector<1x128x128xf32>
    %get3A_652 = vector.shape_cast %get3A_651 : vector<1x128x128xf32> to vector<128x128xf32>
    %dot_general3A_653 = arith.constant dense<0.000000e+00> : vector<128x64xf32>
    %dot_general3A_654 = tpu.matmul %get3A_652, %get3A_6, %dot_general3A_653 {dimension_numbers = #tpu.dot_dimension_numbers<[1], [0], [0], [1], [0, 0, 1, 1], [], []>, transpose_lhs_hint = false} : vector<128x128xf32>, vector<128x64xf32>, vector<128x64xf32> -> vector<128x64xf32>
    %add3A_655 = vector.broadcast %get3A_27 : vector<1x64xf32> to vector<128x64xf32>
    %add3A_656 = arith.addf %dot_general3A_654, %add3A_655 : vector<128x64xf32>
    %sub3A_657 = arith.subf %add3A_656, %add3A_24 : vector<128x64xf32>
    %max3A_658 = arith.constant 0.000000e+00 : f32
    %max3A_659 = vector.broadcast %max3A_658 : f32 to vector<128x64xf32>
    %max3A_660 = arith.maximumf %sub3A_657, %max3A_659 : vector<128x64xf32>
    %swap3A_661 = arith.constant 4992 : index
    %swap3A_662 = arith.constant 0 : index
    %swap3A_663 = vector.load %arg11[%swap3A_661, %swap3A_662] : memref<8192x64xf32, #tpu.memory_space<vmem>>, vector<128x64xf32>
    tpu.vector_store %arg11[%swap3A_661, %swap3A_662], %max3A_660 {strides = array<i32>} : memref<8192x64xf32, #tpu.memory_space<vmem>>, vector<128x64xf32>,
    %get3A_664 = arith.constant 40 : index
    %get3A_665 = arith.constant 0 : index
    %get3A_666 = arith.constant 0 : index
    %get3A_667 = vector.load %arg1[%get3A_664, %get3A_665, %get3A_666] : memref<64x128x128xf32, #tpu.memory_space<vmem>>, vector<1x128x128xf32>
    %get3A_668 = vector.shape_cast %get3A_667 : vector<1x128x128xf32> to vector<128x128xf32>
    %dot_general3A_669 = arith.constant dense<0.000000e+00> : vector<128x64xf32>
    %dot_general3A_670 = tpu.matmul %get3A_668, %get3A_6, %dot_general3A_669 {dimension_numbers = #tpu.dot_dimension_numbers<[1], [0], [0], [1], [0, 0, 1, 1], [], []>, transpose_lhs_hint = false} : vector<128x128xf32>, vector<128x64xf32>, vector<128x64xf32> -> vector<128x64xf32>
    %add3A_671 = vector.broadcast %get3A_27 : vector<1x64xf32> to vector<128x64xf32>
    %add3A_672 = arith.addf %dot_general3A_670, %add3A_671 : vector<128x64xf32>
    %sub3A_673 = arith.subf %add3A_672, %add3A_24 : vector<128x64xf32>
    %max3A_674 = arith.constant 0.000000e+00 : f32
    %max3A_675 = vector.broadcast %max3A_674 : f32 to vector<128x64xf32>
    %max3A_676 = arith.maximumf %sub3A_673, %max3A_675 : vector<128x64xf32>
    %swap3A_677 = arith.constant 5120 : index
    %swap3A_678 = arith.constant 0 : index
    %swap3A_679 = vector.load %arg11[%swap3A_677, %swap3A_678] : memref<8192x64xf32, #tpu.memory_space<vmem>>, vector<128x64xf32>
    tpu.vector_store %arg11[%swap3A_677, %swap3A_678], %max3A_676 {strides = array<i32>} : memref<8192x64xf32, #tpu.memory_space<vmem>>, vector<128x64xf32>,
    %get3A_680 = arith.constant 41 : index
    %get3A_681 = arith.constant 0 : index
    %get3A_682 = arith.constant 0 : index
    %get3A_683 = vector.load %arg1[%get3A_680, %get3A_681, %get3A_682] : memref<64x128x128xf32, #tpu.memory_space<vmem>>, vector<1x128x128xf32>
    %get3A_684 = vector.shape_cast %get3A_683 : vector<1x128x128xf32> to vector<128x128xf32>
    %dot_general3A_685 = arith.constant dense<0.000000e+00> : vector<128x64xf32>
    %dot_general3A_686 = tpu.matmul %get3A_684, %get3A_6, %dot_general3A_685 {dimension_numbers = #tpu.dot_dimension_numbers<[1], [0], [0], [1], [0, 0, 1, 1], [], []>, transpose_lhs_hint = false} : vector<128x128xf32>, vector<128x64xf32>, vector<128x64xf32> -> vector<128x64xf32>
    %add3A_687 = vector.broadcast %get3A_27 : vector<1x64xf32> to vector<128x64xf32>
    %add3A_688 = arith.addf %dot_general3A_686, %add3A_687 : vector<128x64xf32>
    %sub3A_689 = arith.subf %add3A_688, %add3A_24 : vector<128x64xf32>
    %max3A_690 = arith.constant 0.000000e+00 : f32
    %max3A_691 = vector.broadcast %max3A_690 : f32 to vector<128x64xf32>
    %max3A_692 = arith.maximumf %sub3A_689, %max3A_691 : vector<128x64xf32>
    %swap3A_693 = arith.constant 5248 : index
    %swap3A_694 = arith.constant 0 : index
    %swap3A_695 = vector.load %arg11[%swap3A_693, %swap3A_694] : memref<8192x64xf32, #tpu.memory_space<vmem>>, vector<128x64xf32>
    tpu.vector_store %arg11[%swap3A_693, %swap3A_694], %max3A_692 {strides = array<i32>} : memref<8192x64xf32, #tpu.memory_space<vmem>>, vector<128x64xf32>,
    %get3A_696 = arith.constant 42 : index
    %get3A_697 = arith.constant 0 : index
    %get3A_698 = arith.constant 0 : index
    %get3A_699 = vector.load %arg1[%get3A_696, %get3A_697, %get3A_698] : memref<64x128x128xf32, #tpu.memory_space<vmem>>, vector<1x128x128xf32>
    %get3A_700 = vector.shape_cast %get3A_699 : vector<1x128x128xf32> to vector<128x128xf32>
    %dot_general3A_701 = arith.constant dense<0.000000e+00> : vector<128x64xf32>
    %dot_general3A_702 = tpu.matmul %get3A_700, %get3A_6, %dot_general3A_701 {dimension_numbers = #tpu.dot_dimension_numbers<[1], [0], [0], [1], [0, 0, 1, 1], [], []>, transpose_lhs_hint = false} : vector<128x128xf32>, vector<128x64xf32>, vector<128x64xf32> -> vector<128x64xf32>
    %add3A_703 = vector.broadcast %get3A_27 : vector<1x64xf32> to vector<128x64xf32>
    %add3A_704 = arith.addf %dot_general3A_702, %add3A_703 : vector<128x64xf32>
    %sub3A_705 = arith.subf %add3A_704, %add3A_24 : vector<128x64xf32>
    %max3A_706 = arith.constant 0.000000e+00 : f32
    %max3A_707 = vector.broadcast %max3A_706 : f32 to vector<128x64xf32>
    %max3A_708 = arith.maximumf %sub3A_705, %max3A_707 : vector<128x64xf32>
    %swap3A_709 = arith.constant 5376 : index
    %swap3A_710 = arith.constant 0 : index
    %swap3A_711 = vector.load %arg11[%swap3A_709, %swap3A_710] : memref<8192x64xf32, #tpu.memory_space<vmem>>, vector<128x64xf32>
    tpu.vector_store %arg11[%swap3A_709, %swap3A_710], %max3A_708 {strides = array<i32>} : memref<8192x64xf32, #tpu.memory_space<vmem>>, vector<128x64xf32>,
    %get3A_712 = arith.constant 43 : index
    %get3A_713 = arith.constant 0 : index
    %get3A_714 = arith.constant 0 : index
    %get3A_715 = vector.load %arg1[%get3A_712, %get3A_713, %get3A_714] : memref<64x128x128xf32, #tpu.memory_space<vmem>>, vector<1x128x128xf32>
    %get3A_716 = vector.shape_cast %get3A_715 : vector<1x128x128xf32> to vector<128x128xf32>
    %dot_general3A_717 = arith.constant dense<0.000000e+00> : vector<128x64xf32>
    %dot_general3A_718 = tpu.matmul %get3A_716, %get3A_6, %dot_general3A_717 {dimension_numbers = #tpu.dot_dimension_numbers<[1], [0], [0], [1], [0, 0, 1, 1], [], []>, transpose_lhs_hint = false} : vector<128x128xf32>, vector<128x64xf32>, vector<128x64xf32> -> vector<128x64xf32>
    %add3A_719 = vector.broadcast %get3A_27 : vector<1x64xf32> to vector<128x64xf32>
    %add3A_720 = arith.addf %dot_general3A_718, %add3A_719 : vector<128x64xf32>
    %sub3A_721 = arith.subf %add3A_720, %add3A_24 : vector<128x64xf32>
    %max3A_722 = arith.constant 0.000000e+00 : f32
    %max3A_723 = vector.broadcast %max3A_722 : f32 to vector<128x64xf32>
    %max3A_724 = arith.maximumf %sub3A_721, %max3A_723 : vector<128x64xf32>
    %swap3A_725 = arith.constant 5504 : index
    %swap3A_726 = arith.constant 0 : index
    %swap3A_727 = vector.load %arg11[%swap3A_725, %swap3A_726] : memref<8192x64xf32, #tpu.memory_space<vmem>>, vector<128x64xf32>
    tpu.vector_store %arg11[%swap3A_725, %swap3A_726], %max3A_724 {strides = array<i32>} : memref<8192x64xf32, #tpu.memory_space<vmem>>, vector<128x64xf32>,
    %get3A_728 = arith.constant 44 : index
    %get3A_729 = arith.constant 0 : index
    %get3A_730 = arith.constant 0 : index
    %get3A_731 = vector.load %arg1[%get3A_728, %get3A_729, %get3A_730] : memref<64x128x128xf32, #tpu.memory_space<vmem>>, vector<1x128x128xf32>
    %get3A_732 = vector.shape_cast %get3A_731 : vector<1x128x128xf32> to vector<128x128xf32>
    %dot_general3A_733 = arith.constant dense<0.000000e+00> : vector<128x64xf32>
    %dot_general3A_734 = tpu.matmul %get3A_732, %get3A_6, %dot_general3A_733 {dimension_numbers = #tpu.dot_dimension_numbers<[1], [0], [0], [1], [0, 0, 1, 1], [], []>, transpose_lhs_hint = false} : vector<128x128xf32>, vector<128x64xf32>, vector<128x64xf32> -> vector<128x64xf32>
    %add3A_735 = vector.broadcast %get3A_27 : vector<1x64xf32> to vector<128x64xf32>
    %add3A_736 = arith.addf %dot_general3A_734, %add3A_735 : vector<128x64xf32>
    %sub3A_737 = arith.subf %add3A_736, %add3A_24 : vector<128x64xf32>
    %max3A_738 = arith.constant 0.000000e+00 : f32
    %max3A_739 = vector.broadcast %max3A_738 : f32 to vector<128x64xf32>
    %max3A_740 = arith.maximumf %sub3A_737, %max3A_739 : vector<128x64xf32>
    %swap3A_741 = arith.constant 5632 : index
    %swap3A_742 = arith.constant 0 : index
    %swap3A_743 = vector.load %arg11[%swap3A_741, %swap3A_742] : memref<8192x64xf32, #tpu.memory_space<vmem>>, vector<128x64xf32>
    tpu.vector_store %arg11[%swap3A_741, %swap3A_742], %max3A_740 {strides = array<i32>} : memref<8192x64xf32, #tpu.memory_space<vmem>>, vector<128x64xf32>,
    %get3A_744 = arith.constant 45 : index
    %get3A_745 = arith.constant 0 : index
    %get3A_746 = arith.constant 0 : index
    %get3A_747 = vector.load %arg1[%get3A_744, %get3A_745, %get3A_746] : memref<64x128x128xf32, #tpu.memory_space<vmem>>, vector<1x128x128xf32>
    %get3A_748 = vector.shape_cast %get3A_747 : vector<1x128x128xf32> to vector<128x128xf32>
    %dot_general3A_749 = arith.constant dense<0.000000e+00> : vector<128x64xf32>
    %dot_general3A_750 = tpu.matmul %get3A_748, %get3A_6, %dot_general3A_749 {dimension_numbers = #tpu.dot_dimension_numbers<[1], [0], [0], [1], [0, 0, 1, 1], [], []>, transpose_lhs_hint = false} : vector<128x128xf32>, vector<128x64xf32>, vector<128x64xf32> -> vector<128x64xf32>
    %add3A_751 = vector.broadcast %get3A_27 : vector<1x64xf32> to vector<128x64xf32>
    %add3A_752 = arith.addf %dot_general3A_750, %add3A_751 : vector<128x64xf32>
    %sub3A_753 = arith.subf %add3A_752, %add3A_24 : vector<128x64xf32>
    %max3A_754 = arith.constant 0.000000e+00 : f32
    %max3A_755 = vector.broadcast %max3A_754 : f32 to vector<128x64xf32>
    %max3A_756 = arith.maximumf %sub3A_753, %max3A_755 : vector<128x64xf32>
    %swap3A_757 = arith.constant 5760 : index
    %swap3A_758 = arith.constant 0 : index
    %swap3A_759 = vector.load %arg11[%swap3A_757, %swap3A_758] : memref<8192x64xf32, #tpu.memory_space<vmem>>, vector<128x64xf32>
    tpu.vector_store %arg11[%swap3A_757, %swap3A_758], %max3A_756 {strides = array<i32>} : memref<8192x64xf32, #tpu.memory_space<vmem>>, vector<128x64xf32>,
    %get3A_760 = arith.constant 46 : index
    %get3A_761 = arith.constant 0 : index
    %get3A_762 = arith.constant 0 : index
    %get3A_763 = vector.load %arg1[%get3A_760, %get3A_761, %get3A_762] : memref<64x128x128xf32, #tpu.memory_space<vmem>>, vector<1x128x128xf32>
    %get3A_764 = vector.shape_cast %get3A_763 : vector<1x128x128xf32> to vector<128x128xf32>
    %dot_general3A_765 = arith.constant dense<0.000000e+00> : vector<128x64xf32>
    %dot_general3A_766 = tpu.matmul %get3A_764, %get3A_6, %dot_general3A_765 {dimension_numbers = #tpu.dot_dimension_numbers<[1], [0], [0], [1], [0, 0, 1, 1], [], []>, transpose_lhs_hint = false} : vector<128x128xf32>, vector<128x64xf32>, vector<128x64xf32> -> vector<128x64xf32>
    %add3A_767 = vector.broadcast %get3A_27 : vector<1x64xf32> to vector<128x64xf32>
    %add3A_768 = arith.addf %dot_general3A_766, %add3A_767 : vector<128x64xf32>
    %sub3A_769 = arith.subf %add3A_768, %add3A_24 : vector<128x64xf32>
    %max3A_770 = arith.constant 0.000000e+00 : f32
    %max3A_771 = vector.broadcast %max3A_770 : f32 to vector<128x64xf32>
    %max3A_772 = arith.maximumf %sub3A_769, %max3A_771 : vector<128x64xf32>
    %swap3A_773 = arith.constant 5888 : index
    %swap3A_774 = arith.constant 0 : index
    %swap3A_775 = vector.load %arg11[%swap3A_773, %swap3A_774] : memref<8192x64xf32, #tpu.memory_space<vmem>>, vector<128x64xf32>
    tpu.vector_store %arg11[%swap3A_773, %swap3A_774], %max3A_772 {strides = array<i32>} : memref<8192x64xf32, #tpu.memory_space<vmem>>, vector<128x64xf32>,
    %get3A_776 = arith.constant 47 : index
    %get3A_777 = arith.constant 0 : index
    %get3A_778 = arith.constant 0 : index
    %get3A_779 = vector.load %arg1[%get3A_776, %get3A_777, %get3A_778] : memref<64x128x128xf32, #tpu.memory_space<vmem>>, vector<1x128x128xf32>
    %get3A_780 = vector.shape_cast %get3A_779 : vector<1x128x128xf32> to vector<128x128xf32>
    %dot_general3A_781 = arith.constant dense<0.000000e+00> : vector<128x64xf32>
    %dot_general3A_782 = tpu.matmul %get3A_780, %get3A_6, %dot_general3A_781 {dimension_numbers = #tpu.dot_dimension_numbers<[1], [0], [0], [1], [0, 0, 1, 1], [], []>, transpose_lhs_hint = false} : vector<128x128xf32>, vector<128x64xf32>, vector<128x64xf32> -> vector<128x64xf32>
    %add3A_783 = vector.broadcast %get3A_27 : vector<1x64xf32> to vector<128x64xf32>
    %add3A_784 = arith.addf %dot_general3A_782, %add3A_783 : vector<128x64xf32>
    %sub3A_785 = arith.subf %add3A_784, %add3A_24 : vector<128x64xf32>
    %max3A_786 = arith.constant 0.000000e+00 : f32
    %max3A_787 = vector.broadcast %max3A_786 : f32 to vector<128x64xf32>
    %max3A_788 = arith.maximumf %sub3A_785, %max3A_787 : vector<128x64xf32>
    %swap3A_789 = arith.constant 6016 : index
    %swap3A_790 = arith.constant 0 : index
    %swap3A_791 = vector.load %arg11[%swap3A_789, %swap3A_790] : memref<8192x64xf32, #tpu.memory_space<vmem>>, vector<128x64xf32>
    tpu.vector_store %arg11[%swap3A_789, %swap3A_790], %max3A_788 {strides = array<i32>} : memref<8192x64xf32, #tpu.memory_space<vmem>>, vector<128x64xf32>,
    %get3A_792 = arith.constant 48 : index
    %get3A_793 = arith.constant 0 : index
    %get3A_794 = arith.constant 0 : index
    %get3A_795 = vector.load %arg1[%get3A_792, %get3A_793, %get3A_794] : memref<64x128x128xf32, #tpu.memory_space<vmem>>, vector<1x128x128xf32>
    %get3A_796 = vector.shape_cast %get3A_795 : vector<1x128x128xf32> to vector<128x128xf32>
    %dot_general3A_797 = arith.constant dense<0.000000e+00> : vector<128x64xf32>
    %dot_general3A_798 = tpu.matmul %get3A_796, %get3A_6, %dot_general3A_797 {dimension_numbers = #tpu.dot_dimension_numbers<[1], [0], [0], [1], [0, 0, 1, 1], [], []>, transpose_lhs_hint = false} : vector<128x128xf32>, vector<128x64xf32>, vector<128x64xf32> -> vector<128x64xf32>
    %add3A_799 = vector.broadcast %get3A_27 : vector<1x64xf32> to vector<128x64xf32>
    %add3A_800 = arith.addf %dot_general3A_798, %add3A_799 : vector<128x64xf32>
    %sub3A_801 = arith.subf %add3A_800, %add3A_24 : vector<128x64xf32>
    %max3A_802 = arith.constant 0.000000e+00 : f32
    %max3A_803 = vector.broadcast %max3A_802 : f32 to vector<128x64xf32>
    %max3A_804 = arith.maximumf %sub3A_801, %max3A_803 : vector<128x64xf32>
    %swap3A_805 = arith.constant 6144 : index
    %swap3A_806 = arith.constant 0 : index
    %swap3A_807 = vector.load %arg11[%swap3A_805, %swap3A_806] : memref<8192x64xf32, #tpu.memory_space<vmem>>, vector<128x64xf32>
    tpu.vector_store %arg11[%swap3A_805, %swap3A_806], %max3A_804 {strides = array<i32>} : memref<8192x64xf32, #tpu.memory_space<vmem>>, vector<128x64xf32>,
    %get3A_808 = arith.constant 49 : index
    %get3A_809 = arith.constant 0 : index
    %get3A_810 = arith.constant 0 : index
    %get3A_811 = vector.load %arg1[%get3A_808, %get3A_809, %get3A_810] : memref<64x128x128xf32, #tpu.memory_space<vmem>>, vector<1x128x128xf32>
    %get3A_812 = vector.shape_cast %get3A_811 : vector<1x128x128xf32> to vector<128x128xf32>
    %dot_general3A_813 = arith.constant dense<0.000000e+00> : vector<128x64xf32>
    %dot_general3A_814 = tpu.matmul %get3A_812, %get3A_6, %dot_general3A_813 {dimension_numbers = #tpu.dot_dimension_numbers<[1], [0], [0], [1], [0, 0, 1, 1], [], []>, transpose_lhs_hint = false} : vector<128x128xf32>, vector<128x64xf32>, vector<128x64xf32> -> vector<128x64xf32>
    %add3A_815 = vector.broadcast %get3A_27 : vector<1x64xf32> to vector<128x64xf32>
    %add3A_816 = arith.addf %dot_general3A_814, %add3A_815 : vector<128x64xf32>
    %sub3A_817 = arith.subf %add3A_816, %add3A_24 : vector<128x64xf32>
    %max3A_818 = arith.constant 0.000000e+00 : f32
    %max3A_819 = vector.broadcast %max3A_818 : f32 to vector<128x64xf32>
    %max3A_820 = arith.maximumf %sub3A_817, %max3A_819 : vector<128x64xf32>
    %swap3A_821 = arith.constant 6272 : index
    %swap3A_822 = arith.constant 0 : index
    %swap3A_823 = vector.load %arg11[%swap3A_821, %swap3A_822] : memref<8192x64xf32, #tpu.memory_space<vmem>>, vector<128x64xf32>
    tpu.vector_store %arg11[%swap3A_821, %swap3A_822], %max3A_820 {strides = array<i32>} : memref<8192x64xf32, #tpu.memory_space<vmem>>, vector<128x64xf32>,
    %get3A_824 = arith.constant 50 : index
    %get3A_825 = arith.constant 0 : index
    %get3A_826 = arith.constant 0 : index
    %get3A_827 = vector.load %arg1[%get3A_824, %get3A_825, %get3A_826] : memref<64x128x128xf32, #tpu.memory_space<vmem>>, vector<1x128x128xf32>
    %get3A_828 = vector.shape_cast %get3A_827 : vector<1x128x128xf32> to vector<128x128xf32>
    %dot_general3A_829 = arith.constant dense<0.000000e+00> : vector<128x64xf32>
    %dot_general3A_830 = tpu.matmul %get3A_828, %get3A_6, %dot_general3A_829 {dimension_numbers = #tpu.dot_dimension_numbers<[1], [0], [0], [1], [0, 0, 1, 1], [], []>, transpose_lhs_hint = false} : vector<128x128xf32>, vector<128x64xf32>, vector<128x64xf32> -> vector<128x64xf32>
    %add3A_831 = vector.broadcast %get3A_27 : vector<1x64xf32> to vector<128x64xf32>
    %add3A_832 = arith.addf %dot_general3A_830, %add3A_831 : vector<128x64xf32>
    %sub3A_833 = arith.subf %add3A_832, %add3A_24 : vector<128x64xf32>
    %max3A_834 = arith.constant 0.000000e+00 : f32
    %max3A_835 = vector.broadcast %max3A_834 : f32 to vector<128x64xf32>
    %max3A_836 = arith.maximumf %sub3A_833, %max3A_835 : vector<128x64xf32>
    %swap3A_837 = arith.constant 6400 : index
    %swap3A_838 = arith.constant 0 : index
    %swap3A_839 = vector.load %arg11[%swap3A_837, %swap3A_838] : memref<8192x64xf32, #tpu.memory_space<vmem>>, vector<128x64xf32>
    tpu.vector_store %arg11[%swap3A_837, %swap3A_838], %max3A_836 {strides = array<i32>} : memref<8192x64xf32, #tpu.memory_space<vmem>>, vector<128x64xf32>,
    %get3A_840 = arith.constant 51 : index
    %get3A_841 = arith.constant 0 : index
    %get3A_842 = arith.constant 0 : index
    %get3A_843 = vector.load %arg1[%get3A_840, %get3A_841, %get3A_842] : memref<64x128x128xf32, #tpu.memory_space<vmem>>, vector<1x128x128xf32>
    %get3A_844 = vector.shape_cast %get3A_843 : vector<1x128x128xf32> to vector<128x128xf32>
    %dot_general3A_845 = arith.constant dense<0.000000e+00> : vector<128x64xf32>
    %dot_general3A_846 = tpu.matmul %get3A_844, %get3A_6, %dot_general3A_845 {dimension_numbers = #tpu.dot_dimension_numbers<[1], [0], [0], [1], [0, 0, 1, 1], [], []>, transpose_lhs_hint = false} : vector<128x128xf32>, vector<128x64xf32>, vector<128x64xf32> -> vector<128x64xf32>
    %add3A_847 = vector.broadcast %get3A_27 : vector<1x64xf32> to vector<128x64xf32>
    %add3A_848 = arith.addf %dot_general3A_846, %add3A_847 : vector<128x64xf32>
    %sub3A_849 = arith.subf %add3A_848, %add3A_24 : vector<128x64xf32>
    %max3A_850 = arith.constant 0.000000e+00 : f32
    %max3A_851 = vector.broadcast %max3A_850 : f32 to vector<128x64xf32>
    %max3A_852 = arith.maximumf %sub3A_849, %max3A_851 : vector<128x64xf32>
    %swap3A_853 = arith.constant 6528 : index
    %swap3A_854 = arith.constant 0 : index
    %swap3A_855 = vector.load %arg11[%swap3A_853, %swap3A_854] : memref<8192x64xf32, #tpu.memory_space<vmem>>, vector<128x64xf32>
    tpu.vector_store %arg11[%swap3A_853, %swap3A_854], %max3A_852 {strides = array<i32>} : memref<8192x64xf32, #tpu.memory_space<vmem>>, vector<128x64xf32>,
    %get3A_856 = arith.constant 52 : index
    %get3A_857 = arith.constant 0 : index
    %get3A_858 = arith.constant 0 : index
    %get3A_859 = vector.load %arg1[%get3A_856, %get3A_857, %get3A_858] : memref<64x128x128xf32, #tpu.memory_space<vmem>>, vector<1x128x128xf32>
    %get3A_860 = vector.shape_cast %get3A_859 : vector<1x128x128xf32> to vector<128x128xf32>
    %dot_general3A_861 = arith.constant dense<0.000000e+00> : vector<128x64xf32>
    %dot_general3A_862 = tpu.matmul %get3A_860, %get3A_6, %dot_general3A_861 {dimension_numbers = #tpu.dot_dimension_numbers<[1], [0], [0], [1], [0, 0, 1, 1], [], []>, transpose_lhs_hint = false} : vector<128x128xf32>, vector<128x64xf32>, vector<128x64xf32> -> vector<128x64xf32>
    %add3A_863 = vector.broadcast %get3A_27 : vector<1x64xf32> to vector<128x64xf32>
    %add3A_864 = arith.addf %dot_general3A_862, %add3A_863 : vector<128x64xf32>
    %sub3A_865 = arith.subf %add3A_864, %add3A_24 : vector<128x64xf32>
    %max3A_866 = arith.constant 0.000000e+00 : f32
    %max3A_867 = vector.broadcast %max3A_866 : f32 to vector<128x64xf32>
    %max3A_868 = arith.maximumf %sub3A_865, %max3A_867 : vector<128x64xf32>
    %swap3A_869 = arith.constant 6656 : index
    %swap3A_870 = arith.constant 0 : index
    %swap3A_871 = vector.load %arg11[%swap3A_869, %swap3A_870] : memref<8192x64xf32, #tpu.memory_space<vmem>>, vector<128x64xf32>
    tpu.vector_store %arg11[%swap3A_869, %swap3A_870], %max3A_868 {strides = array<i32>} : memref<8192x64xf32, #tpu.memory_space<vmem>>, vector<128x64xf32>,
    %get3A_872 = arith.constant 53 : index
    %get3A_873 = arith.constant 0 : index
    %get3A_874 = arith.constant 0 : index
    %get3A_875 = vector.load %arg1[%get3A_872, %get3A_873, %get3A_874] : memref<64x128x128xf32, #tpu.memory_space<vmem>>, vector<1x128x128xf32>
    %get3A_876 = vector.shape_cast %get3A_875 : vector<1x128x128xf32> to vector<128x128xf32>
    %dot_general3A_877 = arith.constant dense<0.000000e+00> : vector<128x64xf32>
    %dot_general3A_878 = tpu.matmul %get3A_876, %get3A_6, %dot_general3A_877 {dimension_numbers = #tpu.dot_dimension_numbers<[1], [0], [0], [1], [0, 0, 1, 1], [], []>, transpose_lhs_hint = false} : vector<128x128xf32>, vector<128x64xf32>, vector<128x64xf32> -> vector<128x64xf32>
    %add3A_879 = vector.broadcast %get3A_27 : vector<1x64xf32> to vector<128x64xf32>
    %add3A_880 = arith.addf %dot_general3A_878, %add3A_879 : vector<128x64xf32>
    %sub3A_881 = arith.subf %add3A_880, %add3A_24 : vector<128x64xf32>
    %max3A_882 = arith.constant 0.000000e+00 : f32
    %max3A_883 = vector.broadcast %max3A_882 : f32 to vector<128x64xf32>
    %max3A_884 = arith.maximumf %sub3A_881, %max3A_883 : vector<128x64xf32>
    %swap3A_885 = arith.constant 6784 : index
    %swap3A_886 = arith.constant 0 : index
    %swap3A_887 = vector.load %arg11[%swap3A_885, %swap3A_886] : memref<8192x64xf32, #tpu.memory_space<vmem>>, vector<128x64xf32>
    tpu.vector_store %arg11[%swap3A_885, %swap3A_886], %max3A_884 {strides = array<i32>} : memref<8192x64xf32, #tpu.memory_space<vmem>>, vector<128x64xf32>,
    %get3A_888 = arith.constant 54 : index
    %get3A_889 = arith.constant 0 : index
    %get3A_890 = arith.constant 0 : index
    %get3A_891 = vector.load %arg1[%get3A_888, %get3A_889, %get3A_890] : memref<64x128x128xf32, #tpu.memory_space<vmem>>, vector<1x128x128xf32>
    %get3A_892 = vector.shape_cast %get3A_891 : vector<1x128x128xf32> to vector<128x128xf32>
    %dot_general3A_893 = arith.constant dense<0.000000e+00> : vector<128x64xf32>
    %dot_general3A_894 = tpu.matmul %get3A_892, %get3A_6, %dot_general3A_893 {dimension_numbers = #tpu.dot_dimension_numbers<[1], [0], [0], [1], [0, 0, 1, 1], [], []>, transpose_lhs_hint = false} : vector<128x128xf32>, vector<128x64xf32>, vector<128x64xf32> -> vector<128x64xf32>
    %add3A_895 = vector.broadcast %get3A_27 : vector<1x64xf32> to vector<128x64xf32>
    %add3A_896 = arith.addf %dot_general3A_894, %add3A_895 : vector<128x64xf32>
    %sub3A_897 = arith.subf %add3A_896, %add3A_24 : vector<128x64xf32>
    %max3A_898 = arith.constant 0.000000e+00 : f32
    %max3A_899 = vector.broadcast %max3A_898 : f32 to vector<128x64xf32>
    %max3A_900 = arith.maximumf %sub3A_897, %max3A_899 : vector<128x64xf32>
    %swap3A_901 = arith.constant 6912 : index
    %swap3A_902 = arith.constant 0 : index
    %swap3A_903 = vector.load %arg11[%swap3A_901, %swap3A_902] : memref<8192x64xf32, #tpu.memory_space<vmem>>, vector<128x64xf32>
    tpu.vector_store %arg11[%swap3A_901, %swap3A_902], %max3A_900 {strides = array<i32>} : memref<8192x64xf32, #tpu.memory_space<vmem>>, vector<128x64xf32>,
    %get3A_904 = arith.constant 55 : index
    %get3A_905 = arith.constant 0 : index
    %get3A_906 = arith.constant 0 : index
    %get3A_907 = vector.load %arg1[%get3A_904, %get3A_905, %get3A_906] : memref<64x128x128xf32, #tpu.memory_space<vmem>>, vector<1x128x128xf32>
    %get3A_908 = vector.shape_cast %get3A_907 : vector<1x128x128xf32> to vector<128x128xf32>
    %dot_general3A_909 = arith.constant dense<0.000000e+00> : vector<128x64xf32>
    %dot_general3A_910 = tpu.matmul %get3A_908, %get3A_6, %dot_general3A_909 {dimension_numbers = #tpu.dot_dimension_numbers<[1], [0], [0], [1], [0, 0, 1, 1], [], []>, transpose_lhs_hint = false} : vector<128x128xf32>, vector<128x64xf32>, vector<128x64xf32> -> vector<128x64xf32>
    %add3A_911 = vector.broadcast %get3A_27 : vector<1x64xf32> to vector<128x64xf32>
    %add3A_912 = arith.addf %dot_general3A_910, %add3A_911 : vector<128x64xf32>
    %sub3A_913 = arith.subf %add3A_912, %add3A_24 : vector<128x64xf32>
    %max3A_914 = arith.constant 0.000000e+00 : f32
    %max3A_915 = vector.broadcast %max3A_914 : f32 to vector<128x64xf32>
    %max3A_916 = arith.maximumf %sub3A_913, %max3A_915 : vector<128x64xf32>
    %swap3A_917 = arith.constant 7040 : index
    %swap3A_918 = arith.constant 0 : index
    %swap3A_919 = vector.load %arg11[%swap3A_917, %swap3A_918] : memref<8192x64xf32, #tpu.memory_space<vmem>>, vector<128x64xf32>
    tpu.vector_store %arg11[%swap3A_917, %swap3A_918], %max3A_916 {strides = array<i32>} : memref<8192x64xf32, #tpu.memory_space<vmem>>, vector<128x64xf32>,
    %get3A_920 = arith.constant 56 : index
    %get3A_921 = arith.constant 0 : index
    %get3A_922 = arith.constant 0 : index
    %get3A_923 = vector.load %arg1[%get3A_920, %get3A_921, %get3A_922] : memref<64x128x128xf32, #tpu.memory_space<vmem>>, vector<1x128x128xf32>
    %get3A_924 = vector.shape_cast %get3A_923 : vector<1x128x128xf32> to vector<128x128xf32>
    %dot_general3A_925 = arith.constant dense<0.000000e+00> : vector<128x64xf32>
    %dot_general3A_926 = tpu.matmul %get3A_924, %get3A_6, %dot_general3A_925 {dimension_numbers = #tpu.dot_dimension_numbers<[1], [0], [0], [1], [0, 0, 1, 1], [], []>, transpose_lhs_hint = false} : vector<128x128xf32>, vector<128x64xf32>, vector<128x64xf32> -> vector<128x64xf32>
    %add3A_927 = vector.broadcast %get3A_27 : vector<1x64xf32> to vector<128x64xf32>
    %add3A_928 = arith.addf %dot_general3A_926, %add3A_927 : vector<128x64xf32>
    %sub3A_929 = arith.subf %add3A_928, %add3A_24 : vector<128x64xf32>
    %max3A_930 = arith.constant 0.000000e+00 : f32
    %max3A_931 = vector.broadcast %max3A_930 : f32 to vector<128x64xf32>
    %max3A_932 = arith.maximumf %sub3A_929, %max3A_931 : vector<128x64xf32>
    %swap3A_933 = arith.constant 7168 : index
    %swap3A_934 = arith.constant 0 : index
    %swap3A_935 = vector.load %arg11[%swap3A_933, %swap3A_934] : memref<8192x64xf32, #tpu.memory_space<vmem>>, vector<128x64xf32>
    tpu.vector_store %arg11[%swap3A_933, %swap3A_934], %max3A_932 {strides = array<i32>} : memref<8192x64xf32, #tpu.memory_space<vmem>>, vector<128x64xf32>,
    %get3A_936 = arith.constant 57 : index
    %get3A_937 = arith.constant 0 : index
    %get3A_938 = arith.constant 0 : index
    %get3A_939 = vector.load %arg1[%get3A_936, %get3A_937, %get3A_938] : memref<64x128x128xf32, #tpu.memory_space<vmem>>, vector<1x128x128xf32>
    %get3A_940 = vector.shape_cast %get3A_939 : vector<1x128x128xf32> to vector<128x128xf32>
    %dot_general3A_941 = arith.constant dense<0.000000e+00> : vector<128x64xf32>
    %dot_general3A_942 = tpu.matmul %get3A_940, %get3A_6, %dot_general3A_941 {dimension_numbers = #tpu.dot_dimension_numbers<[1], [0], [0], [1], [0, 0, 1, 1], [], []>, transpose_lhs_hint = false} : vector<128x128xf32>, vector<128x64xf32>, vector<128x64xf32> -> vector<128x64xf32>
    %add3A_943 = vector.broadcast %get3A_27 : vector<1x64xf32> to vector<128x64xf32>
    %add3A_944 = arith.addf %dot_general3A_942, %add3A_943 : vector<128x64xf32>
    %sub3A_945 = arith.subf %add3A_944, %add3A_24 : vector<128x64xf32>
    %max3A_946 = arith.constant 0.000000e+00 : f32
    %max3A_947 = vector.broadcast %max3A_946 : f32 to vector<128x64xf32>
    %max3A_948 = arith.maximumf %sub3A_945, %max3A_947 : vector<128x64xf32>
    %swap3A_949 = arith.constant 7296 : index
    %swap3A_950 = arith.constant 0 : index
    %swap3A_951 = vector.load %arg11[%swap3A_949, %swap3A_950] : memref<8192x64xf32, #tpu.memory_space<vmem>>, vector<128x64xf32>
    tpu.vector_store %arg11[%swap3A_949, %swap3A_950], %max3A_948 {strides = array<i32>} : memref<8192x64xf32, #tpu.memory_space<vmem>>, vector<128x64xf32>,
    %get3A_952 = arith.constant 58 : index
    %get3A_953 = arith.constant 0 : index
    %get3A_954 = arith.constant 0 : index
    %get3A_955 = vector.load %arg1[%get3A_952, %get3A_953, %get3A_954] : memref<64x128x128xf32, #tpu.memory_space<vmem>>, vector<1x128x128xf32>
    %get3A_956 = vector.shape_cast %get3A_955 : vector<1x128x128xf32> to vector<128x128xf32>
    %dot_general3A_957 = arith.constant dense<0.000000e+00> : vector<128x64xf32>
    %dot_general3A_958 = tpu.matmul %get3A_956, %get3A_6, %dot_general3A_957 {dimension_numbers = #tpu.dot_dimension_numbers<[1], [0], [0], [1], [0, 0, 1, 1], [], []>, transpose_lhs_hint = false} : vector<128x128xf32>, vector<128x64xf32>, vector<128x64xf32> -> vector<128x64xf32>
    %add3A_959 = vector.broadcast %get3A_27 : vector<1x64xf32> to vector<128x64xf32>
    %add3A_960 = arith.addf %dot_general3A_958, %add3A_959 : vector<128x64xf32>
    %sub3A_961 = arith.subf %add3A_960, %add3A_24 : vector<128x64xf32>
    %max3A_962 = arith.constant 0.000000e+00 : f32
    %max3A_963 = vector.broadcast %max3A_962 : f32 to vector<128x64xf32>
    %max3A_964 = arith.maximumf %sub3A_961, %max3A_963 : vector<128x64xf32>
    %swap3A_965 = arith.constant 7424 : index
    %swap3A_966 = arith.constant 0 : index
    %swap3A_967 = vector.load %arg11[%swap3A_965, %swap3A_966] : memref<8192x64xf32, #tpu.memory_space<vmem>>, vector<128x64xf32>
    tpu.vector_store %arg11[%swap3A_965, %swap3A_966], %max3A_964 {strides = array<i32>} : memref<8192x64xf32, #tpu.memory_space<vmem>>, vector<128x64xf32>,
    %get3A_968 = arith.constant 59 : index
    %get3A_969 = arith.constant 0 : index
    %get3A_970 = arith.constant 0 : index
    %get3A_971 = vector.load %arg1[%get3A_968, %get3A_969, %get3A_970] : memref<64x128x128xf32, #tpu.memory_space<vmem>>, vector<1x128x128xf32>
    %get3A_972 = vector.shape_cast %get3A_971 : vector<1x128x128xf32> to vector<128x128xf32>
    %dot_general3A_973 = arith.constant dense<0.000000e+00> : vector<128x64xf32>
    %dot_general3A_974 = tpu.matmul %get3A_972, %get3A_6, %dot_general3A_973 {dimension_numbers = #tpu.dot_dimension_numbers<[1], [0], [0], [1], [0, 0, 1, 1], [], []>, transpose_lhs_hint = false} : vector<128x128xf32>, vector<128x64xf32>, vector<128x64xf32> -> vector<128x64xf32>
    %add3A_975 = vector.broadcast %get3A_27 : vector<1x64xf32> to vector<128x64xf32>
    %add3A_976 = arith.addf %dot_general3A_974, %add3A_975 : vector<128x64xf32>
    %sub3A_977 = arith.subf %add3A_976, %add3A_24 : vector<128x64xf32>
    %max3A_978 = arith.constant 0.000000e+00 : f32
    %max3A_979 = vector.broadcast %max3A_978 : f32 to vector<128x64xf32>
    %max3A_980 = arith.maximumf %sub3A_977, %max3A_979 : vector<128x64xf32>
    %swap3A_981 = arith.constant 7552 : index
    %swap3A_982 = arith.constant 0 : index
    %swap3A_983 = vector.load %arg11[%swap3A_981, %swap3A_982] : memref<8192x64xf32, #tpu.memory_space<vmem>>, vector<128x64xf32>
    tpu.vector_store %arg11[%swap3A_981, %swap3A_982], %max3A_980 {strides = array<i32>} : memref<8192x64xf32, #tpu.memory_space<vmem>>, vector<128x64xf32>,
    %get3A_984 = arith.constant 60 : index
    %get3A_985 = arith.constant 0 : index
    %get3A_986 = arith.constant 0 : index
    %get3A_987 = vector.load %arg1[%get3A_984, %get3A_985, %get3A_986] : memref<64x128x128xf32, #tpu.memory_space<vmem>>, vector<1x128x128xf32>
    %get3A_988 = vector.shape_cast %get3A_987 : vector<1x128x128xf32> to vector<128x128xf32>
    %dot_general3A_989 = arith.constant dense<0.000000e+00> : vector<128x64xf32>
    %dot_general3A_990 = tpu.matmul %get3A_988, %get3A_6, %dot_general3A_989 {dimension_numbers = #tpu.dot_dimension_numbers<[1], [0], [0], [1], [0, 0, 1, 1], [], []>, transpose_lhs_hint = false} : vector<128x128xf32>, vector<128x64xf32>, vector<128x64xf32> -> vector<128x64xf32>
    %add3A_991 = vector.broadcast %get3A_27 : vector<1x64xf32> to vector<128x64xf32>
    %add3A_992 = arith.addf %dot_general3A_990, %add3A_991 : vector<128x64xf32>
    %sub3A_993 = arith.subf %add3A_992, %add3A_24 : vector<128x64xf32>
    %max3A_994 = arith.constant 0.000000e+00 : f32
    %max3A_995 = vector.broadcast %max3A_994 : f32 to vector<128x64xf32>
    %max3A_996 = arith.maximumf %sub3A_993, %max3A_995 : vector<128x64xf32>
    %swap3A_997 = arith.constant 7680 : index
    %swap3A_998 = arith.constant 0 : index
    %swap3A_999 = vector.load %arg11[%swap3A_997, %swap3A_998] : memref<8192x64xf32, #tpu.memory_space<vmem>>, vector<128x64xf32>
    tpu.vector_store %arg11[%swap3A_997, %swap3A_998], %max3A_996 {strides = array<i32>} : memref<8192x64xf32, #tpu.memory_space<vmem>>, vector<128x64xf32>,
    %get3A_1000 = arith.constant 61 : index
    %get3A_1001 = arith.constant 0 : index
    %get3A_1002 = arith.constant 0 : index
    %get3A_1003 = vector.load %arg1[%get3A_1000, %get3A_1001, %get3A_1002] : memref<64x128x128xf32, #tpu.memory_space<vmem>>, vector<1x128x128xf32>
    %get3A_1004 = vector.shape_cast %get3A_1003 : vector<1x128x128xf32> to vector<128x128xf32>
    %dot_general3A_1005 = arith.constant dense<0.000000e+00> : vector<128x64xf32>
    %dot_general3A_1006 = tpu.matmul %get3A_1004, %get3A_6, %dot_general3A_1005 {dimension_numbers = #tpu.dot_dimension_numbers<[1], [0], [0], [1], [0, 0, 1, 1], [], []>, transpose_lhs_hint = false} : vector<128x128xf32>, vector<128x64xf32>, vector<128x64xf32> -> vector<128x64xf32>
    %add3A_1007 = vector.broadcast %get3A_27 : vector<1x64xf32> to vector<128x64xf32>
    %add3A_1008 = arith.addf %dot_general3A_1006, %add3A_1007 : vector<128x64xf32>
    %sub3A_1009 = arith.subf %add3A_1008, %add3A_24 : vector<128x64xf32>
    %max3A_1010 = arith.constant 0.000000e+00 : f32
    %max3A_1011 = vector.broadcast %max3A_1010 : f32 to vector<128x64xf32>
    %max3A_1012 = arith.maximumf %sub3A_1009, %max3A_1011 : vector<128x64xf32>
    %swap3A_1013 = arith.constant 7808 : index
    %swap3A_1014 = arith.constant 0 : index
    %swap3A_1015 = vector.load %arg11[%swap3A_1013, %swap3A_1014] : memref<8192x64xf32, #tpu.memory_space<vmem>>, vector<128x64xf32>
    tpu.vector_store %arg11[%swap3A_1013, %swap3A_1014], %max3A_1012 {strides = array<i32>} : memref<8192x64xf32, #tpu.memory_space<vmem>>, vector<128x64xf32>,
    %get3A_1016 = arith.constant 62 : index
    %get3A_1017 = arith.constant 0 : index
    %get3A_1018 = arith.constant 0 : index
    %get3A_1019 = vector.load %arg1[%get3A_1016, %get3A_1017, %get3A_1018] : memref<64x128x128xf32, #tpu.memory_space<vmem>>, vector<1x128x128xf32>
    %get3A_1020 = vector.shape_cast %get3A_1019 : vector<1x128x128xf32> to vector<128x128xf32>
    %dot_general3A_1021 = arith.constant dense<0.000000e+00> : vector<128x64xf32>
    %dot_general3A_1022 = tpu.matmul %get3A_1020, %get3A_6, %dot_general3A_1021 {dimension_numbers = #tpu.dot_dimension_numbers<[1], [0], [0], [1], [0, 0, 1, 1], [], []>, transpose_lhs_hint = false} : vector<128x128xf32>, vector<128x64xf32>, vector<128x64xf32> -> vector<128x64xf32>
    %add3A_1023 = vector.broadcast %get3A_27 : vector<1x64xf32> to vector<128x64xf32>
    %add3A_1024 = arith.addf %dot_general3A_1022, %add3A_1023 : vector<128x64xf32>
    %sub3A_1025 = arith.subf %add3A_1024, %add3A_24 : vector<128x64xf32>
    %max3A_1026 = arith.constant 0.000000e+00 : f32
    %max3A_1027 = vector.broadcast %max3A_1026 : f32 to vector<128x64xf32>
    %max3A_1028 = arith.maximumf %sub3A_1025, %max3A_1027 : vector<128x64xf32>
    %swap3A_1029 = arith.constant 7936 : index
    %swap3A_1030 = arith.constant 0 : index
    %swap3A_1031 = vector.load %arg11[%swap3A_1029, %swap3A_1030] : memref<8192x64xf32, #tpu.memory_space<vmem>>, vector<128x64xf32>
    tpu.vector_store %arg11[%swap3A_1029, %swap3A_1030], %max3A_1028 {strides = array<i32>} : memref<8192x64xf32, #tpu.memory_space<vmem>>, vector<128x64xf32>,
    %get3A_1032 = arith.constant 63 : index
    %get3A_1033 = arith.constant 0 : index
    %get3A_1034 = arith.constant 0 : index
    %get3A_1035 = vector.load %arg1[%get3A_1032, %get3A_1033, %get3A_1034] : memref<64x128x128xf32, #tpu.memory_space<vmem>>, vector<1x128x128xf32>
    %get3A_1036 = vector.shape_cast %get3A_1035 : vector<1x128x128xf32> to vector<128x128xf32>
    %dot_general3A_1037 = arith.constant dense<0.000000e+00> : vector<128x64xf32>
    %dot_general3A_1038 = tpu.matmul %get3A_1036, %get3A_6, %dot_general3A_1037 {dimension_numbers = #tpu.dot_dimension_numbers<[1], [0], [0], [1], [0, 0, 1, 1], [], []>, transpose_lhs_hint = false} : vector<128x128xf32>, vector<128x64xf32>, vector<128x64xf32> -> vector<128x64xf32>
    %add3A_1039 = vector.broadcast %get3A_27 : vector<1x64xf32> to vector<128x64xf32>
    %add3A_1040 = arith.addf %dot_general3A_1038, %add3A_1039 : vector<128x64xf32>
    %sub3A_1041 = arith.subf %add3A_1040, %add3A_24 : vector<128x64xf32>
    %max3A_1042 = arith.constant 0.000000e+00 : f32
    %max3A_1043 = vector.broadcast %max3A_1042 : f32 to vector<128x64xf32>
    %max3A_1044 = arith.maximumf %sub3A_1041, %max3A_1043 : vector<128x64xf32>
    %swap3A_1045 = arith.constant 8064 : index
    %swap3A_1046 = arith.constant 0 : index
    %swap3A_1047 = vector.load %arg11[%swap3A_1045, %swap3A_1046] : memref<8192x64xf32, #tpu.memory_space<vmem>>, vector<128x64xf32>
    tpu.vector_store %arg11[%swap3A_1045, %swap3A_1046], %max3A_1044 {strides = array<i32>} : memref<8192x64xf32, #tpu.memory_space<vmem>>, vector<128x64xf32>,
    %get3A_1048 = arith.constant 0 : index
    %get3A_1049 = arith.constant 0 : index
    %get3A_1050 = vector.load %arg11[%get3A_1048, %get3A_1049] : memref<8192x64xf32, #tpu.memory_space<vmem>>, vector<8192x64xf32>
    %get3A_1051 = arith.constant 0 : index
    %get3A_1052 = arith.constant 0 : index
    %get3A_1053 = vector.load %arg6[%get3A_1051, %get3A_1052] : memref<64x64xf32, #tpu.memory_space<vmem>>, vector<64x64xf32>
    %dot_general3A_1054 = arith.constant dense<0.000000e+00> : vector<8192x64xf32>
    %dot_general3A_1055 = tpu.matmul %get3A_1050, %get3A_1053, %dot_general3A_1054 {dimension_numbers = #tpu.dot_dimension_numbers<[1], [0], [0], [1], [0, 0, 1, 1], [], []>, transpose_lhs_hint = false} : vector<8192x64xf32>, vector<64x64xf32>, vector<8192x64xf32> -> vector<8192x64xf32>
    %get3A_1056 = arith.constant 0 : index
    %get3A_1057 = arith.constant 0 : index
    %get3A_1058 = vector.load %arg7[%get3A_1056, %get3A_1057] : memref<1x64xf32, #tpu.memory_space<vmem>>, vector<1x64xf32>
    %add3A_1059 = vector.broadcast %get3A_1058 : vector<1x64xf32> to vector<8192x64xf32>
    %add3A_1060 = arith.addf %dot_general3A_1055, %add3A_1059 : vector<8192x64xf32>
    %max3A_1061 = arith.constant 0.000000e+00 : f32
    %max3A_1062 = vector.broadcast %max3A_1061 : f32 to vector<8192x64xf32>
    %max3A_1063 = arith.maximumf %add3A_1060, %max3A_1062 : vector<8192x64xf32>
    %get3A_1064 = arith.constant 0 : index
    %get3A_1065 = arith.constant 0 : index
    %get3A_1066 = vector.load %arg8[%get3A_1064, %get3A_1065] : memref<64x128xf32, #tpu.memory_space<vmem>>, vector<64x128xf32>
    %dot_general3A_1067 = arith.constant dense<0.000000e+00> : vector<8192x128xf32>
    %dot_general3A_1068 = tpu.matmul %max3A_1063, %get3A_1066, %dot_general3A_1067 {dimension_numbers = #tpu.dot_dimension_numbers<[1], [0], [0], [1], [0, 0, 1, 1], [], []>, transpose_lhs_hint = false} : vector<8192x64xf32>, vector<64x128xf32>, vector<8192x128xf32> -> vector<8192x128xf32>
    %get3A_1069 = arith.constant 0 : index
    %get3A_1070 = arith.constant 0 : index
    %get3A_1071 = vector.load %arg9[%get3A_1069, %get3A_1070] : memref<1x128xf32, #tpu.memory_space<vmem>>, vector<1x128xf32>
    %add3A_1072 = vector.broadcast %get3A_1071 : vector<1x128xf32> to vector<8192x128xf32>
    %add3A_1073 = arith.addf %dot_general3A_1068, %add3A_1072 : vector<8192x128xf32>
    %max3A_1074 = arith.constant 0.000000e+00 : f32
    %max3A_1075 = vector.broadcast %max3A_1074 : f32 to vector<8192x128xf32>
    %max3A_1076 = arith.maximumf %add3A_1073, %max3A_1075 : vector<8192x128xf32>
    %broadcast_in_dim3A = arith.constant -1.000000e+00 : f32
    %broadcast_in_dim3A_1077 = vector.broadcast %broadcast_in_dim3A : f32 to vector<128x128xf32>
    %get3A_1078 = arith.constant 0 : index
    %get3A_1079 = arith.constant 0 : index
    %get3A_1080 = vector.load %arg3[%get3A_1078, %get3A_1079] : memref<128x64xf32, #tpu.memory_space<vmem>>, vector<128x1xf32>
    %le3A = arith.constant 6.400000e-01 : f32
    %le3A_1081 = vector.broadcast %le3A : f32 to vector<128x1xf32>
    %le3A_1082 = arith.cmpf ole, %get3A_1080, %le3A_1081 : vector<128x1xf32>
    %slice3A_1083 = vector.extract_strided_slice %max3A_1076 {offsets = [0, 0], sizes = [128, 128], strides = [1, 1]} : vector<8192x128xf32> to vector<128x128xf32>
    %jit3A = arith.constant -1.000000e+00 : f32
    %broadcast_in_dim3A_1084 = vector.shape_cast %le3A_1082 : vector<128x1xi1> to vector<128x1xi1>
    %broadcast_in_dim3A_1085 = vector.broadcast %broadcast_in_dim3A_1084 : vector<128x1xi1> to vector<128x128xi1>
    %broadcast_in_dim3A_1086 = vector.broadcast %jit3A : f32 to vector<128x128xf32>
    %select_n3A = arith.select %broadcast_in_dim3A_1085, %slice3A_1083, %broadcast_in_dim3A_1086 : vector<128x128xi1>, vector<128x128xf32>
    %max3A_1087 = arith.maximumf %broadcast_in_dim3A_1077, %select_n3A : vector<128x128xf32>
    %get3A_1088 = arith.constant 0 : index
    %get3A_1089 = arith.constant 1 : index
    %get3A_1090 = vector.load %arg3[%get3A_1088, %get3A_1089] : memref<128x64xf32, #tpu.memory_space<vmem>>, vector<128x1xf32>
    %le3A_1091 = arith.constant 6.400000e-01 : f32
    %le3A_1092 = vector.broadcast %le3A_1091 : f32 to vector<128x1xf32>
    %le3A_1093 = arith.cmpf ole, %get3A_1090, %le3A_1092 : vector<128x1xf32>
    %slice3A_1094 = vector.extract_strided_slice %max3A_1076 {offsets = [128, 0], sizes = [128, 128], strides = [1, 1]} : vector<8192x128xf32> to vector<128x128xf32>
    %jit3A_1095 = arith.constant -1.000000e+00 : f32
    %broadcast_in_dim3A_1096 = vector.shape_cast %le3A_1093 : vector<128x1xi1> to vector<128x1xi1>
    %broadcast_in_dim3A_1097 = vector.broadcast %broadcast_in_dim3A_1096 : vector<128x1xi1> to vector<128x128xi1>
    %broadcast_in_dim3A_1098 = vector.broadcast %jit3A_1095 : f32 to vector<128x128xf32>
    %select_n3A_1099 = arith.select %broadcast_in_dim3A_1097, %slice3A_1094, %broadcast_in_dim3A_1098 : vector<128x128xi1>, vector<128x128xf32>
    %max3A_1100 = arith.maximumf %max3A_1087, %select_n3A_1099 : vector<128x128xf32>
    %get3A_1101 = arith.constant 0 : index
    %get3A_1102 = arith.constant 2 : index
    %get3A_1103 = vector.load %arg3[%get3A_1101, %get3A_1102] : memref<128x64xf32, #tpu.memory_space<vmem>>, vector<128x1xf32>
    %le3A_1104 = arith.constant 6.400000e-01 : f32
    %le3A_1105 = vector.broadcast %le3A_1104 : f32 to vector<128x1xf32>
    %le3A_1106 = arith.cmpf ole, %get3A_1103, %le3A_1105 : vector<128x1xf32>
    %slice3A_1107 = vector.extract_strided_slice %max3A_1076 {offsets = [256, 0], sizes = [128, 128], strides = [1, 1]} : vector<8192x128xf32> to vector<128x128xf32>
    %jit3A_1108 = arith.constant -1.000000e+00 : f32
    %broadcast_in_dim3A_1109 = vector.shape_cast %le3A_1106 : vector<128x1xi1> to vector<128x1xi1>
    %broadcast_in_dim3A_1110 = vector.broadcast %broadcast_in_dim3A_1109 : vector<128x1xi1> to vector<128x128xi1>
    %broadcast_in_dim3A_1111 = vector.broadcast %jit3A_1108 : f32 to vector<128x128xf32>
    %select_n3A_1112 = arith.select %broadcast_in_dim3A_1110, %slice3A_1107, %broadcast_in_dim3A_1111 : vector<128x128xi1>, vector<128x128xf32>
    %max3A_1113 = arith.maximumf %max3A_1100, %select_n3A_1112 : vector<128x128xf32>
    %get3A_1114 = arith.constant 0 : index
    %get3A_1115 = arith.constant 3 : index
    %get3A_1116 = vector.load %arg3[%get3A_1114, %get3A_1115] : memref<128x64xf32, #tpu.memory_space<vmem>>, vector<128x1xf32>
    %le3A_1117 = arith.constant 6.400000e-01 : f32
    %le3A_1118 = vector.broadcast %le3A_1117 : f32 to vector<128x1xf32>
    %le3A_1119 = arith.cmpf ole, %get3A_1116, %le3A_1118 : vector<128x1xf32>
    %slice3A_1120 = vector.extract_strided_slice %max3A_1076 {offsets = [384, 0], sizes = [128, 128], strides = [1, 1]} : vector<8192x128xf32> to vector<128x128xf32>
    %jit3A_1121 = arith.constant -1.000000e+00 : f32
    %broadcast_in_dim3A_1122 = vector.shape_cast %le3A_1119 : vector<128x1xi1> to vector<128x1xi1>
    %broadcast_in_dim3A_1123 = vector.broadcast %broadcast_in_dim3A_1122 : vector<128x1xi1> to vector<128x128xi1>
    %broadcast_in_dim3A_1124 = vector.broadcast %jit3A_1121 : f32 to vector<128x128xf32>
    %select_n3A_1125 = arith.select %broadcast_in_dim3A_1123, %slice3A_1120, %broadcast_in_dim3A_1124 : vector<128x128xi1>, vector<128x128xf32>
    %max3A_1126 = arith.maximumf %max3A_1113, %select_n3A_1125 : vector<128x128xf32>
    %get3A_1127 = arith.constant 0 : index
    %get3A_1128 = arith.constant 4 : index
    %get3A_1129 = vector.load %arg3[%get3A_1127, %get3A_1128] : memref<128x64xf32, #tpu.memory_space<vmem>>, vector<128x1xf32>
    %le3A_1130 = arith.constant 6.400000e-01 : f32
    %le3A_1131 = vector.broadcast %le3A_1130 : f32 to vector<128x1xf32>
    %le3A_1132 = arith.cmpf ole, %get3A_1129, %le3A_1131 : vector<128x1xf32>
    %slice3A_1133 = vector.extract_strided_slice %max3A_1076 {offsets = [512, 0], sizes = [128, 128], strides = [1, 1]} : vector<8192x128xf32> to vector<128x128xf32>
    %jit3A_1134 = arith.constant -1.000000e+00 : f32
    %broadcast_in_dim3A_1135 = vector.shape_cast %le3A_1132 : vector<128x1xi1> to vector<128x1xi1>
    %broadcast_in_dim3A_1136 = vector.broadcast %broadcast_in_dim3A_1135 : vector<128x1xi1> to vector<128x128xi1>
    %broadcast_in_dim3A_1137 = vector.broadcast %jit3A_1134 : f32 to vector<128x128xf32>
    %select_n3A_1138 = arith.select %broadcast_in_dim3A_1136, %slice3A_1133, %broadcast_in_dim3A_1137 : vector<128x128xi1>, vector<128x128xf32>
    %max3A_1139 = arith.maximumf %max3A_1126, %select_n3A_1138 : vector<128x128xf32>
    %get3A_1140 = arith.constant 0 : index
    %get3A_1141 = arith.constant 5 : index
    %get3A_1142 = vector.load %arg3[%get3A_1140, %get3A_1141] : memref<128x64xf32, #tpu.memory_space<vmem>>, vector<128x1xf32>
    %le3A_1143 = arith.constant 6.400000e-01 : f32
    %le3A_1144 = vector.broadcast %le3A_1143 : f32 to vector<128x1xf32>
    %le3A_1145 = arith.cmpf ole, %get3A_1142, %le3A_1144 : vector<128x1xf32>
    %slice3A_1146 = vector.extract_strided_slice %max3A_1076 {offsets = [640, 0], sizes = [128, 128], strides = [1, 1]} : vector<8192x128xf32> to vector<128x128xf32>
    %jit3A_1147 = arith.constant -1.000000e+00 : f32
    %broadcast_in_dim3A_1148 = vector.shape_cast %le3A_1145 : vector<128x1xi1> to vector<128x1xi1>
    %broadcast_in_dim3A_1149 = vector.broadcast %broadcast_in_dim3A_1148 : vector<128x1xi1> to vector<128x128xi1>
    %broadcast_in_dim3A_1150 = vector.broadcast %jit3A_1147 : f32 to vector<128x128xf32>
    %select_n3A_1151 = arith.select %broadcast_in_dim3A_1149, %slice3A_1146, %broadcast_in_dim3A_1150 : vector<128x128xi1>, vector<128x128xf32>
    %max3A_1152 = arith.maximumf %max3A_1139, %select_n3A_1151 : vector<128x128xf32>
    %get3A_1153 = arith.constant 0 : index
    %get3A_1154 = arith.constant 6 : index
    %get3A_1155 = vector.load %arg3[%get3A_1153, %get3A_1154] : memref<128x64xf32, #tpu.memory_space<vmem>>, vector<128x1xf32>
    %le3A_1156 = arith.constant 6.400000e-01 : f32
    %le3A_1157 = vector.broadcast %le3A_1156 : f32 to vector<128x1xf32>
    %le3A_1158 = arith.cmpf ole, %get3A_1155, %le3A_1157 : vector<128x1xf32>
    %slice3A_1159 = vector.extract_strided_slice %max3A_1076 {offsets = [768, 0], sizes = [128, 128], strides = [1, 1]} : vector<8192x128xf32> to vector<128x128xf32>
    %jit3A_1160 = arith.constant -1.000000e+00 : f32
    %broadcast_in_dim3A_1161 = vector.shape_cast %le3A_1158 : vector<128x1xi1> to vector<128x1xi1>
    %broadcast_in_dim3A_1162 = vector.broadcast %broadcast_in_dim3A_1161 : vector<128x1xi1> to vector<128x128xi1>
    %broadcast_in_dim3A_1163 = vector.broadcast %jit3A_1160 : f32 to vector<128x128xf32>
    %select_n3A_1164 = arith.select %broadcast_in_dim3A_1162, %slice3A_1159, %broadcast_in_dim3A_1163 : vector<128x128xi1>, vector<128x128xf32>
    %max3A_1165 = arith.maximumf %max3A_1152, %select_n3A_1164 : vector<128x128xf32>
    %get3A_1166 = arith.constant 0 : index
    %get3A_1167 = arith.constant 7 : index
    %get3A_1168 = vector.load %arg3[%get3A_1166, %get3A_1167] : memref<128x64xf32, #tpu.memory_space<vmem>>, vector<128x1xf32>
    %le3A_1169 = arith.constant 6.400000e-01 : f32
    %le3A_1170 = vector.broadcast %le3A_1169 : f32 to vector<128x1xf32>
    %le3A_1171 = arith.cmpf ole, %get3A_1168, %le3A_1170 : vector<128x1xf32>
    %slice3A_1172 = vector.extract_strided_slice %max3A_1076 {offsets = [896, 0], sizes = [128, 128], strides = [1, 1]} : vector<8192x128xf32> to vector<128x128xf32>
    %jit3A_1173 = arith.constant -1.000000e+00 : f32
    %broadcast_in_dim3A_1174 = vector.shape_cast %le3A_1171 : vector<128x1xi1> to vector<128x1xi1>
    %broadcast_in_dim3A_1175 = vector.broadcast %broadcast_in_dim3A_1174 : vector<128x1xi1> to vector<128x128xi1>
    %broadcast_in_dim3A_1176 = vector.broadcast %jit3A_1173 : f32 to vector<128x128xf32>
    %select_n3A_1177 = arith.select %broadcast_in_dim3A_1175, %slice3A_1172, %broadcast_in_dim3A_1176 : vector<128x128xi1>, vector<128x128xf32>
    %max3A_1178 = arith.maximumf %max3A_1165, %select_n3A_1177 : vector<128x128xf32>
    %get3A_1179 = arith.constant 0 : index
    %get3A_1180 = arith.constant 8 : index
    %get3A_1181 = vector.load %arg3[%get3A_1179, %get3A_1180] : memref<128x64xf32, #tpu.memory_space<vmem>>, vector<128x1xf32>
    %le3A_1182 = arith.constant 6.400000e-01 : f32
    %le3A_1183 = vector.broadcast %le3A_1182 : f32 to vector<128x1xf32>
    %le3A_1184 = arith.cmpf ole, %get3A_1181, %le3A_1183 : vector<128x1xf32>
    %slice3A_1185 = vector.extract_strided_slice %max3A_1076 {offsets = [1024, 0], sizes = [128, 128], strides = [1, 1]} : vector<8192x128xf32> to vector<128x128xf32>
    %jit3A_1186 = arith.constant -1.000000e+00 : f32
    %broadcast_in_dim3A_1187 = vector.shape_cast %le3A_1184 : vector<128x1xi1> to vector<128x1xi1>
    %broadcast_in_dim3A_1188 = vector.broadcast %broadcast_in_dim3A_1187 : vector<128x1xi1> to vector<128x128xi1>
    %broadcast_in_dim3A_1189 = vector.broadcast %jit3A_1186 : f32 to vector<128x128xf32>
    %select_n3A_1190 = arith.select %broadcast_in_dim3A_1188, %slice3A_1185, %broadcast_in_dim3A_1189 : vector<128x128xi1>, vector<128x128xf32>
    %max3A_1191 = arith.maximumf %max3A_1178, %select_n3A_1190 : vector<128x128xf32>
    %get3A_1192 = arith.constant 0 : index
    %get3A_1193 = arith.constant 9 : index
    %get3A_1194 = vector.load %arg3[%get3A_1192, %get3A_1193] : memref<128x64xf32, #tpu.memory_space<vmem>>, vector<128x1xf32>
    %le3A_1195 = arith.constant 6.400000e-01 : f32
    %le3A_1196 = vector.broadcast %le3A_1195 : f32 to vector<128x1xf32>
    %le3A_1197 = arith.cmpf ole, %get3A_1194, %le3A_1196 : vector<128x1xf32>
    %slice3A_1198 = vector.extract_strided_slice %max3A_1076 {offsets = [1152, 0], sizes = [128, 128], strides = [1, 1]} : vector<8192x128xf32> to vector<128x128xf32>
    %jit3A_1199 = arith.constant -1.000000e+00 : f32
    %broadcast_in_dim3A_1200 = vector.shape_cast %le3A_1197 : vector<128x1xi1> to vector<128x1xi1>
    %broadcast_in_dim3A_1201 = vector.broadcast %broadcast_in_dim3A_1200 : vector<128x1xi1> to vector<128x128xi1>
    %broadcast_in_dim3A_1202 = vector.broadcast %jit3A_1199 : f32 to vector<128x128xf32>
    %select_n3A_1203 = arith.select %broadcast_in_dim3A_1201, %slice3A_1198, %broadcast_in_dim3A_1202 : vector<128x128xi1>, vector<128x128xf32>
    %max3A_1204 = arith.maximumf %max3A_1191, %select_n3A_1203 : vector<128x128xf32>
    %get3A_1205 = arith.constant 0 : index
    %get3A_1206 = arith.constant 10 : index
    %get3A_1207 = vector.load %arg3[%get3A_1205, %get3A_1206] : memref<128x64xf32, #tpu.memory_space<vmem>>, vector<128x1xf32>
    %le3A_1208 = arith.constant 6.400000e-01 : f32
    %le3A_1209 = vector.broadcast %le3A_1208 : f32 to vector<128x1xf32>
    %le3A_1210 = arith.cmpf ole, %get3A_1207, %le3A_1209 : vector<128x1xf32>
    %slice3A_1211 = vector.extract_strided_slice %max3A_1076 {offsets = [1280, 0], sizes = [128, 128], strides = [1, 1]} : vector<8192x128xf32> to vector<128x128xf32>
    %jit3A_1212 = arith.constant -1.000000e+00 : f32
    %broadcast_in_dim3A_1213 = vector.shape_cast %le3A_1210 : vector<128x1xi1> to vector<128x1xi1>
    %broadcast_in_dim3A_1214 = vector.broadcast %broadcast_in_dim3A_1213 : vector<128x1xi1> to vector<128x128xi1>
    %broadcast_in_dim3A_1215 = vector.broadcast %jit3A_1212 : f32 to vector<128x128xf32>
    %select_n3A_1216 = arith.select %broadcast_in_dim3A_1214, %slice3A_1211, %broadcast_in_dim3A_1215 : vector<128x128xi1>, vector<128x128xf32>
    %max3A_1217 = arith.maximumf %max3A_1204, %select_n3A_1216 : vector<128x128xf32>
    %get3A_1218 = arith.constant 0 : index
    %get3A_1219 = arith.constant 11 : index
    %get3A_1220 = vector.load %arg3[%get3A_1218, %get3A_1219] : memref<128x64xf32, #tpu.memory_space<vmem>>, vector<128x1xf32>
    %le3A_1221 = arith.constant 6.400000e-01 : f32
    %le3A_1222 = vector.broadcast %le3A_1221 : f32 to vector<128x1xf32>
    %le3A_1223 = arith.cmpf ole, %get3A_1220, %le3A_1222 : vector<128x1xf32>
    %slice3A_1224 = vector.extract_strided_slice %max3A_1076 {offsets = [1408, 0], sizes = [128, 128], strides = [1, 1]} : vector<8192x128xf32> to vector<128x128xf32>
    %jit3A_1225 = arith.constant -1.000000e+00 : f32
    %broadcast_in_dim3A_1226 = vector.shape_cast %le3A_1223 : vector<128x1xi1> to vector<128x1xi1>
    %broadcast_in_dim3A_1227 = vector.broadcast %broadcast_in_dim3A_1226 : vector<128x1xi1> to vector<128x128xi1>
    %broadcast_in_dim3A_1228 = vector.broadcast %jit3A_1225 : f32 to vector<128x128xf32>
    %select_n3A_1229 = arith.select %broadcast_in_dim3A_1227, %slice3A_1224, %broadcast_in_dim3A_1228 : vector<128x128xi1>, vector<128x128xf32>
    %max3A_1230 = arith.maximumf %max3A_1217, %select_n3A_1229 : vector<128x128xf32>
    %get3A_1231 = arith.constant 0 : index
    %get3A_1232 = arith.constant 12 : index
    %get3A_1233 = vector.load %arg3[%get3A_1231, %get3A_1232] : memref<128x64xf32, #tpu.memory_space<vmem>>, vector<128x1xf32>
    %le3A_1234 = arith.constant 6.400000e-01 : f32
    %le3A_1235 = vector.broadcast %le3A_1234 : f32 to vector<128x1xf32>
    %le3A_1236 = arith.cmpf ole, %get3A_1233, %le3A_1235 : vector<128x1xf32>
    %slice3A_1237 = vector.extract_strided_slice %max3A_1076 {offsets = [1536, 0], sizes = [128, 128], strides = [1, 1]} : vector<8192x128xf32> to vector<128x128xf32>
    %jit3A_1238 = arith.constant -1.000000e+00 : f32
    %broadcast_in_dim3A_1239 = vector.shape_cast %le3A_1236 : vector<128x1xi1> to vector<128x1xi1>
    %broadcast_in_dim3A_1240 = vector.broadcast %broadcast_in_dim3A_1239 : vector<128x1xi1> to vector<128x128xi1>
    %broadcast_in_dim3A_1241 = vector.broadcast %jit3A_1238 : f32 to vector<128x128xf32>
    %select_n3A_1242 = arith.select %broadcast_in_dim3A_1240, %slice3A_1237, %broadcast_in_dim3A_1241 : vector<128x128xi1>, vector<128x128xf32>
    %max3A_1243 = arith.maximumf %max3A_1230, %select_n3A_1242 : vector<128x128xf32>
    %get3A_1244 = arith.constant 0 : index
    %get3A_1245 = arith.constant 13 : index
    %get3A_1246 = vector.load %arg3[%get3A_1244, %get3A_1245] : memref<128x64xf32, #tpu.memory_space<vmem>>, vector<128x1xf32>
    %le3A_1247 = arith.constant 6.400000e-01 : f32
    %le3A_1248 = vector.broadcast %le3A_1247 : f32 to vector<128x1xf32>
    %le3A_1249 = arith.cmpf ole, %get3A_1246, %le3A_1248 : vector<128x1xf32>
    %slice3A_1250 = vector.extract_strided_slice %max3A_1076 {offsets = [1664, 0], sizes = [128, 128], strides = [1, 1]} : vector<8192x128xf32> to vector<128x128xf32>
    %jit3A_1251 = arith.constant -1.000000e+00 : f32
    %broadcast_in_dim3A_1252 = vector.shape_cast %le3A_1249 : vector<128x1xi1> to vector<128x1xi1>
    %broadcast_in_dim3A_1253 = vector.broadcast %broadcast_in_dim3A_1252 : vector<128x1xi1> to vector<128x128xi1>
    %broadcast_in_dim3A_1254 = vector.broadcast %jit3A_1251 : f32 to vector<128x128xf32>
    %select_n3A_1255 = arith.select %broadcast_in_dim3A_1253, %slice3A_1250, %broadcast_in_dim3A_1254 : vector<128x128xi1>, vector<128x128xf32>
    %max3A_1256 = arith.maximumf %max3A_1243, %select_n3A_1255 : vector<128x128xf32>
    %get3A_1257 = arith.constant 0 : index
    %get3A_1258 = arith.constant 14 : index
    %get3A_1259 = vector.load %arg3[%get3A_1257, %get3A_1258] : memref<128x64xf32, #tpu.memory_space<vmem>>, vector<128x1xf32>
    %le3A_1260 = arith.constant 6.400000e-01 : f32
    %le3A_1261 = vector.broadcast %le3A_1260 : f32 to vector<128x1xf32>
    %le3A_1262 = arith.cmpf ole, %get3A_1259, %le3A_1261 : vector<128x1xf32>
    %slice3A_1263 = vector.extract_strided_slice %max3A_1076 {offsets = [1792, 0], sizes = [128, 128], strides = [1, 1]} : vector<8192x128xf32> to vector<128x128xf32>
    %jit3A_1264 = arith.constant -1.000000e+00 : f32
    %broadcast_in_dim3A_1265 = vector.shape_cast %le3A_1262 : vector<128x1xi1> to vector<128x1xi1>
    %broadcast_in_dim3A_1266 = vector.broadcast %broadcast_in_dim3A_1265 : vector<128x1xi1> to vector<128x128xi1>
    %broadcast_in_dim3A_1267 = vector.broadcast %jit3A_1264 : f32 to vector<128x128xf32>
    %select_n3A_1268 = arith.select %broadcast_in_dim3A_1266, %slice3A_1263, %broadcast_in_dim3A_1267 : vector<128x128xi1>, vector<128x128xf32>
    %max3A_1269 = arith.maximumf %max3A_1256, %select_n3A_1268 : vector<128x128xf32>
    %get3A_1270 = arith.constant 0 : index
    %get3A_1271 = arith.constant 15 : index
    %get3A_1272 = vector.load %arg3[%get3A_1270, %get3A_1271] : memref<128x64xf32, #tpu.memory_space<vmem>>, vector<128x1xf32>
    %le3A_1273 = arith.constant 6.400000e-01 : f32
    %le3A_1274 = vector.broadcast %le3A_1273 : f32 to vector<128x1xf32>
    %le3A_1275 = arith.cmpf ole, %get3A_1272, %le3A_1274 : vector<128x1xf32>
    %slice3A_1276 = vector.extract_strided_slice %max3A_1076 {offsets = [1920, 0], sizes = [128, 128], strides = [1, 1]} : vector<8192x128xf32> to vector<128x128xf32>
    %jit3A_1277 = arith.constant -1.000000e+00 : f32
    %broadcast_in_dim3A_1278 = vector.shape_cast %le3A_1275 : vector<128x1xi1> to vector<128x1xi1>
    %broadcast_in_dim3A_1279 = vector.broadcast %broadcast_in_dim3A_1278 : vector<128x1xi1> to vector<128x128xi1>
    %broadcast_in_dim3A_1280 = vector.broadcast %jit3A_1277 : f32 to vector<128x128xf32>
    %select_n3A_1281 = arith.select %broadcast_in_dim3A_1279, %slice3A_1276, %broadcast_in_dim3A_1280 : vector<128x128xi1>, vector<128x128xf32>
    %max3A_1282 = arith.maximumf %max3A_1269, %select_n3A_1281 : vector<128x128xf32>
    %get3A_1283 = arith.constant 0 : index
    %get3A_1284 = arith.constant 16 : index
    %get3A_1285 = vector.load %arg3[%get3A_1283, %get3A_1284] : memref<128x64xf32, #tpu.memory_space<vmem>>, vector<128x1xf32>
    %le3A_1286 = arith.constant 6.400000e-01 : f32
    %le3A_1287 = vector.broadcast %le3A_1286 : f32 to vector<128x1xf32>
    %le3A_1288 = arith.cmpf ole, %get3A_1285, %le3A_1287 : vector<128x1xf32>
    %slice3A_1289 = vector.extract_strided_slice %max3A_1076 {offsets = [2048, 0], sizes = [128, 128], strides = [1, 1]} : vector<8192x128xf32> to vector<128x128xf32>
    %jit3A_1290 = arith.constant -1.000000e+00 : f32
    %broadcast_in_dim3A_1291 = vector.shape_cast %le3A_1288 : vector<128x1xi1> to vector<128x1xi1>
    %broadcast_in_dim3A_1292 = vector.broadcast %broadcast_in_dim3A_1291 : vector<128x1xi1> to vector<128x128xi1>
    %broadcast_in_dim3A_1293 = vector.broadcast %jit3A_1290 : f32 to vector<128x128xf32>
    %select_n3A_1294 = arith.select %broadcast_in_dim3A_1292, %slice3A_1289, %broadcast_in_dim3A_1293 : vector<128x128xi1>, vector<128x128xf32>
    %max3A_1295 = arith.maximumf %max3A_1282, %select_n3A_1294 : vector<128x128xf32>
    %get3A_1296 = arith.constant 0 : index
    %get3A_1297 = arith.constant 17 : index
    %get3A_1298 = vector.load %arg3[%get3A_1296, %get3A_1297] : memref<128x64xf32, #tpu.memory_space<vmem>>, vector<128x1xf32>
    %le3A_1299 = arith.constant 6.400000e-01 : f32
    %le3A_1300 = vector.broadcast %le3A_1299 : f32 to vector<128x1xf32>
    %le3A_1301 = arith.cmpf ole, %get3A_1298, %le3A_1300 : vector<128x1xf32>
    %slice3A_1302 = vector.extract_strided_slice %max3A_1076 {offsets = [2176, 0], sizes = [128, 128], strides = [1, 1]} : vector<8192x128xf32> to vector<128x128xf32>
    %jit3A_1303 = arith.constant -1.000000e+00 : f32
    %broadcast_in_dim3A_1304 = vector.shape_cast %le3A_1301 : vector<128x1xi1> to vector<128x1xi1>
    %broadcast_in_dim3A_1305 = vector.broadcast %broadcast_in_dim3A_1304 : vector<128x1xi1> to vector<128x128xi1>
    %broadcast_in_dim3A_1306 = vector.broadcast %jit3A_1303 : f32 to vector<128x128xf32>
    %select_n3A_1307 = arith.select %broadcast_in_dim3A_1305, %slice3A_1302, %broadcast_in_dim3A_1306 : vector<128x128xi1>, vector<128x128xf32>
    %max3A_1308 = arith.maximumf %max3A_1295, %select_n3A_1307 : vector<128x128xf32>
    %get3A_1309 = arith.constant 0 : index
    %get3A_1310 = arith.constant 18 : index
    %get3A_1311 = vector.load %arg3[%get3A_1309, %get3A_1310] : memref<128x64xf32, #tpu.memory_space<vmem>>, vector<128x1xf32>
    %le3A_1312 = arith.constant 6.400000e-01 : f32
    %le3A_1313 = vector.broadcast %le3A_1312 : f32 to vector<128x1xf32>
    %le3A_1314 = arith.cmpf ole, %get3A_1311, %le3A_1313 : vector<128x1xf32>
    %slice3A_1315 = vector.extract_strided_slice %max3A_1076 {offsets = [2304, 0], sizes = [128, 128], strides = [1, 1]} : vector<8192x128xf32> to vector<128x128xf32>
    %jit3A_1316 = arith.constant -1.000000e+00 : f32
    %broadcast_in_dim3A_1317 = vector.shape_cast %le3A_1314 : vector<128x1xi1> to vector<128x1xi1>
    %broadcast_in_dim3A_1318 = vector.broadcast %broadcast_in_dim3A_1317 : vector<128x1xi1> to vector<128x128xi1>
    %broadcast_in_dim3A_1319 = vector.broadcast %jit3A_1316 : f32 to vector<128x128xf32>
    %select_n3A_1320 = arith.select %broadcast_in_dim3A_1318, %slice3A_1315, %broadcast_in_dim3A_1319 : vector<128x128xi1>, vector<128x128xf32>
    %max3A_1321 = arith.maximumf %max3A_1308, %select_n3A_1320 : vector<128x128xf32>
    %get3A_1322 = arith.constant 0 : index
    %get3A_1323 = arith.constant 19 : index
    %get3A_1324 = vector.load %arg3[%get3A_1322, %get3A_1323] : memref<128x64xf32, #tpu.memory_space<vmem>>, vector<128x1xf32>
    %le3A_1325 = arith.constant 6.400000e-01 : f32
    %le3A_1326 = vector.broadcast %le3A_1325 : f32 to vector<128x1xf32>
    %le3A_1327 = arith.cmpf ole, %get3A_1324, %le3A_1326 : vector<128x1xf32>
    %slice3A_1328 = vector.extract_strided_slice %max3A_1076 {offsets = [2432, 0], sizes = [128, 128], strides = [1, 1]} : vector<8192x128xf32> to vector<128x128xf32>
    %jit3A_1329 = arith.constant -1.000000e+00 : f32
    %broadcast_in_dim3A_1330 = vector.shape_cast %le3A_1327 : vector<128x1xi1> to vector<128x1xi1>
    %broadcast_in_dim3A_1331 = vector.broadcast %broadcast_in_dim3A_1330 : vector<128x1xi1> to vector<128x128xi1>
    %broadcast_in_dim3A_1332 = vector.broadcast %jit3A_1329 : f32 to vector<128x128xf32>
    %select_n3A_1333 = arith.select %broadcast_in_dim3A_1331, %slice3A_1328, %broadcast_in_dim3A_1332 : vector<128x128xi1>, vector<128x128xf32>
    %max3A_1334 = arith.maximumf %max3A_1321, %select_n3A_1333 : vector<128x128xf32>
    %get3A_1335 = arith.constant 0 : index
    %get3A_1336 = arith.constant 20 : index
    %get3A_1337 = vector.load %arg3[%get3A_1335, %get3A_1336] : memref<128x64xf32, #tpu.memory_space<vmem>>, vector<128x1xf32>
    %le3A_1338 = arith.constant 6.400000e-01 : f32
    %le3A_1339 = vector.broadcast %le3A_1338 : f32 to vector<128x1xf32>
    %le3A_1340 = arith.cmpf ole, %get3A_1337, %le3A_1339 : vector<128x1xf32>
    %slice3A_1341 = vector.extract_strided_slice %max3A_1076 {offsets = [2560, 0], sizes = [128, 128], strides = [1, 1]} : vector<8192x128xf32> to vector<128x128xf32>
    %jit3A_1342 = arith.constant -1.000000e+00 : f32
    %broadcast_in_dim3A_1343 = vector.shape_cast %le3A_1340 : vector<128x1xi1> to vector<128x1xi1>
    %broadcast_in_dim3A_1344 = vector.broadcast %broadcast_in_dim3A_1343 : vector<128x1xi1> to vector<128x128xi1>
    %broadcast_in_dim3A_1345 = vector.broadcast %jit3A_1342 : f32 to vector<128x128xf32>
    %select_n3A_1346 = arith.select %broadcast_in_dim3A_1344, %slice3A_1341, %broadcast_in_dim3A_1345 : vector<128x128xi1>, vector<128x128xf32>
    %max3A_1347 = arith.maximumf %max3A_1334, %select_n3A_1346 : vector<128x128xf32>
    %get3A_1348 = arith.constant 0 : index
    %get3A_1349 = arith.constant 21 : index
    %get3A_1350 = vector.load %arg3[%get3A_1348, %get3A_1349] : memref<128x64xf32, #tpu.memory_space<vmem>>, vector<128x1xf32>
    %le3A_1351 = arith.constant 6.400000e-01 : f32
    %le3A_1352 = vector.broadcast %le3A_1351 : f32 to vector<128x1xf32>
    %le3A_1353 = arith.cmpf ole, %get3A_1350, %le3A_1352 : vector<128x1xf32>
    %slice3A_1354 = vector.extract_strided_slice %max3A_1076 {offsets = [2688, 0], sizes = [128, 128], strides = [1, 1]} : vector<8192x128xf32> to vector<128x128xf32>
    %jit3A_1355 = arith.constant -1.000000e+00 : f32
    %broadcast_in_dim3A_1356 = vector.shape_cast %le3A_1353 : vector<128x1xi1> to vector<128x1xi1>
    %broadcast_in_dim3A_1357 = vector.broadcast %broadcast_in_dim3A_1356 : vector<128x1xi1> to vector<128x128xi1>
    %broadcast_in_dim3A_1358 = vector.broadcast %jit3A_1355 : f32 to vector<128x128xf32>
    %select_n3A_1359 = arith.select %broadcast_in_dim3A_1357, %slice3A_1354, %broadcast_in_dim3A_1358 : vector<128x128xi1>, vector<128x128xf32>
    %max3A_1360 = arith.maximumf %max3A_1347, %select_n3A_1359 : vector<128x128xf32>
    %get3A_1361 = arith.constant 0 : index
    %get3A_1362 = arith.constant 22 : index
    %get3A_1363 = vector.load %arg3[%get3A_1361, %get3A_1362] : memref<128x64xf32, #tpu.memory_space<vmem>>, vector<128x1xf32>
    %le3A_1364 = arith.constant 6.400000e-01 : f32
    %le3A_1365 = vector.broadcast %le3A_1364 : f32 to vector<128x1xf32>
    %le3A_1366 = arith.cmpf ole, %get3A_1363, %le3A_1365 : vector<128x1xf32>
    %slice3A_1367 = vector.extract_strided_slice %max3A_1076 {offsets = [2816, 0], sizes = [128, 128], strides = [1, 1]} : vector<8192x128xf32> to vector<128x128xf32>
    %jit3A_1368 = arith.constant -1.000000e+00 : f32
    %broadcast_in_dim3A_1369 = vector.shape_cast %le3A_1366 : vector<128x1xi1> to vector<128x1xi1>
    %broadcast_in_dim3A_1370 = vector.broadcast %broadcast_in_dim3A_1369 : vector<128x1xi1> to vector<128x128xi1>
    %broadcast_in_dim3A_1371 = vector.broadcast %jit3A_1368 : f32 to vector<128x128xf32>
    %select_n3A_1372 = arith.select %broadcast_in_dim3A_1370, %slice3A_1367, %broadcast_in_dim3A_1371 : vector<128x128xi1>, vector<128x128xf32>
    %max3A_1373 = arith.maximumf %max3A_1360, %select_n3A_1372 : vector<128x128xf32>
    %get3A_1374 = arith.constant 0 : index
    %get3A_1375 = arith.constant 23 : index
    %get3A_1376 = vector.load %arg3[%get3A_1374, %get3A_1375] : memref<128x64xf32, #tpu.memory_space<vmem>>, vector<128x1xf32>
    %le3A_1377 = arith.constant 6.400000e-01 : f32
    %le3A_1378 = vector.broadcast %le3A_1377 : f32 to vector<128x1xf32>
    %le3A_1379 = arith.cmpf ole, %get3A_1376, %le3A_1378 : vector<128x1xf32>
    %slice3A_1380 = vector.extract_strided_slice %max3A_1076 {offsets = [2944, 0], sizes = [128, 128], strides = [1, 1]} : vector<8192x128xf32> to vector<128x128xf32>
    %jit3A_1381 = arith.constant -1.000000e+00 : f32
    %broadcast_in_dim3A_1382 = vector.shape_cast %le3A_1379 : vector<128x1xi1> to vector<128x1xi1>
    %broadcast_in_dim3A_1383 = vector.broadcast %broadcast_in_dim3A_1382 : vector<128x1xi1> to vector<128x128xi1>
    %broadcast_in_dim3A_1384 = vector.broadcast %jit3A_1381 : f32 to vector<128x128xf32>
    %select_n3A_1385 = arith.select %broadcast_in_dim3A_1383, %slice3A_1380, %broadcast_in_dim3A_1384 : vector<128x128xi1>, vector<128x128xf32>
    %max3A_1386 = arith.maximumf %max3A_1373, %select_n3A_1385 : vector<128x128xf32>
    %get3A_1387 = arith.constant 0 : index
    %get3A_1388 = arith.constant 24 : index
    %get3A_1389 = vector.load %arg3[%get3A_1387, %get3A_1388] : memref<128x64xf32, #tpu.memory_space<vmem>>, vector<128x1xf32>
    %le3A_1390 = arith.constant 6.400000e-01 : f32
    %le3A_1391 = vector.broadcast %le3A_1390 : f32 to vector<128x1xf32>
    %le3A_1392 = arith.cmpf ole, %get3A_1389, %le3A_1391 : vector<128x1xf32>
    %slice3A_1393 = vector.extract_strided_slice %max3A_1076 {offsets = [3072, 0], sizes = [128, 128], strides = [1, 1]} : vector<8192x128xf32> to vector<128x128xf32>
    %jit3A_1394 = arith.constant -1.000000e+00 : f32
    %broadcast_in_dim3A_1395 = vector.shape_cast %le3A_1392 : vector<128x1xi1> to vector<128x1xi1>
    %broadcast_in_dim3A_1396 = vector.broadcast %broadcast_in_dim3A_1395 : vector<128x1xi1> to vector<128x128xi1>
    %broadcast_in_dim3A_1397 = vector.broadcast %jit3A_1394 : f32 to vector<128x128xf32>
    %select_n3A_1398 = arith.select %broadcast_in_dim3A_1396, %slice3A_1393, %broadcast_in_dim3A_1397 : vector<128x128xi1>, vector<128x128xf32>
    %max3A_1399 = arith.maximumf %max3A_1386, %select_n3A_1398 : vector<128x128xf32>
    %get3A_1400 = arith.constant 0 : index
    %get3A_1401 = arith.constant 25 : index
    %get3A_1402 = vector.load %arg3[%get3A_1400, %get3A_1401] : memref<128x64xf32, #tpu.memory_space<vmem>>, vector<128x1xf32>
    %le3A_1403 = arith.constant 6.400000e-01 : f32
    %le3A_1404 = vector.broadcast %le3A_1403 : f32 to vector<128x1xf32>
    %le3A_1405 = arith.cmpf ole, %get3A_1402, %le3A_1404 : vector<128x1xf32>
    %slice3A_1406 = vector.extract_strided_slice %max3A_1076 {offsets = [3200, 0], sizes = [128, 128], strides = [1, 1]} : vector<8192x128xf32> to vector<128x128xf32>
    %jit3A_1407 = arith.constant -1.000000e+00 : f32
    %broadcast_in_dim3A_1408 = vector.shape_cast %le3A_1405 : vector<128x1xi1> to vector<128x1xi1>
    %broadcast_in_dim3A_1409 = vector.broadcast %broadcast_in_dim3A_1408 : vector<128x1xi1> to vector<128x128xi1>
    %broadcast_in_dim3A_1410 = vector.broadcast %jit3A_1407 : f32 to vector<128x128xf32>
    %select_n3A_1411 = arith.select %broadcast_in_dim3A_1409, %slice3A_1406, %broadcast_in_dim3A_1410 : vector<128x128xi1>, vector<128x128xf32>
    %max3A_1412 = arith.maximumf %max3A_1399, %select_n3A_1411 : vector<128x128xf32>
    %get3A_1413 = arith.constant 0 : index
    %get3A_1414 = arith.constant 26 : index
    %get3A_1415 = vector.load %arg3[%get3A_1413, %get3A_1414] : memref<128x64xf32, #tpu.memory_space<vmem>>, vector<128x1xf32>
    %le3A_1416 = arith.constant 6.400000e-01 : f32
    %le3A_1417 = vector.broadcast %le3A_1416 : f32 to vector<128x1xf32>
    %le3A_1418 = arith.cmpf ole, %get3A_1415, %le3A_1417 : vector<128x1xf32>
    %slice3A_1419 = vector.extract_strided_slice %max3A_1076 {offsets = [3328, 0], sizes = [128, 128], strides = [1, 1]} : vector<8192x128xf32> to vector<128x128xf32>
    %jit3A_1420 = arith.constant -1.000000e+00 : f32
    %broadcast_in_dim3A_1421 = vector.shape_cast %le3A_1418 : vector<128x1xi1> to vector<128x1xi1>
    %broadcast_in_dim3A_1422 = vector.broadcast %broadcast_in_dim3A_1421 : vector<128x1xi1> to vector<128x128xi1>
    %broadcast_in_dim3A_1423 = vector.broadcast %jit3A_1420 : f32 to vector<128x128xf32>
    %select_n3A_1424 = arith.select %broadcast_in_dim3A_1422, %slice3A_1419, %broadcast_in_dim3A_1423 : vector<128x128xi1>, vector<128x128xf32>
    %max3A_1425 = arith.maximumf %max3A_1412, %select_n3A_1424 : vector<128x128xf32>
    %get3A_1426 = arith.constant 0 : index
    %get3A_1427 = arith.constant 27 : index
    %get3A_1428 = vector.load %arg3[%get3A_1426, %get3A_1427] : memref<128x64xf32, #tpu.memory_space<vmem>>, vector<128x1xf32>
    %le3A_1429 = arith.constant 6.400000e-01 : f32
    %le3A_1430 = vector.broadcast %le3A_1429 : f32 to vector<128x1xf32>
    %le3A_1431 = arith.cmpf ole, %get3A_1428, %le3A_1430 : vector<128x1xf32>
    %slice3A_1432 = vector.extract_strided_slice %max3A_1076 {offsets = [3456, 0], sizes = [128, 128], strides = [1, 1]} : vector<8192x128xf32> to vector<128x128xf32>
    %jit3A_1433 = arith.constant -1.000000e+00 : f32
    %broadcast_in_dim3A_1434 = vector.shape_cast %le3A_1431 : vector<128x1xi1> to vector<128x1xi1>
    %broadcast_in_dim3A_1435 = vector.broadcast %broadcast_in_dim3A_1434 : vector<128x1xi1> to vector<128x128xi1>
    %broadcast_in_dim3A_1436 = vector.broadcast %jit3A_1433 : f32 to vector<128x128xf32>
    %select_n3A_1437 = arith.select %broadcast_in_dim3A_1435, %slice3A_1432, %broadcast_in_dim3A_1436 : vector<128x128xi1>, vector<128x128xf32>
    %max3A_1438 = arith.maximumf %max3A_1425, %select_n3A_1437 : vector<128x128xf32>
    %get3A_1439 = arith.constant 0 : index
    %get3A_1440 = arith.constant 28 : index
    %get3A_1441 = vector.load %arg3[%get3A_1439, %get3A_1440] : memref<128x64xf32, #tpu.memory_space<vmem>>, vector<128x1xf32>
    %le3A_1442 = arith.constant 6.400000e-01 : f32
    %le3A_1443 = vector.broadcast %le3A_1442 : f32 to vector<128x1xf32>
    %le3A_1444 = arith.cmpf ole, %get3A_1441, %le3A_1443 : vector<128x1xf32>
    %slice3A_1445 = vector.extract_strided_slice %max3A_1076 {offsets = [3584, 0], sizes = [128, 128], strides = [1, 1]} : vector<8192x128xf32> to vector<128x128xf32>
    %jit3A_1446 = arith.constant -1.000000e+00 : f32
    %broadcast_in_dim3A_1447 = vector.shape_cast %le3A_1444 : vector<128x1xi1> to vector<128x1xi1>
    %broadcast_in_dim3A_1448 = vector.broadcast %broadcast_in_dim3A_1447 : vector<128x1xi1> to vector<128x128xi1>
    %broadcast_in_dim3A_1449 = vector.broadcast %jit3A_1446 : f32 to vector<128x128xf32>
    %select_n3A_1450 = arith.select %broadcast_in_dim3A_1448, %slice3A_1445, %broadcast_in_dim3A_1449 : vector<128x128xi1>, vector<128x128xf32>
    %max3A_1451 = arith.maximumf %max3A_1438, %select_n3A_1450 : vector<128x128xf32>
    %get3A_1452 = arith.constant 0 : index
    %get3A_1453 = arith.constant 29 : index
    %get3A_1454 = vector.load %arg3[%get3A_1452, %get3A_1453] : memref<128x64xf32, #tpu.memory_space<vmem>>, vector<128x1xf32>
    %le3A_1455 = arith.constant 6.400000e-01 : f32
    %le3A_1456 = vector.broadcast %le3A_1455 : f32 to vector<128x1xf32>
    %le3A_1457 = arith.cmpf ole, %get3A_1454, %le3A_1456 : vector<128x1xf32>
    %slice3A_1458 = vector.extract_strided_slice %max3A_1076 {offsets = [3712, 0], sizes = [128, 128], strides = [1, 1]} : vector<8192x128xf32> to vector<128x128xf32>
    %jit3A_1459 = arith.constant -1.000000e+00 : f32
    %broadcast_in_dim3A_1460 = vector.shape_cast %le3A_1457 : vector<128x1xi1> to vector<128x1xi1>
    %broadcast_in_dim3A_1461 = vector.broadcast %broadcast_in_dim3A_1460 : vector<128x1xi1> to vector<128x128xi1>
    %broadcast_in_dim3A_1462 = vector.broadcast %jit3A_1459 : f32 to vector<128x128xf32>
    %select_n3A_1463 = arith.select %broadcast_in_dim3A_1461, %slice3A_1458, %broadcast_in_dim3A_1462 : vector<128x128xi1>, vector<128x128xf32>
    %max3A_1464 = arith.maximumf %max3A_1451, %select_n3A_1463 : vector<128x128xf32>
    %get3A_1465 = arith.constant 0 : index
    %get3A_1466 = arith.constant 30 : index
    %get3A_1467 = vector.load %arg3[%get3A_1465, %get3A_1466] : memref<128x64xf32, #tpu.memory_space<vmem>>, vector<128x1xf32>
    %le3A_1468 = arith.constant 6.400000e-01 : f32
    %le3A_1469 = vector.broadcast %le3A_1468 : f32 to vector<128x1xf32>
    %le3A_1470 = arith.cmpf ole, %get3A_1467, %le3A_1469 : vector<128x1xf32>
    %slice3A_1471 = vector.extract_strided_slice %max3A_1076 {offsets = [3840, 0], sizes = [128, 128], strides = [1, 1]} : vector<8192x128xf32> to vector<128x128xf32>
    %jit3A_1472 = arith.constant -1.000000e+00 : f32
    %broadcast_in_dim3A_1473 = vector.shape_cast %le3A_1470 : vector<128x1xi1> to vector<128x1xi1>
    %broadcast_in_dim3A_1474 = vector.broadcast %broadcast_in_dim3A_1473 : vector<128x1xi1> to vector<128x128xi1>
    %broadcast_in_dim3A_1475 = vector.broadcast %jit3A_1472 : f32 to vector<128x128xf32>
    %select_n3A_1476 = arith.select %broadcast_in_dim3A_1474, %slice3A_1471, %broadcast_in_dim3A_1475 : vector<128x128xi1>, vector<128x128xf32>
    %max3A_1477 = arith.maximumf %max3A_1464, %select_n3A_1476 : vector<128x128xf32>
    %get3A_1478 = arith.constant 0 : index
    %get3A_1479 = arith.constant 31 : index
    %get3A_1480 = vector.load %arg3[%get3A_1478, %get3A_1479] : memref<128x64xf32, #tpu.memory_space<vmem>>, vector<128x1xf32>
    %le3A_1481 = arith.constant 6.400000e-01 : f32
    %le3A_1482 = vector.broadcast %le3A_1481 : f32 to vector<128x1xf32>
    %le3A_1483 = arith.cmpf ole, %get3A_1480, %le3A_1482 : vector<128x1xf32>
    %slice3A_1484 = vector.extract_strided_slice %max3A_1076 {offsets = [3968, 0], sizes = [128, 128], strides = [1, 1]} : vector<8192x128xf32> to vector<128x128xf32>
    %jit3A_1485 = arith.constant -1.000000e+00 : f32
    %broadcast_in_dim3A_1486 = vector.shape_cast %le3A_1483 : vector<128x1xi1> to vector<128x1xi1>
    %broadcast_in_dim3A_1487 = vector.broadcast %broadcast_in_dim3A_1486 : vector<128x1xi1> to vector<128x128xi1>
    %broadcast_in_dim3A_1488 = vector.broadcast %jit3A_1485 : f32 to vector<128x128xf32>
    %select_n3A_1489 = arith.select %broadcast_in_dim3A_1487, %slice3A_1484, %broadcast_in_dim3A_1488 : vector<128x128xi1>, vector<128x128xf32>
    %max3A_1490 = arith.maximumf %max3A_1477, %select_n3A_1489 : vector<128x128xf32>
    %get3A_1491 = arith.constant 0 : index
    %get3A_1492 = arith.constant 32 : index
    %get3A_1493 = vector.load %arg3[%get3A_1491, %get3A_1492] : memref<128x64xf32, #tpu.memory_space<vmem>>, vector<128x1xf32>
    %le3A_1494 = arith.constant 6.400000e-01 : f32
    %le3A_1495 = vector.broadcast %le3A_1494 : f32 to vector<128x1xf32>
    %le3A_1496 = arith.cmpf ole, %get3A_1493, %le3A_1495 : vector<128x1xf32>
    %slice3A_1497 = vector.extract_strided_slice %max3A_1076 {offsets = [4096, 0], sizes = [128, 128], strides = [1, 1]} : vector<8192x128xf32> to vector<128x128xf32>
    %jit3A_1498 = arith.constant -1.000000e+00 : f32
    %broadcast_in_dim3A_1499 = vector.shape_cast %le3A_1496 : vector<128x1xi1> to vector<128x1xi1>
    %broadcast_in_dim3A_1500 = vector.broadcast %broadcast_in_dim3A_1499 : vector<128x1xi1> to vector<128x128xi1>
    %broadcast_in_dim3A_1501 = vector.broadcast %jit3A_1498 : f32 to vector<128x128xf32>
    %select_n3A_1502 = arith.select %broadcast_in_dim3A_1500, %slice3A_1497, %broadcast_in_dim3A_1501 : vector<128x128xi1>, vector<128x128xf32>
    %max3A_1503 = arith.maximumf %max3A_1490, %select_n3A_1502 : vector<128x128xf32>
    %get3A_1504 = arith.constant 0 : index
    %get3A_1505 = arith.constant 33 : index
    %get3A_1506 = vector.load %arg3[%get3A_1504, %get3A_1505] : memref<128x64xf32, #tpu.memory_space<vmem>>, vector<128x1xf32>
    %le3A_1507 = arith.constant 6.400000e-01 : f32
    %le3A_1508 = vector.broadcast %le3A_1507 : f32 to vector<128x1xf32>
    %le3A_1509 = arith.cmpf ole, %get3A_1506, %le3A_1508 : vector<128x1xf32>
    %slice3A_1510 = vector.extract_strided_slice %max3A_1076 {offsets = [4224, 0], sizes = [128, 128], strides = [1, 1]} : vector<8192x128xf32> to vector<128x128xf32>
    %jit3A_1511 = arith.constant -1.000000e+00 : f32
    %broadcast_in_dim3A_1512 = vector.shape_cast %le3A_1509 : vector<128x1xi1> to vector<128x1xi1>
    %broadcast_in_dim3A_1513 = vector.broadcast %broadcast_in_dim3A_1512 : vector<128x1xi1> to vector<128x128xi1>
    %broadcast_in_dim3A_1514 = vector.broadcast %jit3A_1511 : f32 to vector<128x128xf32>
    %select_n3A_1515 = arith.select %broadcast_in_dim3A_1513, %slice3A_1510, %broadcast_in_dim3A_1514 : vector<128x128xi1>, vector<128x128xf32>
    %max3A_1516 = arith.maximumf %max3A_1503, %select_n3A_1515 : vector<128x128xf32>
    %get3A_1517 = arith.constant 0 : index
    %get3A_1518 = arith.constant 34 : index
    %get3A_1519 = vector.load %arg3[%get3A_1517, %get3A_1518] : memref<128x64xf32, #tpu.memory_space<vmem>>, vector<128x1xf32>
    %le3A_1520 = arith.constant 6.400000e-01 : f32
    %le3A_1521 = vector.broadcast %le3A_1520 : f32 to vector<128x1xf32>
    %le3A_1522 = arith.cmpf ole, %get3A_1519, %le3A_1521 : vector<128x1xf32>
    %slice3A_1523 = vector.extract_strided_slice %max3A_1076 {offsets = [4352, 0], sizes = [128, 128], strides = [1, 1]} : vector<8192x128xf32> to vector<128x128xf32>
    %jit3A_1524 = arith.constant -1.000000e+00 : f32
    %broadcast_in_dim3A_1525 = vector.shape_cast %le3A_1522 : vector<128x1xi1> to vector<128x1xi1>
    %broadcast_in_dim3A_1526 = vector.broadcast %broadcast_in_dim3A_1525 : vector<128x1xi1> to vector<128x128xi1>
    %broadcast_in_dim3A_1527 = vector.broadcast %jit3A_1524 : f32 to vector<128x128xf32>
    %select_n3A_1528 = arith.select %broadcast_in_dim3A_1526, %slice3A_1523, %broadcast_in_dim3A_1527 : vector<128x128xi1>, vector<128x128xf32>
    %max3A_1529 = arith.maximumf %max3A_1516, %select_n3A_1528 : vector<128x128xf32>
    %get3A_1530 = arith.constant 0 : index
    %get3A_1531 = arith.constant 35 : index
    %get3A_1532 = vector.load %arg3[%get3A_1530, %get3A_1531] : memref<128x64xf32, #tpu.memory_space<vmem>>, vector<128x1xf32>
    %le3A_1533 = arith.constant 6.400000e-01 : f32
    %le3A_1534 = vector.broadcast %le3A_1533 : f32 to vector<128x1xf32>
    %le3A_1535 = arith.cmpf ole, %get3A_1532, %le3A_1534 : vector<128x1xf32>
    %slice3A_1536 = vector.extract_strided_slice %max3A_1076 {offsets = [4480, 0], sizes = [128, 128], strides = [1, 1]} : vector<8192x128xf32> to vector<128x128xf32>
    %jit3A_1537 = arith.constant -1.000000e+00 : f32
    %broadcast_in_dim3A_1538 = vector.shape_cast %le3A_1535 : vector<128x1xi1> to vector<128x1xi1>
    %broadcast_in_dim3A_1539 = vector.broadcast %broadcast_in_dim3A_1538 : vector<128x1xi1> to vector<128x128xi1>
    %broadcast_in_dim3A_1540 = vector.broadcast %jit3A_1537 : f32 to vector<128x128xf32>
    %select_n3A_1541 = arith.select %broadcast_in_dim3A_1539, %slice3A_1536, %broadcast_in_dim3A_1540 : vector<128x128xi1>, vector<128x128xf32>
    %max3A_1542 = arith.maximumf %max3A_1529, %select_n3A_1541 : vector<128x128xf32>
    %get3A_1543 = arith.constant 0 : index
    %get3A_1544 = arith.constant 36 : index
    %get3A_1545 = vector.load %arg3[%get3A_1543, %get3A_1544] : memref<128x64xf32, #tpu.memory_space<vmem>>, vector<128x1xf32>
    %le3A_1546 = arith.constant 6.400000e-01 : f32
    %le3A_1547 = vector.broadcast %le3A_1546 : f32 to vector<128x1xf32>
    %le3A_1548 = arith.cmpf ole, %get3A_1545, %le3A_1547 : vector<128x1xf32>
    %slice3A_1549 = vector.extract_strided_slice %max3A_1076 {offsets = [4608, 0], sizes = [128, 128], strides = [1, 1]} : vector<8192x128xf32> to vector<128x128xf32>
    %jit3A_1550 = arith.constant -1.000000e+00 : f32
    %broadcast_in_dim3A_1551 = vector.shape_cast %le3A_1548 : vector<128x1xi1> to vector<128x1xi1>
    %broadcast_in_dim3A_1552 = vector.broadcast %broadcast_in_dim3A_1551 : vector<128x1xi1> to vector<128x128xi1>
    %broadcast_in_dim3A_1553 = vector.broadcast %jit3A_1550 : f32 to vector<128x128xf32>
    %select_n3A_1554 = arith.select %broadcast_in_dim3A_1552, %slice3A_1549, %broadcast_in_dim3A_1553 : vector<128x128xi1>, vector<128x128xf32>
    %max3A_1555 = arith.maximumf %max3A_1542, %select_n3A_1554 : vector<128x128xf32>
    %get3A_1556 = arith.constant 0 : index
    %get3A_1557 = arith.constant 37 : index
    %get3A_1558 = vector.load %arg3[%get3A_1556, %get3A_1557] : memref<128x64xf32, #tpu.memory_space<vmem>>, vector<128x1xf32>
    %le3A_1559 = arith.constant 6.400000e-01 : f32
    %le3A_1560 = vector.broadcast %le3A_1559 : f32 to vector<128x1xf32>
    %le3A_1561 = arith.cmpf ole, %get3A_1558, %le3A_1560 : vector<128x1xf32>
    %slice3A_1562 = vector.extract_strided_slice %max3A_1076 {offsets = [4736, 0], sizes = [128, 128], strides = [1, 1]} : vector<8192x128xf32> to vector<128x128xf32>
    %jit3A_1563 = arith.constant -1.000000e+00 : f32
    %broadcast_in_dim3A_1564 = vector.shape_cast %le3A_1561 : vector<128x1xi1> to vector<128x1xi1>
    %broadcast_in_dim3A_1565 = vector.broadcast %broadcast_in_dim3A_1564 : vector<128x1xi1> to vector<128x128xi1>
    %broadcast_in_dim3A_1566 = vector.broadcast %jit3A_1563 : f32 to vector<128x128xf32>
    %select_n3A_1567 = arith.select %broadcast_in_dim3A_1565, %slice3A_1562, %broadcast_in_dim3A_1566 : vector<128x128xi1>, vector<128x128xf32>
    %max3A_1568 = arith.maximumf %max3A_1555, %select_n3A_1567 : vector<128x128xf32>
    %get3A_1569 = arith.constant 0 : index
    %get3A_1570 = arith.constant 38 : index
    %get3A_1571 = vector.load %arg3[%get3A_1569, %get3A_1570] : memref<128x64xf32, #tpu.memory_space<vmem>>, vector<128x1xf32>
    %le3A_1572 = arith.constant 6.400000e-01 : f32
    %le3A_1573 = vector.broadcast %le3A_1572 : f32 to vector<128x1xf32>
    %le3A_1574 = arith.cmpf ole, %get3A_1571, %le3A_1573 : vector<128x1xf32>
    %slice3A_1575 = vector.extract_strided_slice %max3A_1076 {offsets = [4864, 0], sizes = [128, 128], strides = [1, 1]} : vector<8192x128xf32> to vector<128x128xf32>
    %jit3A_1576 = arith.constant -1.000000e+00 : f32
    %broadcast_in_dim3A_1577 = vector.shape_cast %le3A_1574 : vector<128x1xi1> to vector<128x1xi1>
    %broadcast_in_dim3A_1578 = vector.broadcast %broadcast_in_dim3A_1577 : vector<128x1xi1> to vector<128x128xi1>
    %broadcast_in_dim3A_1579 = vector.broadcast %jit3A_1576 : f32 to vector<128x128xf32>
    %select_n3A_1580 = arith.select %broadcast_in_dim3A_1578, %slice3A_1575, %broadcast_in_dim3A_1579 : vector<128x128xi1>, vector<128x128xf32>
    %max3A_1581 = arith.maximumf %max3A_1568, %select_n3A_1580 : vector<128x128xf32>
    %get3A_1582 = arith.constant 0 : index
    %get3A_1583 = arith.constant 39 : index
    %get3A_1584 = vector.load %arg3[%get3A_1582, %get3A_1583] : memref<128x64xf32, #tpu.memory_space<vmem>>, vector<128x1xf32>
    %le3A_1585 = arith.constant 6.400000e-01 : f32
    %le3A_1586 = vector.broadcast %le3A_1585 : f32 to vector<128x1xf32>
    %le3A_1587 = arith.cmpf ole, %get3A_1584, %le3A_1586 : vector<128x1xf32>
    %slice3A_1588 = vector.extract_strided_slice %max3A_1076 {offsets = [4992, 0], sizes = [128, 128], strides = [1, 1]} : vector<8192x128xf32> to vector<128x128xf32>
    %jit3A_1589 = arith.constant -1.000000e+00 : f32
    %broadcast_in_dim3A_1590 = vector.shape_cast %le3A_1587 : vector<128x1xi1> to vector<128x1xi1>
    %broadcast_in_dim3A_1591 = vector.broadcast %broadcast_in_dim3A_1590 : vector<128x1xi1> to vector<128x128xi1>
    %broadcast_in_dim3A_1592 = vector.broadcast %jit3A_1589 : f32 to vector<128x128xf32>
    %select_n3A_1593 = arith.select %broadcast_in_dim3A_1591, %slice3A_1588, %broadcast_in_dim3A_1592 : vector<128x128xi1>, vector<128x128xf32>
    %max3A_1594 = arith.maximumf %max3A_1581, %select_n3A_1593 : vector<128x128xf32>
    %get3A_1595 = arith.constant 0 : index
    %get3A_1596 = arith.constant 40 : index
    %get3A_1597 = vector.load %arg3[%get3A_1595, %get3A_1596] : memref<128x64xf32, #tpu.memory_space<vmem>>, vector<128x1xf32>
    %le3A_1598 = arith.constant 6.400000e-01 : f32
    %le3A_1599 = vector.broadcast %le3A_1598 : f32 to vector<128x1xf32>
    %le3A_1600 = arith.cmpf ole, %get3A_1597, %le3A_1599 : vector<128x1xf32>
    %slice3A_1601 = vector.extract_strided_slice %max3A_1076 {offsets = [5120, 0], sizes = [128, 128], strides = [1, 1]} : vector<8192x128xf32> to vector<128x128xf32>
    %jit3A_1602 = arith.constant -1.000000e+00 : f32
    %broadcast_in_dim3A_1603 = vector.shape_cast %le3A_1600 : vector<128x1xi1> to vector<128x1xi1>
    %broadcast_in_dim3A_1604 = vector.broadcast %broadcast_in_dim3A_1603 : vector<128x1xi1> to vector<128x128xi1>
    %broadcast_in_dim3A_1605 = vector.broadcast %jit3A_1602 : f32 to vector<128x128xf32>
    %select_n3A_1606 = arith.select %broadcast_in_dim3A_1604, %slice3A_1601, %broadcast_in_dim3A_1605 : vector<128x128xi1>, vector<128x128xf32>
    %max3A_1607 = arith.maximumf %max3A_1594, %select_n3A_1606 : vector<128x128xf32>
    %get3A_1608 = arith.constant 0 : index
    %get3A_1609 = arith.constant 41 : index
    %get3A_1610 = vector.load %arg3[%get3A_1608, %get3A_1609] : memref<128x64xf32, #tpu.memory_space<vmem>>, vector<128x1xf32>
    %le3A_1611 = arith.constant 6.400000e-01 : f32
    %le3A_1612 = vector.broadcast %le3A_1611 : f32 to vector<128x1xf32>
    %le3A_1613 = arith.cmpf ole, %get3A_1610, %le3A_1612 : vector<128x1xf32>
    %slice3A_1614 = vector.extract_strided_slice %max3A_1076 {offsets = [5248, 0], sizes = [128, 128], strides = [1, 1]} : vector<8192x128xf32> to vector<128x128xf32>
    %jit3A_1615 = arith.constant -1.000000e+00 : f32
    %broadcast_in_dim3A_1616 = vector.shape_cast %le3A_1613 : vector<128x1xi1> to vector<128x1xi1>
    %broadcast_in_dim3A_1617 = vector.broadcast %broadcast_in_dim3A_1616 : vector<128x1xi1> to vector<128x128xi1>
    %broadcast_in_dim3A_1618 = vector.broadcast %jit3A_1615 : f32 to vector<128x128xf32>
    %select_n3A_1619 = arith.select %broadcast_in_dim3A_1617, %slice3A_1614, %broadcast_in_dim3A_1618 : vector<128x128xi1>, vector<128x128xf32>
    %max3A_1620 = arith.maximumf %max3A_1607, %select_n3A_1619 : vector<128x128xf32>
    %get3A_1621 = arith.constant 0 : index
    %get3A_1622 = arith.constant 42 : index
    %get3A_1623 = vector.load %arg3[%get3A_1621, %get3A_1622] : memref<128x64xf32, #tpu.memory_space<vmem>>, vector<128x1xf32>
    %le3A_1624 = arith.constant 6.400000e-01 : f32
    %le3A_1625 = vector.broadcast %le3A_1624 : f32 to vector<128x1xf32>
    %le3A_1626 = arith.cmpf ole, %get3A_1623, %le3A_1625 : vector<128x1xf32>
    %slice3A_1627 = vector.extract_strided_slice %max3A_1076 {offsets = [5376, 0], sizes = [128, 128], strides = [1, 1]} : vector<8192x128xf32> to vector<128x128xf32>
    %jit3A_1628 = arith.constant -1.000000e+00 : f32
    %broadcast_in_dim3A_1629 = vector.shape_cast %le3A_1626 : vector<128x1xi1> to vector<128x1xi1>
    %broadcast_in_dim3A_1630 = vector.broadcast %broadcast_in_dim3A_1629 : vector<128x1xi1> to vector<128x128xi1>
    %broadcast_in_dim3A_1631 = vector.broadcast %jit3A_1628 : f32 to vector<128x128xf32>
    %select_n3A_1632 = arith.select %broadcast_in_dim3A_1630, %slice3A_1627, %broadcast_in_dim3A_1631 : vector<128x128xi1>, vector<128x128xf32>
    %max3A_1633 = arith.maximumf %max3A_1620, %select_n3A_1632 : vector<128x128xf32>
    %get3A_1634 = arith.constant 0 : index
    %get3A_1635 = arith.constant 43 : index
    %get3A_1636 = vector.load %arg3[%get3A_1634, %get3A_1635] : memref<128x64xf32, #tpu.memory_space<vmem>>, vector<128x1xf32>
    %le3A_1637 = arith.constant 6.400000e-01 : f32
    %le3A_1638 = vector.broadcast %le3A_1637 : f32 to vector<128x1xf32>
    %le3A_1639 = arith.cmpf ole, %get3A_1636, %le3A_1638 : vector<128x1xf32>
    %slice3A_1640 = vector.extract_strided_slice %max3A_1076 {offsets = [5504, 0], sizes = [128, 128], strides = [1, 1]} : vector<8192x128xf32> to vector<128x128xf32>
    %jit3A_1641 = arith.constant -1.000000e+00 : f32
    %broadcast_in_dim3A_1642 = vector.shape_cast %le3A_1639 : vector<128x1xi1> to vector<128x1xi1>
    %broadcast_in_dim3A_1643 = vector.broadcast %broadcast_in_dim3A_1642 : vector<128x1xi1> to vector<128x128xi1>
    %broadcast_in_dim3A_1644 = vector.broadcast %jit3A_1641 : f32 to vector<128x128xf32>
    %select_n3A_1645 = arith.select %broadcast_in_dim3A_1643, %slice3A_1640, %broadcast_in_dim3A_1644 : vector<128x128xi1>, vector<128x128xf32>
    %max3A_1646 = arith.maximumf %max3A_1633, %select_n3A_1645 : vector<128x128xf32>
    %get3A_1647 = arith.constant 0 : index
    %get3A_1648 = arith.constant 44 : index
    %get3A_1649 = vector.load %arg3[%get3A_1647, %get3A_1648] : memref<128x64xf32, #tpu.memory_space<vmem>>, vector<128x1xf32>
    %le3A_1650 = arith.constant 6.400000e-01 : f32
    %le3A_1651 = vector.broadcast %le3A_1650 : f32 to vector<128x1xf32>
    %le3A_1652 = arith.cmpf ole, %get3A_1649, %le3A_1651 : vector<128x1xf32>
    %slice3A_1653 = vector.extract_strided_slice %max3A_1076 {offsets = [5632, 0], sizes = [128, 128], strides = [1, 1]} : vector<8192x128xf32> to vector<128x128xf32>
    %jit3A_1654 = arith.constant -1.000000e+00 : f32
    %broadcast_in_dim3A_1655 = vector.shape_cast %le3A_1652 : vector<128x1xi1> to vector<128x1xi1>
    %broadcast_in_dim3A_1656 = vector.broadcast %broadcast_in_dim3A_1655 : vector<128x1xi1> to vector<128x128xi1>
    %broadcast_in_dim3A_1657 = vector.broadcast %jit3A_1654 : f32 to vector<128x128xf32>
    %select_n3A_1658 = arith.select %broadcast_in_dim3A_1656, %slice3A_1653, %broadcast_in_dim3A_1657 : vector<128x128xi1>, vector<128x128xf32>
    %max3A_1659 = arith.maximumf %max3A_1646, %select_n3A_1658 : vector<128x128xf32>
    %get3A_1660 = arith.constant 0 : index
    %get3A_1661 = arith.constant 45 : index
    %get3A_1662 = vector.load %arg3[%get3A_1660, %get3A_1661] : memref<128x64xf32, #tpu.memory_space<vmem>>, vector<128x1xf32>
    %le3A_1663 = arith.constant 6.400000e-01 : f32
    %le3A_1664 = vector.broadcast %le3A_1663 : f32 to vector<128x1xf32>
    %le3A_1665 = arith.cmpf ole, %get3A_1662, %le3A_1664 : vector<128x1xf32>
    %slice3A_1666 = vector.extract_strided_slice %max3A_1076 {offsets = [5760, 0], sizes = [128, 128], strides = [1, 1]} : vector<8192x128xf32> to vector<128x128xf32>
    %jit3A_1667 = arith.constant -1.000000e+00 : f32
    %broadcast_in_dim3A_1668 = vector.shape_cast %le3A_1665 : vector<128x1xi1> to vector<128x1xi1>
    %broadcast_in_dim3A_1669 = vector.broadcast %broadcast_in_dim3A_1668 : vector<128x1xi1> to vector<128x128xi1>
    %broadcast_in_dim3A_1670 = vector.broadcast %jit3A_1667 : f32 to vector<128x128xf32>
    %select_n3A_1671 = arith.select %broadcast_in_dim3A_1669, %slice3A_1666, %broadcast_in_dim3A_1670 : vector<128x128xi1>, vector<128x128xf32>
    %max3A_1672 = arith.maximumf %max3A_1659, %select_n3A_1671 : vector<128x128xf32>
    %get3A_1673 = arith.constant 0 : index
    %get3A_1674 = arith.constant 46 : index
    %get3A_1675 = vector.load %arg3[%get3A_1673, %get3A_1674] : memref<128x64xf32, #tpu.memory_space<vmem>>, vector<128x1xf32>
    %le3A_1676 = arith.constant 6.400000e-01 : f32
    %le3A_1677 = vector.broadcast %le3A_1676 : f32 to vector<128x1xf32>
    %le3A_1678 = arith.cmpf ole, %get3A_1675, %le3A_1677 : vector<128x1xf32>
    %slice3A_1679 = vector.extract_strided_slice %max3A_1076 {offsets = [5888, 0], sizes = [128, 128], strides = [1, 1]} : vector<8192x128xf32> to vector<128x128xf32>
    %jit3A_1680 = arith.constant -1.000000e+00 : f32
    %broadcast_in_dim3A_1681 = vector.shape_cast %le3A_1678 : vector<128x1xi1> to vector<128x1xi1>
    %broadcast_in_dim3A_1682 = vector.broadcast %broadcast_in_dim3A_1681 : vector<128x1xi1> to vector<128x128xi1>
    %broadcast_in_dim3A_1683 = vector.broadcast %jit3A_1680 : f32 to vector<128x128xf32>
    %select_n3A_1684 = arith.select %broadcast_in_dim3A_1682, %slice3A_1679, %broadcast_in_dim3A_1683 : vector<128x128xi1>, vector<128x128xf32>
    %max3A_1685 = arith.maximumf %max3A_1672, %select_n3A_1684 : vector<128x128xf32>
    %get3A_1686 = arith.constant 0 : index
    %get3A_1687 = arith.constant 47 : index
    %get3A_1688 = vector.load %arg3[%get3A_1686, %get3A_1687] : memref<128x64xf32, #tpu.memory_space<vmem>>, vector<128x1xf32>
    %le3A_1689 = arith.constant 6.400000e-01 : f32
    %le3A_1690 = vector.broadcast %le3A_1689 : f32 to vector<128x1xf32>
    %le3A_1691 = arith.cmpf ole, %get3A_1688, %le3A_1690 : vector<128x1xf32>
    %slice3A_1692 = vector.extract_strided_slice %max3A_1076 {offsets = [6016, 0], sizes = [128, 128], strides = [1, 1]} : vector<8192x128xf32> to vector<128x128xf32>
    %jit3A_1693 = arith.constant -1.000000e+00 : f32
    %broadcast_in_dim3A_1694 = vector.shape_cast %le3A_1691 : vector<128x1xi1> to vector<128x1xi1>
    %broadcast_in_dim3A_1695 = vector.broadcast %broadcast_in_dim3A_1694 : vector<128x1xi1> to vector<128x128xi1>
    %broadcast_in_dim3A_1696 = vector.broadcast %jit3A_1693 : f32 to vector<128x128xf32>
    %select_n3A_1697 = arith.select %broadcast_in_dim3A_1695, %slice3A_1692, %broadcast_in_dim3A_1696 : vector<128x128xi1>, vector<128x128xf32>
    %max3A_1698 = arith.maximumf %max3A_1685, %select_n3A_1697 : vector<128x128xf32>
    %get3A_1699 = arith.constant 0 : index
    %get3A_1700 = arith.constant 48 : index
    %get3A_1701 = vector.load %arg3[%get3A_1699, %get3A_1700] : memref<128x64xf32, #tpu.memory_space<vmem>>, vector<128x1xf32>
    %le3A_1702 = arith.constant 6.400000e-01 : f32
    %le3A_1703 = vector.broadcast %le3A_1702 : f32 to vector<128x1xf32>
    %le3A_1704 = arith.cmpf ole, %get3A_1701, %le3A_1703 : vector<128x1xf32>
    %slice3A_1705 = vector.extract_strided_slice %max3A_1076 {offsets = [6144, 0], sizes = [128, 128], strides = [1, 1]} : vector<8192x128xf32> to vector<128x128xf32>
    %jit3A_1706 = arith.constant -1.000000e+00 : f32
    %broadcast_in_dim3A_1707 = vector.shape_cast %le3A_1704 : vector<128x1xi1> to vector<128x1xi1>
    %broadcast_in_dim3A_1708 = vector.broadcast %broadcast_in_dim3A_1707 : vector<128x1xi1> to vector<128x128xi1>
    %broadcast_in_dim3A_1709 = vector.broadcast %jit3A_1706 : f32 to vector<128x128xf32>
    %select_n3A_1710 = arith.select %broadcast_in_dim3A_1708, %slice3A_1705, %broadcast_in_dim3A_1709 : vector<128x128xi1>, vector<128x128xf32>
    %max3A_1711 = arith.maximumf %max3A_1698, %select_n3A_1710 : vector<128x128xf32>
    %get3A_1712 = arith.constant 0 : index
    %get3A_1713 = arith.constant 49 : index
    %get3A_1714 = vector.load %arg3[%get3A_1712, %get3A_1713] : memref<128x64xf32, #tpu.memory_space<vmem>>, vector<128x1xf32>
    %le3A_1715 = arith.constant 6.400000e-01 : f32
    %le3A_1716 = vector.broadcast %le3A_1715 : f32 to vector<128x1xf32>
    %le3A_1717 = arith.cmpf ole, %get3A_1714, %le3A_1716 : vector<128x1xf32>
    %slice3A_1718 = vector.extract_strided_slice %max3A_1076 {offsets = [6272, 0], sizes = [128, 128], strides = [1, 1]} : vector<8192x128xf32> to vector<128x128xf32>
    %jit3A_1719 = arith.constant -1.000000e+00 : f32
    %broadcast_in_dim3A_1720 = vector.shape_cast %le3A_1717 : vector<128x1xi1> to vector<128x1xi1>
    %broadcast_in_dim3A_1721 = vector.broadcast %broadcast_in_dim3A_1720 : vector<128x1xi1> to vector<128x128xi1>
    %broadcast_in_dim3A_1722 = vector.broadcast %jit3A_1719 : f32 to vector<128x128xf32>
    %select_n3A_1723 = arith.select %broadcast_in_dim3A_1721, %slice3A_1718, %broadcast_in_dim3A_1722 : vector<128x128xi1>, vector<128x128xf32>
    %max3A_1724 = arith.maximumf %max3A_1711, %select_n3A_1723 : vector<128x128xf32>
    %get3A_1725 = arith.constant 0 : index
    %get3A_1726 = arith.constant 50 : index
    %get3A_1727 = vector.load %arg3[%get3A_1725, %get3A_1726] : memref<128x64xf32, #tpu.memory_space<vmem>>, vector<128x1xf32>
    %le3A_1728 = arith.constant 6.400000e-01 : f32
    %le3A_1729 = vector.broadcast %le3A_1728 : f32 to vector<128x1xf32>
    %le3A_1730 = arith.cmpf ole, %get3A_1727, %le3A_1729 : vector<128x1xf32>
    %slice3A_1731 = vector.extract_strided_slice %max3A_1076 {offsets = [6400, 0], sizes = [128, 128], strides = [1, 1]} : vector<8192x128xf32> to vector<128x128xf32>
    %jit3A_1732 = arith.constant -1.000000e+00 : f32
    %broadcast_in_dim3A_1733 = vector.shape_cast %le3A_1730 : vector<128x1xi1> to vector<128x1xi1>
    %broadcast_in_dim3A_1734 = vector.broadcast %broadcast_in_dim3A_1733 : vector<128x1xi1> to vector<128x128xi1>
    %broadcast_in_dim3A_1735 = vector.broadcast %jit3A_1732 : f32 to vector<128x128xf32>
    %select_n3A_1736 = arith.select %broadcast_in_dim3A_1734, %slice3A_1731, %broadcast_in_dim3A_1735 : vector<128x128xi1>, vector<128x128xf32>
    %max3A_1737 = arith.maximumf %max3A_1724, %select_n3A_1736 : vector<128x128xf32>
    %get3A_1738 = arith.constant 0 : index
    %get3A_1739 = arith.constant 51 : index
    %get3A_1740 = vector.load %arg3[%get3A_1738, %get3A_1739] : memref<128x64xf32, #tpu.memory_space<vmem>>, vector<128x1xf32>
    %le3A_1741 = arith.constant 6.400000e-01 : f32
    %le3A_1742 = vector.broadcast %le3A_1741 : f32 to vector<128x1xf32>
    %le3A_1743 = arith.cmpf ole, %get3A_1740, %le3A_1742 : vector<128x1xf32>
    %slice3A_1744 = vector.extract_strided_slice %max3A_1076 {offsets = [6528, 0], sizes = [128, 128], strides = [1, 1]} : vector<8192x128xf32> to vector<128x128xf32>
    %jit3A_1745 = arith.constant -1.000000e+00 : f32
    %broadcast_in_dim3A_1746 = vector.shape_cast %le3A_1743 : vector<128x1xi1> to vector<128x1xi1>
    %broadcast_in_dim3A_1747 = vector.broadcast %broadcast_in_dim3A_1746 : vector<128x1xi1> to vector<128x128xi1>
    %broadcast_in_dim3A_1748 = vector.broadcast %jit3A_1745 : f32 to vector<128x128xf32>
    %select_n3A_1749 = arith.select %broadcast_in_dim3A_1747, %slice3A_1744, %broadcast_in_dim3A_1748 : vector<128x128xi1>, vector<128x128xf32>
    %max3A_1750 = arith.maximumf %max3A_1737, %select_n3A_1749 : vector<128x128xf32>
    %get3A_1751 = arith.constant 0 : index
    %get3A_1752 = arith.constant 52 : index
    %get3A_1753 = vector.load %arg3[%get3A_1751, %get3A_1752] : memref<128x64xf32, #tpu.memory_space<vmem>>, vector<128x1xf32>
    %le3A_1754 = arith.constant 6.400000e-01 : f32
    %le3A_1755 = vector.broadcast %le3A_1754 : f32 to vector<128x1xf32>
    %le3A_1756 = arith.cmpf ole, %get3A_1753, %le3A_1755 : vector<128x1xf32>
    %slice3A_1757 = vector.extract_strided_slice %max3A_1076 {offsets = [6656, 0], sizes = [128, 128], strides = [1, 1]} : vector<8192x128xf32> to vector<128x128xf32>
    %jit3A_1758 = arith.constant -1.000000e+00 : f32
    %broadcast_in_dim3A_1759 = vector.shape_cast %le3A_1756 : vector<128x1xi1> to vector<128x1xi1>
    %broadcast_in_dim3A_1760 = vector.broadcast %broadcast_in_dim3A_1759 : vector<128x1xi1> to vector<128x128xi1>
    %broadcast_in_dim3A_1761 = vector.broadcast %jit3A_1758 : f32 to vector<128x128xf32>
    %select_n3A_1762 = arith.select %broadcast_in_dim3A_1760, %slice3A_1757, %broadcast_in_dim3A_1761 : vector<128x128xi1>, vector<128x128xf32>
    %max3A_1763 = arith.maximumf %max3A_1750, %select_n3A_1762 : vector<128x128xf32>
    %get3A_1764 = arith.constant 0 : index
    %get3A_1765 = arith.constant 53 : index
    %get3A_1766 = vector.load %arg3[%get3A_1764, %get3A_1765] : memref<128x64xf32, #tpu.memory_space<vmem>>, vector<128x1xf32>
    %le3A_1767 = arith.constant 6.400000e-01 : f32
    %le3A_1768 = vector.broadcast %le3A_1767 : f32 to vector<128x1xf32>
    %le3A_1769 = arith.cmpf ole, %get3A_1766, %le3A_1768 : vector<128x1xf32>
    %slice3A_1770 = vector.extract_strided_slice %max3A_1076 {offsets = [6784, 0], sizes = [128, 128], strides = [1, 1]} : vector<8192x128xf32> to vector<128x128xf32>
    %jit3A_1771 = arith.constant -1.000000e+00 : f32
    %broadcast_in_dim3A_1772 = vector.shape_cast %le3A_1769 : vector<128x1xi1> to vector<128x1xi1>
    %broadcast_in_dim3A_1773 = vector.broadcast %broadcast_in_dim3A_1772 : vector<128x1xi1> to vector<128x128xi1>
    %broadcast_in_dim3A_1774 = vector.broadcast %jit3A_1771 : f32 to vector<128x128xf32>
    %select_n3A_1775 = arith.select %broadcast_in_dim3A_1773, %slice3A_1770, %broadcast_in_dim3A_1774 : vector<128x128xi1>, vector<128x128xf32>
    %max3A_1776 = arith.maximumf %max3A_1763, %select_n3A_1775 : vector<128x128xf32>
    %get3A_1777 = arith.constant 0 : index
    %get3A_1778 = arith.constant 54 : index
    %get3A_1779 = vector.load %arg3[%get3A_1777, %get3A_1778] : memref<128x64xf32, #tpu.memory_space<vmem>>, vector<128x1xf32>
    %le3A_1780 = arith.constant 6.400000e-01 : f32
    %le3A_1781 = vector.broadcast %le3A_1780 : f32 to vector<128x1xf32>
    %le3A_1782 = arith.cmpf ole, %get3A_1779, %le3A_1781 : vector<128x1xf32>
    %slice3A_1783 = vector.extract_strided_slice %max3A_1076 {offsets = [6912, 0], sizes = [128, 128], strides = [1, 1]} : vector<8192x128xf32> to vector<128x128xf32>
    %jit3A_1784 = arith.constant -1.000000e+00 : f32
    %broadcast_in_dim3A_1785 = vector.shape_cast %le3A_1782 : vector<128x1xi1> to vector<128x1xi1>
    %broadcast_in_dim3A_1786 = vector.broadcast %broadcast_in_dim3A_1785 : vector<128x1xi1> to vector<128x128xi1>
    %broadcast_in_dim3A_1787 = vector.broadcast %jit3A_1784 : f32 to vector<128x128xf32>
    %select_n3A_1788 = arith.select %broadcast_in_dim3A_1786, %slice3A_1783, %broadcast_in_dim3A_1787 : vector<128x128xi1>, vector<128x128xf32>
    %max3A_1789 = arith.maximumf %max3A_1776, %select_n3A_1788 : vector<128x128xf32>
    %get3A_1790 = arith.constant 0 : index
    %get3A_1791 = arith.constant 55 : index
    %get3A_1792 = vector.load %arg3[%get3A_1790, %get3A_1791] : memref<128x64xf32, #tpu.memory_space<vmem>>, vector<128x1xf32>
    %le3A_1793 = arith.constant 6.400000e-01 : f32
    %le3A_1794 = vector.broadcast %le3A_1793 : f32 to vector<128x1xf32>
    %le3A_1795 = arith.cmpf ole, %get3A_1792, %le3A_1794 : vector<128x1xf32>
    %slice3A_1796 = vector.extract_strided_slice %max3A_1076 {offsets = [7040, 0], sizes = [128, 128], strides = [1, 1]} : vector<8192x128xf32> to vector<128x128xf32>
    %jit3A_1797 = arith.constant -1.000000e+00 : f32
    %broadcast_in_dim3A_1798 = vector.shape_cast %le3A_1795 : vector<128x1xi1> to vector<128x1xi1>
    %broadcast_in_dim3A_1799 = vector.broadcast %broadcast_in_dim3A_1798 : vector<128x1xi1> to vector<128x128xi1>
    %broadcast_in_dim3A_1800 = vector.broadcast %jit3A_1797 : f32 to vector<128x128xf32>
    %select_n3A_1801 = arith.select %broadcast_in_dim3A_1799, %slice3A_1796, %broadcast_in_dim3A_1800 : vector<128x128xi1>, vector<128x128xf32>
    %max3A_1802 = arith.maximumf %max3A_1789, %select_n3A_1801 : vector<128x128xf32>
    %get3A_1803 = arith.constant 0 : index
    %get3A_1804 = arith.constant 56 : index
    %get3A_1805 = vector.load %arg3[%get3A_1803, %get3A_1804] : memref<128x64xf32, #tpu.memory_space<vmem>>, vector<128x1xf32>
    %le3A_1806 = arith.constant 6.400000e-01 : f32
    %le3A_1807 = vector.broadcast %le3A_1806 : f32 to vector<128x1xf32>
    %le3A_1808 = arith.cmpf ole, %get3A_1805, %le3A_1807 : vector<128x1xf32>
    %slice3A_1809 = vector.extract_strided_slice %max3A_1076 {offsets = [7168, 0], sizes = [128, 128], strides = [1, 1]} : vector<8192x128xf32> to vector<128x128xf32>
    %jit3A_1810 = arith.constant -1.000000e+00 : f32
    %broadcast_in_dim3A_1811 = vector.shape_cast %le3A_1808 : vector<128x1xi1> to vector<128x1xi1>
    %broadcast_in_dim3A_1812 = vector.broadcast %broadcast_in_dim3A_1811 : vector<128x1xi1> to vector<128x128xi1>
    %broadcast_in_dim3A_1813 = vector.broadcast %jit3A_1810 : f32 to vector<128x128xf32>
    %select_n3A_1814 = arith.select %broadcast_in_dim3A_1812, %slice3A_1809, %broadcast_in_dim3A_1813 : vector<128x128xi1>, vector<128x128xf32>
    %max3A_1815 = arith.maximumf %max3A_1802, %select_n3A_1814 : vector<128x128xf32>
    %get3A_1816 = arith.constant 0 : index
    %get3A_1817 = arith.constant 57 : index
    %get3A_1818 = vector.load %arg3[%get3A_1816, %get3A_1817] : memref<128x64xf32, #tpu.memory_space<vmem>>, vector<128x1xf32>
    %le3A_1819 = arith.constant 6.400000e-01 : f32
    %le3A_1820 = vector.broadcast %le3A_1819 : f32 to vector<128x1xf32>
    %le3A_1821 = arith.cmpf ole, %get3A_1818, %le3A_1820 : vector<128x1xf32>
    %slice3A_1822 = vector.extract_strided_slice %max3A_1076 {offsets = [7296, 0], sizes = [128, 128], strides = [1, 1]} : vector<8192x128xf32> to vector<128x128xf32>
    %jit3A_1823 = arith.constant -1.000000e+00 : f32
    %broadcast_in_dim3A_1824 = vector.shape_cast %le3A_1821 : vector<128x1xi1> to vector<128x1xi1>
    %broadcast_in_dim3A_1825 = vector.broadcast %broadcast_in_dim3A_1824 : vector<128x1xi1> to vector<128x128xi1>
    %broadcast_in_dim3A_1826 = vector.broadcast %jit3A_1823 : f32 to vector<128x128xf32>
    %select_n3A_1827 = arith.select %broadcast_in_dim3A_1825, %slice3A_1822, %broadcast_in_dim3A_1826 : vector<128x128xi1>, vector<128x128xf32>
    %max3A_1828 = arith.maximumf %max3A_1815, %select_n3A_1827 : vector<128x128xf32>
    %get3A_1829 = arith.constant 0 : index
    %get3A_1830 = arith.constant 58 : index
    %get3A_1831 = vector.load %arg3[%get3A_1829, %get3A_1830] : memref<128x64xf32, #tpu.memory_space<vmem>>, vector<128x1xf32>
    %le3A_1832 = arith.constant 6.400000e-01 : f32
    %le3A_1833 = vector.broadcast %le3A_1832 : f32 to vector<128x1xf32>
    %le3A_1834 = arith.cmpf ole, %get3A_1831, %le3A_1833 : vector<128x1xf32>
    %slice3A_1835 = vector.extract_strided_slice %max3A_1076 {offsets = [7424, 0], sizes = [128, 128], strides = [1, 1]} : vector<8192x128xf32> to vector<128x128xf32>
    %jit3A_1836 = arith.constant -1.000000e+00 : f32
    %broadcast_in_dim3A_1837 = vector.shape_cast %le3A_1834 : vector<128x1xi1> to vector<128x1xi1>
    %broadcast_in_dim3A_1838 = vector.broadcast %broadcast_in_dim3A_1837 : vector<128x1xi1> to vector<128x128xi1>
    %broadcast_in_dim3A_1839 = vector.broadcast %jit3A_1836 : f32 to vector<128x128xf32>
    %select_n3A_1840 = arith.select %broadcast_in_dim3A_1838, %slice3A_1835, %broadcast_in_dim3A_1839 : vector<128x128xi1>, vector<128x128xf32>
    %max3A_1841 = arith.maximumf %max3A_1828, %select_n3A_1840 : vector<128x128xf32>
    %get3A_1842 = arith.constant 0 : index
    %get3A_1843 = arith.constant 59 : index
    %get3A_1844 = vector.load %arg3[%get3A_1842, %get3A_1843] : memref<128x64xf32, #tpu.memory_space<vmem>>, vector<128x1xf32>
    %le3A_1845 = arith.constant 6.400000e-01 : f32
    %le3A_1846 = vector.broadcast %le3A_1845 : f32 to vector<128x1xf32>
    %le3A_1847 = arith.cmpf ole, %get3A_1844, %le3A_1846 : vector<128x1xf32>
    %slice3A_1848 = vector.extract_strided_slice %max3A_1076 {offsets = [7552, 0], sizes = [128, 128], strides = [1, 1]} : vector<8192x128xf32> to vector<128x128xf32>
    %jit3A_1849 = arith.constant -1.000000e+00 : f32
    %broadcast_in_dim3A_1850 = vector.shape_cast %le3A_1847 : vector<128x1xi1> to vector<128x1xi1>
    %broadcast_in_dim3A_1851 = vector.broadcast %broadcast_in_dim3A_1850 : vector<128x1xi1> to vector<128x128xi1>
    %broadcast_in_dim3A_1852 = vector.broadcast %jit3A_1849 : f32 to vector<128x128xf32>
    %select_n3A_1853 = arith.select %broadcast_in_dim3A_1851, %slice3A_1848, %broadcast_in_dim3A_1852 : vector<128x128xi1>, vector<128x128xf32>
    %max3A_1854 = arith.maximumf %max3A_1841, %select_n3A_1853 : vector<128x128xf32>
    %get3A_1855 = arith.constant 0 : index
    %get3A_1856 = arith.constant 60 : index
    %get3A_1857 = vector.load %arg3[%get3A_1855, %get3A_1856] : memref<128x64xf32, #tpu.memory_space<vmem>>, vector<128x1xf32>
    %le3A_1858 = arith.constant 6.400000e-01 : f32
    %le3A_1859 = vector.broadcast %le3A_1858 : f32 to vector<128x1xf32>
    %le3A_1860 = arith.cmpf ole, %get3A_1857, %le3A_1859 : vector<128x1xf32>
    %slice3A_1861 = vector.extract_strided_slice %max3A_1076 {offsets = [7680, 0], sizes = [128, 128], strides = [1, 1]} : vector<8192x128xf32> to vector<128x128xf32>
    %jit3A_1862 = arith.constant -1.000000e+00 : f32
    %broadcast_in_dim3A_1863 = vector.shape_cast %le3A_1860 : vector<128x1xi1> to vector<128x1xi1>
    %broadcast_in_dim3A_1864 = vector.broadcast %broadcast_in_dim3A_1863 : vector<128x1xi1> to vector<128x128xi1>
    %broadcast_in_dim3A_1865 = vector.broadcast %jit3A_1862 : f32 to vector<128x128xf32>
    %select_n3A_1866 = arith.select %broadcast_in_dim3A_1864, %slice3A_1861, %broadcast_in_dim3A_1865 : vector<128x128xi1>, vector<128x128xf32>
    %max3A_1867 = arith.maximumf %max3A_1854, %select_n3A_1866 : vector<128x128xf32>
    %get3A_1868 = arith.constant 0 : index
    %get3A_1869 = arith.constant 61 : index
    %get3A_1870 = vector.load %arg3[%get3A_1868, %get3A_1869] : memref<128x64xf32, #tpu.memory_space<vmem>>, vector<128x1xf32>
    %le3A_1871 = arith.constant 6.400000e-01 : f32
    %le3A_1872 = vector.broadcast %le3A_1871 : f32 to vector<128x1xf32>
    %le3A_1873 = arith.cmpf ole, %get3A_1870, %le3A_1872 : vector<128x1xf32>
    %slice3A_1874 = vector.extract_strided_slice %max3A_1076 {offsets = [7808, 0], sizes = [128, 128], strides = [1, 1]} : vector<8192x128xf32> to vector<128x128xf32>
    %jit3A_1875 = arith.constant -1.000000e+00 : f32
    %broadcast_in_dim3A_1876 = vector.shape_cast %le3A_1873 : vector<128x1xi1> to vector<128x1xi1>
    %broadcast_in_dim3A_1877 = vector.broadcast %broadcast_in_dim3A_1876 : vector<128x1xi1> to vector<128x128xi1>
    %broadcast_in_dim3A_1878 = vector.broadcast %jit3A_1875 : f32 to vector<128x128xf32>
    %select_n3A_1879 = arith.select %broadcast_in_dim3A_1877, %slice3A_1874, %broadcast_in_dim3A_1878 : vector<128x128xi1>, vector<128x128xf32>
    %max3A_1880 = arith.maximumf %max3A_1867, %select_n3A_1879 : vector<128x128xf32>
    %get3A_1881 = arith.constant 0 : index
    %get3A_1882 = arith.constant 62 : index
    %get3A_1883 = vector.load %arg3[%get3A_1881, %get3A_1882] : memref<128x64xf32, #tpu.memory_space<vmem>>, vector<128x1xf32>
    %le3A_1884 = arith.constant 6.400000e-01 : f32
    %le3A_1885 = vector.broadcast %le3A_1884 : f32 to vector<128x1xf32>
    %le3A_1886 = arith.cmpf ole, %get3A_1883, %le3A_1885 : vector<128x1xf32>
    %slice3A_1887 = vector.extract_strided_slice %max3A_1076 {offsets = [7936, 0], sizes = [128, 128], strides = [1, 1]} : vector<8192x128xf32> to vector<128x128xf32>
    %jit3A_1888 = arith.constant -1.000000e+00 : f32
    %broadcast_in_dim3A_1889 = vector.shape_cast %le3A_1886 : vector<128x1xi1> to vector<128x1xi1>
    %broadcast_in_dim3A_1890 = vector.broadcast %broadcast_in_dim3A_1889 : vector<128x1xi1> to vector<128x128xi1>
    %broadcast_in_dim3A_1891 = vector.broadcast %jit3A_1888 : f32 to vector<128x128xf32>
    %select_n3A_1892 = arith.select %broadcast_in_dim3A_1890, %slice3A_1887, %broadcast_in_dim3A_1891 : vector<128x128xi1>, vector<128x128xf32>
    %max3A_1893 = arith.maximumf %max3A_1880, %select_n3A_1892 : vector<128x128xf32>
    %get3A_1894 = arith.constant 0 : index
    %get3A_1895 = arith.constant 63 : index
    %get3A_1896 = vector.load %arg3[%get3A_1894, %get3A_1895] : memref<128x64xf32, #tpu.memory_space<vmem>>, vector<128x1xf32>
    %le3A_1897 = arith.constant 6.400000e-01 : f32
    %le3A_1898 = vector.broadcast %le3A_1897 : f32 to vector<128x1xf32>
    %le3A_1899 = arith.cmpf ole, %get3A_1896, %le3A_1898 : vector<128x1xf32>
    %slice3A_1900 = vector.extract_strided_slice %max3A_1076 {offsets = [8064, 0], sizes = [128, 128], strides = [1, 1]} : vector<8192x128xf32> to vector<128x128xf32>
    %jit3A_1901 = arith.constant -1.000000e+00 : f32
    %broadcast_in_dim3A_1902 = vector.shape_cast %le3A_1899 : vector<128x1xi1> to vector<128x1xi1>
    %broadcast_in_dim3A_1903 = vector.broadcast %broadcast_in_dim3A_1902 : vector<128x1xi1> to vector<128x128xi1>
    %broadcast_in_dim3A_1904 = vector.broadcast %jit3A_1901 : f32 to vector<128x128xf32>
    %select_n3A_1905 = arith.select %broadcast_in_dim3A_1903, %slice3A_1900, %broadcast_in_dim3A_1904 : vector<128x128xi1>, vector<128x128xf32>
    %max3A_1906 = arith.maximumf %max3A_1893, %select_n3A_1905 : vector<128x128xf32>
    %lt3A = arith.constant 0.000000e+00 : f32
    %lt3A_1907 = vector.broadcast %lt3A : f32 to vector<128x128xf32>
    %lt3A_1908 = arith.cmpf olt, %max3A_1906, %lt3A_1907 : vector<128x128xf32>
    %jit3A_1909 = arith.constant 0.000000e+00 : f32
    %broadcast_in_dim3A_1910 = vector.broadcast %jit3A_1909 : f32 to vector<128x128xf32>
    %select_n3A_1911 = arith.select %lt3A_1908, %broadcast_in_dim3A_1910, %max3A_1906 : vector<128x128xi1>, vector<128x128xf32>
    %swap3A_1912 = arith.constant 0 : index
    %swap3A_1913 = arith.constant 0 : index
    %swap3A_1914 = vector.load %arg10[%swap3A_1912, %swap3A_1913] : memref<128x128xf32, #tpu.memory_space<vmem>>, vector<128x128xf32>
    tpu.vector_store %arg10[%swap3A_1912, %swap3A_1913], %select_n3A_1911 {strides = array<i32>} : memref<128x128xf32, #tpu.memory_space<vmem>>, vector<128x128xf32>,
    return
  }
  func.func @transform_0(%arg0: i32) -> (i32, i32, i32) {
    %c0_i32 = arith.constant 0 : i32
    %c0_i32_0 = arith.constant 0 : i32
    %c0_i32_1 = arith.constant 0 : i32
    return %c0_i32, %arg0, %c0_i32_0 : i32, i32, i32
  }
  func.func @transform_1(%arg0: i32) -> (i32, i32) {
    %c0_i32 = arith.constant 0 : i32
    %c0_i32_0 = arith.constant 0 : i32
    return %arg0, %c0_i32 : i32, i32
  }
  func.func @transform_2(%arg0: i32) -> (i32, i32) {
    %c0_i32 = arith.constant 0 : i32
    %c0_i32_0 = arith.constant 0 : i32
    return %arg0, %c0_i32 : i32, i32
  }
  func.func @transform_3(%arg0: i32) -> (i32, i32) {
    %c0_i32 = arith.constant 0 : i32
    %c0_i32_0 = arith.constant 0 : i32
    %c0_i32_1 = arith.constant 0 : i32
    return %c0_i32, %c0_i32_0 : i32, i32
  }
  func.func @transform_4(%arg0: i32) -> (i32, i32) {
    %c0_i32 = arith.constant 0 : i32
    %c0_i32_0 = arith.constant 0 : i32
    %c0_i32_1 = arith.constant 0 : i32
    return %c0_i32, %c0_i32_0 : i32, i32
  }
  func.func @transform_5(%arg0: i32) -> (i32, i32) {
    %c0_i32 = arith.constant 0 : i32
    %c0_i32_0 = arith.constant 0 : i32
    %c0_i32_1 = arith.constant 0 : i32
    return %c0_i32, %c0_i32_0 : i32, i32
  }
  func.func @transform_6(%arg0: i32) -> (i32, i32) {
    %c0_i32 = arith.constant 0 : i32
    %c0_i32_0 = arith.constant 0 : i32
    %c0_i32_1 = arith.constant 0 : i32
    return %c0_i32, %c0_i32_0 : i32, i32
  }
  func.func @transform_7(%arg0: i32) -> (i32, i32) {
    %c0_i32 = arith.constant 0 : i32
    %c0_i32_0 = arith.constant 0 : i32
    %c0_i32_1 = arith.constant 0 : i32
    return %c0_i32, %c0_i32_0 : i32, i32
  }
  func.func @transform_8(%arg0: i32) -> (i32, i32) {
    %c0_i32 = arith.constant 0 : i32
    %c0_i32_0 = arith.constant 0 : i32
    %c0_i32_1 = arith.constant 0 : i32
    return %c0_i32, %c0_i32_0 : i32, i32
  }
  func.func @transform_9(%arg0: i32) -> (i32, i32) {
    %c0_i32 = arith.constant 0 : i32
    %c0_i32_0 = arith.constant 0 : i32
    return %arg0, %c0_i32 : i32, i32
  }
}

module attributes {stable_mosaic.version = 14 : i64} {
  func.func @_conv_body(%arg0: i32, %arg1: memref<32x128x128xf32, #tpu.memory_space<vmem>>, %arg2: memref<128x4xf32, #tpu.memory_space<vmem>>, %arg3: memref<128x64xf32, #tpu.memory_space<vmem>>, %arg4: memref<128x64xf32, #tpu.memory_space<vmem>>, %arg5: memref<1x64xf32, #tpu.memory_space<vmem>>, %arg6: memref<64x64xf32, #tpu.memory_space<vmem>>, %arg7: memref<1x64xf32, #tpu.memory_space<vmem>>, %arg8: memref<64x128xf32, #tpu.memory_space<vmem>>, %arg9: memref<1x128xf32, #tpu.memory_space<vmem>>, %arg10: memref<128x128xf32, #tpu.memory_space<vmem>>, %arg11: memref<4096x64xf32, #tpu.memory_space<vmem>>) attributes {dimension_semantics = [#tpu.dimension_semantics<arbitrary>], iteration_bounds = array<i64: 16>, scalar_prefetch = 0 : i64, scratch_operands = 1 : i64, tpu.core_type = #tpu.core_type<tc>, window_params = [{transform_indices = @transform_0, window_bounds = array<i64: 32, 128, 128>}, {transform_indices = @transform_1, window_bounds = array<i64: 128, 4>}, {transform_indices = @transform_2, window_bounds = array<i64: 128, 64>}, {pipeline_mode = #tpu.pipeline_mode<synchronous>, transform_indices = @transform_3, window_bounds = array<i64: 128, 64>}, {pipeline_mode = #tpu.pipeline_mode<synchronous>, transform_indices = @transform_4, window_bounds = array<i64: 1, 64>}, {pipeline_mode = #tpu.pipeline_mode<synchronous>, transform_indices = @transform_5, window_bounds = array<i64: 64, 64>}, {pipeline_mode = #tpu.pipeline_mode<synchronous>, transform_indices = @transform_6, window_bounds = array<i64: 1, 64>}, {pipeline_mode = #tpu.pipeline_mode<synchronous>, transform_indices = @transform_7, window_bounds = array<i64: 64, 128>}, {pipeline_mode = #tpu.pipeline_mode<synchronous>, transform_indices = @transform_8, window_bounds = array<i64: 1, 128>}, {transform_indices = @transform_9, window_bounds = array<i64: 128, 128>}]} {
    %get3A = arith.constant 0 : index
    %get3A_0 = arith.constant 0 : index
    %get3A_1 = vector.load %arg2[%get3A, %get3A_0] : memref<128x4xf32, #tpu.memory_space<vmem>>, vector<128x4xf32>
    %slice3A = vector.extract_strided_slice %get3A_1 {offsets = [0, 0], sizes = [128, 1], strides = [1, 1]} : vector<128x4xf32> to vector<128x1xf32>
    %slice3A_2 = vector.extract_strided_slice %get3A_1 {offsets = [0, 1], sizes = [128, 1], strides = [1, 1]} : vector<128x4xf32> to vector<128x1xf32>
    %slice3A_3 = vector.extract_strided_slice %get3A_1 {offsets = [0, 2], sizes = [128, 1], strides = [1, 1]} : vector<128x4xf32> to vector<128x1xf32>
    %get3A_4 = arith.constant 0 : index
    %get3A_5 = arith.constant 0 : index
    %get3A_6 = vector.load %arg4[%get3A_4, %get3A_5] : memref<128x64xf32, #tpu.memory_space<vmem>>, vector<128x64xf32>
    %get3A_7 = arith.constant 64 : index
    %get3A_8 = arith.constant 0 : index
    %get3A_9 = vector.load %arg4[%get3A_7, %get3A_8] : memref<128x64xf32, #tpu.memory_space<vmem>>, vector<1x64xf32>
    %mul3A = vector.broadcast %slice3A : vector<128x1xf32> to vector<128x64xf32>
    %mul3A_10 = vector.broadcast %get3A_9 : vector<1x64xf32> to vector<128x64xf32>
    %mul3A_11 = arith.mulf %mul3A, %mul3A_10 : vector<128x64xf32>
    %get3A_12 = arith.constant 65 : index
    %get3A_13 = arith.constant 0 : index
    %get3A_14 = vector.load %arg4[%get3A_12, %get3A_13] : memref<128x64xf32, #tpu.memory_space<vmem>>, vector<1x64xf32>
    %mul3A_15 = vector.broadcast %slice3A_2 : vector<128x1xf32> to vector<128x64xf32>
    %mul3A_16 = vector.broadcast %get3A_14 : vector<1x64xf32> to vector<128x64xf32>
    %mul3A_17 = arith.mulf %mul3A_15, %mul3A_16 : vector<128x64xf32>
    %add3A = arith.addf %mul3A_11, %mul3A_17 : vector<128x64xf32>
    %get3A_18 = arith.constant 66 : index
    %get3A_19 = arith.constant 0 : index
    %get3A_20 = vector.load %arg4[%get3A_18, %get3A_19] : memref<128x64xf32, #tpu.memory_space<vmem>>, vector<1x64xf32>
    %mul3A_21 = vector.broadcast %slice3A_3 : vector<128x1xf32> to vector<128x64xf32>
    %mul3A_22 = vector.broadcast %get3A_20 : vector<1x64xf32> to vector<128x64xf32>
    %mul3A_23 = arith.mulf %mul3A_21, %mul3A_22 : vector<128x64xf32>
    %add3A_24 = arith.addf %add3A, %mul3A_23 : vector<128x64xf32>
    %get3A_25 = arith.constant 0 : index
    %get3A_26 = arith.constant 0 : index
    %get3A_27 = vector.load %arg5[%get3A_25, %get3A_26] : memref<1x64xf32, #tpu.memory_space<vmem>>, vector<1x64xf32>
    %get3A_28 = arith.constant 0 : index
    %get3A_29 = arith.constant 0 : index
    %get3A_30 = arith.constant 0 : index
    %get3A_31 = vector.load %arg1[%get3A_28, %get3A_29, %get3A_30] : memref<32x128x128xf32, #tpu.memory_space<vmem>>, vector<1x128x128xf32>
    %get3A_32 = vector.shape_cast %get3A_31 : vector<1x128x128xf32> to vector<128x128xf32>
    %dot_general3A = arith.constant dense<0.000000e+00> : vector<128x64xf32>
    %dot_general3A_33 = tpu.matmul %get3A_32, %get3A_6, %dot_general3A {dimension_numbers = #tpu.dot_dimension_numbers<[1], [0], [0], [1], [0, 0, 1, 1], [], []>, transpose_lhs_hint = false} : vector<128x128xf32>, vector<128x64xf32>, vector<128x64xf32> -> vector<128x64xf32>
    %add3A_34 = vector.broadcast %get3A_27 : vector<1x64xf32> to vector<128x64xf32>
    %add3A_35 = arith.addf %dot_general3A_33, %add3A_34 : vector<128x64xf32>
    %sub3A = arith.subf %add3A_35, %add3A_24 : vector<128x64xf32>
    %max3A = arith.constant 0.000000e+00 : f32
    %max3A_36 = vector.broadcast %max3A : f32 to vector<128x64xf32>
    %max3A_37 = arith.maximumf %sub3A, %max3A_36 : vector<128x64xf32>
    %swap3A = arith.constant 0 : index
    %swap3A_38 = arith.constant 0 : index
    %swap3A_39 = vector.load %arg11[%swap3A, %swap3A_38] : memref<4096x64xf32, #tpu.memory_space<vmem>>, vector<128x64xf32>
    tpu.vector_store %arg11[%swap3A, %swap3A_38], %max3A_37 {strides = array<i32>} : memref<4096x64xf32, #tpu.memory_space<vmem>>, vector<128x64xf32>,
    %get3A_40 = arith.constant 1 : index
    %get3A_41 = arith.constant 0 : index
    %get3A_42 = arith.constant 0 : index
    %get3A_43 = vector.load %arg1[%get3A_40, %get3A_41, %get3A_42] : memref<32x128x128xf32, #tpu.memory_space<vmem>>, vector<1x128x128xf32>
    %get3A_44 = vector.shape_cast %get3A_43 : vector<1x128x128xf32> to vector<128x128xf32>
    %dot_general3A_45 = arith.constant dense<0.000000e+00> : vector<128x64xf32>
    %dot_general3A_46 = tpu.matmul %get3A_44, %get3A_6, %dot_general3A_45 {dimension_numbers = #tpu.dot_dimension_numbers<[1], [0], [0], [1], [0, 0, 1, 1], [], []>, transpose_lhs_hint = false} : vector<128x128xf32>, vector<128x64xf32>, vector<128x64xf32> -> vector<128x64xf32>
    %add3A_47 = vector.broadcast %get3A_27 : vector<1x64xf32> to vector<128x64xf32>
    %add3A_48 = arith.addf %dot_general3A_46, %add3A_47 : vector<128x64xf32>
    %sub3A_49 = arith.subf %add3A_48, %add3A_24 : vector<128x64xf32>
    %max3A_50 = arith.constant 0.000000e+00 : f32
    %max3A_51 = vector.broadcast %max3A_50 : f32 to vector<128x64xf32>
    %max3A_52 = arith.maximumf %sub3A_49, %max3A_51 : vector<128x64xf32>
    %swap3A_53 = arith.constant 128 : index
    %swap3A_54 = arith.constant 0 : index
    %swap3A_55 = vector.load %arg11[%swap3A_53, %swap3A_54] : memref<4096x64xf32, #tpu.memory_space<vmem>>, vector<128x64xf32>
    tpu.vector_store %arg11[%swap3A_53, %swap3A_54], %max3A_52 {strides = array<i32>} : memref<4096x64xf32, #tpu.memory_space<vmem>>, vector<128x64xf32>,
    %get3A_56 = arith.constant 2 : index
    %get3A_57 = arith.constant 0 : index
    %get3A_58 = arith.constant 0 : index
    %get3A_59 = vector.load %arg1[%get3A_56, %get3A_57, %get3A_58] : memref<32x128x128xf32, #tpu.memory_space<vmem>>, vector<1x128x128xf32>
    %get3A_60 = vector.shape_cast %get3A_59 : vector<1x128x128xf32> to vector<128x128xf32>
    %dot_general3A_61 = arith.constant dense<0.000000e+00> : vector<128x64xf32>
    %dot_general3A_62 = tpu.matmul %get3A_60, %get3A_6, %dot_general3A_61 {dimension_numbers = #tpu.dot_dimension_numbers<[1], [0], [0], [1], [0, 0, 1, 1], [], []>, transpose_lhs_hint = false} : vector<128x128xf32>, vector<128x64xf32>, vector<128x64xf32> -> vector<128x64xf32>
    %add3A_63 = vector.broadcast %get3A_27 : vector<1x64xf32> to vector<128x64xf32>
    %add3A_64 = arith.addf %dot_general3A_62, %add3A_63 : vector<128x64xf32>
    %sub3A_65 = arith.subf %add3A_64, %add3A_24 : vector<128x64xf32>
    %max3A_66 = arith.constant 0.000000e+00 : f32
    %max3A_67 = vector.broadcast %max3A_66 : f32 to vector<128x64xf32>
    %max3A_68 = arith.maximumf %sub3A_65, %max3A_67 : vector<128x64xf32>
    %swap3A_69 = arith.constant 256 : index
    %swap3A_70 = arith.constant 0 : index
    %swap3A_71 = vector.load %arg11[%swap3A_69, %swap3A_70] : memref<4096x64xf32, #tpu.memory_space<vmem>>, vector<128x64xf32>
    tpu.vector_store %arg11[%swap3A_69, %swap3A_70], %max3A_68 {strides = array<i32>} : memref<4096x64xf32, #tpu.memory_space<vmem>>, vector<128x64xf32>,
    %get3A_72 = arith.constant 3 : index
    %get3A_73 = arith.constant 0 : index
    %get3A_74 = arith.constant 0 : index
    %get3A_75 = vector.load %arg1[%get3A_72, %get3A_73, %get3A_74] : memref<32x128x128xf32, #tpu.memory_space<vmem>>, vector<1x128x128xf32>
    %get3A_76 = vector.shape_cast %get3A_75 : vector<1x128x128xf32> to vector<128x128xf32>
    %dot_general3A_77 = arith.constant dense<0.000000e+00> : vector<128x64xf32>
    %dot_general3A_78 = tpu.matmul %get3A_76, %get3A_6, %dot_general3A_77 {dimension_numbers = #tpu.dot_dimension_numbers<[1], [0], [0], [1], [0, 0, 1, 1], [], []>, transpose_lhs_hint = false} : vector<128x128xf32>, vector<128x64xf32>, vector<128x64xf32> -> vector<128x64xf32>
    %add3A_79 = vector.broadcast %get3A_27 : vector<1x64xf32> to vector<128x64xf32>
    %add3A_80 = arith.addf %dot_general3A_78, %add3A_79 : vector<128x64xf32>
    %sub3A_81 = arith.subf %add3A_80, %add3A_24 : vector<128x64xf32>
    %max3A_82 = arith.constant 0.000000e+00 : f32
    %max3A_83 = vector.broadcast %max3A_82 : f32 to vector<128x64xf32>
    %max3A_84 = arith.maximumf %sub3A_81, %max3A_83 : vector<128x64xf32>
    %swap3A_85 = arith.constant 384 : index
    %swap3A_86 = arith.constant 0 : index
    %swap3A_87 = vector.load %arg11[%swap3A_85, %swap3A_86] : memref<4096x64xf32, #tpu.memory_space<vmem>>, vector<128x64xf32>
    tpu.vector_store %arg11[%swap3A_85, %swap3A_86], %max3A_84 {strides = array<i32>} : memref<4096x64xf32, #tpu.memory_space<vmem>>, vector<128x64xf32>,
    %get3A_88 = arith.constant 4 : index
    %get3A_89 = arith.constant 0 : index
    %get3A_90 = arith.constant 0 : index
    %get3A_91 = vector.load %arg1[%get3A_88, %get3A_89, %get3A_90] : memref<32x128x128xf32, #tpu.memory_space<vmem>>, vector<1x128x128xf32>
    %get3A_92 = vector.shape_cast %get3A_91 : vector<1x128x128xf32> to vector<128x128xf32>
    %dot_general3A_93 = arith.constant dense<0.000000e+00> : vector<128x64xf32>
    %dot_general3A_94 = tpu.matmul %get3A_92, %get3A_6, %dot_general3A_93 {dimension_numbers = #tpu.dot_dimension_numbers<[1], [0], [0], [1], [0, 0, 1, 1], [], []>, transpose_lhs_hint = false} : vector<128x128xf32>, vector<128x64xf32>, vector<128x64xf32> -> vector<128x64xf32>
    %add3A_95 = vector.broadcast %get3A_27 : vector<1x64xf32> to vector<128x64xf32>
    %add3A_96 = arith.addf %dot_general3A_94, %add3A_95 : vector<128x64xf32>
    %sub3A_97 = arith.subf %add3A_96, %add3A_24 : vector<128x64xf32>
    %max3A_98 = arith.constant 0.000000e+00 : f32
    %max3A_99 = vector.broadcast %max3A_98 : f32 to vector<128x64xf32>
    %max3A_100 = arith.maximumf %sub3A_97, %max3A_99 : vector<128x64xf32>
    %swap3A_101 = arith.constant 512 : index
    %swap3A_102 = arith.constant 0 : index
    %swap3A_103 = vector.load %arg11[%swap3A_101, %swap3A_102] : memref<4096x64xf32, #tpu.memory_space<vmem>>, vector<128x64xf32>
    tpu.vector_store %arg11[%swap3A_101, %swap3A_102], %max3A_100 {strides = array<i32>} : memref<4096x64xf32, #tpu.memory_space<vmem>>, vector<128x64xf32>,
    %get3A_104 = arith.constant 5 : index
    %get3A_105 = arith.constant 0 : index
    %get3A_106 = arith.constant 0 : index
    %get3A_107 = vector.load %arg1[%get3A_104, %get3A_105, %get3A_106] : memref<32x128x128xf32, #tpu.memory_space<vmem>>, vector<1x128x128xf32>
    %get3A_108 = vector.shape_cast %get3A_107 : vector<1x128x128xf32> to vector<128x128xf32>
    %dot_general3A_109 = arith.constant dense<0.000000e+00> : vector<128x64xf32>
    %dot_general3A_110 = tpu.matmul %get3A_108, %get3A_6, %dot_general3A_109 {dimension_numbers = #tpu.dot_dimension_numbers<[1], [0], [0], [1], [0, 0, 1, 1], [], []>, transpose_lhs_hint = false} : vector<128x128xf32>, vector<128x64xf32>, vector<128x64xf32> -> vector<128x64xf32>
    %add3A_111 = vector.broadcast %get3A_27 : vector<1x64xf32> to vector<128x64xf32>
    %add3A_112 = arith.addf %dot_general3A_110, %add3A_111 : vector<128x64xf32>
    %sub3A_113 = arith.subf %add3A_112, %add3A_24 : vector<128x64xf32>
    %max3A_114 = arith.constant 0.000000e+00 : f32
    %max3A_115 = vector.broadcast %max3A_114 : f32 to vector<128x64xf32>
    %max3A_116 = arith.maximumf %sub3A_113, %max3A_115 : vector<128x64xf32>
    %swap3A_117 = arith.constant 640 : index
    %swap3A_118 = arith.constant 0 : index
    %swap3A_119 = vector.load %arg11[%swap3A_117, %swap3A_118] : memref<4096x64xf32, #tpu.memory_space<vmem>>, vector<128x64xf32>
    tpu.vector_store %arg11[%swap3A_117, %swap3A_118], %max3A_116 {strides = array<i32>} : memref<4096x64xf32, #tpu.memory_space<vmem>>, vector<128x64xf32>,
    %get3A_120 = arith.constant 6 : index
    %get3A_121 = arith.constant 0 : index
    %get3A_122 = arith.constant 0 : index
    %get3A_123 = vector.load %arg1[%get3A_120, %get3A_121, %get3A_122] : memref<32x128x128xf32, #tpu.memory_space<vmem>>, vector<1x128x128xf32>
    %get3A_124 = vector.shape_cast %get3A_123 : vector<1x128x128xf32> to vector<128x128xf32>
    %dot_general3A_125 = arith.constant dense<0.000000e+00> : vector<128x64xf32>
    %dot_general3A_126 = tpu.matmul %get3A_124, %get3A_6, %dot_general3A_125 {dimension_numbers = #tpu.dot_dimension_numbers<[1], [0], [0], [1], [0, 0, 1, 1], [], []>, transpose_lhs_hint = false} : vector<128x128xf32>, vector<128x64xf32>, vector<128x64xf32> -> vector<128x64xf32>
    %add3A_127 = vector.broadcast %get3A_27 : vector<1x64xf32> to vector<128x64xf32>
    %add3A_128 = arith.addf %dot_general3A_126, %add3A_127 : vector<128x64xf32>
    %sub3A_129 = arith.subf %add3A_128, %add3A_24 : vector<128x64xf32>
    %max3A_130 = arith.constant 0.000000e+00 : f32
    %max3A_131 = vector.broadcast %max3A_130 : f32 to vector<128x64xf32>
    %max3A_132 = arith.maximumf %sub3A_129, %max3A_131 : vector<128x64xf32>
    %swap3A_133 = arith.constant 768 : index
    %swap3A_134 = arith.constant 0 : index
    %swap3A_135 = vector.load %arg11[%swap3A_133, %swap3A_134] : memref<4096x64xf32, #tpu.memory_space<vmem>>, vector<128x64xf32>
    tpu.vector_store %arg11[%swap3A_133, %swap3A_134], %max3A_132 {strides = array<i32>} : memref<4096x64xf32, #tpu.memory_space<vmem>>, vector<128x64xf32>,
    %get3A_136 = arith.constant 7 : index
    %get3A_137 = arith.constant 0 : index
    %get3A_138 = arith.constant 0 : index
    %get3A_139 = vector.load %arg1[%get3A_136, %get3A_137, %get3A_138] : memref<32x128x128xf32, #tpu.memory_space<vmem>>, vector<1x128x128xf32>
    %get3A_140 = vector.shape_cast %get3A_139 : vector<1x128x128xf32> to vector<128x128xf32>
    %dot_general3A_141 = arith.constant dense<0.000000e+00> : vector<128x64xf32>
    %dot_general3A_142 = tpu.matmul %get3A_140, %get3A_6, %dot_general3A_141 {dimension_numbers = #tpu.dot_dimension_numbers<[1], [0], [0], [1], [0, 0, 1, 1], [], []>, transpose_lhs_hint = false} : vector<128x128xf32>, vector<128x64xf32>, vector<128x64xf32> -> vector<128x64xf32>
    %add3A_143 = vector.broadcast %get3A_27 : vector<1x64xf32> to vector<128x64xf32>
    %add3A_144 = arith.addf %dot_general3A_142, %add3A_143 : vector<128x64xf32>
    %sub3A_145 = arith.subf %add3A_144, %add3A_24 : vector<128x64xf32>
    %max3A_146 = arith.constant 0.000000e+00 : f32
    %max3A_147 = vector.broadcast %max3A_146 : f32 to vector<128x64xf32>
    %max3A_148 = arith.maximumf %sub3A_145, %max3A_147 : vector<128x64xf32>
    %swap3A_149 = arith.constant 896 : index
    %swap3A_150 = arith.constant 0 : index
    %swap3A_151 = vector.load %arg11[%swap3A_149, %swap3A_150] : memref<4096x64xf32, #tpu.memory_space<vmem>>, vector<128x64xf32>
    tpu.vector_store %arg11[%swap3A_149, %swap3A_150], %max3A_148 {strides = array<i32>} : memref<4096x64xf32, #tpu.memory_space<vmem>>, vector<128x64xf32>,
    %get3A_152 = arith.constant 8 : index
    %get3A_153 = arith.constant 0 : index
    %get3A_154 = arith.constant 0 : index
    %get3A_155 = vector.load %arg1[%get3A_152, %get3A_153, %get3A_154] : memref<32x128x128xf32, #tpu.memory_space<vmem>>, vector<1x128x128xf32>
    %get3A_156 = vector.shape_cast %get3A_155 : vector<1x128x128xf32> to vector<128x128xf32>
    %dot_general3A_157 = arith.constant dense<0.000000e+00> : vector<128x64xf32>
    %dot_general3A_158 = tpu.matmul %get3A_156, %get3A_6, %dot_general3A_157 {dimension_numbers = #tpu.dot_dimension_numbers<[1], [0], [0], [1], [0, 0, 1, 1], [], []>, transpose_lhs_hint = false} : vector<128x128xf32>, vector<128x64xf32>, vector<128x64xf32> -> vector<128x64xf32>
    %add3A_159 = vector.broadcast %get3A_27 : vector<1x64xf32> to vector<128x64xf32>
    %add3A_160 = arith.addf %dot_general3A_158, %add3A_159 : vector<128x64xf32>
    %sub3A_161 = arith.subf %add3A_160, %add3A_24 : vector<128x64xf32>
    %max3A_162 = arith.constant 0.000000e+00 : f32
    %max3A_163 = vector.broadcast %max3A_162 : f32 to vector<128x64xf32>
    %max3A_164 = arith.maximumf %sub3A_161, %max3A_163 : vector<128x64xf32>
    %swap3A_165 = arith.constant 1024 : index
    %swap3A_166 = arith.constant 0 : index
    %swap3A_167 = vector.load %arg11[%swap3A_165, %swap3A_166] : memref<4096x64xf32, #tpu.memory_space<vmem>>, vector<128x64xf32>
    tpu.vector_store %arg11[%swap3A_165, %swap3A_166], %max3A_164 {strides = array<i32>} : memref<4096x64xf32, #tpu.memory_space<vmem>>, vector<128x64xf32>,
    %get3A_168 = arith.constant 9 : index
    %get3A_169 = arith.constant 0 : index
    %get3A_170 = arith.constant 0 : index
    %get3A_171 = vector.load %arg1[%get3A_168, %get3A_169, %get3A_170] : memref<32x128x128xf32, #tpu.memory_space<vmem>>, vector<1x128x128xf32>
    %get3A_172 = vector.shape_cast %get3A_171 : vector<1x128x128xf32> to vector<128x128xf32>
    %dot_general3A_173 = arith.constant dense<0.000000e+00> : vector<128x64xf32>
    %dot_general3A_174 = tpu.matmul %get3A_172, %get3A_6, %dot_general3A_173 {dimension_numbers = #tpu.dot_dimension_numbers<[1], [0], [0], [1], [0, 0, 1, 1], [], []>, transpose_lhs_hint = false} : vector<128x128xf32>, vector<128x64xf32>, vector<128x64xf32> -> vector<128x64xf32>
    %add3A_175 = vector.broadcast %get3A_27 : vector<1x64xf32> to vector<128x64xf32>
    %add3A_176 = arith.addf %dot_general3A_174, %add3A_175 : vector<128x64xf32>
    %sub3A_177 = arith.subf %add3A_176, %add3A_24 : vector<128x64xf32>
    %max3A_178 = arith.constant 0.000000e+00 : f32
    %max3A_179 = vector.broadcast %max3A_178 : f32 to vector<128x64xf32>
    %max3A_180 = arith.maximumf %sub3A_177, %max3A_179 : vector<128x64xf32>
    %swap3A_181 = arith.constant 1152 : index
    %swap3A_182 = arith.constant 0 : index
    %swap3A_183 = vector.load %arg11[%swap3A_181, %swap3A_182] : memref<4096x64xf32, #tpu.memory_space<vmem>>, vector<128x64xf32>
    tpu.vector_store %arg11[%swap3A_181, %swap3A_182], %max3A_180 {strides = array<i32>} : memref<4096x64xf32, #tpu.memory_space<vmem>>, vector<128x64xf32>,
    %get3A_184 = arith.constant 10 : index
    %get3A_185 = arith.constant 0 : index
    %get3A_186 = arith.constant 0 : index
    %get3A_187 = vector.load %arg1[%get3A_184, %get3A_185, %get3A_186] : memref<32x128x128xf32, #tpu.memory_space<vmem>>, vector<1x128x128xf32>
    %get3A_188 = vector.shape_cast %get3A_187 : vector<1x128x128xf32> to vector<128x128xf32>
    %dot_general3A_189 = arith.constant dense<0.000000e+00> : vector<128x64xf32>
    %dot_general3A_190 = tpu.matmul %get3A_188, %get3A_6, %dot_general3A_189 {dimension_numbers = #tpu.dot_dimension_numbers<[1], [0], [0], [1], [0, 0, 1, 1], [], []>, transpose_lhs_hint = false} : vector<128x128xf32>, vector<128x64xf32>, vector<128x64xf32> -> vector<128x64xf32>
    %add3A_191 = vector.broadcast %get3A_27 : vector<1x64xf32> to vector<128x64xf32>
    %add3A_192 = arith.addf %dot_general3A_190, %add3A_191 : vector<128x64xf32>
    %sub3A_193 = arith.subf %add3A_192, %add3A_24 : vector<128x64xf32>
    %max3A_194 = arith.constant 0.000000e+00 : f32
    %max3A_195 = vector.broadcast %max3A_194 : f32 to vector<128x64xf32>
    %max3A_196 = arith.maximumf %sub3A_193, %max3A_195 : vector<128x64xf32>
    %swap3A_197 = arith.constant 1280 : index
    %swap3A_198 = arith.constant 0 : index
    %swap3A_199 = vector.load %arg11[%swap3A_197, %swap3A_198] : memref<4096x64xf32, #tpu.memory_space<vmem>>, vector<128x64xf32>
    tpu.vector_store %arg11[%swap3A_197, %swap3A_198], %max3A_196 {strides = array<i32>} : memref<4096x64xf32, #tpu.memory_space<vmem>>, vector<128x64xf32>,
    %get3A_200 = arith.constant 11 : index
    %get3A_201 = arith.constant 0 : index
    %get3A_202 = arith.constant 0 : index
    %get3A_203 = vector.load %arg1[%get3A_200, %get3A_201, %get3A_202] : memref<32x128x128xf32, #tpu.memory_space<vmem>>, vector<1x128x128xf32>
    %get3A_204 = vector.shape_cast %get3A_203 : vector<1x128x128xf32> to vector<128x128xf32>
    %dot_general3A_205 = arith.constant dense<0.000000e+00> : vector<128x64xf32>
    %dot_general3A_206 = tpu.matmul %get3A_204, %get3A_6, %dot_general3A_205 {dimension_numbers = #tpu.dot_dimension_numbers<[1], [0], [0], [1], [0, 0, 1, 1], [], []>, transpose_lhs_hint = false} : vector<128x128xf32>, vector<128x64xf32>, vector<128x64xf32> -> vector<128x64xf32>
    %add3A_207 = vector.broadcast %get3A_27 : vector<1x64xf32> to vector<128x64xf32>
    %add3A_208 = arith.addf %dot_general3A_206, %add3A_207 : vector<128x64xf32>
    %sub3A_209 = arith.subf %add3A_208, %add3A_24 : vector<128x64xf32>
    %max3A_210 = arith.constant 0.000000e+00 : f32
    %max3A_211 = vector.broadcast %max3A_210 : f32 to vector<128x64xf32>
    %max3A_212 = arith.maximumf %sub3A_209, %max3A_211 : vector<128x64xf32>
    %swap3A_213 = arith.constant 1408 : index
    %swap3A_214 = arith.constant 0 : index
    %swap3A_215 = vector.load %arg11[%swap3A_213, %swap3A_214] : memref<4096x64xf32, #tpu.memory_space<vmem>>, vector<128x64xf32>
    tpu.vector_store %arg11[%swap3A_213, %swap3A_214], %max3A_212 {strides = array<i32>} : memref<4096x64xf32, #tpu.memory_space<vmem>>, vector<128x64xf32>,
    %get3A_216 = arith.constant 12 : index
    %get3A_217 = arith.constant 0 : index
    %get3A_218 = arith.constant 0 : index
    %get3A_219 = vector.load %arg1[%get3A_216, %get3A_217, %get3A_218] : memref<32x128x128xf32, #tpu.memory_space<vmem>>, vector<1x128x128xf32>
    %get3A_220 = vector.shape_cast %get3A_219 : vector<1x128x128xf32> to vector<128x128xf32>
    %dot_general3A_221 = arith.constant dense<0.000000e+00> : vector<128x64xf32>
    %dot_general3A_222 = tpu.matmul %get3A_220, %get3A_6, %dot_general3A_221 {dimension_numbers = #tpu.dot_dimension_numbers<[1], [0], [0], [1], [0, 0, 1, 1], [], []>, transpose_lhs_hint = false} : vector<128x128xf32>, vector<128x64xf32>, vector<128x64xf32> -> vector<128x64xf32>
    %add3A_223 = vector.broadcast %get3A_27 : vector<1x64xf32> to vector<128x64xf32>
    %add3A_224 = arith.addf %dot_general3A_222, %add3A_223 : vector<128x64xf32>
    %sub3A_225 = arith.subf %add3A_224, %add3A_24 : vector<128x64xf32>
    %max3A_226 = arith.constant 0.000000e+00 : f32
    %max3A_227 = vector.broadcast %max3A_226 : f32 to vector<128x64xf32>
    %max3A_228 = arith.maximumf %sub3A_225, %max3A_227 : vector<128x64xf32>
    %swap3A_229 = arith.constant 1536 : index
    %swap3A_230 = arith.constant 0 : index
    %swap3A_231 = vector.load %arg11[%swap3A_229, %swap3A_230] : memref<4096x64xf32, #tpu.memory_space<vmem>>, vector<128x64xf32>
    tpu.vector_store %arg11[%swap3A_229, %swap3A_230], %max3A_228 {strides = array<i32>} : memref<4096x64xf32, #tpu.memory_space<vmem>>, vector<128x64xf32>,
    %get3A_232 = arith.constant 13 : index
    %get3A_233 = arith.constant 0 : index
    %get3A_234 = arith.constant 0 : index
    %get3A_235 = vector.load %arg1[%get3A_232, %get3A_233, %get3A_234] : memref<32x128x128xf32, #tpu.memory_space<vmem>>, vector<1x128x128xf32>
    %get3A_236 = vector.shape_cast %get3A_235 : vector<1x128x128xf32> to vector<128x128xf32>
    %dot_general3A_237 = arith.constant dense<0.000000e+00> : vector<128x64xf32>
    %dot_general3A_238 = tpu.matmul %get3A_236, %get3A_6, %dot_general3A_237 {dimension_numbers = #tpu.dot_dimension_numbers<[1], [0], [0], [1], [0, 0, 1, 1], [], []>, transpose_lhs_hint = false} : vector<128x128xf32>, vector<128x64xf32>, vector<128x64xf32> -> vector<128x64xf32>
    %add3A_239 = vector.broadcast %get3A_27 : vector<1x64xf32> to vector<128x64xf32>
    %add3A_240 = arith.addf %dot_general3A_238, %add3A_239 : vector<128x64xf32>
    %sub3A_241 = arith.subf %add3A_240, %add3A_24 : vector<128x64xf32>
    %max3A_242 = arith.constant 0.000000e+00 : f32
    %max3A_243 = vector.broadcast %max3A_242 : f32 to vector<128x64xf32>
    %max3A_244 = arith.maximumf %sub3A_241, %max3A_243 : vector<128x64xf32>
    %swap3A_245 = arith.constant 1664 : index
    %swap3A_246 = arith.constant 0 : index
    %swap3A_247 = vector.load %arg11[%swap3A_245, %swap3A_246] : memref<4096x64xf32, #tpu.memory_space<vmem>>, vector<128x64xf32>
    tpu.vector_store %arg11[%swap3A_245, %swap3A_246], %max3A_244 {strides = array<i32>} : memref<4096x64xf32, #tpu.memory_space<vmem>>, vector<128x64xf32>,
    %get3A_248 = arith.constant 14 : index
    %get3A_249 = arith.constant 0 : index
    %get3A_250 = arith.constant 0 : index
    %get3A_251 = vector.load %arg1[%get3A_248, %get3A_249, %get3A_250] : memref<32x128x128xf32, #tpu.memory_space<vmem>>, vector<1x128x128xf32>
    %get3A_252 = vector.shape_cast %get3A_251 : vector<1x128x128xf32> to vector<128x128xf32>
    %dot_general3A_253 = arith.constant dense<0.000000e+00> : vector<128x64xf32>
    %dot_general3A_254 = tpu.matmul %get3A_252, %get3A_6, %dot_general3A_253 {dimension_numbers = #tpu.dot_dimension_numbers<[1], [0], [0], [1], [0, 0, 1, 1], [], []>, transpose_lhs_hint = false} : vector<128x128xf32>, vector<128x64xf32>, vector<128x64xf32> -> vector<128x64xf32>
    %add3A_255 = vector.broadcast %get3A_27 : vector<1x64xf32> to vector<128x64xf32>
    %add3A_256 = arith.addf %dot_general3A_254, %add3A_255 : vector<128x64xf32>
    %sub3A_257 = arith.subf %add3A_256, %add3A_24 : vector<128x64xf32>
    %max3A_258 = arith.constant 0.000000e+00 : f32
    %max3A_259 = vector.broadcast %max3A_258 : f32 to vector<128x64xf32>
    %max3A_260 = arith.maximumf %sub3A_257, %max3A_259 : vector<128x64xf32>
    %swap3A_261 = arith.constant 1792 : index
    %swap3A_262 = arith.constant 0 : index
    %swap3A_263 = vector.load %arg11[%swap3A_261, %swap3A_262] : memref<4096x64xf32, #tpu.memory_space<vmem>>, vector<128x64xf32>
    tpu.vector_store %arg11[%swap3A_261, %swap3A_262], %max3A_260 {strides = array<i32>} : memref<4096x64xf32, #tpu.memory_space<vmem>>, vector<128x64xf32>,
    %get3A_264 = arith.constant 15 : index
    %get3A_265 = arith.constant 0 : index
    %get3A_266 = arith.constant 0 : index
    %get3A_267 = vector.load %arg1[%get3A_264, %get3A_265, %get3A_266] : memref<32x128x128xf32, #tpu.memory_space<vmem>>, vector<1x128x128xf32>
    %get3A_268 = vector.shape_cast %get3A_267 : vector<1x128x128xf32> to vector<128x128xf32>
    %dot_general3A_269 = arith.constant dense<0.000000e+00> : vector<128x64xf32>
    %dot_general3A_270 = tpu.matmul %get3A_268, %get3A_6, %dot_general3A_269 {dimension_numbers = #tpu.dot_dimension_numbers<[1], [0], [0], [1], [0, 0, 1, 1], [], []>, transpose_lhs_hint = false} : vector<128x128xf32>, vector<128x64xf32>, vector<128x64xf32> -> vector<128x64xf32>
    %add3A_271 = vector.broadcast %get3A_27 : vector<1x64xf32> to vector<128x64xf32>
    %add3A_272 = arith.addf %dot_general3A_270, %add3A_271 : vector<128x64xf32>
    %sub3A_273 = arith.subf %add3A_272, %add3A_24 : vector<128x64xf32>
    %max3A_274 = arith.constant 0.000000e+00 : f32
    %max3A_275 = vector.broadcast %max3A_274 : f32 to vector<128x64xf32>
    %max3A_276 = arith.maximumf %sub3A_273, %max3A_275 : vector<128x64xf32>
    %swap3A_277 = arith.constant 1920 : index
    %swap3A_278 = arith.constant 0 : index
    %swap3A_279 = vector.load %arg11[%swap3A_277, %swap3A_278] : memref<4096x64xf32, #tpu.memory_space<vmem>>, vector<128x64xf32>
    tpu.vector_store %arg11[%swap3A_277, %swap3A_278], %max3A_276 {strides = array<i32>} : memref<4096x64xf32, #tpu.memory_space<vmem>>, vector<128x64xf32>,
    %get3A_280 = arith.constant 16 : index
    %get3A_281 = arith.constant 0 : index
    %get3A_282 = arith.constant 0 : index
    %get3A_283 = vector.load %arg1[%get3A_280, %get3A_281, %get3A_282] : memref<32x128x128xf32, #tpu.memory_space<vmem>>, vector<1x128x128xf32>
    %get3A_284 = vector.shape_cast %get3A_283 : vector<1x128x128xf32> to vector<128x128xf32>
    %dot_general3A_285 = arith.constant dense<0.000000e+00> : vector<128x64xf32>
    %dot_general3A_286 = tpu.matmul %get3A_284, %get3A_6, %dot_general3A_285 {dimension_numbers = #tpu.dot_dimension_numbers<[1], [0], [0], [1], [0, 0, 1, 1], [], []>, transpose_lhs_hint = false} : vector<128x128xf32>, vector<128x64xf32>, vector<128x64xf32> -> vector<128x64xf32>
    %add3A_287 = vector.broadcast %get3A_27 : vector<1x64xf32> to vector<128x64xf32>
    %add3A_288 = arith.addf %dot_general3A_286, %add3A_287 : vector<128x64xf32>
    %sub3A_289 = arith.subf %add3A_288, %add3A_24 : vector<128x64xf32>
    %max3A_290 = arith.constant 0.000000e+00 : f32
    %max3A_291 = vector.broadcast %max3A_290 : f32 to vector<128x64xf32>
    %max3A_292 = arith.maximumf %sub3A_289, %max3A_291 : vector<128x64xf32>
    %swap3A_293 = arith.constant 2048 : index
    %swap3A_294 = arith.constant 0 : index
    %swap3A_295 = vector.load %arg11[%swap3A_293, %swap3A_294] : memref<4096x64xf32, #tpu.memory_space<vmem>>, vector<128x64xf32>
    tpu.vector_store %arg11[%swap3A_293, %swap3A_294], %max3A_292 {strides = array<i32>} : memref<4096x64xf32, #tpu.memory_space<vmem>>, vector<128x64xf32>,
    %get3A_296 = arith.constant 17 : index
    %get3A_297 = arith.constant 0 : index
    %get3A_298 = arith.constant 0 : index
    %get3A_299 = vector.load %arg1[%get3A_296, %get3A_297, %get3A_298] : memref<32x128x128xf32, #tpu.memory_space<vmem>>, vector<1x128x128xf32>
    %get3A_300 = vector.shape_cast %get3A_299 : vector<1x128x128xf32> to vector<128x128xf32>
    %dot_general3A_301 = arith.constant dense<0.000000e+00> : vector<128x64xf32>
    %dot_general3A_302 = tpu.matmul %get3A_300, %get3A_6, %dot_general3A_301 {dimension_numbers = #tpu.dot_dimension_numbers<[1], [0], [0], [1], [0, 0, 1, 1], [], []>, transpose_lhs_hint = false} : vector<128x128xf32>, vector<128x64xf32>, vector<128x64xf32> -> vector<128x64xf32>
    %add3A_303 = vector.broadcast %get3A_27 : vector<1x64xf32> to vector<128x64xf32>
    %add3A_304 = arith.addf %dot_general3A_302, %add3A_303 : vector<128x64xf32>
    %sub3A_305 = arith.subf %add3A_304, %add3A_24 : vector<128x64xf32>
    %max3A_306 = arith.constant 0.000000e+00 : f32
    %max3A_307 = vector.broadcast %max3A_306 : f32 to vector<128x64xf32>
    %max3A_308 = arith.maximumf %sub3A_305, %max3A_307 : vector<128x64xf32>
    %swap3A_309 = arith.constant 2176 : index
    %swap3A_310 = arith.constant 0 : index
    %swap3A_311 = vector.load %arg11[%swap3A_309, %swap3A_310] : memref<4096x64xf32, #tpu.memory_space<vmem>>, vector<128x64xf32>
    tpu.vector_store %arg11[%swap3A_309, %swap3A_310], %max3A_308 {strides = array<i32>} : memref<4096x64xf32, #tpu.memory_space<vmem>>, vector<128x64xf32>,
    %get3A_312 = arith.constant 18 : index
    %get3A_313 = arith.constant 0 : index
    %get3A_314 = arith.constant 0 : index
    %get3A_315 = vector.load %arg1[%get3A_312, %get3A_313, %get3A_314] : memref<32x128x128xf32, #tpu.memory_space<vmem>>, vector<1x128x128xf32>
    %get3A_316 = vector.shape_cast %get3A_315 : vector<1x128x128xf32> to vector<128x128xf32>
    %dot_general3A_317 = arith.constant dense<0.000000e+00> : vector<128x64xf32>
    %dot_general3A_318 = tpu.matmul %get3A_316, %get3A_6, %dot_general3A_317 {dimension_numbers = #tpu.dot_dimension_numbers<[1], [0], [0], [1], [0, 0, 1, 1], [], []>, transpose_lhs_hint = false} : vector<128x128xf32>, vector<128x64xf32>, vector<128x64xf32> -> vector<128x64xf32>
    %add3A_319 = vector.broadcast %get3A_27 : vector<1x64xf32> to vector<128x64xf32>
    %add3A_320 = arith.addf %dot_general3A_318, %add3A_319 : vector<128x64xf32>
    %sub3A_321 = arith.subf %add3A_320, %add3A_24 : vector<128x64xf32>
    %max3A_322 = arith.constant 0.000000e+00 : f32
    %max3A_323 = vector.broadcast %max3A_322 : f32 to vector<128x64xf32>
    %max3A_324 = arith.maximumf %sub3A_321, %max3A_323 : vector<128x64xf32>
    %swap3A_325 = arith.constant 2304 : index
    %swap3A_326 = arith.constant 0 : index
    %swap3A_327 = vector.load %arg11[%swap3A_325, %swap3A_326] : memref<4096x64xf32, #tpu.memory_space<vmem>>, vector<128x64xf32>
    tpu.vector_store %arg11[%swap3A_325, %swap3A_326], %max3A_324 {strides = array<i32>} : memref<4096x64xf32, #tpu.memory_space<vmem>>, vector<128x64xf32>,
    %get3A_328 = arith.constant 19 : index
    %get3A_329 = arith.constant 0 : index
    %get3A_330 = arith.constant 0 : index
    %get3A_331 = vector.load %arg1[%get3A_328, %get3A_329, %get3A_330] : memref<32x128x128xf32, #tpu.memory_space<vmem>>, vector<1x128x128xf32>
    %get3A_332 = vector.shape_cast %get3A_331 : vector<1x128x128xf32> to vector<128x128xf32>
    %dot_general3A_333 = arith.constant dense<0.000000e+00> : vector<128x64xf32>
    %dot_general3A_334 = tpu.matmul %get3A_332, %get3A_6, %dot_general3A_333 {dimension_numbers = #tpu.dot_dimension_numbers<[1], [0], [0], [1], [0, 0, 1, 1], [], []>, transpose_lhs_hint = false} : vector<128x128xf32>, vector<128x64xf32>, vector<128x64xf32> -> vector<128x64xf32>
    %add3A_335 = vector.broadcast %get3A_27 : vector<1x64xf32> to vector<128x64xf32>
    %add3A_336 = arith.addf %dot_general3A_334, %add3A_335 : vector<128x64xf32>
    %sub3A_337 = arith.subf %add3A_336, %add3A_24 : vector<128x64xf32>
    %max3A_338 = arith.constant 0.000000e+00 : f32
    %max3A_339 = vector.broadcast %max3A_338 : f32 to vector<128x64xf32>
    %max3A_340 = arith.maximumf %sub3A_337, %max3A_339 : vector<128x64xf32>
    %swap3A_341 = arith.constant 2432 : index
    %swap3A_342 = arith.constant 0 : index
    %swap3A_343 = vector.load %arg11[%swap3A_341, %swap3A_342] : memref<4096x64xf32, #tpu.memory_space<vmem>>, vector<128x64xf32>
    tpu.vector_store %arg11[%swap3A_341, %swap3A_342], %max3A_340 {strides = array<i32>} : memref<4096x64xf32, #tpu.memory_space<vmem>>, vector<128x64xf32>,
    %get3A_344 = arith.constant 20 : index
    %get3A_345 = arith.constant 0 : index
    %get3A_346 = arith.constant 0 : index
    %get3A_347 = vector.load %arg1[%get3A_344, %get3A_345, %get3A_346] : memref<32x128x128xf32, #tpu.memory_space<vmem>>, vector<1x128x128xf32>
    %get3A_348 = vector.shape_cast %get3A_347 : vector<1x128x128xf32> to vector<128x128xf32>
    %dot_general3A_349 = arith.constant dense<0.000000e+00> : vector<128x64xf32>
    %dot_general3A_350 = tpu.matmul %get3A_348, %get3A_6, %dot_general3A_349 {dimension_numbers = #tpu.dot_dimension_numbers<[1], [0], [0], [1], [0, 0, 1, 1], [], []>, transpose_lhs_hint = false} : vector<128x128xf32>, vector<128x64xf32>, vector<128x64xf32> -> vector<128x64xf32>
    %add3A_351 = vector.broadcast %get3A_27 : vector<1x64xf32> to vector<128x64xf32>
    %add3A_352 = arith.addf %dot_general3A_350, %add3A_351 : vector<128x64xf32>
    %sub3A_353 = arith.subf %add3A_352, %add3A_24 : vector<128x64xf32>
    %max3A_354 = arith.constant 0.000000e+00 : f32
    %max3A_355 = vector.broadcast %max3A_354 : f32 to vector<128x64xf32>
    %max3A_356 = arith.maximumf %sub3A_353, %max3A_355 : vector<128x64xf32>
    %swap3A_357 = arith.constant 2560 : index
    %swap3A_358 = arith.constant 0 : index
    %swap3A_359 = vector.load %arg11[%swap3A_357, %swap3A_358] : memref<4096x64xf32, #tpu.memory_space<vmem>>, vector<128x64xf32>
    tpu.vector_store %arg11[%swap3A_357, %swap3A_358], %max3A_356 {strides = array<i32>} : memref<4096x64xf32, #tpu.memory_space<vmem>>, vector<128x64xf32>,
    %get3A_360 = arith.constant 21 : index
    %get3A_361 = arith.constant 0 : index
    %get3A_362 = arith.constant 0 : index
    %get3A_363 = vector.load %arg1[%get3A_360, %get3A_361, %get3A_362] : memref<32x128x128xf32, #tpu.memory_space<vmem>>, vector<1x128x128xf32>
    %get3A_364 = vector.shape_cast %get3A_363 : vector<1x128x128xf32> to vector<128x128xf32>
    %dot_general3A_365 = arith.constant dense<0.000000e+00> : vector<128x64xf32>
    %dot_general3A_366 = tpu.matmul %get3A_364, %get3A_6, %dot_general3A_365 {dimension_numbers = #tpu.dot_dimension_numbers<[1], [0], [0], [1], [0, 0, 1, 1], [], []>, transpose_lhs_hint = false} : vector<128x128xf32>, vector<128x64xf32>, vector<128x64xf32> -> vector<128x64xf32>
    %add3A_367 = vector.broadcast %get3A_27 : vector<1x64xf32> to vector<128x64xf32>
    %add3A_368 = arith.addf %dot_general3A_366, %add3A_367 : vector<128x64xf32>
    %sub3A_369 = arith.subf %add3A_368, %add3A_24 : vector<128x64xf32>
    %max3A_370 = arith.constant 0.000000e+00 : f32
    %max3A_371 = vector.broadcast %max3A_370 : f32 to vector<128x64xf32>
    %max3A_372 = arith.maximumf %sub3A_369, %max3A_371 : vector<128x64xf32>
    %swap3A_373 = arith.constant 2688 : index
    %swap3A_374 = arith.constant 0 : index
    %swap3A_375 = vector.load %arg11[%swap3A_373, %swap3A_374] : memref<4096x64xf32, #tpu.memory_space<vmem>>, vector<128x64xf32>
    tpu.vector_store %arg11[%swap3A_373, %swap3A_374], %max3A_372 {strides = array<i32>} : memref<4096x64xf32, #tpu.memory_space<vmem>>, vector<128x64xf32>,
    %get3A_376 = arith.constant 22 : index
    %get3A_377 = arith.constant 0 : index
    %get3A_378 = arith.constant 0 : index
    %get3A_379 = vector.load %arg1[%get3A_376, %get3A_377, %get3A_378] : memref<32x128x128xf32, #tpu.memory_space<vmem>>, vector<1x128x128xf32>
    %get3A_380 = vector.shape_cast %get3A_379 : vector<1x128x128xf32> to vector<128x128xf32>
    %dot_general3A_381 = arith.constant dense<0.000000e+00> : vector<128x64xf32>
    %dot_general3A_382 = tpu.matmul %get3A_380, %get3A_6, %dot_general3A_381 {dimension_numbers = #tpu.dot_dimension_numbers<[1], [0], [0], [1], [0, 0, 1, 1], [], []>, transpose_lhs_hint = false} : vector<128x128xf32>, vector<128x64xf32>, vector<128x64xf32> -> vector<128x64xf32>
    %add3A_383 = vector.broadcast %get3A_27 : vector<1x64xf32> to vector<128x64xf32>
    %add3A_384 = arith.addf %dot_general3A_382, %add3A_383 : vector<128x64xf32>
    %sub3A_385 = arith.subf %add3A_384, %add3A_24 : vector<128x64xf32>
    %max3A_386 = arith.constant 0.000000e+00 : f32
    %max3A_387 = vector.broadcast %max3A_386 : f32 to vector<128x64xf32>
    %max3A_388 = arith.maximumf %sub3A_385, %max3A_387 : vector<128x64xf32>
    %swap3A_389 = arith.constant 2816 : index
    %swap3A_390 = arith.constant 0 : index
    %swap3A_391 = vector.load %arg11[%swap3A_389, %swap3A_390] : memref<4096x64xf32, #tpu.memory_space<vmem>>, vector<128x64xf32>
    tpu.vector_store %arg11[%swap3A_389, %swap3A_390], %max3A_388 {strides = array<i32>} : memref<4096x64xf32, #tpu.memory_space<vmem>>, vector<128x64xf32>,
    %get3A_392 = arith.constant 23 : index
    %get3A_393 = arith.constant 0 : index
    %get3A_394 = arith.constant 0 : index
    %get3A_395 = vector.load %arg1[%get3A_392, %get3A_393, %get3A_394] : memref<32x128x128xf32, #tpu.memory_space<vmem>>, vector<1x128x128xf32>
    %get3A_396 = vector.shape_cast %get3A_395 : vector<1x128x128xf32> to vector<128x128xf32>
    %dot_general3A_397 = arith.constant dense<0.000000e+00> : vector<128x64xf32>
    %dot_general3A_398 = tpu.matmul %get3A_396, %get3A_6, %dot_general3A_397 {dimension_numbers = #tpu.dot_dimension_numbers<[1], [0], [0], [1], [0, 0, 1, 1], [], []>, transpose_lhs_hint = false} : vector<128x128xf32>, vector<128x64xf32>, vector<128x64xf32> -> vector<128x64xf32>
    %add3A_399 = vector.broadcast %get3A_27 : vector<1x64xf32> to vector<128x64xf32>
    %add3A_400 = arith.addf %dot_general3A_398, %add3A_399 : vector<128x64xf32>
    %sub3A_401 = arith.subf %add3A_400, %add3A_24 : vector<128x64xf32>
    %max3A_402 = arith.constant 0.000000e+00 : f32
    %max3A_403 = vector.broadcast %max3A_402 : f32 to vector<128x64xf32>
    %max3A_404 = arith.maximumf %sub3A_401, %max3A_403 : vector<128x64xf32>
    %swap3A_405 = arith.constant 2944 : index
    %swap3A_406 = arith.constant 0 : index
    %swap3A_407 = vector.load %arg11[%swap3A_405, %swap3A_406] : memref<4096x64xf32, #tpu.memory_space<vmem>>, vector<128x64xf32>
    tpu.vector_store %arg11[%swap3A_405, %swap3A_406], %max3A_404 {strides = array<i32>} : memref<4096x64xf32, #tpu.memory_space<vmem>>, vector<128x64xf32>,
    %get3A_408 = arith.constant 24 : index
    %get3A_409 = arith.constant 0 : index
    %get3A_410 = arith.constant 0 : index
    %get3A_411 = vector.load %arg1[%get3A_408, %get3A_409, %get3A_410] : memref<32x128x128xf32, #tpu.memory_space<vmem>>, vector<1x128x128xf32>
    %get3A_412 = vector.shape_cast %get3A_411 : vector<1x128x128xf32> to vector<128x128xf32>
    %dot_general3A_413 = arith.constant dense<0.000000e+00> : vector<128x64xf32>
    %dot_general3A_414 = tpu.matmul %get3A_412, %get3A_6, %dot_general3A_413 {dimension_numbers = #tpu.dot_dimension_numbers<[1], [0], [0], [1], [0, 0, 1, 1], [], []>, transpose_lhs_hint = false} : vector<128x128xf32>, vector<128x64xf32>, vector<128x64xf32> -> vector<128x64xf32>
    %add3A_415 = vector.broadcast %get3A_27 : vector<1x64xf32> to vector<128x64xf32>
    %add3A_416 = arith.addf %dot_general3A_414, %add3A_415 : vector<128x64xf32>
    %sub3A_417 = arith.subf %add3A_416, %add3A_24 : vector<128x64xf32>
    %max3A_418 = arith.constant 0.000000e+00 : f32
    %max3A_419 = vector.broadcast %max3A_418 : f32 to vector<128x64xf32>
    %max3A_420 = arith.maximumf %sub3A_417, %max3A_419 : vector<128x64xf32>
    %swap3A_421 = arith.constant 3072 : index
    %swap3A_422 = arith.constant 0 : index
    %swap3A_423 = vector.load %arg11[%swap3A_421, %swap3A_422] : memref<4096x64xf32, #tpu.memory_space<vmem>>, vector<128x64xf32>
    tpu.vector_store %arg11[%swap3A_421, %swap3A_422], %max3A_420 {strides = array<i32>} : memref<4096x64xf32, #tpu.memory_space<vmem>>, vector<128x64xf32>,
    %get3A_424 = arith.constant 25 : index
    %get3A_425 = arith.constant 0 : index
    %get3A_426 = arith.constant 0 : index
    %get3A_427 = vector.load %arg1[%get3A_424, %get3A_425, %get3A_426] : memref<32x128x128xf32, #tpu.memory_space<vmem>>, vector<1x128x128xf32>
    %get3A_428 = vector.shape_cast %get3A_427 : vector<1x128x128xf32> to vector<128x128xf32>
    %dot_general3A_429 = arith.constant dense<0.000000e+00> : vector<128x64xf32>
    %dot_general3A_430 = tpu.matmul %get3A_428, %get3A_6, %dot_general3A_429 {dimension_numbers = #tpu.dot_dimension_numbers<[1], [0], [0], [1], [0, 0, 1, 1], [], []>, transpose_lhs_hint = false} : vector<128x128xf32>, vector<128x64xf32>, vector<128x64xf32> -> vector<128x64xf32>
    %add3A_431 = vector.broadcast %get3A_27 : vector<1x64xf32> to vector<128x64xf32>
    %add3A_432 = arith.addf %dot_general3A_430, %add3A_431 : vector<128x64xf32>
    %sub3A_433 = arith.subf %add3A_432, %add3A_24 : vector<128x64xf32>
    %max3A_434 = arith.constant 0.000000e+00 : f32
    %max3A_435 = vector.broadcast %max3A_434 : f32 to vector<128x64xf32>
    %max3A_436 = arith.maximumf %sub3A_433, %max3A_435 : vector<128x64xf32>
    %swap3A_437 = arith.constant 3200 : index
    %swap3A_438 = arith.constant 0 : index
    %swap3A_439 = vector.load %arg11[%swap3A_437, %swap3A_438] : memref<4096x64xf32, #tpu.memory_space<vmem>>, vector<128x64xf32>
    tpu.vector_store %arg11[%swap3A_437, %swap3A_438], %max3A_436 {strides = array<i32>} : memref<4096x64xf32, #tpu.memory_space<vmem>>, vector<128x64xf32>,
    %get3A_440 = arith.constant 26 : index
    %get3A_441 = arith.constant 0 : index
    %get3A_442 = arith.constant 0 : index
    %get3A_443 = vector.load %arg1[%get3A_440, %get3A_441, %get3A_442] : memref<32x128x128xf32, #tpu.memory_space<vmem>>, vector<1x128x128xf32>
    %get3A_444 = vector.shape_cast %get3A_443 : vector<1x128x128xf32> to vector<128x128xf32>
    %dot_general3A_445 = arith.constant dense<0.000000e+00> : vector<128x64xf32>
    %dot_general3A_446 = tpu.matmul %get3A_444, %get3A_6, %dot_general3A_445 {dimension_numbers = #tpu.dot_dimension_numbers<[1], [0], [0], [1], [0, 0, 1, 1], [], []>, transpose_lhs_hint = false} : vector<128x128xf32>, vector<128x64xf32>, vector<128x64xf32> -> vector<128x64xf32>
    %add3A_447 = vector.broadcast %get3A_27 : vector<1x64xf32> to vector<128x64xf32>
    %add3A_448 = arith.addf %dot_general3A_446, %add3A_447 : vector<128x64xf32>
    %sub3A_449 = arith.subf %add3A_448, %add3A_24 : vector<128x64xf32>
    %max3A_450 = arith.constant 0.000000e+00 : f32
    %max3A_451 = vector.broadcast %max3A_450 : f32 to vector<128x64xf32>
    %max3A_452 = arith.maximumf %sub3A_449, %max3A_451 : vector<128x64xf32>
    %swap3A_453 = arith.constant 3328 : index
    %swap3A_454 = arith.constant 0 : index
    %swap3A_455 = vector.load %arg11[%swap3A_453, %swap3A_454] : memref<4096x64xf32, #tpu.memory_space<vmem>>, vector<128x64xf32>
    tpu.vector_store %arg11[%swap3A_453, %swap3A_454], %max3A_452 {strides = array<i32>} : memref<4096x64xf32, #tpu.memory_space<vmem>>, vector<128x64xf32>,
    %get3A_456 = arith.constant 27 : index
    %get3A_457 = arith.constant 0 : index
    %get3A_458 = arith.constant 0 : index
    %get3A_459 = vector.load %arg1[%get3A_456, %get3A_457, %get3A_458] : memref<32x128x128xf32, #tpu.memory_space<vmem>>, vector<1x128x128xf32>
    %get3A_460 = vector.shape_cast %get3A_459 : vector<1x128x128xf32> to vector<128x128xf32>
    %dot_general3A_461 = arith.constant dense<0.000000e+00> : vector<128x64xf32>
    %dot_general3A_462 = tpu.matmul %get3A_460, %get3A_6, %dot_general3A_461 {dimension_numbers = #tpu.dot_dimension_numbers<[1], [0], [0], [1], [0, 0, 1, 1], [], []>, transpose_lhs_hint = false} : vector<128x128xf32>, vector<128x64xf32>, vector<128x64xf32> -> vector<128x64xf32>
    %add3A_463 = vector.broadcast %get3A_27 : vector<1x64xf32> to vector<128x64xf32>
    %add3A_464 = arith.addf %dot_general3A_462, %add3A_463 : vector<128x64xf32>
    %sub3A_465 = arith.subf %add3A_464, %add3A_24 : vector<128x64xf32>
    %max3A_466 = arith.constant 0.000000e+00 : f32
    %max3A_467 = vector.broadcast %max3A_466 : f32 to vector<128x64xf32>
    %max3A_468 = arith.maximumf %sub3A_465, %max3A_467 : vector<128x64xf32>
    %swap3A_469 = arith.constant 3456 : index
    %swap3A_470 = arith.constant 0 : index
    %swap3A_471 = vector.load %arg11[%swap3A_469, %swap3A_470] : memref<4096x64xf32, #tpu.memory_space<vmem>>, vector<128x64xf32>
    tpu.vector_store %arg11[%swap3A_469, %swap3A_470], %max3A_468 {strides = array<i32>} : memref<4096x64xf32, #tpu.memory_space<vmem>>, vector<128x64xf32>,
    %get3A_472 = arith.constant 28 : index
    %get3A_473 = arith.constant 0 : index
    %get3A_474 = arith.constant 0 : index
    %get3A_475 = vector.load %arg1[%get3A_472, %get3A_473, %get3A_474] : memref<32x128x128xf32, #tpu.memory_space<vmem>>, vector<1x128x128xf32>
    %get3A_476 = vector.shape_cast %get3A_475 : vector<1x128x128xf32> to vector<128x128xf32>
    %dot_general3A_477 = arith.constant dense<0.000000e+00> : vector<128x64xf32>
    %dot_general3A_478 = tpu.matmul %get3A_476, %get3A_6, %dot_general3A_477 {dimension_numbers = #tpu.dot_dimension_numbers<[1], [0], [0], [1], [0, 0, 1, 1], [], []>, transpose_lhs_hint = false} : vector<128x128xf32>, vector<128x64xf32>, vector<128x64xf32> -> vector<128x64xf32>
    %add3A_479 = vector.broadcast %get3A_27 : vector<1x64xf32> to vector<128x64xf32>
    %add3A_480 = arith.addf %dot_general3A_478, %add3A_479 : vector<128x64xf32>
    %sub3A_481 = arith.subf %add3A_480, %add3A_24 : vector<128x64xf32>
    %max3A_482 = arith.constant 0.000000e+00 : f32
    %max3A_483 = vector.broadcast %max3A_482 : f32 to vector<128x64xf32>
    %max3A_484 = arith.maximumf %sub3A_481, %max3A_483 : vector<128x64xf32>
    %swap3A_485 = arith.constant 3584 : index
    %swap3A_486 = arith.constant 0 : index
    %swap3A_487 = vector.load %arg11[%swap3A_485, %swap3A_486] : memref<4096x64xf32, #tpu.memory_space<vmem>>, vector<128x64xf32>
    tpu.vector_store %arg11[%swap3A_485, %swap3A_486], %max3A_484 {strides = array<i32>} : memref<4096x64xf32, #tpu.memory_space<vmem>>, vector<128x64xf32>,
    %get3A_488 = arith.constant 29 : index
    %get3A_489 = arith.constant 0 : index
    %get3A_490 = arith.constant 0 : index
    %get3A_491 = vector.load %arg1[%get3A_488, %get3A_489, %get3A_490] : memref<32x128x128xf32, #tpu.memory_space<vmem>>, vector<1x128x128xf32>
    %get3A_492 = vector.shape_cast %get3A_491 : vector<1x128x128xf32> to vector<128x128xf32>
    %dot_general3A_493 = arith.constant dense<0.000000e+00> : vector<128x64xf32>
    %dot_general3A_494 = tpu.matmul %get3A_492, %get3A_6, %dot_general3A_493 {dimension_numbers = #tpu.dot_dimension_numbers<[1], [0], [0], [1], [0, 0, 1, 1], [], []>, transpose_lhs_hint = false} : vector<128x128xf32>, vector<128x64xf32>, vector<128x64xf32> -> vector<128x64xf32>
    %add3A_495 = vector.broadcast %get3A_27 : vector<1x64xf32> to vector<128x64xf32>
    %add3A_496 = arith.addf %dot_general3A_494, %add3A_495 : vector<128x64xf32>
    %sub3A_497 = arith.subf %add3A_496, %add3A_24 : vector<128x64xf32>
    %max3A_498 = arith.constant 0.000000e+00 : f32
    %max3A_499 = vector.broadcast %max3A_498 : f32 to vector<128x64xf32>
    %max3A_500 = arith.maximumf %sub3A_497, %max3A_499 : vector<128x64xf32>
    %swap3A_501 = arith.constant 3712 : index
    %swap3A_502 = arith.constant 0 : index
    %swap3A_503 = vector.load %arg11[%swap3A_501, %swap3A_502] : memref<4096x64xf32, #tpu.memory_space<vmem>>, vector<128x64xf32>
    tpu.vector_store %arg11[%swap3A_501, %swap3A_502], %max3A_500 {strides = array<i32>} : memref<4096x64xf32, #tpu.memory_space<vmem>>, vector<128x64xf32>,
    %get3A_504 = arith.constant 30 : index
    %get3A_505 = arith.constant 0 : index
    %get3A_506 = arith.constant 0 : index
    %get3A_507 = vector.load %arg1[%get3A_504, %get3A_505, %get3A_506] : memref<32x128x128xf32, #tpu.memory_space<vmem>>, vector<1x128x128xf32>
    %get3A_508 = vector.shape_cast %get3A_507 : vector<1x128x128xf32> to vector<128x128xf32>
    %dot_general3A_509 = arith.constant dense<0.000000e+00> : vector<128x64xf32>
    %dot_general3A_510 = tpu.matmul %get3A_508, %get3A_6, %dot_general3A_509 {dimension_numbers = #tpu.dot_dimension_numbers<[1], [0], [0], [1], [0, 0, 1, 1], [], []>, transpose_lhs_hint = false} : vector<128x128xf32>, vector<128x64xf32>, vector<128x64xf32> -> vector<128x64xf32>
    %add3A_511 = vector.broadcast %get3A_27 : vector<1x64xf32> to vector<128x64xf32>
    %add3A_512 = arith.addf %dot_general3A_510, %add3A_511 : vector<128x64xf32>
    %sub3A_513 = arith.subf %add3A_512, %add3A_24 : vector<128x64xf32>
    %max3A_514 = arith.constant 0.000000e+00 : f32
    %max3A_515 = vector.broadcast %max3A_514 : f32 to vector<128x64xf32>
    %max3A_516 = arith.maximumf %sub3A_513, %max3A_515 : vector<128x64xf32>
    %swap3A_517 = arith.constant 3840 : index
    %swap3A_518 = arith.constant 0 : index
    %swap3A_519 = vector.load %arg11[%swap3A_517, %swap3A_518] : memref<4096x64xf32, #tpu.memory_space<vmem>>, vector<128x64xf32>
    tpu.vector_store %arg11[%swap3A_517, %swap3A_518], %max3A_516 {strides = array<i32>} : memref<4096x64xf32, #tpu.memory_space<vmem>>, vector<128x64xf32>,
    %get3A_520 = arith.constant 31 : index
    %get3A_521 = arith.constant 0 : index
    %get3A_522 = arith.constant 0 : index
    %get3A_523 = vector.load %arg1[%get3A_520, %get3A_521, %get3A_522] : memref<32x128x128xf32, #tpu.memory_space<vmem>>, vector<1x128x128xf32>
    %get3A_524 = vector.shape_cast %get3A_523 : vector<1x128x128xf32> to vector<128x128xf32>
    %dot_general3A_525 = arith.constant dense<0.000000e+00> : vector<128x64xf32>
    %dot_general3A_526 = tpu.matmul %get3A_524, %get3A_6, %dot_general3A_525 {dimension_numbers = #tpu.dot_dimension_numbers<[1], [0], [0], [1], [0, 0, 1, 1], [], []>, transpose_lhs_hint = false} : vector<128x128xf32>, vector<128x64xf32>, vector<128x64xf32> -> vector<128x64xf32>
    %add3A_527 = vector.broadcast %get3A_27 : vector<1x64xf32> to vector<128x64xf32>
    %add3A_528 = arith.addf %dot_general3A_526, %add3A_527 : vector<128x64xf32>
    %sub3A_529 = arith.subf %add3A_528, %add3A_24 : vector<128x64xf32>
    %max3A_530 = arith.constant 0.000000e+00 : f32
    %max3A_531 = vector.broadcast %max3A_530 : f32 to vector<128x64xf32>
    %max3A_532 = arith.maximumf %sub3A_529, %max3A_531 : vector<128x64xf32>
    %swap3A_533 = arith.constant 3968 : index
    %swap3A_534 = arith.constant 0 : index
    %swap3A_535 = vector.load %arg11[%swap3A_533, %swap3A_534] : memref<4096x64xf32, #tpu.memory_space<vmem>>, vector<128x64xf32>
    tpu.vector_store %arg11[%swap3A_533, %swap3A_534], %max3A_532 {strides = array<i32>} : memref<4096x64xf32, #tpu.memory_space<vmem>>, vector<128x64xf32>,
    %get3A_536 = arith.constant 0 : index
    %get3A_537 = arith.constant 0 : index
    %get3A_538 = vector.load %arg11[%get3A_536, %get3A_537] : memref<4096x64xf32, #tpu.memory_space<vmem>>, vector<4096x64xf32>
    %get3A_539 = arith.constant 0 : index
    %get3A_540 = arith.constant 0 : index
    %get3A_541 = vector.load %arg6[%get3A_539, %get3A_540] : memref<64x64xf32, #tpu.memory_space<vmem>>, vector<64x64xf32>
    %dot_general3A_542 = arith.constant dense<0.000000e+00> : vector<4096x64xf32>
    %dot_general3A_543 = tpu.matmul %get3A_538, %get3A_541, %dot_general3A_542 {dimension_numbers = #tpu.dot_dimension_numbers<[1], [0], [0], [1], [0, 0, 1, 1], [], []>, transpose_lhs_hint = false} : vector<4096x64xf32>, vector<64x64xf32>, vector<4096x64xf32> -> vector<4096x64xf32>
    %get3A_544 = arith.constant 0 : index
    %get3A_545 = arith.constant 0 : index
    %get3A_546 = vector.load %arg7[%get3A_544, %get3A_545] : memref<1x64xf32, #tpu.memory_space<vmem>>, vector<1x64xf32>
    %add3A_547 = vector.broadcast %get3A_546 : vector<1x64xf32> to vector<4096x64xf32>
    %add3A_548 = arith.addf %dot_general3A_543, %add3A_547 : vector<4096x64xf32>
    %max3A_549 = arith.constant 0.000000e+00 : f32
    %max3A_550 = vector.broadcast %max3A_549 : f32 to vector<4096x64xf32>
    %max3A_551 = arith.maximumf %add3A_548, %max3A_550 : vector<4096x64xf32>
    %get3A_552 = arith.constant 0 : index
    %get3A_553 = arith.constant 0 : index
    %get3A_554 = vector.load %arg8[%get3A_552, %get3A_553] : memref<64x128xf32, #tpu.memory_space<vmem>>, vector<64x128xf32>
    %dot_general3A_555 = arith.constant dense<0.000000e+00> : vector<4096x128xf32>
    %dot_general3A_556 = tpu.matmul %max3A_551, %get3A_554, %dot_general3A_555 {dimension_numbers = #tpu.dot_dimension_numbers<[1], [0], [0], [1], [0, 0, 1, 1], [], []>, transpose_lhs_hint = false} : vector<4096x64xf32>, vector<64x128xf32>, vector<4096x128xf32> -> vector<4096x128xf32>
    %get3A_557 = arith.constant 0 : index
    %get3A_558 = arith.constant 0 : index
    %get3A_559 = vector.load %arg9[%get3A_557, %get3A_558] : memref<1x128xf32, #tpu.memory_space<vmem>>, vector<1x128xf32>
    %add3A_560 = vector.broadcast %get3A_559 : vector<1x128xf32> to vector<4096x128xf32>
    %add3A_561 = arith.addf %dot_general3A_556, %add3A_560 : vector<4096x128xf32>
    %max3A_562 = arith.constant 0.000000e+00 : f32
    %max3A_563 = vector.broadcast %max3A_562 : f32 to vector<4096x128xf32>
    %max3A_564 = arith.maximumf %add3A_561, %max3A_563 : vector<4096x128xf32>
    %broadcast_in_dim3A = arith.constant -1.000000e+00 : f32
    %broadcast_in_dim3A_565 = vector.broadcast %broadcast_in_dim3A : f32 to vector<128x128xf32>
    %get3A_566 = arith.constant 0 : index
    %get3A_567 = arith.constant 0 : index
    %get3A_568 = vector.load %arg3[%get3A_566, %get3A_567] : memref<128x64xf32, #tpu.memory_space<vmem>>, vector<128x1xf32>
    %le3A = arith.constant 1.600000e-01 : f32
    %le3A_569 = vector.broadcast %le3A : f32 to vector<128x1xf32>
    %le3A_570 = arith.cmpf ole, %get3A_568, %le3A_569 : vector<128x1xf32>
    %slice3A_571 = vector.extract_strided_slice %max3A_564 {offsets = [0, 0], sizes = [128, 128], strides = [1, 1]} : vector<4096x128xf32> to vector<128x128xf32>
    %jit3A = arith.constant -1.000000e+00 : f32
    %broadcast_in_dim3A_572 = vector.shape_cast %le3A_570 : vector<128x1xi1> to vector<128x1xi1>
    %broadcast_in_dim3A_573 = vector.broadcast %broadcast_in_dim3A_572 : vector<128x1xi1> to vector<128x128xi1>
    %broadcast_in_dim3A_574 = vector.broadcast %jit3A : f32 to vector<128x128xf32>
    %select_n3A = arith.select %broadcast_in_dim3A_573, %slice3A_571, %broadcast_in_dim3A_574 : vector<128x128xi1>, vector<128x128xf32>
    %max3A_575 = arith.maximumf %broadcast_in_dim3A_565, %select_n3A : vector<128x128xf32>
    %get3A_576 = arith.constant 0 : index
    %get3A_577 = arith.constant 1 : index
    %get3A_578 = vector.load %arg3[%get3A_576, %get3A_577] : memref<128x64xf32, #tpu.memory_space<vmem>>, vector<128x1xf32>
    %le3A_579 = arith.constant 1.600000e-01 : f32
    %le3A_580 = vector.broadcast %le3A_579 : f32 to vector<128x1xf32>
    %le3A_581 = arith.cmpf ole, %get3A_578, %le3A_580 : vector<128x1xf32>
    %slice3A_582 = vector.extract_strided_slice %max3A_564 {offsets = [128, 0], sizes = [128, 128], strides = [1, 1]} : vector<4096x128xf32> to vector<128x128xf32>
    %jit3A_583 = arith.constant -1.000000e+00 : f32
    %broadcast_in_dim3A_584 = vector.shape_cast %le3A_581 : vector<128x1xi1> to vector<128x1xi1>
    %broadcast_in_dim3A_585 = vector.broadcast %broadcast_in_dim3A_584 : vector<128x1xi1> to vector<128x128xi1>
    %broadcast_in_dim3A_586 = vector.broadcast %jit3A_583 : f32 to vector<128x128xf32>
    %select_n3A_587 = arith.select %broadcast_in_dim3A_585, %slice3A_582, %broadcast_in_dim3A_586 : vector<128x128xi1>, vector<128x128xf32>
    %max3A_588 = arith.maximumf %max3A_575, %select_n3A_587 : vector<128x128xf32>
    %get3A_589 = arith.constant 0 : index
    %get3A_590 = arith.constant 2 : index
    %get3A_591 = vector.load %arg3[%get3A_589, %get3A_590] : memref<128x64xf32, #tpu.memory_space<vmem>>, vector<128x1xf32>
    %le3A_592 = arith.constant 1.600000e-01 : f32
    %le3A_593 = vector.broadcast %le3A_592 : f32 to vector<128x1xf32>
    %le3A_594 = arith.cmpf ole, %get3A_591, %le3A_593 : vector<128x1xf32>
    %slice3A_595 = vector.extract_strided_slice %max3A_564 {offsets = [256, 0], sizes = [128, 128], strides = [1, 1]} : vector<4096x128xf32> to vector<128x128xf32>
    %jit3A_596 = arith.constant -1.000000e+00 : f32
    %broadcast_in_dim3A_597 = vector.shape_cast %le3A_594 : vector<128x1xi1> to vector<128x1xi1>
    %broadcast_in_dim3A_598 = vector.broadcast %broadcast_in_dim3A_597 : vector<128x1xi1> to vector<128x128xi1>
    %broadcast_in_dim3A_599 = vector.broadcast %jit3A_596 : f32 to vector<128x128xf32>
    %select_n3A_600 = arith.select %broadcast_in_dim3A_598, %slice3A_595, %broadcast_in_dim3A_599 : vector<128x128xi1>, vector<128x128xf32>
    %max3A_601 = arith.maximumf %max3A_588, %select_n3A_600 : vector<128x128xf32>
    %get3A_602 = arith.constant 0 : index
    %get3A_603 = arith.constant 3 : index
    %get3A_604 = vector.load %arg3[%get3A_602, %get3A_603] : memref<128x64xf32, #tpu.memory_space<vmem>>, vector<128x1xf32>
    %le3A_605 = arith.constant 1.600000e-01 : f32
    %le3A_606 = vector.broadcast %le3A_605 : f32 to vector<128x1xf32>
    %le3A_607 = arith.cmpf ole, %get3A_604, %le3A_606 : vector<128x1xf32>
    %slice3A_608 = vector.extract_strided_slice %max3A_564 {offsets = [384, 0], sizes = [128, 128], strides = [1, 1]} : vector<4096x128xf32> to vector<128x128xf32>
    %jit3A_609 = arith.constant -1.000000e+00 : f32
    %broadcast_in_dim3A_610 = vector.shape_cast %le3A_607 : vector<128x1xi1> to vector<128x1xi1>
    %broadcast_in_dim3A_611 = vector.broadcast %broadcast_in_dim3A_610 : vector<128x1xi1> to vector<128x128xi1>
    %broadcast_in_dim3A_612 = vector.broadcast %jit3A_609 : f32 to vector<128x128xf32>
    %select_n3A_613 = arith.select %broadcast_in_dim3A_611, %slice3A_608, %broadcast_in_dim3A_612 : vector<128x128xi1>, vector<128x128xf32>
    %max3A_614 = arith.maximumf %max3A_601, %select_n3A_613 : vector<128x128xf32>
    %get3A_615 = arith.constant 0 : index
    %get3A_616 = arith.constant 4 : index
    %get3A_617 = vector.load %arg3[%get3A_615, %get3A_616] : memref<128x64xf32, #tpu.memory_space<vmem>>, vector<128x1xf32>
    %le3A_618 = arith.constant 1.600000e-01 : f32
    %le3A_619 = vector.broadcast %le3A_618 : f32 to vector<128x1xf32>
    %le3A_620 = arith.cmpf ole, %get3A_617, %le3A_619 : vector<128x1xf32>
    %slice3A_621 = vector.extract_strided_slice %max3A_564 {offsets = [512, 0], sizes = [128, 128], strides = [1, 1]} : vector<4096x128xf32> to vector<128x128xf32>
    %jit3A_622 = arith.constant -1.000000e+00 : f32
    %broadcast_in_dim3A_623 = vector.shape_cast %le3A_620 : vector<128x1xi1> to vector<128x1xi1>
    %broadcast_in_dim3A_624 = vector.broadcast %broadcast_in_dim3A_623 : vector<128x1xi1> to vector<128x128xi1>
    %broadcast_in_dim3A_625 = vector.broadcast %jit3A_622 : f32 to vector<128x128xf32>
    %select_n3A_626 = arith.select %broadcast_in_dim3A_624, %slice3A_621, %broadcast_in_dim3A_625 : vector<128x128xi1>, vector<128x128xf32>
    %max3A_627 = arith.maximumf %max3A_614, %select_n3A_626 : vector<128x128xf32>
    %get3A_628 = arith.constant 0 : index
    %get3A_629 = arith.constant 5 : index
    %get3A_630 = vector.load %arg3[%get3A_628, %get3A_629] : memref<128x64xf32, #tpu.memory_space<vmem>>, vector<128x1xf32>
    %le3A_631 = arith.constant 1.600000e-01 : f32
    %le3A_632 = vector.broadcast %le3A_631 : f32 to vector<128x1xf32>
    %le3A_633 = arith.cmpf ole, %get3A_630, %le3A_632 : vector<128x1xf32>
    %slice3A_634 = vector.extract_strided_slice %max3A_564 {offsets = [640, 0], sizes = [128, 128], strides = [1, 1]} : vector<4096x128xf32> to vector<128x128xf32>
    %jit3A_635 = arith.constant -1.000000e+00 : f32
    %broadcast_in_dim3A_636 = vector.shape_cast %le3A_633 : vector<128x1xi1> to vector<128x1xi1>
    %broadcast_in_dim3A_637 = vector.broadcast %broadcast_in_dim3A_636 : vector<128x1xi1> to vector<128x128xi1>
    %broadcast_in_dim3A_638 = vector.broadcast %jit3A_635 : f32 to vector<128x128xf32>
    %select_n3A_639 = arith.select %broadcast_in_dim3A_637, %slice3A_634, %broadcast_in_dim3A_638 : vector<128x128xi1>, vector<128x128xf32>
    %max3A_640 = arith.maximumf %max3A_627, %select_n3A_639 : vector<128x128xf32>
    %get3A_641 = arith.constant 0 : index
    %get3A_642 = arith.constant 6 : index
    %get3A_643 = vector.load %arg3[%get3A_641, %get3A_642] : memref<128x64xf32, #tpu.memory_space<vmem>>, vector<128x1xf32>
    %le3A_644 = arith.constant 1.600000e-01 : f32
    %le3A_645 = vector.broadcast %le3A_644 : f32 to vector<128x1xf32>
    %le3A_646 = arith.cmpf ole, %get3A_643, %le3A_645 : vector<128x1xf32>
    %slice3A_647 = vector.extract_strided_slice %max3A_564 {offsets = [768, 0], sizes = [128, 128], strides = [1, 1]} : vector<4096x128xf32> to vector<128x128xf32>
    %jit3A_648 = arith.constant -1.000000e+00 : f32
    %broadcast_in_dim3A_649 = vector.shape_cast %le3A_646 : vector<128x1xi1> to vector<128x1xi1>
    %broadcast_in_dim3A_650 = vector.broadcast %broadcast_in_dim3A_649 : vector<128x1xi1> to vector<128x128xi1>
    %broadcast_in_dim3A_651 = vector.broadcast %jit3A_648 : f32 to vector<128x128xf32>
    %select_n3A_652 = arith.select %broadcast_in_dim3A_650, %slice3A_647, %broadcast_in_dim3A_651 : vector<128x128xi1>, vector<128x128xf32>
    %max3A_653 = arith.maximumf %max3A_640, %select_n3A_652 : vector<128x128xf32>
    %get3A_654 = arith.constant 0 : index
    %get3A_655 = arith.constant 7 : index
    %get3A_656 = vector.load %arg3[%get3A_654, %get3A_655] : memref<128x64xf32, #tpu.memory_space<vmem>>, vector<128x1xf32>
    %le3A_657 = arith.constant 1.600000e-01 : f32
    %le3A_658 = vector.broadcast %le3A_657 : f32 to vector<128x1xf32>
    %le3A_659 = arith.cmpf ole, %get3A_656, %le3A_658 : vector<128x1xf32>
    %slice3A_660 = vector.extract_strided_slice %max3A_564 {offsets = [896, 0], sizes = [128, 128], strides = [1, 1]} : vector<4096x128xf32> to vector<128x128xf32>
    %jit3A_661 = arith.constant -1.000000e+00 : f32
    %broadcast_in_dim3A_662 = vector.shape_cast %le3A_659 : vector<128x1xi1> to vector<128x1xi1>
    %broadcast_in_dim3A_663 = vector.broadcast %broadcast_in_dim3A_662 : vector<128x1xi1> to vector<128x128xi1>
    %broadcast_in_dim3A_664 = vector.broadcast %jit3A_661 : f32 to vector<128x128xf32>
    %select_n3A_665 = arith.select %broadcast_in_dim3A_663, %slice3A_660, %broadcast_in_dim3A_664 : vector<128x128xi1>, vector<128x128xf32>
    %max3A_666 = arith.maximumf %max3A_653, %select_n3A_665 : vector<128x128xf32>
    %get3A_667 = arith.constant 0 : index
    %get3A_668 = arith.constant 8 : index
    %get3A_669 = vector.load %arg3[%get3A_667, %get3A_668] : memref<128x64xf32, #tpu.memory_space<vmem>>, vector<128x1xf32>
    %le3A_670 = arith.constant 1.600000e-01 : f32
    %le3A_671 = vector.broadcast %le3A_670 : f32 to vector<128x1xf32>
    %le3A_672 = arith.cmpf ole, %get3A_669, %le3A_671 : vector<128x1xf32>
    %slice3A_673 = vector.extract_strided_slice %max3A_564 {offsets = [1024, 0], sizes = [128, 128], strides = [1, 1]} : vector<4096x128xf32> to vector<128x128xf32>
    %jit3A_674 = arith.constant -1.000000e+00 : f32
    %broadcast_in_dim3A_675 = vector.shape_cast %le3A_672 : vector<128x1xi1> to vector<128x1xi1>
    %broadcast_in_dim3A_676 = vector.broadcast %broadcast_in_dim3A_675 : vector<128x1xi1> to vector<128x128xi1>
    %broadcast_in_dim3A_677 = vector.broadcast %jit3A_674 : f32 to vector<128x128xf32>
    %select_n3A_678 = arith.select %broadcast_in_dim3A_676, %slice3A_673, %broadcast_in_dim3A_677 : vector<128x128xi1>, vector<128x128xf32>
    %max3A_679 = arith.maximumf %max3A_666, %select_n3A_678 : vector<128x128xf32>
    %get3A_680 = arith.constant 0 : index
    %get3A_681 = arith.constant 9 : index
    %get3A_682 = vector.load %arg3[%get3A_680, %get3A_681] : memref<128x64xf32, #tpu.memory_space<vmem>>, vector<128x1xf32>
    %le3A_683 = arith.constant 1.600000e-01 : f32
    %le3A_684 = vector.broadcast %le3A_683 : f32 to vector<128x1xf32>
    %le3A_685 = arith.cmpf ole, %get3A_682, %le3A_684 : vector<128x1xf32>
    %slice3A_686 = vector.extract_strided_slice %max3A_564 {offsets = [1152, 0], sizes = [128, 128], strides = [1, 1]} : vector<4096x128xf32> to vector<128x128xf32>
    %jit3A_687 = arith.constant -1.000000e+00 : f32
    %broadcast_in_dim3A_688 = vector.shape_cast %le3A_685 : vector<128x1xi1> to vector<128x1xi1>
    %broadcast_in_dim3A_689 = vector.broadcast %broadcast_in_dim3A_688 : vector<128x1xi1> to vector<128x128xi1>
    %broadcast_in_dim3A_690 = vector.broadcast %jit3A_687 : f32 to vector<128x128xf32>
    %select_n3A_691 = arith.select %broadcast_in_dim3A_689, %slice3A_686, %broadcast_in_dim3A_690 : vector<128x128xi1>, vector<128x128xf32>
    %max3A_692 = arith.maximumf %max3A_679, %select_n3A_691 : vector<128x128xf32>
    %get3A_693 = arith.constant 0 : index
    %get3A_694 = arith.constant 10 : index
    %get3A_695 = vector.load %arg3[%get3A_693, %get3A_694] : memref<128x64xf32, #tpu.memory_space<vmem>>, vector<128x1xf32>
    %le3A_696 = arith.constant 1.600000e-01 : f32
    %le3A_697 = vector.broadcast %le3A_696 : f32 to vector<128x1xf32>
    %le3A_698 = arith.cmpf ole, %get3A_695, %le3A_697 : vector<128x1xf32>
    %slice3A_699 = vector.extract_strided_slice %max3A_564 {offsets = [1280, 0], sizes = [128, 128], strides = [1, 1]} : vector<4096x128xf32> to vector<128x128xf32>
    %jit3A_700 = arith.constant -1.000000e+00 : f32
    %broadcast_in_dim3A_701 = vector.shape_cast %le3A_698 : vector<128x1xi1> to vector<128x1xi1>
    %broadcast_in_dim3A_702 = vector.broadcast %broadcast_in_dim3A_701 : vector<128x1xi1> to vector<128x128xi1>
    %broadcast_in_dim3A_703 = vector.broadcast %jit3A_700 : f32 to vector<128x128xf32>
    %select_n3A_704 = arith.select %broadcast_in_dim3A_702, %slice3A_699, %broadcast_in_dim3A_703 : vector<128x128xi1>, vector<128x128xf32>
    %max3A_705 = arith.maximumf %max3A_692, %select_n3A_704 : vector<128x128xf32>
    %get3A_706 = arith.constant 0 : index
    %get3A_707 = arith.constant 11 : index
    %get3A_708 = vector.load %arg3[%get3A_706, %get3A_707] : memref<128x64xf32, #tpu.memory_space<vmem>>, vector<128x1xf32>
    %le3A_709 = arith.constant 1.600000e-01 : f32
    %le3A_710 = vector.broadcast %le3A_709 : f32 to vector<128x1xf32>
    %le3A_711 = arith.cmpf ole, %get3A_708, %le3A_710 : vector<128x1xf32>
    %slice3A_712 = vector.extract_strided_slice %max3A_564 {offsets = [1408, 0], sizes = [128, 128], strides = [1, 1]} : vector<4096x128xf32> to vector<128x128xf32>
    %jit3A_713 = arith.constant -1.000000e+00 : f32
    %broadcast_in_dim3A_714 = vector.shape_cast %le3A_711 : vector<128x1xi1> to vector<128x1xi1>
    %broadcast_in_dim3A_715 = vector.broadcast %broadcast_in_dim3A_714 : vector<128x1xi1> to vector<128x128xi1>
    %broadcast_in_dim3A_716 = vector.broadcast %jit3A_713 : f32 to vector<128x128xf32>
    %select_n3A_717 = arith.select %broadcast_in_dim3A_715, %slice3A_712, %broadcast_in_dim3A_716 : vector<128x128xi1>, vector<128x128xf32>
    %max3A_718 = arith.maximumf %max3A_705, %select_n3A_717 : vector<128x128xf32>
    %get3A_719 = arith.constant 0 : index
    %get3A_720 = arith.constant 12 : index
    %get3A_721 = vector.load %arg3[%get3A_719, %get3A_720] : memref<128x64xf32, #tpu.memory_space<vmem>>, vector<128x1xf32>
    %le3A_722 = arith.constant 1.600000e-01 : f32
    %le3A_723 = vector.broadcast %le3A_722 : f32 to vector<128x1xf32>
    %le3A_724 = arith.cmpf ole, %get3A_721, %le3A_723 : vector<128x1xf32>
    %slice3A_725 = vector.extract_strided_slice %max3A_564 {offsets = [1536, 0], sizes = [128, 128], strides = [1, 1]} : vector<4096x128xf32> to vector<128x128xf32>
    %jit3A_726 = arith.constant -1.000000e+00 : f32
    %broadcast_in_dim3A_727 = vector.shape_cast %le3A_724 : vector<128x1xi1> to vector<128x1xi1>
    %broadcast_in_dim3A_728 = vector.broadcast %broadcast_in_dim3A_727 : vector<128x1xi1> to vector<128x128xi1>
    %broadcast_in_dim3A_729 = vector.broadcast %jit3A_726 : f32 to vector<128x128xf32>
    %select_n3A_730 = arith.select %broadcast_in_dim3A_728, %slice3A_725, %broadcast_in_dim3A_729 : vector<128x128xi1>, vector<128x128xf32>
    %max3A_731 = arith.maximumf %max3A_718, %select_n3A_730 : vector<128x128xf32>
    %get3A_732 = arith.constant 0 : index
    %get3A_733 = arith.constant 13 : index
    %get3A_734 = vector.load %arg3[%get3A_732, %get3A_733] : memref<128x64xf32, #tpu.memory_space<vmem>>, vector<128x1xf32>
    %le3A_735 = arith.constant 1.600000e-01 : f32
    %le3A_736 = vector.broadcast %le3A_735 : f32 to vector<128x1xf32>
    %le3A_737 = arith.cmpf ole, %get3A_734, %le3A_736 : vector<128x1xf32>
    %slice3A_738 = vector.extract_strided_slice %max3A_564 {offsets = [1664, 0], sizes = [128, 128], strides = [1, 1]} : vector<4096x128xf32> to vector<128x128xf32>
    %jit3A_739 = arith.constant -1.000000e+00 : f32
    %broadcast_in_dim3A_740 = vector.shape_cast %le3A_737 : vector<128x1xi1> to vector<128x1xi1>
    %broadcast_in_dim3A_741 = vector.broadcast %broadcast_in_dim3A_740 : vector<128x1xi1> to vector<128x128xi1>
    %broadcast_in_dim3A_742 = vector.broadcast %jit3A_739 : f32 to vector<128x128xf32>
    %select_n3A_743 = arith.select %broadcast_in_dim3A_741, %slice3A_738, %broadcast_in_dim3A_742 : vector<128x128xi1>, vector<128x128xf32>
    %max3A_744 = arith.maximumf %max3A_731, %select_n3A_743 : vector<128x128xf32>
    %get3A_745 = arith.constant 0 : index
    %get3A_746 = arith.constant 14 : index
    %get3A_747 = vector.load %arg3[%get3A_745, %get3A_746] : memref<128x64xf32, #tpu.memory_space<vmem>>, vector<128x1xf32>
    %le3A_748 = arith.constant 1.600000e-01 : f32
    %le3A_749 = vector.broadcast %le3A_748 : f32 to vector<128x1xf32>
    %le3A_750 = arith.cmpf ole, %get3A_747, %le3A_749 : vector<128x1xf32>
    %slice3A_751 = vector.extract_strided_slice %max3A_564 {offsets = [1792, 0], sizes = [128, 128], strides = [1, 1]} : vector<4096x128xf32> to vector<128x128xf32>
    %jit3A_752 = arith.constant -1.000000e+00 : f32
    %broadcast_in_dim3A_753 = vector.shape_cast %le3A_750 : vector<128x1xi1> to vector<128x1xi1>
    %broadcast_in_dim3A_754 = vector.broadcast %broadcast_in_dim3A_753 : vector<128x1xi1> to vector<128x128xi1>
    %broadcast_in_dim3A_755 = vector.broadcast %jit3A_752 : f32 to vector<128x128xf32>
    %select_n3A_756 = arith.select %broadcast_in_dim3A_754, %slice3A_751, %broadcast_in_dim3A_755 : vector<128x128xi1>, vector<128x128xf32>
    %max3A_757 = arith.maximumf %max3A_744, %select_n3A_756 : vector<128x128xf32>
    %get3A_758 = arith.constant 0 : index
    %get3A_759 = arith.constant 15 : index
    %get3A_760 = vector.load %arg3[%get3A_758, %get3A_759] : memref<128x64xf32, #tpu.memory_space<vmem>>, vector<128x1xf32>
    %le3A_761 = arith.constant 1.600000e-01 : f32
    %le3A_762 = vector.broadcast %le3A_761 : f32 to vector<128x1xf32>
    %le3A_763 = arith.cmpf ole, %get3A_760, %le3A_762 : vector<128x1xf32>
    %slice3A_764 = vector.extract_strided_slice %max3A_564 {offsets = [1920, 0], sizes = [128, 128], strides = [1, 1]} : vector<4096x128xf32> to vector<128x128xf32>
    %jit3A_765 = arith.constant -1.000000e+00 : f32
    %broadcast_in_dim3A_766 = vector.shape_cast %le3A_763 : vector<128x1xi1> to vector<128x1xi1>
    %broadcast_in_dim3A_767 = vector.broadcast %broadcast_in_dim3A_766 : vector<128x1xi1> to vector<128x128xi1>
    %broadcast_in_dim3A_768 = vector.broadcast %jit3A_765 : f32 to vector<128x128xf32>
    %select_n3A_769 = arith.select %broadcast_in_dim3A_767, %slice3A_764, %broadcast_in_dim3A_768 : vector<128x128xi1>, vector<128x128xf32>
    %max3A_770 = arith.maximumf %max3A_757, %select_n3A_769 : vector<128x128xf32>
    %get3A_771 = arith.constant 0 : index
    %get3A_772 = arith.constant 16 : index
    %get3A_773 = vector.load %arg3[%get3A_771, %get3A_772] : memref<128x64xf32, #tpu.memory_space<vmem>>, vector<128x1xf32>
    %le3A_774 = arith.constant 1.600000e-01 : f32
    %le3A_775 = vector.broadcast %le3A_774 : f32 to vector<128x1xf32>
    %le3A_776 = arith.cmpf ole, %get3A_773, %le3A_775 : vector<128x1xf32>
    %slice3A_777 = vector.extract_strided_slice %max3A_564 {offsets = [2048, 0], sizes = [128, 128], strides = [1, 1]} : vector<4096x128xf32> to vector<128x128xf32>
    %jit3A_778 = arith.constant -1.000000e+00 : f32
    %broadcast_in_dim3A_779 = vector.shape_cast %le3A_776 : vector<128x1xi1> to vector<128x1xi1>
    %broadcast_in_dim3A_780 = vector.broadcast %broadcast_in_dim3A_779 : vector<128x1xi1> to vector<128x128xi1>
    %broadcast_in_dim3A_781 = vector.broadcast %jit3A_778 : f32 to vector<128x128xf32>
    %select_n3A_782 = arith.select %broadcast_in_dim3A_780, %slice3A_777, %broadcast_in_dim3A_781 : vector<128x128xi1>, vector<128x128xf32>
    %max3A_783 = arith.maximumf %max3A_770, %select_n3A_782 : vector<128x128xf32>
    %get3A_784 = arith.constant 0 : index
    %get3A_785 = arith.constant 17 : index
    %get3A_786 = vector.load %arg3[%get3A_784, %get3A_785] : memref<128x64xf32, #tpu.memory_space<vmem>>, vector<128x1xf32>
    %le3A_787 = arith.constant 1.600000e-01 : f32
    %le3A_788 = vector.broadcast %le3A_787 : f32 to vector<128x1xf32>
    %le3A_789 = arith.cmpf ole, %get3A_786, %le3A_788 : vector<128x1xf32>
    %slice3A_790 = vector.extract_strided_slice %max3A_564 {offsets = [2176, 0], sizes = [128, 128], strides = [1, 1]} : vector<4096x128xf32> to vector<128x128xf32>
    %jit3A_791 = arith.constant -1.000000e+00 : f32
    %broadcast_in_dim3A_792 = vector.shape_cast %le3A_789 : vector<128x1xi1> to vector<128x1xi1>
    %broadcast_in_dim3A_793 = vector.broadcast %broadcast_in_dim3A_792 : vector<128x1xi1> to vector<128x128xi1>
    %broadcast_in_dim3A_794 = vector.broadcast %jit3A_791 : f32 to vector<128x128xf32>
    %select_n3A_795 = arith.select %broadcast_in_dim3A_793, %slice3A_790, %broadcast_in_dim3A_794 : vector<128x128xi1>, vector<128x128xf32>
    %max3A_796 = arith.maximumf %max3A_783, %select_n3A_795 : vector<128x128xf32>
    %get3A_797 = arith.constant 0 : index
    %get3A_798 = arith.constant 18 : index
    %get3A_799 = vector.load %arg3[%get3A_797, %get3A_798] : memref<128x64xf32, #tpu.memory_space<vmem>>, vector<128x1xf32>
    %le3A_800 = arith.constant 1.600000e-01 : f32
    %le3A_801 = vector.broadcast %le3A_800 : f32 to vector<128x1xf32>
    %le3A_802 = arith.cmpf ole, %get3A_799, %le3A_801 : vector<128x1xf32>
    %slice3A_803 = vector.extract_strided_slice %max3A_564 {offsets = [2304, 0], sizes = [128, 128], strides = [1, 1]} : vector<4096x128xf32> to vector<128x128xf32>
    %jit3A_804 = arith.constant -1.000000e+00 : f32
    %broadcast_in_dim3A_805 = vector.shape_cast %le3A_802 : vector<128x1xi1> to vector<128x1xi1>
    %broadcast_in_dim3A_806 = vector.broadcast %broadcast_in_dim3A_805 : vector<128x1xi1> to vector<128x128xi1>
    %broadcast_in_dim3A_807 = vector.broadcast %jit3A_804 : f32 to vector<128x128xf32>
    %select_n3A_808 = arith.select %broadcast_in_dim3A_806, %slice3A_803, %broadcast_in_dim3A_807 : vector<128x128xi1>, vector<128x128xf32>
    %max3A_809 = arith.maximumf %max3A_796, %select_n3A_808 : vector<128x128xf32>
    %get3A_810 = arith.constant 0 : index
    %get3A_811 = arith.constant 19 : index
    %get3A_812 = vector.load %arg3[%get3A_810, %get3A_811] : memref<128x64xf32, #tpu.memory_space<vmem>>, vector<128x1xf32>
    %le3A_813 = arith.constant 1.600000e-01 : f32
    %le3A_814 = vector.broadcast %le3A_813 : f32 to vector<128x1xf32>
    %le3A_815 = arith.cmpf ole, %get3A_812, %le3A_814 : vector<128x1xf32>
    %slice3A_816 = vector.extract_strided_slice %max3A_564 {offsets = [2432, 0], sizes = [128, 128], strides = [1, 1]} : vector<4096x128xf32> to vector<128x128xf32>
    %jit3A_817 = arith.constant -1.000000e+00 : f32
    %broadcast_in_dim3A_818 = vector.shape_cast %le3A_815 : vector<128x1xi1> to vector<128x1xi1>
    %broadcast_in_dim3A_819 = vector.broadcast %broadcast_in_dim3A_818 : vector<128x1xi1> to vector<128x128xi1>
    %broadcast_in_dim3A_820 = vector.broadcast %jit3A_817 : f32 to vector<128x128xf32>
    %select_n3A_821 = arith.select %broadcast_in_dim3A_819, %slice3A_816, %broadcast_in_dim3A_820 : vector<128x128xi1>, vector<128x128xf32>
    %max3A_822 = arith.maximumf %max3A_809, %select_n3A_821 : vector<128x128xf32>
    %get3A_823 = arith.constant 0 : index
    %get3A_824 = arith.constant 20 : index
    %get3A_825 = vector.load %arg3[%get3A_823, %get3A_824] : memref<128x64xf32, #tpu.memory_space<vmem>>, vector<128x1xf32>
    %le3A_826 = arith.constant 1.600000e-01 : f32
    %le3A_827 = vector.broadcast %le3A_826 : f32 to vector<128x1xf32>
    %le3A_828 = arith.cmpf ole, %get3A_825, %le3A_827 : vector<128x1xf32>
    %slice3A_829 = vector.extract_strided_slice %max3A_564 {offsets = [2560, 0], sizes = [128, 128], strides = [1, 1]} : vector<4096x128xf32> to vector<128x128xf32>
    %jit3A_830 = arith.constant -1.000000e+00 : f32
    %broadcast_in_dim3A_831 = vector.shape_cast %le3A_828 : vector<128x1xi1> to vector<128x1xi1>
    %broadcast_in_dim3A_832 = vector.broadcast %broadcast_in_dim3A_831 : vector<128x1xi1> to vector<128x128xi1>
    %broadcast_in_dim3A_833 = vector.broadcast %jit3A_830 : f32 to vector<128x128xf32>
    %select_n3A_834 = arith.select %broadcast_in_dim3A_832, %slice3A_829, %broadcast_in_dim3A_833 : vector<128x128xi1>, vector<128x128xf32>
    %max3A_835 = arith.maximumf %max3A_822, %select_n3A_834 : vector<128x128xf32>
    %get3A_836 = arith.constant 0 : index
    %get3A_837 = arith.constant 21 : index
    %get3A_838 = vector.load %arg3[%get3A_836, %get3A_837] : memref<128x64xf32, #tpu.memory_space<vmem>>, vector<128x1xf32>
    %le3A_839 = arith.constant 1.600000e-01 : f32
    %le3A_840 = vector.broadcast %le3A_839 : f32 to vector<128x1xf32>
    %le3A_841 = arith.cmpf ole, %get3A_838, %le3A_840 : vector<128x1xf32>
    %slice3A_842 = vector.extract_strided_slice %max3A_564 {offsets = [2688, 0], sizes = [128, 128], strides = [1, 1]} : vector<4096x128xf32> to vector<128x128xf32>
    %jit3A_843 = arith.constant -1.000000e+00 : f32
    %broadcast_in_dim3A_844 = vector.shape_cast %le3A_841 : vector<128x1xi1> to vector<128x1xi1>
    %broadcast_in_dim3A_845 = vector.broadcast %broadcast_in_dim3A_844 : vector<128x1xi1> to vector<128x128xi1>
    %broadcast_in_dim3A_846 = vector.broadcast %jit3A_843 : f32 to vector<128x128xf32>
    %select_n3A_847 = arith.select %broadcast_in_dim3A_845, %slice3A_842, %broadcast_in_dim3A_846 : vector<128x128xi1>, vector<128x128xf32>
    %max3A_848 = arith.maximumf %max3A_835, %select_n3A_847 : vector<128x128xf32>
    %get3A_849 = arith.constant 0 : index
    %get3A_850 = arith.constant 22 : index
    %get3A_851 = vector.load %arg3[%get3A_849, %get3A_850] : memref<128x64xf32, #tpu.memory_space<vmem>>, vector<128x1xf32>
    %le3A_852 = arith.constant 1.600000e-01 : f32
    %le3A_853 = vector.broadcast %le3A_852 : f32 to vector<128x1xf32>
    %le3A_854 = arith.cmpf ole, %get3A_851, %le3A_853 : vector<128x1xf32>
    %slice3A_855 = vector.extract_strided_slice %max3A_564 {offsets = [2816, 0], sizes = [128, 128], strides = [1, 1]} : vector<4096x128xf32> to vector<128x128xf32>
    %jit3A_856 = arith.constant -1.000000e+00 : f32
    %broadcast_in_dim3A_857 = vector.shape_cast %le3A_854 : vector<128x1xi1> to vector<128x1xi1>
    %broadcast_in_dim3A_858 = vector.broadcast %broadcast_in_dim3A_857 : vector<128x1xi1> to vector<128x128xi1>
    %broadcast_in_dim3A_859 = vector.broadcast %jit3A_856 : f32 to vector<128x128xf32>
    %select_n3A_860 = arith.select %broadcast_in_dim3A_858, %slice3A_855, %broadcast_in_dim3A_859 : vector<128x128xi1>, vector<128x128xf32>
    %max3A_861 = arith.maximumf %max3A_848, %select_n3A_860 : vector<128x128xf32>
    %get3A_862 = arith.constant 0 : index
    %get3A_863 = arith.constant 23 : index
    %get3A_864 = vector.load %arg3[%get3A_862, %get3A_863] : memref<128x64xf32, #tpu.memory_space<vmem>>, vector<128x1xf32>
    %le3A_865 = arith.constant 1.600000e-01 : f32
    %le3A_866 = vector.broadcast %le3A_865 : f32 to vector<128x1xf32>
    %le3A_867 = arith.cmpf ole, %get3A_864, %le3A_866 : vector<128x1xf32>
    %slice3A_868 = vector.extract_strided_slice %max3A_564 {offsets = [2944, 0], sizes = [128, 128], strides = [1, 1]} : vector<4096x128xf32> to vector<128x128xf32>
    %jit3A_869 = arith.constant -1.000000e+00 : f32
    %broadcast_in_dim3A_870 = vector.shape_cast %le3A_867 : vector<128x1xi1> to vector<128x1xi1>
    %broadcast_in_dim3A_871 = vector.broadcast %broadcast_in_dim3A_870 : vector<128x1xi1> to vector<128x128xi1>
    %broadcast_in_dim3A_872 = vector.broadcast %jit3A_869 : f32 to vector<128x128xf32>
    %select_n3A_873 = arith.select %broadcast_in_dim3A_871, %slice3A_868, %broadcast_in_dim3A_872 : vector<128x128xi1>, vector<128x128xf32>
    %max3A_874 = arith.maximumf %max3A_861, %select_n3A_873 : vector<128x128xf32>
    %get3A_875 = arith.constant 0 : index
    %get3A_876 = arith.constant 24 : index
    %get3A_877 = vector.load %arg3[%get3A_875, %get3A_876] : memref<128x64xf32, #tpu.memory_space<vmem>>, vector<128x1xf32>
    %le3A_878 = arith.constant 1.600000e-01 : f32
    %le3A_879 = vector.broadcast %le3A_878 : f32 to vector<128x1xf32>
    %le3A_880 = arith.cmpf ole, %get3A_877, %le3A_879 : vector<128x1xf32>
    %slice3A_881 = vector.extract_strided_slice %max3A_564 {offsets = [3072, 0], sizes = [128, 128], strides = [1, 1]} : vector<4096x128xf32> to vector<128x128xf32>
    %jit3A_882 = arith.constant -1.000000e+00 : f32
    %broadcast_in_dim3A_883 = vector.shape_cast %le3A_880 : vector<128x1xi1> to vector<128x1xi1>
    %broadcast_in_dim3A_884 = vector.broadcast %broadcast_in_dim3A_883 : vector<128x1xi1> to vector<128x128xi1>
    %broadcast_in_dim3A_885 = vector.broadcast %jit3A_882 : f32 to vector<128x128xf32>
    %select_n3A_886 = arith.select %broadcast_in_dim3A_884, %slice3A_881, %broadcast_in_dim3A_885 : vector<128x128xi1>, vector<128x128xf32>
    %max3A_887 = arith.maximumf %max3A_874, %select_n3A_886 : vector<128x128xf32>
    %get3A_888 = arith.constant 0 : index
    %get3A_889 = arith.constant 25 : index
    %get3A_890 = vector.load %arg3[%get3A_888, %get3A_889] : memref<128x64xf32, #tpu.memory_space<vmem>>, vector<128x1xf32>
    %le3A_891 = arith.constant 1.600000e-01 : f32
    %le3A_892 = vector.broadcast %le3A_891 : f32 to vector<128x1xf32>
    %le3A_893 = arith.cmpf ole, %get3A_890, %le3A_892 : vector<128x1xf32>
    %slice3A_894 = vector.extract_strided_slice %max3A_564 {offsets = [3200, 0], sizes = [128, 128], strides = [1, 1]} : vector<4096x128xf32> to vector<128x128xf32>
    %jit3A_895 = arith.constant -1.000000e+00 : f32
    %broadcast_in_dim3A_896 = vector.shape_cast %le3A_893 : vector<128x1xi1> to vector<128x1xi1>
    %broadcast_in_dim3A_897 = vector.broadcast %broadcast_in_dim3A_896 : vector<128x1xi1> to vector<128x128xi1>
    %broadcast_in_dim3A_898 = vector.broadcast %jit3A_895 : f32 to vector<128x128xf32>
    %select_n3A_899 = arith.select %broadcast_in_dim3A_897, %slice3A_894, %broadcast_in_dim3A_898 : vector<128x128xi1>, vector<128x128xf32>
    %max3A_900 = arith.maximumf %max3A_887, %select_n3A_899 : vector<128x128xf32>
    %get3A_901 = arith.constant 0 : index
    %get3A_902 = arith.constant 26 : index
    %get3A_903 = vector.load %arg3[%get3A_901, %get3A_902] : memref<128x64xf32, #tpu.memory_space<vmem>>, vector<128x1xf32>
    %le3A_904 = arith.constant 1.600000e-01 : f32
    %le3A_905 = vector.broadcast %le3A_904 : f32 to vector<128x1xf32>
    %le3A_906 = arith.cmpf ole, %get3A_903, %le3A_905 : vector<128x1xf32>
    %slice3A_907 = vector.extract_strided_slice %max3A_564 {offsets = [3328, 0], sizes = [128, 128], strides = [1, 1]} : vector<4096x128xf32> to vector<128x128xf32>
    %jit3A_908 = arith.constant -1.000000e+00 : f32
    %broadcast_in_dim3A_909 = vector.shape_cast %le3A_906 : vector<128x1xi1> to vector<128x1xi1>
    %broadcast_in_dim3A_910 = vector.broadcast %broadcast_in_dim3A_909 : vector<128x1xi1> to vector<128x128xi1>
    %broadcast_in_dim3A_911 = vector.broadcast %jit3A_908 : f32 to vector<128x128xf32>
    %select_n3A_912 = arith.select %broadcast_in_dim3A_910, %slice3A_907, %broadcast_in_dim3A_911 : vector<128x128xi1>, vector<128x128xf32>
    %max3A_913 = arith.maximumf %max3A_900, %select_n3A_912 : vector<128x128xf32>
    %get3A_914 = arith.constant 0 : index
    %get3A_915 = arith.constant 27 : index
    %get3A_916 = vector.load %arg3[%get3A_914, %get3A_915] : memref<128x64xf32, #tpu.memory_space<vmem>>, vector<128x1xf32>
    %le3A_917 = arith.constant 1.600000e-01 : f32
    %le3A_918 = vector.broadcast %le3A_917 : f32 to vector<128x1xf32>
    %le3A_919 = arith.cmpf ole, %get3A_916, %le3A_918 : vector<128x1xf32>
    %slice3A_920 = vector.extract_strided_slice %max3A_564 {offsets = [3456, 0], sizes = [128, 128], strides = [1, 1]} : vector<4096x128xf32> to vector<128x128xf32>
    %jit3A_921 = arith.constant -1.000000e+00 : f32
    %broadcast_in_dim3A_922 = vector.shape_cast %le3A_919 : vector<128x1xi1> to vector<128x1xi1>
    %broadcast_in_dim3A_923 = vector.broadcast %broadcast_in_dim3A_922 : vector<128x1xi1> to vector<128x128xi1>
    %broadcast_in_dim3A_924 = vector.broadcast %jit3A_921 : f32 to vector<128x128xf32>
    %select_n3A_925 = arith.select %broadcast_in_dim3A_923, %slice3A_920, %broadcast_in_dim3A_924 : vector<128x128xi1>, vector<128x128xf32>
    %max3A_926 = arith.maximumf %max3A_913, %select_n3A_925 : vector<128x128xf32>
    %get3A_927 = arith.constant 0 : index
    %get3A_928 = arith.constant 28 : index
    %get3A_929 = vector.load %arg3[%get3A_927, %get3A_928] : memref<128x64xf32, #tpu.memory_space<vmem>>, vector<128x1xf32>
    %le3A_930 = arith.constant 1.600000e-01 : f32
    %le3A_931 = vector.broadcast %le3A_930 : f32 to vector<128x1xf32>
    %le3A_932 = arith.cmpf ole, %get3A_929, %le3A_931 : vector<128x1xf32>
    %slice3A_933 = vector.extract_strided_slice %max3A_564 {offsets = [3584, 0], sizes = [128, 128], strides = [1, 1]} : vector<4096x128xf32> to vector<128x128xf32>
    %jit3A_934 = arith.constant -1.000000e+00 : f32
    %broadcast_in_dim3A_935 = vector.shape_cast %le3A_932 : vector<128x1xi1> to vector<128x1xi1>
    %broadcast_in_dim3A_936 = vector.broadcast %broadcast_in_dim3A_935 : vector<128x1xi1> to vector<128x128xi1>
    %broadcast_in_dim3A_937 = vector.broadcast %jit3A_934 : f32 to vector<128x128xf32>
    %select_n3A_938 = arith.select %broadcast_in_dim3A_936, %slice3A_933, %broadcast_in_dim3A_937 : vector<128x128xi1>, vector<128x128xf32>
    %max3A_939 = arith.maximumf %max3A_926, %select_n3A_938 : vector<128x128xf32>
    %get3A_940 = arith.constant 0 : index
    %get3A_941 = arith.constant 29 : index
    %get3A_942 = vector.load %arg3[%get3A_940, %get3A_941] : memref<128x64xf32, #tpu.memory_space<vmem>>, vector<128x1xf32>
    %le3A_943 = arith.constant 1.600000e-01 : f32
    %le3A_944 = vector.broadcast %le3A_943 : f32 to vector<128x1xf32>
    %le3A_945 = arith.cmpf ole, %get3A_942, %le3A_944 : vector<128x1xf32>
    %slice3A_946 = vector.extract_strided_slice %max3A_564 {offsets = [3712, 0], sizes = [128, 128], strides = [1, 1]} : vector<4096x128xf32> to vector<128x128xf32>
    %jit3A_947 = arith.constant -1.000000e+00 : f32
    %broadcast_in_dim3A_948 = vector.shape_cast %le3A_945 : vector<128x1xi1> to vector<128x1xi1>
    %broadcast_in_dim3A_949 = vector.broadcast %broadcast_in_dim3A_948 : vector<128x1xi1> to vector<128x128xi1>
    %broadcast_in_dim3A_950 = vector.broadcast %jit3A_947 : f32 to vector<128x128xf32>
    %select_n3A_951 = arith.select %broadcast_in_dim3A_949, %slice3A_946, %broadcast_in_dim3A_950 : vector<128x128xi1>, vector<128x128xf32>
    %max3A_952 = arith.maximumf %max3A_939, %select_n3A_951 : vector<128x128xf32>
    %get3A_953 = arith.constant 0 : index
    %get3A_954 = arith.constant 30 : index
    %get3A_955 = vector.load %arg3[%get3A_953, %get3A_954] : memref<128x64xf32, #tpu.memory_space<vmem>>, vector<128x1xf32>
    %le3A_956 = arith.constant 1.600000e-01 : f32
    %le3A_957 = vector.broadcast %le3A_956 : f32 to vector<128x1xf32>
    %le3A_958 = arith.cmpf ole, %get3A_955, %le3A_957 : vector<128x1xf32>
    %slice3A_959 = vector.extract_strided_slice %max3A_564 {offsets = [3840, 0], sizes = [128, 128], strides = [1, 1]} : vector<4096x128xf32> to vector<128x128xf32>
    %jit3A_960 = arith.constant -1.000000e+00 : f32
    %broadcast_in_dim3A_961 = vector.shape_cast %le3A_958 : vector<128x1xi1> to vector<128x1xi1>
    %broadcast_in_dim3A_962 = vector.broadcast %broadcast_in_dim3A_961 : vector<128x1xi1> to vector<128x128xi1>
    %broadcast_in_dim3A_963 = vector.broadcast %jit3A_960 : f32 to vector<128x128xf32>
    %select_n3A_964 = arith.select %broadcast_in_dim3A_962, %slice3A_959, %broadcast_in_dim3A_963 : vector<128x128xi1>, vector<128x128xf32>
    %max3A_965 = arith.maximumf %max3A_952, %select_n3A_964 : vector<128x128xf32>
    %get3A_966 = arith.constant 0 : index
    %get3A_967 = arith.constant 31 : index
    %get3A_968 = vector.load %arg3[%get3A_966, %get3A_967] : memref<128x64xf32, #tpu.memory_space<vmem>>, vector<128x1xf32>
    %le3A_969 = arith.constant 1.600000e-01 : f32
    %le3A_970 = vector.broadcast %le3A_969 : f32 to vector<128x1xf32>
    %le3A_971 = arith.cmpf ole, %get3A_968, %le3A_970 : vector<128x1xf32>
    %slice3A_972 = vector.extract_strided_slice %max3A_564 {offsets = [3968, 0], sizes = [128, 128], strides = [1, 1]} : vector<4096x128xf32> to vector<128x128xf32>
    %jit3A_973 = arith.constant -1.000000e+00 : f32
    %broadcast_in_dim3A_974 = vector.shape_cast %le3A_971 : vector<128x1xi1> to vector<128x1xi1>
    %broadcast_in_dim3A_975 = vector.broadcast %broadcast_in_dim3A_974 : vector<128x1xi1> to vector<128x128xi1>
    %broadcast_in_dim3A_976 = vector.broadcast %jit3A_973 : f32 to vector<128x128xf32>
    %select_n3A_977 = arith.select %broadcast_in_dim3A_975, %slice3A_972, %broadcast_in_dim3A_976 : vector<128x128xi1>, vector<128x128xf32>
    %max3A_978 = arith.maximumf %max3A_965, %select_n3A_977 : vector<128x128xf32>
    %lt3A = arith.constant 0.000000e+00 : f32
    %lt3A_979 = vector.broadcast %lt3A : f32 to vector<128x128xf32>
    %lt3A_980 = arith.cmpf olt, %max3A_978, %lt3A_979 : vector<128x128xf32>
    %jit3A_981 = arith.constant 0.000000e+00 : f32
    %broadcast_in_dim3A_982 = vector.broadcast %jit3A_981 : f32 to vector<128x128xf32>
    %select_n3A_983 = arith.select %lt3A_980, %broadcast_in_dim3A_982, %max3A_978 : vector<128x128xi1>, vector<128x128xf32>
    %swap3A_984 = arith.constant 0 : index
    %swap3A_985 = arith.constant 0 : index
    %swap3A_986 = vector.load %arg10[%swap3A_984, %swap3A_985] : memref<128x128xf32, #tpu.memory_space<vmem>>, vector<128x128xf32>
    tpu.vector_store %arg10[%swap3A_984, %swap3A_985], %select_n3A_983 {strides = array<i32>} : memref<128x128xf32, #tpu.memory_space<vmem>>, vector<128x128xf32>,
    return
  }
  func.func @transform_0(%arg0: i32) -> (i32, i32, i32) {
    %c0_i32 = arith.constant 0 : i32
    %c0_i32_0 = arith.constant 0 : i32
    %c0_i32_1 = arith.constant 0 : i32
    return %c0_i32, %arg0, %c0_i32_0 : i32, i32, i32
  }
  func.func @transform_1(%arg0: i32) -> (i32, i32) {
    %c0_i32 = arith.constant 0 : i32
    %c0_i32_0 = arith.constant 0 : i32
    return %arg0, %c0_i32 : i32, i32
  }
  func.func @transform_2(%arg0: i32) -> (i32, i32) {
    %c0_i32 = arith.constant 0 : i32
    %c0_i32_0 = arith.constant 0 : i32
    return %arg0, %c0_i32 : i32, i32
  }
  func.func @transform_3(%arg0: i32) -> (i32, i32) {
    %c0_i32 = arith.constant 0 : i32
    %c0_i32_0 = arith.constant 0 : i32
    %c0_i32_1 = arith.constant 0 : i32
    return %c0_i32, %c0_i32_0 : i32, i32
  }
  func.func @transform_4(%arg0: i32) -> (i32, i32) {
    %c0_i32 = arith.constant 0 : i32
    %c0_i32_0 = arith.constant 0 : i32
    %c0_i32_1 = arith.constant 0 : i32
    return %c0_i32, %c0_i32_0 : i32, i32
  }
  func.func @transform_5(%arg0: i32) -> (i32, i32) {
    %c0_i32 = arith.constant 0 : i32
    %c0_i32_0 = arith.constant 0 : i32
    %c0_i32_1 = arith.constant 0 : i32
    return %c0_i32, %c0_i32_0 : i32, i32
  }
  func.func @transform_6(%arg0: i32) -> (i32, i32) {
    %c0_i32 = arith.constant 0 : i32
    %c0_i32_0 = arith.constant 0 : i32
    %c0_i32_1 = arith.constant 0 : i32
    return %c0_i32, %c0_i32_0 : i32, i32
  }
  func.func @transform_7(%arg0: i32) -> (i32, i32) {
    %c0_i32 = arith.constant 0 : i32
    %c0_i32_0 = arith.constant 0 : i32
    %c0_i32_1 = arith.constant 0 : i32
    return %c0_i32, %c0_i32_0 : i32, i32
  }
  func.func @transform_8(%arg0: i32) -> (i32, i32) {
    %c0_i32 = arith.constant 0 : i32
    %c0_i32_0 = arith.constant 0 : i32
    %c0_i32_1 = arith.constant 0 : i32
    return %c0_i32, %c0_i32_0 : i32, i32
  }
  func.func @transform_9(%arg0: i32) -> (i32, i32) {
    %c0_i32 = arith.constant 0 : i32
    %c0_i32_0 = arith.constant 0 : i32
    return %arg0, %c0_i32 : i32, i32
  }
}

</mosaic_0001>

<sc_bundles>
// kernel: kernel.8.cloned.1.call-start
scs
__scs_entry_jumppad:
0x0: {  	(pc) =	sbr.rel $0x88, $3  }
0x1: {  	(tag) =	ssettag $0x0;
	lr =	simm.s32 $0x1  }
0x2: {  	[smem:$0x3F8C] =	sst lr;
	_ =	strace $0xD0000000  }
0x3: {  	_ = 	snop  }
0x4: {  	_ = 	snop  }
0x5: {  	_ = 	snop  }
0x6: {  	_ = 	snop  }
0x7: {  	_ = 	snop  }
__scs_overlays_trampoline_lowered:
0x8: {  	[smem:$0x3F9B] =	sst s0  }
0x9: {  	[smem:$0x3F9C] =	sst s1  }
0xa: {  	[smem:$0x3F9D] =	sst s2  }
0xb: {  	[smem:$0x3F9E] =	sst s3  }
0xc: {  	[smem:$0x3F9F] =	sst s4  }
0xd: {  	[smem:$0x3FA0] =	sst s5  }
0xe: {  	[smem:$0x3FA1] =	sst s6  }
0xf: {  	[smem:$0x3FA2] =	sst s7  }
0x10: {  	[smem:$0x3FA3] =	sst s8  }
0x11: {  	[smem:$0x3FA4] =	sst s9;
	s0 =	simm.s32 @!p0 $0x0  }
0x12: {  	s1 =	sld [smem:$0x3F8A];
	s0 =	simm.s32 @p0 $0x1  }
0x13: {  	[smem:$0x3FA5] =	sst s0;
	s0 =	simm.s32 @!p1 $0x0  }
0x14: {  	s2 =	sld [smem:$0x3F89];
	s0 =	simm.s32 @p1 $0x1  }
0x15: {  	[smem:$0x3FA6] =	sst s0;
	s0 =	simm.s32 @!p2 $0x0  }
0x16: {  	s3 =	sld [smem:$0x3FDB];
	s0 =	simm.s32 @p2 $0x1  }
0x17: {  	s4 =	simm.s32 $0x1BF5;
	[smem:$0x3FA8] =	sst s0  }
0x18: {  	s0 =	sld [smem:$0x3F8B];
	_ =	swait.ge [sflag:s4], $0x0  }
0x19: {  	s7 =	sld [smem:$0x3F8C]  }
0x1a: {  	s8 =	sadd.s32 $0xFFFFE003, lr  }
0x1b: {  	s9 =	sadd.s32 $0xFFFFFEF7, lr;
	s5 =	simm.s32 $0xFFFFFFFF;
	p2 =	slt.u32 s8, $0xFFFFF086  }
0x1c: {  	p1 =	slt.u32 s9, $0xF7A;
	s5 =	simm.s32 @!p2 $0x0  }
0x1d: {  	s5 =	simm.s32 @p1 $0x1;
	p0 =	seq.s32 s7, s2  }
0x1e: {  	s7 =	smul.u32 @!p0 $0xF7A, s2;
	p2 =	seq.s32 @!p0 s5, $0x0  }
0x1f: {  	s9 =	smul.u32 $0xF7A, s1;
	s8 =	simm.s32 @!p0 $0x1BF5;
	p2 =	por !p2, p0  }
0x20: {  	[sflag:s8] =	ssyncset.s32 @!p0 $0xFFFFF086;
	s6 =	sadd.s32 @!p0 s3, s7;
	s7 =	simm.s32 @!p0 $0x108  }
0x21: {  	s3 =	sadd.s32 s3, s9;
	s6 =	sadd.s32 @!p0 $0x88, s6;
	s7 =	simm.s32 @p2 $0x1082  }
0x22: {  	[simem:s7], [sflag:s8] =	dma.local @!p0 [hbm:s6], $0xF7A  }
0x23: {  	s9 =	sor.u32 $0xD0000000, s2;
	s6 =	simm.s32 $0x108;
	_ =	swait.ge @!p0 [sflag:s8], $0x0  }
0x24: {  	s3 =	sadd.s32 $0x88, s3;
	s6 =	simm.s32 @!p1 $0x1082;
	[sflag:s4] =	ssyncset.s32 $0xFFFFF086  }
0x25: {  	[simem:s6], [sflag:s4] =	dma.local [hbm:s3], $0xF7A  }
0x26: {  	[smem:$0x3F8C] =	sst s1;
	(tag) =	ssettag s2;
	_ =	strace s9  }
0x27: {  	s1 =	sld [smem:$0x3F9C]  }
0x28: {  	s2 =	sld [smem:$0x3F9D]  }
0x29: {  	s4 =	sld [smem:$0x3F9F]  }
0x2a: {  	p0 =	seq.s32 s5, $0x0;
	s5 =	sld [smem:$0x3FA0]  }
0x2b: {  	s6 =	sld [smem:$0x3FA1]  }
0x2c: {  	s7 =	sld [smem:$0x3FA2]  }
0x2d: {  	s3 =	simm.s32 $0x108;
	s8 =	sld [smem:$0x3FA3]  }
0x2e: {  	s3 =	simm.s32 @!p0 $0x1082;
	s9 =	sld [smem:$0x3FA4]  }
0x2f: {  	lr =	sadd.s32 s0, s3;
	s0 =	sld [smem:$0x3F9B]  }
0x30: {  	s3 =	sld [smem:$0x3F9E]  }
0x31: {  	[smem:$0x3FA7] =	sst s10  }
0x32: {  	s10 =	sld [smem:$0x3FA5];
	_ =	sdelay $0x3  }
0x33: {  	p0 =	seq.s32 s10, $0x1;
	s10 =	sld [smem:$0x3FA7];
	_ =	sdelay $0x3  }
0x34: {  	[smem:$0x3FA7] =	sst s10  }
0x35: {  	s10 =	sld [smem:$0x3FA6];
	_ =	sdelay $0x3  }
0x36: {  	p1 =	seq.s32 s10, $0x1;
	s10 =	sld [smem:$0x3FA7];
	_ =	sdelay $0x3  }
0x37: {  	[smem:$0x3FA7] =	sst s10  }
0x38: {  	s10 =	sld [smem:$0x3FA8]  }
0x39: {  	_ = 	snop;
	(pc) =	sbr.ind lr, $3  }
0x3a: {  	_ = 	snop  }
0x3b: {  	_ = 	snop  }
0x3c: {  	p2 =	seq.s32 s10, $0x1;
	s10 =	sld [smem:$0x3FA7]  }
0x3d: {  	_ =	shalt  }
0x3e: {  	_ =	shalt  }
0x3f: {  	_ =	shalt  }
0x40: {  	_ =	shalt  }
0x41: {  	_ =	shalt  }
0x42: {  	_ =	shalt  }
0x43: {  	_ =	shalt  }
0x44: {  	_ =	shalt  }
0x45: {  	_ =	shalt  }
0x46: {  	_ =	shalt  }
0x47: {  	_ =	shalt  }
0x48: {  	_ =	shalt  }
0x49: {  	_ =	shalt  }
0x4a: {  	_ =	shalt  }
0x4b: {  	_ =	shalt  }
0x4c: {  	_ =	shalt  }
0x4d: {  	_ =	shalt  }
0x4e: {  	_ =	shalt  }
0x4f: {  	_ =	shalt  }
0x50: {  	_ =	shalt  }
0x51: {  	_ =	shalt  }
0x52: {  	_ =	shalt  }
0x53: {  	_ =	shalt  }
0x54: {  	_ =	shalt  }
0x55: {  	_ =	shalt  }
0x56: {  	_ =	shalt  }
0x57: {  	_ =	shalt  }
0x58: {  	_ =	shalt  }
0x59: {  	_ =	shalt  }
0x5a: {  	_ =	shalt  }
0x5b: {  	_ =	shalt  }
0x5c: {  	_ =	shalt  }
0x5d: {  	_ =	shalt  }
0x5e: {  	_ =	shalt  }
0x5f: {  	_ =	shalt  }
0x60: {  	_ =	shalt  }
0x61: {  	_ =	shalt  }
0x62: {  	_ =	shalt  }
0x63: {  	_ =	shalt  }
0x64: {  	_ =	shalt  }
0x65: {  	_ =	shalt  }
0x66: {  	_ =	shalt  }
0x67: {  	_ =	shalt  }
0x68: {  	_ =	shalt  }
0x69: {  	_ =	shalt  }
0x6a: {  	_ =	shalt  }
0x6b: {  	_ =	shalt  }
0x6c: {  	_ =	shalt  }
0x6d: {  	_ =	shalt  }
0x6e: {  	_ =	shalt  }
0x6f: {  	_ =	shalt  }
0x70: {  	_ =	shalt  }
0x71: {  	_ =	shalt  }
0x72: {  	_ =	shalt  }
0x73: {  	_ =	shalt  }
0x74: {  	_ =	shalt  }
0x75: {  	_ =	shalt  }
0x76: {  	_ =	shalt  }
0x77: {  	_ =	shalt  }
0x78: {  	_ =	shalt  }
0x79: {  	_ =	shalt  }
0x7a: {  	_ =	shalt  }
0x7b: {  	_ =	shalt  }
0x7c: {  	_ =	shalt  }
0x7d: {  	_ =	shalt  }
0x7e: {  	_ =	shalt  }
0x7f: {  	_ =	shalt  }
0x80: {  	_ =	shalt  }
0x81: {  	_ =	shalt  }
0x82: {  	_ =	shalt  }
0x83: {  	_ =	shalt  }
0x84: {  	_ =	shalt  }
0x85: {  	_ =	shalt  }
0x86: {  	_ =	shalt  }
0x87: {  	_ =	shalt  }
.Lfunc_end0:
.L_simem_size_0:
called_computation_lowered:
.L_overlay_start_0:
0x88: {  	s2 =	sld [smem:$0x3FD9]  }
0x89: {  	s3 =	sld [smem:$0x3FFE];
	_ =	sdelay $0x1  }
0x8a: {  	s1 =	srdreg.scid  }
0x8b: {  	s0 =	sand.u32 $0x1, s1  }
0x8c: {  	s14 =	sshll.u32 s0, $0xA;
	s2 =	sadd.s32 s3, s2  }
0x8d: {  	s2 =	sadd.s32 s2, s14  }
0x8e: {  	[smem:$0x3FB3] =	sst s2  }
0x8f: {  	_ = 	snop  }
0x90: {  	s2 =	sld [smem:$0x3FD0];
	_ =	sdelay $0x2  }
0x91: {  	s15 =	simm.s32 $0xA;
	s4 =	simm.s32 $0x10  }
0x92: {  	[smem:s4], [sflag:s15] =	dma.local [hbm:s2], $0x1  }
0x93: {  	_ =	swait.eq [sflag:s15], $0x1  }
0x94: {  	[sflag:s15] =	ssyncset.done $0x0  }
0x95: {  	[sflag:s15] =	ssyncadd.s32 $0xFFFFFFFF  }
0x96: {  	s16 =	sld [smem:$0x10];
	(tm) =	ssettm $0x1  }
0x97: {  	s17 =	sld [smem:$0x3FFB];
	_ =	sdelay $0x3  }
0x98: {  	_ =	strace s17  }
0x99: {  	s3 =	sld [smem:$0x3FFC];
	_ =	sdelay $0x3  }
0x9a: {  	_ =	strace s3  }
0x9b: {  	s3 =	sld [smem:$0x3FFD];
	_ =	sdelay $0x3  }
0x9c: {  	_ =	strace s3  }
0x9d: {  	_ =	strace $0x8FFFFFFF  }
0x9e: {  	s18 =	sld [smem:$0x3FDB];
	_ =	sdelay $0x1  }
0x9f: {  	s19 =	simm.s32 $_scs_section_size  }
0xa0: {  	s5 =	simm.s32 $_size__tile_overlayer_lowered;
	s6 =	simm.s32 $_tile_overlayer_lowered  }
0xa1: {  	s22 =	simm.s32 $0x1BFF;
	s21 =	sshll.u32 s6, $0x1;
	s3 =	sadd.s32 s19, s18  }
0xa2: {  	s7 =	simm.s32 $0x0;
	s20 =	sshll.u32 s5, $0x1;
	s5 =	sadd.s32 s21, s3  }
0xa3: {  	[timem:s7], [sflag:s22] =	dma.local [hbm:s5], s20  }
0xa4: {  	_ =	swait.ge [sflag:s22], s20  }
0xa5: {  	s4 =	ssub.s32 $0x0, s20;
	[sflag:s22] =	ssyncset.done $0x0  }
0xa6: {  	[sflag:s22] =	ssyncadd.s32 s4;
	_ =	sdelay $0x1  }
0xa7: {  	s23 =	simm.s32 $0x1B8B  }
0xa8: {  	_ =	swait.ge [sflag:s23], $0x1  }
0xa9: {  	[sflag:s23] =	ssyncset.done $0x0  }
0xaa: {  	s25 =	simm.s32 $0x1B8E;
	s24 =	sld [smem:$0x3FFE];
	[sflag:s23] =	ssyncadd.s32 $0xFFFFFFFF  }
0xab: {  	s26 =	simm.s32 $execute0_lowered;
	[smem:$0x3FD2] =	sst s25  }
0xac: {  	s5 =	sshll.u32 s26, $0x1;
	_ =	strace $0x80000046;
	[dreg:$0x1] =	wrdreg $0xFFFFFFFF  }
0xad: {  	s28 =	simm.s32 $_size_execute0_lowered;
	s3 =	sadd.s32 s3, s5;
	[dreg:$0x0] =	wrdreg $0x0  }
0xae: {  	s5 =	sshll.u32 s28, $0x1;
	[dreg:$0x2] =	wrdreg s3  }
0xaf: {  	[dreg:$0x3] =	wrdreg s5  }
0xb0: {  	[dreg:$0x4] =	wrdreg $0xC0  }
0xb1: {  	_ =	task [dreg:s7], $0x5FFFF  }
0xb2: {  	[dreg:$0x1] =	wrdreg $0xFFFFFFFF  }
0xb3: {  	[dreg:$0x0] =	wrdreg $0x60  }
0xb4: {  	[dreg:$0x2] =	wrdreg s24  }
0xb5: {  	[dreg:$0x3] =	wrdreg s16  }
0xb6: {  	[dreg:$0x4] =	wrdreg $0x9  }
0xb7: {  	_ =	task.clear_ibuf [dreg:s7], $0x5FFFF;
	_ =	strace $0x90000046  }
0xb8: {  	s29 =	simm.s32 $0x9;
	_ =	strace $0x80000048  }
0xb9: {  	_ =	swait.ge [sflag:s29], $0x1  }
0xba: {  	[sflag:s29] =	ssyncadd.s32 $0xFFFFFFFF  }
0xbb: {  	_ =	strace $0x90000048  }
0xbc: {  	_ =	sfence  }
0xbd: {  	s30 =	sld [smem:$0x0];
	_ =	sdelay $0x2  }
0xbe: {  	s31 =	sshll.u32 s1, $0xD;
	s1 =	sshrl.u32 s1, $0x2  }
0xbf: {  	s3 =	sand.u32 $0x4000, s31;
	s1 =	sadd.s32 s1, s30  }
0xc0: {  	s0 =	sor.u32 s3, s0;
	s1 =	sshll.u32 s1, $0x11  }
0xc1: {  	s0 =	sor.u32 s1, s0  }
0xc2: {  	s0 =	sadd.s32 $0x8F2B, s0  }
0xc3: {  	[sflag:s0] =	ssyncadd.remote.s32 $0x1  }
0xc4: {  	_ =	sfence.sel $0xFFFF  }
0xc5: {  	[dreg:$0x0] =	wrdreg $0xFFFFFFFF;
	(pc) =	sbr.abs _section_cstart, $3  }
0xc6: {  	[dreg:$0x1] =	wrdreg $0xFFFFFFFF  }
0xc7: {  	_ =	task.clear_ibuf [dreg:s7], $0x2FFFF;
	_ =	strace $0x9FFFFFFF  }
0xc8: {  	(tm) =	ssettm $0x7FFFFFFF  }
0xc9: {  	_ =	shalt  }
tec
execute0_lowered:
.L_overlay_start_1:
0x0: {  	(tag) =	ssettag $0x1  }
0x1: {  	s4 =	rddreg [dreg:$0x0]  }
0x2: {  	s6 =	rddreg [dreg:$0x1]  }
0x3: {  	s0 =	rddreg [dreg:$0x2];
	s2 =	simm.s32 $0x0;
	s1 =	stileid.u32  }
0x4: {  	s3 =	srdreg.scid;
	[smem:$0x7FF] =	sst s2  }
0x5: {  	s5 =	sshll.u32 s1, $0x11;
	s7 =	sand.u32 $0x1, s3;
	s3 =	sadd.s32 $0x3200, s4  }
0x6: {  	s9 =	sshll.u32 s1, $0xD;
	_ =	strace $0x80000047;
	s5 =	sadd.s32 s5, s4  }
0x7: {  	s29 =	ssub.s32 $0x2, s7;
	s10 =	sshll.u32 s7, $0xC;
	s7 =	sshll.u32 s7, $0x10  }
0x8: {  	s8 =	sshrl.u32 s29, $0x1;
	s30 =	sor.u32 s10, s9;
	s5 =	sadd.s32 s7, s5  }
0x9: {  	s7 =	simm.s32 $0x2;
	s9 =	simm.s32 $0x1;
	s10 =	simm.s32 $0x0  }
0xa: {  	s4 =	ssub.s32 s29, s8;
	s31 =	sshrl.u32 s30, $0x3;
	s5 =	sadd.s32 $0x23200, s5  }
0xb: {  	s8 =	simm.s32 $0x80;
	s4 =	smax.u32 s4, $0x1;
	s6 =	sadd.s32 s31, s6  }
.LBB2_1:
0xc: {  	s11 =	sadd.s32 $0x0, s6  }
0xd: {  	[tilespmem:s2], [sflag:$0x2] =	stream.linear.gather [hbm4b:s11+s2], $0x80, $0x38;
	[tilespmem:$0x4080] =	vst v63  }
0xe: {  	_ =	swait.ge [sflag:s7], $0x80  }
0xf: {  	[sflag:s7] =	ssyncset.done $0x0  }
0x10: {  	[sflag:s7] =	ssyncadd.s32 $0xFFFFFF80  }
0x11: {  	[tilespmem:s8], [sflag:$0x1] =	stream.indirect.gather [hbm4b:s3+s8], $0x80, s2, s8, $0xb8;
	[tilespmem:$0x4080] =	vst v63  }
0x12: {  	_ =	swait.ge [sflag:s9], $0x4000  }
0x13: {  	[sflag:s9] =	ssyncset.done $0x0  }
0x14: {  	[sflag:s9] =	ssyncadd.s32 $0xFFFFC000  }
0x15: {  	[hbm4b:s5+s2] =	stream.linear.scatter [tilespmem:s8], [sflag:$0x2], $0x4000, $0x38;
	[tilespmem:$0x4080] =	vst v63  }
0x16: {  	s12 =	simm.s32 $0x10;
	_ =	swait.ge [sflag:s7], $0x4000  }
0x17: {  	s13 =	simm.s32 $0x20;
	s11 =	sadd.s32 $0x800, s5;
	[sflag:s7] =	ssyncset.done $0x0  }
.LBB2_2:
0x18: {  	s14 =	sadd.s32 s12, s6  }
0x19: {  	[sflag:s7] =	ssyncadd.s32 $0xFFFFC000;
	s12 =	smov.u32 s13;
	s15 =	sadd.s32 $0x10, s13  }
0x1a: {  	[tilespmem:s2], [sflag:$0x2] =	stream.linear.gather [hbm4b:s14+s2], $0x80, $0x38;
	[tilespmem:$0x4080] =	vst v63  }
0x1b: {  	p0 =	sne.s32 s13, $0x1F0;
	_ =	swait.ge [sflag:s7], $0x80  }
0x1c: {  	[sflag:s7] =	ssyncset.done $0x0  }
0x1d: {  	[sflag:s7] =	ssyncadd.s32 $0xFFFFFF80  }
0x1e: {  	[tilespmem:s8], [sflag:$0x1] =	stream.indirect.gather [hbm4b:s3+s8], $0x80, s2, s8, $0xb8;
	[tilespmem:$0x4080] =	vst v63  }
0x1f: {  	_ =	swait.ge [sflag:s9], $0x4000  }
.Ltmp0:
0x20: {  	[sflag:s9] =	ssyncset.done $0x0;
	(pc) =	sbr.rel @p0 .LBB2_2-.Ltmp0, $4  }
0x21: {  	[sflag:s9] =	ssyncadd.s32 $0xFFFFC000  }
0x22: {  	[hbm4b:s11+s2] =	stream.linear.scatter [tilespmem:s8], [sflag:$0x2], $0x4000, $0x38;
	[tilespmem:$0x4080] =	vst v63  }
0x23: {  	_ =	swait.ge [sflag:s7], $0x4000  }
0x24: {  	s13 =	smov.u32 s15;
	s11 =	sadd.s32 $0x800, s11;
	[sflag:s7] =	ssyncset.done $0x0  }
0x25: {  	s12 =	sadd.s32 s12, s6;
	[sflag:s7] =	ssyncadd.s32 $0xFFFFC000  }
0x26: {  	[tilespmem:s2], [sflag:$0x2] =	stream.linear.gather [hbm4b:s12+s2], $0x80, $0x38;
	[tilespmem:$0x4080] =	vst v63  }
0x27: {  	_ =	swait.ge [sflag:s7], $0x80  }
0x28: {  	[sflag:s7] =	ssyncset.done $0x0  }
0x29: {  	[sflag:s7] =	ssyncadd.s32 $0xFFFFFF80  }
0x2a: {  	[tilespmem:s8], [sflag:$0x1] =	stream.indirect.gather [hbm4b:s3+s8], $0x80, s2, s8, $0xb8;
	[tilespmem:$0x4080] =	vst v63  }
0x2b: {  	s10 =	sadd.s32 $0x1, s10;
	_ =	swait.ge [sflag:s9], $0x4000  }
0x2c: {  	p0 =	sne.s32 s10, s4;
	[sflag:s9] =	ssyncset.done $0x0  }
.Ltmp1:
0x2d: {  	[sflag:s9] =	ssyncadd.s32 $0xFFFFC000;
	(pc) =	sbr.rel @p0 .LBB2_1-.Ltmp1, $4  }
0x2e: {  	[hbm4b:s11+s2] =	stream.linear.scatter [tilespmem:s8], [sflag:$0x2], $0x4000, $0x38;
	[tilespmem:$0x4080] =	vst v63  }
0x2f: {  	_ =	swait.ge [sflag:s7], $0x4000  }
0x30: {  	[sflag:s7] =	ssyncset.done $0x0  }
0x31: {  	[sflag:s7] =	ssyncadd.s32 $0xFFFFC000  }
0x32: {  	_ =	sfence.sel $0x180000  }
0x33: {  	[bflag:$0x0] =	sbarrier.arrive $0xFFFF  }
0x34: {  	p0 =	sne.s32 s1, $0x0;
	_ =	strace $0x90000047  }
0x35: {  	s0 =	sadd.s32 @!p0 $0x100000, s0;
	[bflag:$0x2] =	sbarrier.arrive $0xFFFF  }
0x36: {  	[sflag:s0] =	ssyncadd.tile.s32 @!p0 $0x1;
	_ =	shalt  }
.Lfunc_end2:
_tile_overlayer_lowered:
.L_overlay_start_2:
0x37: {  	(tag) =	ssettag $0x2  }
0x38: {  	s0 =	rddreg [dreg:$0x0];
	s2 =	stileid.u32  }
0x39: {  	s1 =	rddreg [dreg:$0x1];
	p0 =	sne.s32 s2, $0x0  }
0x3a: {  	s3 =	rddreg [dreg:$0x2];
	[bflag:$0x3] =	sbarrier.arrive $0xFFFF;
	s2 =	simm.s32 @!p0 $0x1C02  }
0x3b: {  	[timem:s3], [sflag:s2] =	dma.local @!p0 [hbm:s0], s1  }
0x3c: {  	s0 =	simm.s32 @!p0 $0x2  }
0x3d: {  	_ =	swait.ge @!p0 [sflag:s0], s1  }
0x3e: {  	s1 =	ssub.s32 @!p0 $0x0, s1;
	[sflag:s0] =	ssyncset.done @!p0 $0x0  }
0x3f: {  	[sflag:s0] =	ssyncadd.s32 @!p0 s1  }
0x40: {  	[bflag:$0x3] =	sbarrier.arrive $0xFFFF  }
0x41: {  	_ =	shalt  }

</sc_bundles>
